<compile_context>
chip_gen: v7x
topology: tpu7x:2x2x1
jax: 0.10.2.dev20260603
libtpu: 0.0.44.dev20260713+nightly
codegen_flags: <defaults>
</compile_context>

<pallas_src>
import functools

import jax
import jax.numpy as jnp
from jax import lax
from jax.experimental import pallas as pl
from jax.experimental.pallas import tpu as pltpu
from jax.experimental.pallas import tpu_sc as plsc

N_RAYS = 65536
N_BINS = 128
N_SAMPLES = 128
L = 16
NC, NS = 2, 16
NW = NC * NS
RPW = N_RAYS // NW
R = 64
NCHUNK = RPW // R
NV = N_BINS // L


def _vperm(v, i):
    return lax.gather(
        v, i[:, None],
        dimension_numbers=lax.GatherDimensionNumbers(
            offset_dims=(), collapsed_slice_dims=(0,), start_index_map=(0,)),
        slice_sizes=(1,),
        mode=lax.GatherScatterMode.PROMISE_IN_BOUNDS)


def _body(bins_hbm, w_hbm, out_hbm, w_bufs, b_bufs, c_buf, o_bufs,
          in_sems, out_sems):
    wid = lax.axis_index("s") * NC + lax.axis_index("c")
    base = wid * RPW

    inv256 = jnp.float32(1.0 / 256.0)
    lane = lax.iota(jnp.int32, L)

    def start_in(ci, slot):
        row0 = base + ci * R
        pltpu.async_copy(w_hbm.at[pl.ds(row0, R)], w_bufs.at[slot],
                         in_sems.at[slot])
        pltpu.async_copy(bins_hbm.at[pl.ds(row0, R)], b_bufs.at[slot],
                         in_sems.at[slot])

    def wait_in(slot):
        pltpu.make_async_copy(w_hbm.at[pl.ds(base, R)], w_bufs.at[slot],
                              in_sems.at[slot]).wait()
        pltpu.make_async_copy(bins_hbm.at[pl.ds(base, R)], b_bufs.at[slot],
                              in_sems.at[slot]).wait()

    def wait_out(slot):
        pltpu.make_async_copy(o_bufs.at[slot], out_hbm.at[pl.ds(base, R)],
                              out_sems.at[slot]).wait()

    start_in(0, 0)

    @pl.loop(0, NCHUNK, step=2)
    def _chunk_pair(ci):
        for slot in range(2):
            cur = ci + slot
            w_buf, b_buf, o_buf = (w_bufs.at[slot], b_bufs.at[slot],
                                   o_bufs.at[slot])

            @pl.when(cur + 1 < NCHUNK)
            def _():
                start_in(cur + 1, 1 - slot)

            wait_in(slot)

            @pl.when(cur >= 2)
            def _():
                wait_out(slot)

            _do_chunk(lane, inv256, w_buf, b_buf, c_buf, o_buf)
            pltpu.async_copy(o_buf, out_hbm.at[pl.ds(base + cur * R, R)],
                             out_sems.at[slot])

    wait_out(0)
    wait_out(1)


def _do_chunk(lane, inv256, w_buf, b_buf, c_buf, o_buf):
        NT = N_SAMPLES // L

        lane15 = jnp.full((L,), L - 1, jnp.int32)

        @plsc.parallel_loop(0, R, unroll=4)
        def _ray_cdf(r):
            wv = [w_buf[r, pl.ds(L * k, L)] + 1e-5 for k in range(NV)]
            cums = [plsc.cumsum(wv[k]) for k in range(NV)]
            acc = [cums[0]]
            for k in range(1, NV):
                acc.append(cums[k] + _vperm(acc[k - 1], lane15))
            inv_total = jnp.ones((L,), jnp.float32) / _vperm(acc[NV - 1], lane15)
            for k in range(NV):
                c_buf[r, pl.ds(L * k, L)] = acc[k] * inv_total

        us = [(lane * 2 + (32 * t + 1)).astype(jnp.float32) * inv256
              for t in range(NT)]

        @plsc.parallel_loop(0, R, unroll=2)
        def _ray(r):
            rowv = jnp.full((L,), r, jnp.int32)
            ends = plsc.load_gather(c_buf, [rowv, lane * 8 + 7])
            blk = [jnp.zeros((L,), jnp.int32) for _ in range(NT)]
            for s in (8, 4, 2, 1):
                es = [_vperm(ends, blk[t] + (s - 1)) for t in range(NT)]
                blk = [blk[t] + jnp.where(es[t] <= us[t], s, 0)
                       for t in range(NT)]
            idx = [blk[t] * 8 for t in range(NT)]
            for s in (4, 2):
                gs = [plsc.load_gather(c_buf, [rowv, idx[t] + (s - 1)])
                      for t in range(NT)]
                idx = [idx[t] + jnp.where(gs[t] <= us[t], s, 0)
                       for t in range(NT)]
            g1s = [plsc.load_gather(c_buf, [rowv, idx[t]]) for t in range(NT)]
            adv = [g1s[t] <= us[t] for t in range(NT)]
            idx = [idx[t] + jnp.where(adv[t], 1, 0) for t in range(NT)]
            oth = [jnp.where(adv[t], idx[t],
                             jnp.maximum(idx[t] - 1, 0)) for t in range(NT)]
            gos = [plsc.load_gather(c_buf, [rowv, oth[t]]) for t in range(NT)]
            b0s = [plsc.load_gather(b_buf, [rowv, idx[t]]) for t in range(NT)]
            b1s = [plsc.load_gather(b_buf, [rowv, idx[t] + 1])
                   for t in range(NT)]
            for t in range(NT):
                cdf0 = jnp.where(adv[t], g1s[t], gos[t])
                cdf0 = jnp.where(idx[t] > 0, cdf0, 0.0)
                cdf1 = jnp.where(adv[t], gos[t], g1s[t])
                denom = cdf1 - cdf0
                denom = jnp.where(denom < 1e-5, 1.0, denom)
                tt = (us[t] - cdf0) / denom
                o_buf[r, pl.ds(L * t, L)] = b0s[t] + tt * (b1s[t] - b0s[t])


@jax.jit
def _sample_pdf_sc(bins, weights):
    mesh = plsc.VectorSubcoreMesh(core_axis_name="c", subcore_axis_name="s")
    kfn = pl.kernel(
        _body,
        out_type=jax.ShapeDtypeStruct((N_RAYS, N_SAMPLES), jnp.float32),
        mesh=mesh,
        scratch_types=[
            pltpu.VMEM((2, R, N_BINS), jnp.float32),
            pltpu.VMEM((2, R, N_BINS + 1), jnp.float32),
            pltpu.VMEM((R, N_BINS), jnp.float32),
            pltpu.VMEM((2, R, N_SAMPLES), jnp.float32),
            pltpu.SemaphoreType.DMA((2,)),
            pltpu.SemaphoreType.DMA((2,)),
        ],
        compiler_params=pltpu.CompilerParams(needs_layout_passes=False),
    )
    return kfn(bins, weights)


def kernel(bins, weights, n_samples):
    del n_samples
    return _sample_pdf_sc(bins, weights)

# --- scband reference (transcript-rebuilt; emitter-appended) ---
"""Pipeline reference for scband-ne-rfrenderer-70385924047498 (READ-ONLY COPY).

The authoritative reference and input builder live on the scoring server;
editing this copy changes nothing except your own understanding.
"""

import jax, jax.numpy as jnp
import numpy as np

N_RAYS = 65536
N_BINS = 128
N_SAMPLES = 128


def setup_inputs(seed: int = 0) -> dict:
    key = jax.random.key(seed)
    k1, k2 = jax.random.split(key)
    raw = jax.random.uniform(k1, (N_RAYS, N_BINS + 1), dtype=jnp.float32)
    # bins are per-ray sorted depth values (like z_vals in NeRF), scaled to [2, 6)
    bins = jnp.sort(raw, axis=-1) * 4.0 + 2.0
    weights = jax.random.uniform(k2, (N_RAYS, N_BINS), dtype=jnp.float32)
    return {"bins": bins, "weights": weights, "n_samples": N_SAMPLES}


def _sample_pdf(bins, weights, n_samples):
    # Faithful translation of sample_pdf(bins, weights, n_samples, det=True)
    weights = weights + 1e-05
    pdf = weights / jnp.sum(weights, axis=-1, keepdims=True)
    cdf = jnp.cumsum(pdf, axis=-1)
    cdf = jnp.concatenate([jnp.zeros_like(cdf[..., :1]), cdf], axis=-1)  # [N, M+1]
    # det=True branch: deterministic stratified u
    half_step = 0.5 / n_samples
    u = jnp.linspace(half_step, 1.0 - half_step, N_SAMPLES, dtype=cdf.dtype)
    u = jnp.broadcast_to(u, cdf.shape[:-1] + (N_SAMPLES,))  # [N, n_samples]
    # torch.searchsorted(cdf, u, right=True), batched per ray
    inds = jax.vmap(lambda c, uu: jnp.searchsorted(c, uu, side='right'))(cdf, u)
    below = jnp.maximum(0, inds - 1)
    above = jnp.minimum(cdf.shape[-1] - 1, inds)
    inds_g = jnp.stack([below, above], axis=-1)  # [N, n_samples, 2]
    N = cdf.shape[0]
    flat = inds_g.reshape(N, -1)
    # equivalent of torch.gather on the expanded view, without materializing the expand
    cdf_g = jnp.take_along_axis(cdf, flat, axis=1).reshape(N, N_SAMPLES, 2)
    bins_g = jnp.take_along_axis(bins, flat, axis=1).reshape(N, N_SAMPLES, 2)
    denom = cdf_g[..., 1] - cdf_g[..., 0]
    denom = jnp.where(denom < 1e-05, jnp.ones_like(denom), denom)
    t = (u - cdf_g[..., 0]) / denom
    samples = bins_g[..., 0] + t * (bins_g[..., 1] - bins_g[..., 0])
    return samples


def reference(bins, weights, n_samples):
    return _sample_pdf(bins, weights, n_samples)

if __name__ == "__main__":
    import jax
    _d = setup_inputs()
    print(jax.jit(kernel)(*tuple(_d.values())))

</pallas_src>

<mosaic_0001>
#map = affine_map<(d0, d1) -> (0, 0)>
module attributes {stable_mosaic.version = 14 : i64} {
  func.func @_body(%arg0: i32, %arg1: i32, %arg2: memref<65536x129xf32, #tpu.memory_space<hbm>>, %arg3: memref<65536x128xf32, #tpu.memory_space<hbm>>, %arg4: memref<65536x128xf32, #tpu.memory_space<hbm>>, %arg5: memref<2x64x128xf32, #tpu.memory_space<vmem>>, %arg6: memref<2x64x129xf32, #tpu.memory_space<vmem>>, %arg7: memref<64x128xf32, #tpu.memory_space<vmem>>, %arg8: memref<2x64x128xf32, #tpu.memory_space<vmem>>, %arg9: memref<2x!tpu.dma_semaphore, #tpu.memory_space<semaphore_mem>>, %arg10: memref<2x!tpu.dma_semaphore, #tpu.memory_space<semaphore_mem>>) attributes {dimension_semantics = [#tpu.dimension_semantics<core_parallel>, #tpu.dimension_semantics<subcore_parallel>], iteration_bounds = array<i64: 2, 16>, scalar_prefetch = 0 : i64, scratch_operands = 6 : i64, tpu.core_type = #tpu.core_type<sc_vector_subcore>, window_params = [{transform_indices = #map}, {transform_indices = #map}, {transform_indices = #map}]} {
    %mul3A = arith.constant 2 : i32
    %mul3A_0 = arith.muli %arg1, %mul3A : i32
    %add3A = arith.addi %mul3A_0, %arg0 : i32
    %mul3A_1 = arith.constant 2048 : i32
    %mul3A_2 = arith.muli %add3A, %mul3A_1 : i32
    %iota3A = tpu.iota {dimensions = array<i32: 0>} : vector<16xi32>
    %add3A_3 = arith.constant 0 : i32
    %add3A_4 = arith.addi %mul3A_2, %add3A_3 : i32
    %dma_start3A = arith.constant 0 : i32
    %dma_start3A_5 = arith.constant 0 : i32
    %dma_start3A_6 = arith.constant 0 : i32
    %dma_start3A_7 = arith.constant 0 : i32
    %dma_start3A_8 = tpu.memref_slice %arg5[%dma_start3A, %dma_start3A_6, %dma_start3A_7] : memref<2x64x128xf32, #tpu.memory_space<vmem>> -> memref<1x64x128xf32, #tpu.memory_space<vmem>>
    %dma_start3A_9 = tpu.memref_squeeze %dma_start3A_8 : memref<1x64x128xf32, #tpu.memory_space<vmem>> -> memref<64x128xf32, #tpu.memory_space<vmem>>
    %dma_start3A_10 = arith.constant 0 : i32
    %dma_start3A_11 = tpu.memref_slice %arg3[%add3A_4, %dma_start3A_10] : memref<65536x128xf32, #tpu.memory_space<hbm>> -> memref<64x128xf32, #tpu.memory_space<hbm>>
    %dma_start3A_12 = tpu.memref_slice %arg9[%dma_start3A_5] : memref<2x!tpu.dma_semaphore, #tpu.memory_space<semaphore_mem>> -> memref<1x!tpu.dma_semaphore, #tpu.memory_space<semaphore_mem>>
    %dma_start3A_13 = tpu.memref_squeeze %dma_start3A_12 : memref<1x!tpu.dma_semaphore, #tpu.memory_space<semaphore_mem>> -> memref<!tpu.dma_semaphore, #tpu.memory_space<semaphore_mem>>
    %dma_start3A_14 = arith.constant 0 : i32
    %dma_start3A_15 = arith.constant 0 : i32
    %dma_start3A_16 = tpu.memref_slice %arg5[%dma_start3A, %dma_start3A_14, %dma_start3A_15] : memref<2x64x128xf32, #tpu.memory_space<vmem>> -> memref<1x64x128xf32, #tpu.memory_space<vmem>>
    %dma_start3A_17 = tpu.memref_squeeze %dma_start3A_16 : memref<1x64x128xf32, #tpu.memory_space<vmem>> -> memref<64x128xf32, #tpu.memory_space<vmem>>
    %dma_start3A_18 = arith.constant 0 : i32
    %dma_start3A_19 = tpu.memref_slice %arg3[%add3A_4, %dma_start3A_18] : memref<65536x128xf32, #tpu.memory_space<hbm>> -> memref<64x128xf32, #tpu.memory_space<hbm>>
    tpu.enqueue_dma source(%dma_start3A_19 : memref<64x128xf32, #tpu.memory_space<hbm>>) target(%dma_start3A_17 : memref<64x128xf32, #tpu.memory_space<vmem>>) target_semaphore(%dma_start3A_13 : memref<!tpu.dma_semaphore, #tpu.memory_space<semaphore_mem>>)
    %dma_start3A_20 = arith.constant 0 : i32
    %dma_start3A_21 = arith.constant 0 : i32
    %dma_start3A_22 = arith.constant 0 : i32
    %dma_start3A_23 = arith.constant 0 : i32
    %dma_start3A_24 = tpu.memref_slice %arg6[%dma_start3A_20, %dma_start3A_22, %dma_start3A_23] : memref<2x64x129xf32, #tpu.memory_space<vmem>> -> memref<1x64x129xf32, #tpu.memory_space<vmem>>
    %dma_start3A_25 = tpu.memref_squeeze %dma_start3A_24 : memref<1x64x129xf32, #tpu.memory_space<vmem>> -> memref<64x129xf32, #tpu.memory_space<vmem>>
    %dma_start3A_26 = arith.constant 0 : i32
    %dma_start3A_27 = tpu.memref_slice %arg2[%add3A_4, %dma_start3A_26] : memref<65536x129xf32, #tpu.memory_space<hbm>> -> memref<64x129xf32, #tpu.memory_space<hbm>>
    %dma_start3A_28 = tpu.memref_slice %arg9[%dma_start3A_21] : memref<2x!tpu.dma_semaphore, #tpu.memory_space<semaphore_mem>> -> memref<1x!tpu.dma_semaphore, #tpu.memory_space<semaphore_mem>>
    %dma_start3A_29 = tpu.memref_squeeze %dma_start3A_28 : memref<1x!tpu.dma_semaphore, #tpu.memory_space<semaphore_mem>> -> memref<!tpu.dma_semaphore, #tpu.memory_space<semaphore_mem>>
    %dma_start3A_30 = arith.constant 0 : i32
    %dma_start3A_31 = arith.constant 0 : i32
    %dma_start3A_32 = tpu.memref_slice %arg6[%dma_start3A_20, %dma_start3A_30, %dma_start3A_31] : memref<2x64x129xf32, #tpu.memory_space<vmem>> -> memref<1x64x129xf32, #tpu.memory_space<vmem>>
    %dma_start3A_33 = tpu.memref_squeeze %dma_start3A_32 : memref<1x64x129xf32, #tpu.memory_space<vmem>> -> memref<64x129xf32, #tpu.memory_space<vmem>>
    %dma_start3A_34 = arith.constant 0 : i32
    %dma_start3A_35 = tpu.memref_slice %arg2[%add3A_4, %dma_start3A_34] : memref<65536x129xf32, #tpu.memory_space<hbm>> -> memref<64x129xf32, #tpu.memory_space<hbm>>
    tpu.enqueue_dma source(%dma_start3A_35 : memref<64x129xf32, #tpu.memory_space<hbm>>) target(%dma_start3A_33 : memref<64x129xf32, #tpu.memory_space<vmem>>) target_semaphore(%dma_start3A_29 : memref<!tpu.dma_semaphore, #tpu.memory_space<semaphore_mem>>)
    %scan3A = arith.constant 3.906250e-03 : f32
    %scan3A_36 = arith.constant 0 : i32
    %scan3A_37 = arith.constant 16 : i32
    %scan3A_38 = arith.addi %scan3A_36, %scan3A_37 : i32
    %scan3A_39 = arith.constant 1 : i32
    scf.for %scan3A_72 = %scan3A_36 to %scan3A_38 step %scan3A_39  : i32 {
      %mul3A_73 = arith.constant 2 : i32
      %mul3A_74 = arith.muli %scan3A_72, %mul3A_73 : i32
      %add3A_75 = arith.constant 0 : i32
      %add3A_76 = arith.addi %add3A_75, %mul3A_74 : i32
      %add3A_77 = arith.constant 0 : i32
      %add3A_78 = arith.addi %add3A_76, %add3A_77 : i32
      %add3A_79 = arith.constant 1 : i32
      %add3A_80 = arith.addi %add3A_78, %add3A_79 : i32
      %lt3A = arith.constant 32 : i32
      %lt3A_81 = arith.cmpi slt, %add3A_80, %lt3A : i32
      %convert_element_type3A = arith.extui %lt3A_81 : i1 to i32
      %cond3A = arith.constant 0 : i32
      %cond3A_82 = arith.cmpi ne, %convert_element_type3A, %cond3A : i32
      scf.if %cond3A_82 {
        %add3A_367 = arith.constant 1 : i32
        %add3A_368 = arith.addi %add3A_78, %add3A_367 : i32
        %mul3A_369 = arith.constant 64 : i32
        %mul3A_370 = arith.muli %add3A_368, %mul3A_369 : i32
        %add3A_371 = arith.addi %mul3A_2, %mul3A_370 : i32
        %dma_start3A_372 = arith.constant 1 : i32
        %dma_start3A_373 = arith.constant 1 : i32
        %dma_start3A_374 = arith.constant 0 : i32
        %dma_start3A_375 = arith.constant 0 : i32
        %dma_start3A_376 = tpu.memref_slice %arg5[%dma_start3A_372, %dma_start3A_374, %dma_start3A_375] : memref<2x64x128xf32, #tpu.memory_space<vmem>> -> memref<1x64x128xf32, #tpu.memory_space<vmem>>
        %dma_start3A_377 = tpu.memref_squeeze %dma_start3A_376 : memref<1x64x128xf32, #tpu.memory_space<vmem>> -> memref<64x128xf32, #tpu.memory_space<vmem>>
        %dma_start3A_378 = arith.constant 0 : i32
        %dma_start3A_379 = tpu.memref_slice %arg3[%add3A_371, %dma_start3A_378] : memref<65536x128xf32, #tpu.memory_space<hbm>> -> memref<64x128xf32, #tpu.memory_space<hbm>>
        %dma_start3A_380 = tpu.memref_slice %arg9[%dma_start3A_373] : memref<2x!tpu.dma_semaphore, #tpu.memory_space<semaphore_mem>> -> memref<1x!tpu.dma_semaphore, #tpu.memory_space<semaphore_mem>>
        %dma_start3A_381 = tpu.memref_squeeze %dma_start3A_380 : memref<1x!tpu.dma_semaphore, #tpu.memory_space<semaphore_mem>> -> memref<!tpu.dma_semaphore, #tpu.memory_space<semaphore_mem>>
        %dma_start3A_382 = arith.constant 0 : i32
        %dma_start3A_383 = arith.constant 0 : i32
        %dma_start3A_384 = tpu.memref_slice %arg5[%dma_start3A_372, %dma_start3A_382, %dma_start3A_383] : memref<2x64x128xf32, #tpu.memory_space<vmem>> -> memref<1x64x128xf32, #tpu.memory_space<vmem>>
        %dma_start3A_385 = tpu.memref_squeeze %dma_start3A_384 : memref<1x64x128xf32, #tpu.memory_space<vmem>> -> memref<64x128xf32, #tpu.memory_space<vmem>>
        %dma_start3A_386 = arith.constant 0 : i32
        %dma_start3A_387 = tpu.memref_slice %arg3[%add3A_371, %dma_start3A_386] : memref<65536x128xf32, #tpu.memory_space<hbm>> -> memref<64x128xf32, #tpu.memory_space<hbm>>
        tpu.enqueue_dma source(%dma_start3A_387 : memref<64x128xf32, #tpu.memory_space<hbm>>) target(%dma_start3A_385 : memref<64x128xf32, #tpu.memory_space<vmem>>) target_semaphore(%dma_start3A_381 : memref<!tpu.dma_semaphore, #tpu.memory_space<semaphore_mem>>)
        %dma_start3A_388 = arith.constant 1 : i32
        %dma_start3A_389 = arith.constant 1 : i32
        %dma_start3A_390 = arith.constant 0 : i32
        %dma_start3A_391 = arith.constant 0 : i32
        %dma_start3A_392 = tpu.memref_slice %arg6[%dma_start3A_388, %dma_start3A_390, %dma_start3A_391] : memref<2x64x129xf32, #tpu.memory_space<vmem>> -> memref<1x64x129xf32, #tpu.memory_space<vmem>>
        %dma_start3A_393 = tpu.memref_squeeze %dma_start3A_392 : memref<1x64x129xf32, #tpu.memory_space<vmem>> -> memref<64x129xf32, #tpu.memory_space<vmem>>
        %dma_start3A_394 = arith.constant 0 : i32
        %dma_start3A_395 = tpu.memref_slice %arg2[%add3A_371, %dma_start3A_394] : memref<65536x129xf32, #tpu.memory_space<hbm>> -> memref<64x129xf32, #tpu.memory_space<hbm>>
        %dma_start3A_396 = tpu.memref_slice %arg9[%dma_start3A_389] : memref<2x!tpu.dma_semaphore, #tpu.memory_space<semaphore_mem>> -> memref<1x!tpu.dma_semaphore, #tpu.memory_space<semaphore_mem>>
        %dma_start3A_397 = tpu.memref_squeeze %dma_start3A_396 : memref<1x!tpu.dma_semaphore, #tpu.memory_space<semaphore_mem>> -> memref<!tpu.dma_semaphore, #tpu.memory_space<semaphore_mem>>
        %dma_start3A_398 = arith.constant 0 : i32
        %dma_start3A_399 = arith.constant 0 : i32
        %dma_start3A_400 = tpu.memref_slice %arg6[%dma_start3A_388, %dma_start3A_398, %dma_start3A_399] : memref<2x64x129xf32, #tpu.memory_space<vmem>> -> memref<1x64x129xf32, #tpu.memory_space<vmem>>
        %dma_start3A_401 = tpu.memref_squeeze %dma_start3A_400 : memref<1x64x129xf32, #tpu.memory_space<vmem>> -> memref<64x129xf32, #tpu.memory_space<vmem>>
        %dma_start3A_402 = arith.constant 0 : i32
        %dma_start3A_403 = tpu.memref_slice %arg2[%add3A_371, %dma_start3A_402] : memref<65536x129xf32, #tpu.memory_space<hbm>> -> memref<64x129xf32, #tpu.memory_space<hbm>>
        tpu.enqueue_dma source(%dma_start3A_403 : memref<64x129xf32, #tpu.memory_space<hbm>>) target(%dma_start3A_401 : memref<64x129xf32, #tpu.memory_space<vmem>>) target_semaphore(%dma_start3A_397 : memref<!tpu.dma_semaphore, #tpu.memory_space<semaphore_mem>>)
      } else {
      }
      %dma_wait3A_83 = arith.constant 0 : i32
      %dma_wait3A_84 = arith.constant 0 : i32
      %dma_wait3A_85 = arith.constant 0 : i32
      %dma_wait3A_86 = arith.constant 0 : i32
      %dma_wait3A_87 = tpu.memref_slice %arg5[%dma_wait3A_83, %dma_wait3A_85, %dma_wait3A_86] : memref<2x64x128xf32, #tpu.memory_space<vmem>> -> memref<1x64x128xf32, #tpu.memory_space<vmem>>
      %dma_wait3A_88 = tpu.memref_squeeze %dma_wait3A_87 : memref<1x64x128xf32, #tpu.memory_space<vmem>> -> memref<64x128xf32, #tpu.memory_space<vmem>>
      %dma_wait3A_89 = arith.constant 0 : i32
      %dma_wait3A_90 = tpu.memref_slice %arg3[%mul3A_2, %dma_wait3A_89] : memref<65536x128xf32, #tpu.memory_space<hbm>> -> memref<64x128xf32, #tpu.memory_space<hbm>>
      %dma_wait3A_91 = tpu.memref_slice %arg9[%dma_wait3A_84] : memref<2x!tpu.dma_semaphore, #tpu.memory_space<semaphore_mem>> -> memref<1x!tpu.dma_semaphore, #tpu.memory_space<semaphore_mem>>
      %dma_wait3A_92 = tpu.memref_squeeze %dma_wait3A_91 : memref<1x!tpu.dma_semaphore, #tpu.memory_space<semaphore_mem>> -> memref<!tpu.dma_semaphore, #tpu.memory_space<semaphore_mem>>
      %dma_wait3A_93 = arith.constant 0 : i32
      %dma_wait3A_94 = arith.constant 0 : i32
      %dma_wait3A_95 = tpu.memref_slice %arg5[%dma_wait3A_83, %dma_wait3A_93, %dma_wait3A_94] : memref<2x64x128xf32, #tpu.memory_space<vmem>> -> memref<1x64x128xf32, #tpu.memory_space<vmem>>
      %dma_wait3A_96 = tpu.memref_squeeze %dma_wait3A_95 : memref<1x64x128xf32, #tpu.memory_space<vmem>> -> memref<64x128xf32, #tpu.memory_space<vmem>>
      %dma_wait3A_97 = arith.constant 0 : i32
      %dma_wait3A_98 = tpu.memref_slice %arg3[%mul3A_2, %dma_wait3A_97] : memref<65536x128xf32, #tpu.memory_space<hbm>> -> memref<64x128xf32, #tpu.memory_space<hbm>>
      tpu.wait_dma2 semaphore(%dma_wait3A_92 : memref<!tpu.dma_semaphore, #tpu.memory_space<semaphore_mem>>) src(%dma_wait3A_98 : memref<64x128xf32, #tpu.memory_space<hbm>>) dst(%dma_wait3A_96 : memref<64x128xf32, #tpu.memory_space<vmem>>)
      %dma_wait3A_99 = arith.constant 0 : i32
      %dma_wait3A_100 = arith.constant 0 : i32
      %dma_wait3A_101 = arith.constant 0 : i32
      %dma_wait3A_102 = arith.constant 0 : i32
      %dma_wait3A_103 = tpu.memref_slice %arg6[%dma_wait3A_99, %dma_wait3A_101, %dma_wait3A_102] : memref<2x64x129xf32, #tpu.memory_space<vmem>> -> memref<1x64x129xf32, #tpu.memory_space<vmem>>
      %dma_wait3A_104 = tpu.memref_squeeze %dma_wait3A_103 : memref<1x64x129xf32, #tpu.memory_space<vmem>> -> memref<64x129xf32, #tpu.memory_space<vmem>>
      %dma_wait3A_105 = arith.constant 0 : i32
      %dma_wait3A_106 = tpu.memref_slice %arg2[%mul3A_2, %dma_wait3A_105] : memref<65536x129xf32, #tpu.memory_space<hbm>> -> memref<64x129xf32, #tpu.memory_space<hbm>>
      %dma_wait3A_107 = tpu.memref_slice %arg9[%dma_wait3A_100] : memref<2x!tpu.dma_semaphore, #tpu.memory_space<semaphore_mem>> -> memref<1x!tpu.dma_semaphore, #tpu.memory_space<semaphore_mem>>
      %dma_wait3A_108 = tpu.memref_squeeze %dma_wait3A_107 : memref<1x!tpu.dma_semaphore, #tpu.memory_space<semaphore_mem>> -> memref<!tpu.dma_semaphore, #tpu.memory_space<semaphore_mem>>
      %dma_wait3A_109 = arith.constant 0 : i32
      %dma_wait3A_110 = arith.constant 0 : i32
      %dma_wait3A_111 = tpu.memref_slice %arg6[%dma_wait3A_99, %dma_wait3A_109, %dma_wait3A_110] : memref<2x64x129xf32, #tpu.memory_space<vmem>> -> memref<1x64x129xf32, #tpu.memory_space<vmem>>
      %dma_wait3A_112 = tpu.memref_squeeze %dma_wait3A_111 : memref<1x64x129xf32, #tpu.memory_space<vmem>> -> memref<64x129xf32, #tpu.memory_space<vmem>>
      %dma_wait3A_113 = arith.constant 0 : i32
      %dma_wait3A_114 = tpu.memref_slice %arg2[%mul3A_2, %dma_wait3A_113] : memref<65536x129xf32, #tpu.memory_space<hbm>> -> memref<64x129xf32, #tpu.memory_space<hbm>>
      tpu.wait_dma2 semaphore(%dma_wait3A_108 : memref<!tpu.dma_semaphore, #tpu.memory_space<semaphore_mem>>) src(%dma_wait3A_114 : memref<64x129xf32, #tpu.memory_space<hbm>>) dst(%dma_wait3A_112 : memref<64x129xf32, #tpu.memory_space<vmem>>)
      %ge3A = arith.constant 2 : i32
      %ge3A_115 = arith.cmpi sge, %add3A_78, %ge3A : i32
      %convert_element_type3A_116 = arith.extui %ge3A_115 : i1 to i32
      %cond3A_117 = arith.constant 0 : i32
      %cond3A_118 = arith.cmpi ne, %convert_element_type3A_116, %cond3A_117 : i32
      scf.if %cond3A_118 {
        %dma_wait3A_367 = arith.constant 0 : i32
        %dma_wait3A_368 = arith.constant 0 : i32
        %dma_wait3A_369 = arith.constant 0 : i32
        %dma_wait3A_370 = arith.constant 0 : i32
        %dma_wait3A_371 = tpu.memref_slice %arg8[%dma_wait3A_367, %dma_wait3A_369, %dma_wait3A_370] : memref<2x64x128xf32, #tpu.memory_space<vmem>> -> memref<1x64x128xf32, #tpu.memory_space<vmem>>
        %dma_wait3A_372 = tpu.memref_squeeze %dma_wait3A_371 : memref<1x64x128xf32, #tpu.memory_space<vmem>> -> memref<64x128xf32, #tpu.memory_space<vmem>>
        %dma_wait3A_373 = arith.constant 0 : i32
        %dma_wait3A_374 = tpu.memref_slice %arg4[%mul3A_2, %dma_wait3A_373] : memref<65536x128xf32, #tpu.memory_space<hbm>> -> memref<64x128xf32, #tpu.memory_space<hbm>>
        %dma_wait3A_375 = tpu.memref_slice %arg10[%dma_wait3A_368] : memref<2x!tpu.dma_semaphore, #tpu.memory_space<semaphore_mem>> -> memref<1x!tpu.dma_semaphore, #tpu.memory_space<semaphore_mem>>
        %dma_wait3A_376 = tpu.memref_squeeze %dma_wait3A_375 : memref<1x!tpu.dma_semaphore, #tpu.memory_space<semaphore_mem>> -> memref<!tpu.dma_semaphore, #tpu.memory_space<semaphore_mem>>
        %dma_wait3A_377 = arith.constant 0 : i32
        %dma_wait3A_378 = tpu.memref_slice %arg4[%mul3A_2, %dma_wait3A_377] : memref<65536x128xf32, #tpu.memory_space<hbm>> -> memref<64x128xf32, #tpu.memory_space<hbm>>
        %dma_wait3A_379 = arith.constant 0 : i32
        %dma_wait3A_380 = arith.constant 0 : i32
        %dma_wait3A_381 = tpu.memref_slice %arg8[%dma_wait3A_367, %dma_wait3A_379, %dma_wait3A_380] : memref<2x64x128xf32, #tpu.memory_space<vmem>> -> memref<1x64x128xf32, #tpu.memory_space<vmem>>
        %dma_wait3A_382 = tpu.memref_squeeze %dma_wait3A_381 : memref<1x64x128xf32, #tpu.memory_space<vmem>> -> memref<64x128xf32, #tpu.memory_space<vmem>>
        tpu.wait_dma2 semaphore(%dma_wait3A_376 : memref<!tpu.dma_semaphore, #tpu.memory_space<semaphore_mem>>) src(%dma_wait3A_382 : memref<64x128xf32, #tpu.memory_space<vmem>>) dst(%dma_wait3A_378 : memref<64x128xf32, #tpu.memory_space<hbm>>)
      } else {
      }
      %broadcast_in_dim3A = arith.constant 15 : i32
      %broadcast_in_dim3A_119 = vector.broadcast %broadcast_in_dim3A : i32 to vector<16xi32>
      %parallel_loop3A = arith.constant 0 : i32
      %parallel_loop3A_120 = arith.constant 64 : i32
      %parallel_loop3A_121 = arith.constant 1 : i32
      %parallel_loop3A_122 = arith.constant 0 : i32
      scf.for %parallel_loop3A_367 = %parallel_loop3A to %parallel_loop3A_120 step %parallel_loop3A_121  : i32 {
        %parallel_loop3A_368 = arith.constant 0 : i32
        %parallel_loop3A_369 = arith.constant 0 : i32
        %parallel_loop3A_370 = tpu.memref_slice %arg5[%parallel_loop3A_122, %parallel_loop3A_368, %parallel_loop3A_369] : memref<2x64x128xf32, #tpu.memory_space<vmem>> -> memref<1x64x128xf32, #tpu.memory_space<vmem>>
        %parallel_loop3A_371 = tpu.memref_squeeze %parallel_loop3A_370 : memref<1x64x128xf32, #tpu.memory_space<vmem>> -> memref<64x128xf32, #tpu.memory_space<vmem>>
        %parallel_loop3A_372 = arith.index_cast %parallel_loop3A_367 : i32 to index
        %parallel_loop3A_373 = arith.constant 0 : index
        %parallel_loop3A_374 = tpu.vector_load %parallel_loop3A_371[%parallel_loop3A_372, %parallel_loop3A_373] {strides = array<i32>} : memref<64x128xf32, #tpu.memory_space<vmem>>, vector<16xf32>,
        %parallel_loop3A_375 = arith.constant 9.99999974E-6 : f32
        %parallel_loop3A_376 = vector.broadcast %parallel_loop3A_375 : f32 to vector<16xf32>
        %parallel_loop3A_377 = arith.addf %parallel_loop3A_374, %parallel_loop3A_376 : vector<16xf32>
        %parallel_loop3A_378 = arith.constant 0 : i32
        %parallel_loop3A_379 = arith.constant 0 : i32
        %parallel_loop3A_380 = tpu.memref_slice %arg5[%parallel_loop3A_122, %parallel_loop3A_378, %parallel_loop3A_379] : memref<2x64x128xf32, #tpu.memory_space<vmem>> -> memref<1x64x128xf32, #tpu.memory_space<vmem>>
        %parallel_loop3A_381 = tpu.memref_squeeze %parallel_loop3A_380 : memref<1x64x128xf32, #tpu.memory_space<vmem>> -> memref<64x128xf32, #tpu.memory_space<vmem>>
        %parallel_loop3A_382 = arith.index_cast %parallel_loop3A_367 : i32 to index
        %parallel_loop3A_383 = arith.constant 16 : index
        %parallel_loop3A_384 = tpu.vector_load %parallel_loop3A_381[%parallel_loop3A_382, %parallel_loop3A_383] {strides = array<i32>} : memref<64x128xf32, #tpu.memory_space<vmem>>, vector<16xf32>,
        %parallel_loop3A_385 = arith.constant 9.99999974E-6 : f32
        %parallel_loop3A_386 = vector.broadcast %parallel_loop3A_385 : f32 to vector<16xf32>
        %parallel_loop3A_387 = arith.addf %parallel_loop3A_384, %parallel_loop3A_386 : vector<16xf32>
        %parallel_loop3A_388 = arith.constant 0 : i32
        %parallel_loop3A_389 = arith.constant 0 : i32
        %parallel_loop3A_390 = tpu.memref_slice %arg5[%parallel_loop3A_122, %parallel_loop3A_388, %parallel_loop3A_389] : memref<2x64x128xf32, #tpu.memory_space<vmem>> -> memref<1x64x128xf32, #tpu.memory_space<vmem>>
        %parallel_loop3A_391 = tpu.memref_squeeze %parallel_loop3A_390 : memref<1x64x128xf32, #tpu.memory_space<vmem>> -> memref<64x128xf32, #tpu.memory_space<vmem>>
        %parallel_loop3A_392 = arith.index_cast %parallel_loop3A_367 : i32 to index
        %parallel_loop3A_393 = arith.constant 32 : index
        %parallel_loop3A_394 = tpu.vector_load %parallel_loop3A_391[%parallel_loop3A_392, %parallel_loop3A_393] {strides = array<i32>} : memref<64x128xf32, #tpu.memory_space<vmem>>, vector<16xf32>,
        %parallel_loop3A_395 = arith.constant 9.99999974E-6 : f32
        %parallel_loop3A_396 = vector.broadcast %parallel_loop3A_395 : f32 to vector<16xf32>
        %parallel_loop3A_397 = arith.addf %parallel_loop3A_394, %parallel_loop3A_396 : vector<16xf32>
        %parallel_loop3A_398 = arith.constant 0 : i32
        %parallel_loop3A_399 = arith.constant 0 : i32
        %parallel_loop3A_400 = tpu.memref_slice %arg5[%parallel_loop3A_122, %parallel_loop3A_398, %parallel_loop3A_399] : memref<2x64x128xf32, #tpu.memory_space<vmem>> -> memref<1x64x128xf32, #tpu.memory_space<vmem>>
        %parallel_loop3A_401 = tpu.memref_squeeze %parallel_loop3A_400 : memref<1x64x128xf32, #tpu.memory_space<vmem>> -> memref<64x128xf32, #tpu.memory_space<vmem>>
        %parallel_loop3A_402 = arith.index_cast %parallel_loop3A_367 : i32 to index
        %parallel_loop3A_403 = arith.constant 48 : index
        %parallel_loop3A_404 = tpu.vector_load %parallel_loop3A_401[%parallel_loop3A_402, %parallel_loop3A_403] {strides = array<i32>} : memref<64x128xf32, #tpu.memory_space<vmem>>, vector<16xf32>,
        %parallel_loop3A_405 = arith.constant 9.99999974E-6 : f32
        %parallel_loop3A_406 = vector.broadcast %parallel_loop3A_405 : f32 to vector<16xf32>
        %parallel_loop3A_407 = arith.addf %parallel_loop3A_404, %parallel_loop3A_406 : vector<16xf32>
        %parallel_loop3A_408 = arith.constant 0 : i32
        %parallel_loop3A_409 = arith.constant 0 : i32
        %parallel_loop3A_410 = tpu.memref_slice %arg5[%parallel_loop3A_122, %parallel_loop3A_408, %parallel_loop3A_409] : memref<2x64x128xf32, #tpu.memory_space<vmem>> -> memref<1x64x128xf32, #tpu.memory_space<vmem>>
        %parallel_loop3A_411 = tpu.memref_squeeze %parallel_loop3A_410 : memref<1x64x128xf32, #tpu.memory_space<vmem>> -> memref<64x128xf32, #tpu.memory_space<vmem>>
        %parallel_loop3A_412 = arith.index_cast %parallel_loop3A_367 : i32 to index
        %parallel_loop3A_413 = arith.constant 64 : index
        %parallel_loop3A_414 = tpu.vector_load %parallel_loop3A_411[%parallel_loop3A_412, %parallel_loop3A_413] {strides = array<i32>} : memref<64x128xf32, #tpu.memory_space<vmem>>, vector<16xf32>,
        %parallel_loop3A_415 = arith.constant 9.99999974E-6 : f32
        %parallel_loop3A_416 = vector.broadcast %parallel_loop3A_415 : f32 to vector<16xf32>
        %parallel_loop3A_417 = arith.addf %parallel_loop3A_414, %parallel_loop3A_416 : vector<16xf32>
        %parallel_loop3A_418 = arith.constant 0 : i32
        %parallel_loop3A_419 = arith.constant 0 : i32
        %parallel_loop3A_420 = tpu.memref_slice %arg5[%parallel_loop3A_122, %parallel_loop3A_418, %parallel_loop3A_419] : memref<2x64x128xf32, #tpu.memory_space<vmem>> -> memref<1x64x128xf32, #tpu.memory_space<vmem>>
        %parallel_loop3A_421 = tpu.memref_squeeze %parallel_loop3A_420 : memref<1x64x128xf32, #tpu.memory_space<vmem>> -> memref<64x128xf32, #tpu.memory_space<vmem>>
        %parallel_loop3A_422 = arith.index_cast %parallel_loop3A_367 : i32 to index
        %parallel_loop3A_423 = arith.constant 80 : index
        %parallel_loop3A_424 = tpu.vector_load %parallel_loop3A_421[%parallel_loop3A_422, %parallel_loop3A_423] {strides = array<i32>} : memref<64x128xf32, #tpu.memory_space<vmem>>, vector<16xf32>,
        %parallel_loop3A_425 = arith.constant 9.99999974E-6 : f32
        %parallel_loop3A_426 = vector.broadcast %parallel_loop3A_425 : f32 to vector<16xf32>
        %parallel_loop3A_427 = arith.addf %parallel_loop3A_424, %parallel_loop3A_426 : vector<16xf32>
        %parallel_loop3A_428 = arith.constant 0 : i32
        %parallel_loop3A_429 = arith.constant 0 : i32
        %parallel_loop3A_430 = tpu.memref_slice %arg5[%parallel_loop3A_122, %parallel_loop3A_428, %parallel_loop3A_429] : memref<2x64x128xf32, #tpu.memory_space<vmem>> -> memref<1x64x128xf32, #tpu.memory_space<vmem>>
        %parallel_loop3A_431 = tpu.memref_squeeze %parallel_loop3A_430 : memref<1x64x128xf32, #tpu.memory_space<vmem>> -> memref<64x128xf32, #tpu.memory_space<vmem>>
        %parallel_loop3A_432 = arith.index_cast %parallel_loop3A_367 : i32 to index
        %parallel_loop3A_433 = arith.constant 96 : index
        %parallel_loop3A_434 = tpu.vector_load %parallel_loop3A_431[%parallel_loop3A_432, %parallel_loop3A_433] {strides = array<i32>} : memref<64x128xf32, #tpu.memory_space<vmem>>, vector<16xf32>,
        %parallel_loop3A_435 = arith.constant 9.99999974E-6 : f32
        %parallel_loop3A_436 = vector.broadcast %parallel_loop3A_435 : f32 to vector<16xf32>
        %parallel_loop3A_437 = arith.addf %parallel_loop3A_434, %parallel_loop3A_436 : vector<16xf32>
        %parallel_loop3A_438 = arith.constant 0 : i32
        %parallel_loop3A_439 = arith.constant 0 : i32
        %parallel_loop3A_440 = tpu.memref_slice %arg5[%parallel_loop3A_122, %parallel_loop3A_438, %parallel_loop3A_439] : memref<2x64x128xf32, #tpu.memory_space<vmem>> -> memref<1x64x128xf32, #tpu.memory_space<vmem>>
        %parallel_loop3A_441 = tpu.memref_squeeze %parallel_loop3A_440 : memref<1x64x128xf32, #tpu.memory_space<vmem>> -> memref<64x128xf32, #tpu.memory_space<vmem>>
        %parallel_loop3A_442 = arith.index_cast %parallel_loop3A_367 : i32 to index
        %parallel_loop3A_443 = arith.constant 112 : index
        %parallel_loop3A_444 = tpu.vector_load %parallel_loop3A_441[%parallel_loop3A_442, %parallel_loop3A_443] {strides = array<i32>} : memref<64x128xf32, #tpu.memory_space<vmem>>, vector<16xf32>,
        %parallel_loop3A_445 = arith.constant 9.99999974E-6 : f32
        %parallel_loop3A_446 = vector.broadcast %parallel_loop3A_445 : f32 to vector<16xf32>
        %parallel_loop3A_447 = arith.addf %parallel_loop3A_444, %parallel_loop3A_446 : vector<16xf32>
        %parallel_loop3A_448 = arith.constant true
        %parallel_loop3A_449 = vector.broadcast %parallel_loop3A_448 : i1 to vector<16xi1>
        %parallel_loop3A_450 = tpu.scan <sum>, %parallel_loop3A_377 masked %parallel_loop3A_449 : vector<16xf32>, vector<16xi1> -> vector<16xf32>
        %parallel_loop3A_451 = arith.constant true
        %parallel_loop3A_452 = vector.broadcast %parallel_loop3A_451 : i1 to vector<16xi1>
        %parallel_loop3A_453 = tpu.scan <sum>, %parallel_loop3A_387 masked %parallel_loop3A_452 : vector<16xf32>, vector<16xi1> -> vector<16xf32>
        %parallel_loop3A_454 = arith.constant true
        %parallel_loop3A_455 = vector.broadcast %parallel_loop3A_454 : i1 to vector<16xi1>
        %parallel_loop3A_456 = tpu.scan <sum>, %parallel_loop3A_397 masked %parallel_loop3A_455 : vector<16xf32>, vector<16xi1> -> vector<16xf32>
        %parallel_loop3A_457 = arith.constant true
        %parallel_loop3A_458 = vector.broadcast %parallel_loop3A_457 : i1 to vector<16xi1>
        %parallel_loop3A_459 = tpu.scan <sum>, %parallel_loop3A_407 masked %parallel_loop3A_458 : vector<16xf32>, vector<16xi1> -> vector<16xf32>
        %parallel_loop3A_460 = arith.constant true
        %parallel_loop3A_461 = vector.broadcast %parallel_loop3A_460 : i1 to vector<16xi1>
        %parallel_loop3A_462 = tpu.scan <sum>, %parallel_loop3A_417 masked %parallel_loop3A_461 : vector<16xf32>, vector<16xi1> -> vector<16xf32>
        %parallel_loop3A_463 = arith.constant true
        %parallel_loop3A_464 = vector.broadcast %parallel_loop3A_463 : i1 to vector<16xi1>
        %parallel_loop3A_465 = tpu.scan <sum>, %parallel_loop3A_427 masked %parallel_loop3A_464 : vector<16xf32>, vector<16xi1> -> vector<16xf32>
        %parallel_loop3A_466 = arith.constant true
        %parallel_loop3A_467 = vector.broadcast %parallel_loop3A_466 : i1 to vector<16xi1>
        %parallel_loop3A_468 = tpu.scan <sum>, %parallel_loop3A_437 masked %parallel_loop3A_467 : vector<16xf32>, vector<16xi1> -> vector<16xf32>
        %parallel_loop3A_469 = arith.constant true
        %parallel_loop3A_470 = vector.broadcast %parallel_loop3A_469 : i1 to vector<16xi1>
        %parallel_loop3A_471 = tpu.scan <sum>, %parallel_loop3A_447 masked %parallel_loop3A_470 : vector<16xf32>, vector<16xi1> -> vector<16xf32>
        %parallel_loop3A_472 = vector.shape_cast %broadcast_in_dim3A_119 : vector<16xi32> to vector<16x1xi32>
        %parallel_loop3A_473 = vector.shape_cast %parallel_loop3A_472 : vector<16x1xi32> to vector<16xi32>
        %parallel_loop3A_474 = tpu.dynamic_gather %parallel_loop3A_450[%parallel_loop3A_473] in [0] : vector<16xf32>, vector<16xi32> -> vector<16xf32>
        %parallel_loop3A_475 = arith.addf %parallel_loop3A_453, %parallel_loop3A_474 : vector<16xf32>
        %parallel_loop3A_476 = vector.shape_cast %broadcast_in_dim3A_119 : vector<16xi32> to vector<16x1xi32>
        %parallel_loop3A_477 = vector.shape_cast %parallel_loop3A_476 : vector<16x1xi32> to vector<16xi32>
        %parallel_loop3A_478 = tpu.dynamic_gather %parallel_loop3A_475[%parallel_loop3A_477] in [0] : vector<16xf32>, vector<16xi32> -> vector<16xf32>
        %parallel_loop3A_479 = arith.addf %parallel_loop3A_456, %parallel_loop3A_478 : vector<16xf32>
        %parallel_loop3A_480 = vector.shape_cast %broadcast_in_dim3A_119 : vector<16xi32> to vector<16x1xi32>
        %parallel_loop3A_481 = vector.shape_cast %parallel_loop3A_480 : vector<16x1xi32> to vector<16xi32>
        %parallel_loop3A_482 = tpu.dynamic_gather %parallel_loop3A_479[%parallel_loop3A_481] in [0] : vector<16xf32>, vector<16xi32> -> vector<16xf32>
        %parallel_loop3A_483 = arith.addf %parallel_loop3A_459, %parallel_loop3A_482 : vector<16xf32>
        %parallel_loop3A_484 = vector.shape_cast %broadcast_in_dim3A_119 : vector<16xi32> to vector<16x1xi32>
        %parallel_loop3A_485 = vector.shape_cast %parallel_loop3A_484 : vector<16x1xi32> to vector<16xi32>
        %parallel_loop3A_486 = tpu.dynamic_gather %parallel_loop3A_483[%parallel_loop3A_485] in [0] : vector<16xf32>, vector<16xi32> -> vector<16xf32>
        %parallel_loop3A_487 = arith.addf %parallel_loop3A_462, %parallel_loop3A_486 : vector<16xf32>
        %parallel_loop3A_488 = vector.shape_cast %broadcast_in_dim3A_119 : vector<16xi32> to vector<16x1xi32>
        %parallel_loop3A_489 = vector.shape_cast %parallel_loop3A_488 : vector<16x1xi32> to vector<16xi32>
        %parallel_loop3A_490 = tpu.dynamic_gather %parallel_loop3A_487[%parallel_loop3A_489] in [0] : vector<16xf32>, vector<16xi32> -> vector<16xf32>
        %parallel_loop3A_491 = arith.addf %parallel_loop3A_465, %parallel_loop3A_490 : vector<16xf32>
        %parallel_loop3A_492 = vector.shape_cast %broadcast_in_dim3A_119 : vector<16xi32> to vector<16x1xi32>
        %parallel_loop3A_493 = vector.shape_cast %parallel_loop3A_492 : vector<16x1xi32> to vector<16xi32>
        %parallel_loop3A_494 = tpu.dynamic_gather %parallel_loop3A_491[%parallel_loop3A_493] in [0] : vector<16xf32>, vector<16xi32> -> vector<16xf32>
        %parallel_loop3A_495 = arith.addf %parallel_loop3A_468, %parallel_loop3A_494 : vector<16xf32>
        %parallel_loop3A_496 = vector.shape_cast %broadcast_in_dim3A_119 : vector<16xi32> to vector<16x1xi32>
        %parallel_loop3A_497 = vector.shape_cast %parallel_loop3A_496 : vector<16x1xi32> to vector<16xi32>
        %parallel_loop3A_498 = tpu.dynamic_gather %parallel_loop3A_495[%parallel_loop3A_497] in [0] : vector<16xf32>, vector<16xi32> -> vector<16xf32>
        %parallel_loop3A_499 = arith.addf %parallel_loop3A_471, %parallel_loop3A_498 : vector<16xf32>
        %parallel_loop3A_500 = arith.constant 1.000000e+00 : f32
        %parallel_loop3A_501 = vector.broadcast %parallel_loop3A_500 : f32 to vector<16xf32>
        %parallel_loop3A_502 = vector.shape_cast %broadcast_in_dim3A_119 : vector<16xi32> to vector<16x1xi32>
        %parallel_loop3A_503 = vector.shape_cast %parallel_loop3A_502 : vector<16x1xi32> to vector<16xi32>
        %parallel_loop3A_504 = tpu.dynamic_gather %parallel_loop3A_499[%parallel_loop3A_503] in [0] : vector<16xf32>, vector<16xi32> -> vector<16xf32>
        %parallel_loop3A_505 = arith.divf %parallel_loop3A_501, %parallel_loop3A_504 : vector<16xf32>
        %parallel_loop3A_506 = arith.mulf %parallel_loop3A_450, %parallel_loop3A_505 : vector<16xf32>
        %parallel_loop3A_507 = arith.index_cast %parallel_loop3A_367 : i32 to index
        %parallel_loop3A_508 = arith.constant 0 : index
        %parallel_loop3A_509 = tpu.vector_load %arg7[%parallel_loop3A_507, %parallel_loop3A_508] {strides = array<i32>} : memref<64x128xf32, #tpu.memory_space<vmem>>, vector<16xf32>,
        tpu.vector_store %arg7[%parallel_loop3A_507, %parallel_loop3A_508], %parallel_loop3A_506 {strides = array<i32>} : memref<64x128xf32, #tpu.memory_space<vmem>>, vector<16xf32>,
        %parallel_loop3A_510 = arith.mulf %parallel_loop3A_475, %parallel_loop3A_505 : vector<16xf32>
        %parallel_loop3A_511 = arith.index_cast %parallel_loop3A_367 : i32 to index
        %parallel_loop3A_512 = arith.constant 16 : index
        %parallel_loop3A_513 = tpu.vector_load %arg7[%parallel_loop3A_511, %parallel_loop3A_512] {strides = array<i32>} : memref<64x128xf32, #tpu.memory_space<vmem>>, vector<16xf32>,
        tpu.vector_store %arg7[%parallel_loop3A_511, %parallel_loop3A_512], %parallel_loop3A_510 {strides = array<i32>} : memref<64x128xf32, #tpu.memory_space<vmem>>, vector<16xf32>,
        %parallel_loop3A_514 = arith.mulf %parallel_loop3A_479, %parallel_loop3A_505 : vector<16xf32>
        %parallel_loop3A_515 = arith.index_cast %parallel_loop3A_367 : i32 to index
        %parallel_loop3A_516 = arith.constant 32 : index
        %parallel_loop3A_517 = tpu.vector_load %arg7[%parallel_loop3A_515, %parallel_loop3A_516] {strides = array<i32>} : memref<64x128xf32, #tpu.memory_space<vmem>>, vector<16xf32>,
        tpu.vector_store %arg7[%parallel_loop3A_515, %parallel_loop3A_516], %parallel_loop3A_514 {strides = array<i32>} : memref<64x128xf32, #tpu.memory_space<vmem>>, vector<16xf32>,
        %parallel_loop3A_518 = arith.mulf %parallel_loop3A_483, %parallel_loop3A_505 : vector<16xf32>
        %parallel_loop3A_519 = arith.index_cast %parallel_loop3A_367 : i32 to index
        %parallel_loop3A_520 = arith.constant 48 : index
        %parallel_loop3A_521 = tpu.vector_load %arg7[%parallel_loop3A_519, %parallel_loop3A_520] {strides = array<i32>} : memref<64x128xf32, #tpu.memory_space<vmem>>, vector<16xf32>,
        tpu.vector_store %arg7[%parallel_loop3A_519, %parallel_loop3A_520], %parallel_loop3A_518 {strides = array<i32>} : memref<64x128xf32, #tpu.memory_space<vmem>>, vector<16xf32>,
        %parallel_loop3A_522 = arith.mulf %parallel_loop3A_487, %parallel_loop3A_505 : vector<16xf32>
        %parallel_loop3A_523 = arith.index_cast %parallel_loop3A_367 : i32 to index
        %parallel_loop3A_524 = arith.constant 64 : index
        %parallel_loop3A_525 = tpu.vector_load %arg7[%parallel_loop3A_523, %parallel_loop3A_524] {strides = array<i32>} : memref<64x128xf32, #tpu.memory_space<vmem>>, vector<16xf32>,
        tpu.vector_store %arg7[%parallel_loop3A_523, %parallel_loop3A_524], %parallel_loop3A_522 {strides = array<i32>} : memref<64x128xf32, #tpu.memory_space<vmem>>, vector<16xf32>,
        %parallel_loop3A_526 = arith.mulf %parallel_loop3A_491, %parallel_loop3A_505 : vector<16xf32>
        %parallel_loop3A_527 = arith.index_cast %parallel_loop3A_367 : i32 to index
        %parallel_loop3A_528 = arith.constant 80 : index
        %parallel_loop3A_529 = tpu.vector_load %arg7[%parallel_loop3A_527, %parallel_loop3A_528] {strides = array<i32>} : memref<64x128xf32, #tpu.memory_space<vmem>>, vector<16xf32>,
        tpu.vector_store %arg7[%parallel_loop3A_527, %parallel_loop3A_528], %parallel_loop3A_526 {strides = array<i32>} : memref<64x128xf32, #tpu.memory_space<vmem>>, vector<16xf32>,
        %parallel_loop3A_530 = arith.mulf %parallel_loop3A_495, %parallel_loop3A_505 : vector<16xf32>
        %parallel_loop3A_531 = arith.index_cast %parallel_loop3A_367 : i32 to index
        %parallel_loop3A_532 = arith.constant 96 : index
        %parallel_loop3A_533 = tpu.vector_load %arg7[%parallel_loop3A_531, %parallel_loop3A_532] {strides = array<i32>} : memref<64x128xf32, #tpu.memory_space<vmem>>, vector<16xf32>,
        tpu.vector_store %arg7[%parallel_loop3A_531, %parallel_loop3A_532], %parallel_loop3A_530 {strides = array<i32>} : memref<64x128xf32, #tpu.memory_space<vmem>>, vector<16xf32>,
        %parallel_loop3A_534 = arith.mulf %parallel_loop3A_499, %parallel_loop3A_505 : vector<16xf32>
        %parallel_loop3A_535 = arith.index_cast %parallel_loop3A_367 : i32 to index
        %parallel_loop3A_536 = arith.constant 112 : index
        %parallel_loop3A_537 = tpu.vector_load %arg7[%parallel_loop3A_535, %parallel_loop3A_536] {strides = array<i32>} : memref<64x128xf32, #tpu.memory_space<vmem>>, vector<16xf32>,
        tpu.vector_store %arg7[%parallel_loop3A_535, %parallel_loop3A_536], %parallel_loop3A_534 {strides = array<i32>} : memref<64x128xf32, #tpu.memory_space<vmem>>, vector<16xf32>,
      } {sc.loop_unroll_factor = 4 : i64, sc.parallel_access}
      %mul3A_123 = arith.constant 2 : i32
      %mul3A_124 = vector.broadcast %mul3A_123 : i32 to vector<16xi32>
      %mul3A_125 = arith.muli %iota3A, %mul3A_124 : vector<16xi32>
      %add3A_126 = arith.constant 1 : i32
      %add3A_127 = vector.broadcast %add3A_126 : i32 to vector<16xi32>
      %add3A_128 = arith.addi %mul3A_125, %add3A_127 : vector<16xi32>
      %convert_element_type3A_129 = arith.sitofp %add3A_128 : vector<16xi32> to vector<16xf32>
      %mul3A_130 = vector.broadcast %scan3A : f32 to vector<16xf32>
      %mul3A_131 = arith.mulf %convert_element_type3A_129, %mul3A_130 : vector<16xf32>
      %mul3A_132 = arith.constant 2 : i32
      %mul3A_133 = vector.broadcast %mul3A_132 : i32 to vector<16xi32>
      %mul3A_134 = arith.muli %iota3A, %mul3A_133 : vector<16xi32>
      %add3A_135 = arith.constant 33 : i32
      %add3A_136 = vector.broadcast %add3A_135 : i32 to vector<16xi32>
      %add3A_137 = arith.addi %mul3A_134, %add3A_136 : vector<16xi32>
      %convert_element_type3A_138 = arith.sitofp %add3A_137 : vector<16xi32> to vector<16xf32>
      %mul3A_139 = vector.broadcast %scan3A : f32 to vector<16xf32>
      %mul3A_140 = arith.mulf %convert_element_type3A_138, %mul3A_139 : vector<16xf32>
      %mul3A_141 = arith.constant 2 : i32
      %mul3A_142 = vector.broadcast %mul3A_141 : i32 to vector<16xi32>
      %mul3A_143 = arith.muli %iota3A, %mul3A_142 : vector<16xi32>
      %add3A_144 = arith.constant 65 : i32
      %add3A_145 = vector.broadcast %add3A_144 : i32 to vector<16xi32>
      %add3A_146 = arith.addi %mul3A_143, %add3A_145 : vector<16xi32>
      %convert_element_type3A_147 = arith.sitofp %add3A_146 : vector<16xi32> to vector<16xf32>
      %mul3A_148 = vector.broadcast %scan3A : f32 to vector<16xf32>
      %mul3A_149 = arith.mulf %convert_element_type3A_147, %mul3A_148 : vector<16xf32>
      %mul3A_150 = arith.constant 2 : i32
      %mul3A_151 = vector.broadcast %mul3A_150 : i32 to vector<16xi32>
      %mul3A_152 = arith.muli %iota3A, %mul3A_151 : vector<16xi32>
      %add3A_153 = arith.constant 97 : i32
      %add3A_154 = vector.broadcast %add3A_153 : i32 to vector<16xi32>
      %add3A_155 = arith.addi %mul3A_152, %add3A_154 : vector<16xi32>
      %convert_element_type3A_156 = arith.sitofp %add3A_155 : vector<16xi32> to vector<16xf32>
      %mul3A_157 = vector.broadcast %scan3A : f32 to vector<16xf32>
      %mul3A_158 = arith.mulf %convert_element_type3A_156, %mul3A_157 : vector<16xf32>
      %mul3A_159 = arith.constant 2 : i32
      %mul3A_160 = vector.broadcast %mul3A_159 : i32 to vector<16xi32>
      %mul3A_161 = arith.muli %iota3A, %mul3A_160 : vector<16xi32>
      %add3A_162 = arith.constant 129 : i32
      %add3A_163 = vector.broadcast %add3A_162 : i32 to vector<16xi32>
      %add3A_164 = arith.addi %mul3A_161, %add3A_163 : vector<16xi32>
      %convert_element_type3A_165 = arith.sitofp %add3A_164 : vector<16xi32> to vector<16xf32>
      %mul3A_166 = vector.broadcast %scan3A : f32 to vector<16xf32>
      %mul3A_167 = arith.mulf %convert_element_type3A_165, %mul3A_166 : vector<16xf32>
      %mul3A_168 = arith.constant 2 : i32
      %mul3A_169 = vector.broadcast %mul3A_168 : i32 to vector<16xi32>
      %mul3A_170 = arith.muli %iota3A, %mul3A_169 : vector<16xi32>
      %add3A_171 = arith.constant 161 : i32
      %add3A_172 = vector.broadcast %add3A_171 : i32 to vector<16xi32>
      %add3A_173 = arith.addi %mul3A_170, %add3A_172 : vector<16xi32>
      %convert_element_type3A_174 = arith.sitofp %add3A_173 : vector<16xi32> to vector<16xf32>
      %mul3A_175 = vector.broadcast %scan3A : f32 to vector<16xf32>
      %mul3A_176 = arith.mulf %convert_element_type3A_174, %mul3A_175 : vector<16xf32>
      %mul3A_177 = arith.constant 2 : i32
      %mul3A_178 = vector.broadcast %mul3A_177 : i32 to vector<16xi32>
      %mul3A_179 = arith.muli %iota3A, %mul3A_178 : vector<16xi32>
      %add3A_180 = arith.constant 193 : i32
      %add3A_181 = vector.broadcast %add3A_180 : i32 to vector<16xi32>
      %add3A_182 = arith.addi %mul3A_179, %add3A_181 : vector<16xi32>
      %convert_element_type3A_183 = arith.sitofp %add3A_182 : vector<16xi32> to vector<16xf32>
      %mul3A_184 = vector.broadcast %scan3A : f32 to vector<16xf32>
      %mul3A_185 = arith.mulf %convert_element_type3A_183, %mul3A_184 : vector<16xf32>
      %mul3A_186 = arith.constant 2 : i32
      %mul3A_187 = vector.broadcast %mul3A_186 : i32 to vector<16xi32>
      %mul3A_188 = arith.muli %iota3A, %mul3A_187 : vector<16xi32>
      %add3A_189 = arith.constant 225 : i32
      %add3A_190 = vector.broadcast %add3A_189 : i32 to vector<16xi32>
      %add3A_191 = arith.addi %mul3A_188, %add3A_190 : vector<16xi32>
      %convert_element_type3A_192 = arith.sitofp %add3A_191 : vector<16xi32> to vector<16xf32>
      %mul3A_193 = vector.broadcast %scan3A : f32 to vector<16xf32>
      %mul3A_194 = arith.mulf %convert_element_type3A_192, %mul3A_193 : vector<16xf32>
      %parallel_loop3A_195 = arith.constant 0 : i32
      %parallel_loop3A_196 = arith.constant 64 : i32
      %parallel_loop3A_197 = arith.constant 1 : i32
      %parallel_loop3A_198 = arith.constant 0 : i32
      %parallel_loop3A_199 = arith.constant 0 : i32
      scf.for %parallel_loop3A_367 = %parallel_loop3A_195 to %parallel_loop3A_196 step %parallel_loop3A_197  : i32 {
        %parallel_loop3A_368 = vector.broadcast %parallel_loop3A_367 : i32 to vector<16xi32>
        %parallel_loop3A_369 = arith.constant 8 : i32
        %parallel_loop3A_370 = vector.broadcast %parallel_loop3A_369 : i32 to vector<16xi32>
        %parallel_loop3A_371 = arith.muli %iota3A, %parallel_loop3A_370 : vector<16xi32>
        %parallel_loop3A_372 = arith.constant 7 : i32
        %parallel_loop3A_373 = vector.broadcast %parallel_loop3A_372 : i32 to vector<16xi32>
        %parallel_loop3A_374 = arith.addi %parallel_loop3A_371, %parallel_loop3A_373 : vector<16xi32>
        %parallel_loop3A_375 = tpu.vector_load_idx %arg7[%parallel_loop3A_368, %parallel_loop3A_374] : memref<64x128xf32, #tpu.memory_space<vmem>>[vector<16xi32>, vector<16xi32>], vector<16xf32>,
        %parallel_loop3A_376 = arith.constant 0 : i32
        %parallel_loop3A_377 = vector.broadcast %parallel_loop3A_376 : i32 to vector<16xi32>
        %parallel_loop3A_378 = arith.constant 0 : i32
        %parallel_loop3A_379 = vector.broadcast %parallel_loop3A_378 : i32 to vector<16xi32>
        %parallel_loop3A_380 = arith.constant 0 : i32
        %parallel_loop3A_381 = vector.broadcast %parallel_loop3A_380 : i32 to vector<16xi32>
        %parallel_loop3A_382 = arith.constant 0 : i32
        %parallel_loop3A_383 = vector.broadcast %parallel_loop3A_382 : i32 to vector<16xi32>
        %parallel_loop3A_384 = arith.constant 0 : i32
        %parallel_loop3A_385 = vector.broadcast %parallel_loop3A_384 : i32 to vector<16xi32>
        %parallel_loop3A_386 = arith.constant 0 : i32
        %parallel_loop3A_387 = vector.broadcast %parallel_loop3A_386 : i32 to vector<16xi32>
        %parallel_loop3A_388 = arith.constant 0 : i32
        %parallel_loop3A_389 = vector.broadcast %parallel_loop3A_388 : i32 to vector<16xi32>
        %parallel_loop3A_390 = arith.constant 0 : i32
        %parallel_loop3A_391 = vector.broadcast %parallel_loop3A_390 : i32 to vector<16xi32>
        %parallel_loop3A_392 = arith.constant 7 : i32
        %parallel_loop3A_393 = vector.broadcast %parallel_loop3A_392 : i32 to vector<16xi32>
        %parallel_loop3A_394 = arith.addi %parallel_loop3A_377, %parallel_loop3A_393 : vector<16xi32>
        %parallel_loop3A_395 = vector.shape_cast %parallel_loop3A_394 : vector<16xi32> to vector<16x1xi32>
        %parallel_loop3A_396 = vector.shape_cast %parallel_loop3A_395 : vector<16x1xi32> to vector<16xi32>
        %parallel_loop3A_397 = tpu.dynamic_gather %parallel_loop3A_375[%parallel_loop3A_396] in [0] : vector<16xf32>, vector<16xi32> -> vector<16xf32>
        %parallel_loop3A_398 = arith.constant 7 : i32
        %parallel_loop3A_399 = vector.broadcast %parallel_loop3A_398 : i32 to vector<16xi32>
        %parallel_loop3A_400 = arith.addi %parallel_loop3A_379, %parallel_loop3A_399 : vector<16xi32>
        %parallel_loop3A_401 = vector.shape_cast %parallel_loop3A_400 : vector<16xi32> to vector<16x1xi32>
        %parallel_loop3A_402 = vector.shape_cast %parallel_loop3A_401 : vector<16x1xi32> to vector<16xi32>
        %parallel_loop3A_403 = tpu.dynamic_gather %parallel_loop3A_375[%parallel_loop3A_402] in [0] : vector<16xf32>, vector<16xi32> -> vector<16xf32>
        %parallel_loop3A_404 = arith.constant 7 : i32
        %parallel_loop3A_405 = vector.broadcast %parallel_loop3A_404 : i32 to vector<16xi32>
        %parallel_loop3A_406 = arith.addi %parallel_loop3A_381, %parallel_loop3A_405 : vector<16xi32>
        %parallel_loop3A_407 = vector.shape_cast %parallel_loop3A_406 : vector<16xi32> to vector<16x1xi32>
        %parallel_loop3A_408 = vector.shape_cast %parallel_loop3A_407 : vector<16x1xi32> to vector<16xi32>
        %parallel_loop3A_409 = tpu.dynamic_gather %parallel_loop3A_375[%parallel_loop3A_408] in [0] : vector<16xf32>, vector<16xi32> -> vector<16xf32>
        %parallel_loop3A_410 = arith.constant 7 : i32
        %parallel_loop3A_411 = vector.broadcast %parallel_loop3A_410 : i32 to vector<16xi32>
        %parallel_loop3A_412 = arith.addi %parallel_loop3A_383, %parallel_loop3A_411 : vector<16xi32>
        %parallel_loop3A_413 = vector.shape_cast %parallel_loop3A_412 : vector<16xi32> to vector<16x1xi32>
        %parallel_loop3A_414 = vector.shape_cast %parallel_loop3A_413 : vector<16x1xi32> to vector<16xi32>
        %parallel_loop3A_415 = tpu.dynamic_gather %parallel_loop3A_375[%parallel_loop3A_414] in [0] : vector<16xf32>, vector<16xi32> -> vector<16xf32>
        %parallel_loop3A_416 = arith.constant 7 : i32
        %parallel_loop3A_417 = vector.broadcast %parallel_loop3A_416 : i32 to vector<16xi32>
        %parallel_loop3A_418 = arith.addi %parallel_loop3A_385, %parallel_loop3A_417 : vector<16xi32>
        %parallel_loop3A_419 = vector.shape_cast %parallel_loop3A_418 : vector<16xi32> to vector<16x1xi32>
        %parallel_loop3A_420 = vector.shape_cast %parallel_loop3A_419 : vector<16x1xi32> to vector<16xi32>
        %parallel_loop3A_421 = tpu.dynamic_gather %parallel_loop3A_375[%parallel_loop3A_420] in [0] : vector<16xf32>, vector<16xi32> -> vector<16xf32>
        %parallel_loop3A_422 = arith.constant 7 : i32
        %parallel_loop3A_423 = vector.broadcast %parallel_loop3A_422 : i32 to vector<16xi32>
        %parallel_loop3A_424 = arith.addi %parallel_loop3A_387, %parallel_loop3A_423 : vector<16xi32>
        %parallel_loop3A_425 = vector.shape_cast %parallel_loop3A_424 : vector<16xi32> to vector<16x1xi32>
        %parallel_loop3A_426 = vector.shape_cast %parallel_loop3A_425 : vector<16x1xi32> to vector<16xi32>
        %parallel_loop3A_427 = tpu.dynamic_gather %parallel_loop3A_375[%parallel_loop3A_426] in [0] : vector<16xf32>, vector<16xi32> -> vector<16xf32>
        %parallel_loop3A_428 = arith.constant 7 : i32
        %parallel_loop3A_429 = vector.broadcast %parallel_loop3A_428 : i32 to vector<16xi32>
        %parallel_loop3A_430 = arith.addi %parallel_loop3A_389, %parallel_loop3A_429 : vector<16xi32>
        %parallel_loop3A_431 = vector.shape_cast %parallel_loop3A_430 : vector<16xi32> to vector<16x1xi32>
        %parallel_loop3A_432 = vector.shape_cast %parallel_loop3A_431 : vector<16x1xi32> to vector<16xi32>
        %parallel_loop3A_433 = tpu.dynamic_gather %parallel_loop3A_375[%parallel_loop3A_432] in [0] : vector<16xf32>, vector<16xi32> -> vector<16xf32>
        %parallel_loop3A_434 = arith.constant 7 : i32
        %parallel_loop3A_435 = vector.broadcast %parallel_loop3A_434 : i32 to vector<16xi32>
        %parallel_loop3A_436 = arith.addi %parallel_loop3A_391, %parallel_loop3A_435 : vector<16xi32>
        %parallel_loop3A_437 = vector.shape_cast %parallel_loop3A_436 : vector<16xi32> to vector<16x1xi32>
        %parallel_loop3A_438 = vector.shape_cast %parallel_loop3A_437 : vector<16x1xi32> to vector<16xi32>
        %parallel_loop3A_439 = tpu.dynamic_gather %parallel_loop3A_375[%parallel_loop3A_438] in [0] : vector<16xf32>, vector<16xi32> -> vector<16xf32>
        %parallel_loop3A_440 = arith.cmpf ole, %parallel_loop3A_397, %mul3A_131 : vector<16xf32>
        %parallel_loop3A_441 = arith.constant 8 : i32
        %parallel_loop3A_442 = arith.constant 0 : i32
        %parallel_loop3A_443 = vector.broadcast %parallel_loop3A_441 : i32 to vector<16xi32>
        %parallel_loop3A_444 = vector.broadcast %parallel_loop3A_442 : i32 to vector<16xi32>
        %parallel_loop3A_445 = arith.select %parallel_loop3A_440, %parallel_loop3A_443, %parallel_loop3A_444 : vector<16xi1>, vector<16xi32>
        %parallel_loop3A_446 = arith.addi %parallel_loop3A_377, %parallel_loop3A_445 : vector<16xi32>
        %parallel_loop3A_447 = arith.cmpf ole, %parallel_loop3A_403, %mul3A_140 : vector<16xf32>
        %parallel_loop3A_448 = arith.constant 8 : i32
        %parallel_loop3A_449 = arith.constant 0 : i32
        %parallel_loop3A_450 = vector.broadcast %parallel_loop3A_448 : i32 to vector<16xi32>
        %parallel_loop3A_451 = vector.broadcast %parallel_loop3A_449 : i32 to vector<16xi32>
        %parallel_loop3A_452 = arith.select %parallel_loop3A_447, %parallel_loop3A_450, %parallel_loop3A_451 : vector<16xi1>, vector<16xi32>
        %parallel_loop3A_453 = arith.addi %parallel_loop3A_379, %parallel_loop3A_452 : vector<16xi32>
        %parallel_loop3A_454 = arith.cmpf ole, %parallel_loop3A_409, %mul3A_149 : vector<16xf32>
        %parallel_loop3A_455 = arith.constant 8 : i32
        %parallel_loop3A_456 = arith.constant 0 : i32
        %parallel_loop3A_457 = vector.broadcast %parallel_loop3A_455 : i32 to vector<16xi32>
        %parallel_loop3A_458 = vector.broadcast %parallel_loop3A_456 : i32 to vector<16xi32>
        %parallel_loop3A_459 = arith.select %parallel_loop3A_454, %parallel_loop3A_457, %parallel_loop3A_458 : vector<16xi1>, vector<16xi32>
        %parallel_loop3A_460 = arith.addi %parallel_loop3A_381, %parallel_loop3A_459 : vector<16xi32>
        %parallel_loop3A_461 = arith.cmpf ole, %parallel_loop3A_415, %mul3A_158 : vector<16xf32>
        %parallel_loop3A_462 = arith.constant 8 : i32
        %parallel_loop3A_463 = arith.constant 0 : i32
        %parallel_loop3A_464 = vector.broadcast %parallel_loop3A_462 : i32 to vector<16xi32>
        %parallel_loop3A_465 = vector.broadcast %parallel_loop3A_463 : i32 to vector<16xi32>
        %parallel_loop3A_466 = arith.select %parallel_loop3A_461, %parallel_loop3A_464, %parallel_loop3A_465 : vector<16xi1>, vector<16xi32>
        %parallel_loop3A_467 = arith.addi %parallel_loop3A_383, %parallel_loop3A_466 : vector<16xi32>
        %parallel_loop3A_468 = arith.cmpf ole, %parallel_loop3A_421, %mul3A_167 : vector<16xf32>
        %parallel_loop3A_469 = arith.constant 8 : i32
        %parallel_loop3A_470 = arith.constant 0 : i32
        %parallel_loop3A_471 = vector.broadcast %parallel_loop3A_469 : i32 to vector<16xi32>
        %parallel_loop3A_472 = vector.broadcast %parallel_loop3A_470 : i32 to vector<16xi32>
        %parallel_loop3A_473 = arith.select %parallel_loop3A_468, %parallel_loop3A_471, %parallel_loop3A_472 : vector<16xi1>, vector<16xi32>
        %parallel_loop3A_474 = arith.addi %parallel_loop3A_385, %parallel_loop3A_473 : vector<16xi32>
        %parallel_loop3A_475 = arith.cmpf ole, %parallel_loop3A_427, %mul3A_176 : vector<16xf32>
        %parallel_loop3A_476 = arith.constant 8 : i32
        %parallel_loop3A_477 = arith.constant 0 : i32
        %parallel_loop3A_478 = vector.broadcast %parallel_loop3A_476 : i32 to vector<16xi32>
        %parallel_loop3A_479 = vector.broadcast %parallel_loop3A_477 : i32 to vector<16xi32>
        %parallel_loop3A_480 = arith.select %parallel_loop3A_475, %parallel_loop3A_478, %parallel_loop3A_479 : vector<16xi1>, vector<16xi32>
        %parallel_loop3A_481 = arith.addi %parallel_loop3A_387, %parallel_loop3A_480 : vector<16xi32>
        %parallel_loop3A_482 = arith.cmpf ole, %parallel_loop3A_433, %mul3A_185 : vector<16xf32>
        %parallel_loop3A_483 = arith.constant 8 : i32
        %parallel_loop3A_484 = arith.constant 0 : i32
        %parallel_loop3A_485 = vector.broadcast %parallel_loop3A_483 : i32 to vector<16xi32>
        %parallel_loop3A_486 = vector.broadcast %parallel_loop3A_484 : i32 to vector<16xi32>
        %parallel_loop3A_487 = arith.select %parallel_loop3A_482, %parallel_loop3A_485, %parallel_loop3A_486 : vector<16xi1>, vector<16xi32>
        %parallel_loop3A_488 = arith.addi %parallel_loop3A_389, %parallel_loop3A_487 : vector<16xi32>
        %parallel_loop3A_489 = arith.cmpf ole, %parallel_loop3A_439, %mul3A_194 : vector<16xf32>
        %parallel_loop3A_490 = arith.constant 8 : i32
        %parallel_loop3A_491 = arith.constant 0 : i32
        %parallel_loop3A_492 = vector.broadcast %parallel_loop3A_490 : i32 to vector<16xi32>
        %parallel_loop3A_493 = vector.broadcast %parallel_loop3A_491 : i32 to vector<16xi32>
        %parallel_loop3A_494 = arith.select %parallel_loop3A_489, %parallel_loop3A_492, %parallel_loop3A_493 : vector<16xi1>, vector<16xi32>
        %parallel_loop3A_495 = arith.addi %parallel_loop3A_391, %parallel_loop3A_494 : vector<16xi32>
        %parallel_loop3A_496 = arith.constant 3 : i32
        %parallel_loop3A_497 = vector.broadcast %parallel_loop3A_496 : i32 to vector<16xi32>
        %parallel_loop3A_498 = arith.addi %parallel_loop3A_446, %parallel_loop3A_497 : vector<16xi32>
        %parallel_loop3A_499 = vector.shape_cast %parallel_loop3A_498 : vector<16xi32> to vector<16x1xi32>
        %parallel_loop3A_500 = vector.shape_cast %parallel_loop3A_499 : vector<16x1xi32> to vector<16xi32>
        %parallel_loop3A_501 = tpu.dynamic_gather %parallel_loop3A_375[%parallel_loop3A_500] in [0] : vector<16xf32>, vector<16xi32> -> vector<16xf32>
        %parallel_loop3A_502 = arith.constant 3 : i32
        %parallel_loop3A_503 = vector.broadcast %parallel_loop3A_502 : i32 to vector<16xi32>
        %parallel_loop3A_504 = arith.addi %parallel_loop3A_453, %parallel_loop3A_503 : vector<16xi32>
        %parallel_loop3A_505 = vector.shape_cast %parallel_loop3A_504 : vector<16xi32> to vector<16x1xi32>
        %parallel_loop3A_506 = vector.shape_cast %parallel_loop3A_505 : vector<16x1xi32> to vector<16xi32>
        %parallel_loop3A_507 = tpu.dynamic_gather %parallel_loop3A_375[%parallel_loop3A_506] in [0] : vector<16xf32>, vector<16xi32> -> vector<16xf32>
        %parallel_loop3A_508 = arith.constant 3 : i32
        %parallel_loop3A_509 = vector.broadcast %parallel_loop3A_508 : i32 to vector<16xi32>
        %parallel_loop3A_510 = arith.addi %parallel_loop3A_460, %parallel_loop3A_509 : vector<16xi32>
        %parallel_loop3A_511 = vector.shape_cast %parallel_loop3A_510 : vector<16xi32> to vector<16x1xi32>
        %parallel_loop3A_512 = vector.shape_cast %parallel_loop3A_511 : vector<16x1xi32> to vector<16xi32>
        %parallel_loop3A_513 = tpu.dynamic_gather %parallel_loop3A_375[%parallel_loop3A_512] in [0] : vector<16xf32>, vector<16xi32> -> vector<16xf32>
        %parallel_loop3A_514 = arith.constant 3 : i32
        %parallel_loop3A_515 = vector.broadcast %parallel_loop3A_514 : i32 to vector<16xi32>
        %parallel_loop3A_516 = arith.addi %parallel_loop3A_467, %parallel_loop3A_515 : vector<16xi32>
        %parallel_loop3A_517 = vector.shape_cast %parallel_loop3A_516 : vector<16xi32> to vector<16x1xi32>
        %parallel_loop3A_518 = vector.shape_cast %parallel_loop3A_517 : vector<16x1xi32> to vector<16xi32>
        %parallel_loop3A_519 = tpu.dynamic_gather %parallel_loop3A_375[%parallel_loop3A_518] in [0] : vector<16xf32>, vector<16xi32> -> vector<16xf32>
        %parallel_loop3A_520 = arith.constant 3 : i32
        %parallel_loop3A_521 = vector.broadcast %parallel_loop3A_520 : i32 to vector<16xi32>
        %parallel_loop3A_522 = arith.addi %parallel_loop3A_474, %parallel_loop3A_521 : vector<16xi32>
        %parallel_loop3A_523 = vector.shape_cast %parallel_loop3A_522 : vector<16xi32> to vector<16x1xi32>
        %parallel_loop3A_524 = vector.shape_cast %parallel_loop3A_523 : vector<16x1xi32> to vector<16xi32>
        %parallel_loop3A_525 = tpu.dynamic_gather %parallel_loop3A_375[%parallel_loop3A_524] in [0] : vector<16xf32>, vector<16xi32> -> vector<16xf32>
        %parallel_loop3A_526 = arith.constant 3 : i32
        %parallel_loop3A_527 = vector.broadcast %parallel_loop3A_526 : i32 to vector<16xi32>
        %parallel_loop3A_528 = arith.addi %parallel_loop3A_481, %parallel_loop3A_527 : vector<16xi32>
        %parallel_loop3A_529 = vector.shape_cast %parallel_loop3A_528 : vector<16xi32> to vector<16x1xi32>
        %parallel_loop3A_530 = vector.shape_cast %parallel_loop3A_529 : vector<16x1xi32> to vector<16xi32>
        %parallel_loop3A_531 = tpu.dynamic_gather %parallel_loop3A_375[%parallel_loop3A_530] in [0] : vector<16xf32>, vector<16xi32> -> vector<16xf32>
        %parallel_loop3A_532 = arith.constant 3 : i32
        %parallel_loop3A_533 = vector.broadcast %parallel_loop3A_532 : i32 to vector<16xi32>
        %parallel_loop3A_534 = arith.addi %parallel_loop3A_488, %parallel_loop3A_533 : vector<16xi32>
        %parallel_loop3A_535 = vector.shape_cast %parallel_loop3A_534 : vector<16xi32> to vector<16x1xi32>
        %parallel_loop3A_536 = vector.shape_cast %parallel_loop3A_535 : vector<16x1xi32> to vector<16xi32>
        %parallel_loop3A_537 = tpu.dynamic_gather %parallel_loop3A_375[%parallel_loop3A_536] in [0] : vector<16xf32>, vector<16xi32> -> vector<16xf32>
        %parallel_loop3A_538 = arith.constant 3 : i32
        %parallel_loop3A_539 = vector.broadcast %parallel_loop3A_538 : i32 to vector<16xi32>
        %parallel_loop3A_540 = arith.addi %parallel_loop3A_495, %parallel_loop3A_539 : vector<16xi32>
        %parallel_loop3A_541 = vector.shape_cast %parallel_loop3A_540 : vector<16xi32> to vector<16x1xi32>
        %parallel_loop3A_542 = vector.shape_cast %parallel_loop3A_541 : vector<16x1xi32> to vector<16xi32>
        %parallel_loop3A_543 = tpu.dynamic_gather %parallel_loop3A_375[%parallel_loop3A_542] in [0] : vector<16xf32>, vector<16xi32> -> vector<16xf32>
        %parallel_loop3A_544 = arith.cmpf ole, %parallel_loop3A_501, %mul3A_131 : vector<16xf32>
        %parallel_loop3A_545 = arith.constant 4 : i32
        %parallel_loop3A_546 = arith.constant 0 : i32
        %parallel_loop3A_547 = vector.broadcast %parallel_loop3A_545 : i32 to vector<16xi32>
        %parallel_loop3A_548 = vector.broadcast %parallel_loop3A_546 : i32 to vector<16xi32>
        %parallel_loop3A_549 = arith.select %parallel_loop3A_544, %parallel_loop3A_547, %parallel_loop3A_548 : vector<16xi1>, vector<16xi32>
        %parallel_loop3A_550 = arith.addi %parallel_loop3A_446, %parallel_loop3A_549 : vector<16xi32>
        %parallel_loop3A_551 = arith.cmpf ole, %parallel_loop3A_507, %mul3A_140 : vector<16xf32>
        %parallel_loop3A_552 = arith.constant 4 : i32
        %parallel_loop3A_553 = arith.constant 0 : i32
        %parallel_loop3A_554 = vector.broadcast %parallel_loop3A_552 : i32 to vector<16xi32>
        %parallel_loop3A_555 = vector.broadcast %parallel_loop3A_553 : i32 to vector<16xi32>
        %parallel_loop3A_556 = arith.select %parallel_loop3A_551, %parallel_loop3A_554, %parallel_loop3A_555 : vector<16xi1>, vector<16xi32>
        %parallel_loop3A_557 = arith.addi %parallel_loop3A_453, %parallel_loop3A_556 : vector<16xi32>
        %parallel_loop3A_558 = arith.cmpf ole, %parallel_loop3A_513, %mul3A_149 : vector<16xf32>
        %parallel_loop3A_559 = arith.constant 4 : i32
        %parallel_loop3A_560 = arith.constant 0 : i32
        %parallel_loop3A_561 = vector.broadcast %parallel_loop3A_559 : i32 to vector<16xi32>
        %parallel_loop3A_562 = vector.broadcast %parallel_loop3A_560 : i32 to vector<16xi32>
        %parallel_loop3A_563 = arith.select %parallel_loop3A_558, %parallel_loop3A_561, %parallel_loop3A_562 : vector<16xi1>, vector<16xi32>
        %parallel_loop3A_564 = arith.addi %parallel_loop3A_460, %parallel_loop3A_563 : vector<16xi32>
        %parallel_loop3A_565 = arith.cmpf ole, %parallel_loop3A_519, %mul3A_158 : vector<16xf32>
        %parallel_loop3A_566 = arith.constant 4 : i32
        %parallel_loop3A_567 = arith.constant 0 : i32
        %parallel_loop3A_568 = vector.broadcast %parallel_loop3A_566 : i32 to vector<16xi32>
        %parallel_loop3A_569 = vector.broadcast %parallel_loop3A_567 : i32 to vector<16xi32>
        %parallel_loop3A_570 = arith.select %parallel_loop3A_565, %parallel_loop3A_568, %parallel_loop3A_569 : vector<16xi1>, vector<16xi32>
        %parallel_loop3A_571 = arith.addi %parallel_loop3A_467, %parallel_loop3A_570 : vector<16xi32>
        %parallel_loop3A_572 = arith.cmpf ole, %parallel_loop3A_525, %mul3A_167 : vector<16xf32>
        %parallel_loop3A_573 = arith.constant 4 : i32
        %parallel_loop3A_574 = arith.constant 0 : i32
        %parallel_loop3A_575 = vector.broadcast %parallel_loop3A_573 : i32 to vector<16xi32>
        %parallel_loop3A_576 = vector.broadcast %parallel_loop3A_574 : i32 to vector<16xi32>
        %parallel_loop3A_577 = arith.select %parallel_loop3A_572, %parallel_loop3A_575, %parallel_loop3A_576 : vector<16xi1>, vector<16xi32>
        %parallel_loop3A_578 = arith.addi %parallel_loop3A_474, %parallel_loop3A_577 : vector<16xi32>
        %parallel_loop3A_579 = arith.cmpf ole, %parallel_loop3A_531, %mul3A_176 : vector<16xf32>
        %parallel_loop3A_580 = arith.constant 4 : i32
        %parallel_loop3A_581 = arith.constant 0 : i32
        %parallel_loop3A_582 = vector.broadcast %parallel_loop3A_580 : i32 to vector<16xi32>
        %parallel_loop3A_583 = vector.broadcast %parallel_loop3A_581 : i32 to vector<16xi32>
        %parallel_loop3A_584 = arith.select %parallel_loop3A_579, %parallel_loop3A_582, %parallel_loop3A_583 : vector<16xi1>, vector<16xi32>
        %parallel_loop3A_585 = arith.addi %parallel_loop3A_481, %parallel_loop3A_584 : vector<16xi32>
        %parallel_loop3A_586 = arith.cmpf ole, %parallel_loop3A_537, %mul3A_185 : vector<16xf32>
        %parallel_loop3A_587 = arith.constant 4 : i32
        %parallel_loop3A_588 = arith.constant 0 : i32
        %parallel_loop3A_589 = vector.broadcast %parallel_loop3A_587 : i32 to vector<16xi32>
        %parallel_loop3A_590 = vector.broadcast %parallel_loop3A_588 : i32 to vector<16xi32>
        %parallel_loop3A_591 = arith.select %parallel_loop3A_586, %parallel_loop3A_589, %parallel_loop3A_590 : vector<16xi1>, vector<16xi32>
        %parallel_loop3A_592 = arith.addi %parallel_loop3A_488, %parallel_loop3A_591 : vector<16xi32>
        %parallel_loop3A_593 = arith.cmpf ole, %parallel_loop3A_543, %mul3A_194 : vector<16xf32>
        %parallel_loop3A_594 = arith.constant 4 : i32
        %parallel_loop3A_595 = arith.constant 0 : i32
        %parallel_loop3A_596 = vector.broadcast %parallel_loop3A_594 : i32 to vector<16xi32>
        %parallel_loop3A_597 = vector.broadcast %parallel_loop3A_595 : i32 to vector<16xi32>
        %parallel_loop3A_598 = arith.select %parallel_loop3A_593, %parallel_loop3A_596, %parallel_loop3A_597 : vector<16xi1>, vector<16xi32>
        %parallel_loop3A_599 = arith.addi %parallel_loop3A_495, %parallel_loop3A_598 : vector<16xi32>
        %parallel_loop3A_600 = arith.constant 1 : i32
        %parallel_loop3A_601 = vector.broadcast %parallel_loop3A_600 : i32 to vector<16xi32>
        %parallel_loop3A_602 = arith.addi %parallel_loop3A_550, %parallel_loop3A_601 : vector<16xi32>
        %parallel_loop3A_603 = vector.shape_cast %parallel_loop3A_602 : vector<16xi32> to vector<16x1xi32>
        %parallel_loop3A_604 = vector.shape_cast %parallel_loop3A_603 : vector<16x1xi32> to vector<16xi32>
        %parallel_loop3A_605 = tpu.dynamic_gather %parallel_loop3A_375[%parallel_loop3A_604] in [0] : vector<16xf32>, vector<16xi32> -> vector<16xf32>
        %parallel_loop3A_606 = arith.constant 1 : i32
        %parallel_loop3A_607 = vector.broadcast %parallel_loop3A_606 : i32 to vector<16xi32>
        %parallel_loop3A_608 = arith.addi %parallel_loop3A_557, %parallel_loop3A_607 : vector<16xi32>
        %parallel_loop3A_609 = vector.shape_cast %parallel_loop3A_608 : vector<16xi32> to vector<16x1xi32>
        %parallel_loop3A_610 = vector.shape_cast %parallel_loop3A_609 : vector<16x1xi32> to vector<16xi32>
        %parallel_loop3A_611 = tpu.dynamic_gather %parallel_loop3A_375[%parallel_loop3A_610] in [0] : vector<16xf32>, vector<16xi32> -> vector<16xf32>
        %parallel_loop3A_612 = arith.constant 1 : i32
        %parallel_loop3A_613 = vector.broadcast %parallel_loop3A_612 : i32 to vector<16xi32>
        %parallel_loop3A_614 = arith.addi %parallel_loop3A_564, %parallel_loop3A_613 : vector<16xi32>
        %parallel_loop3A_615 = vector.shape_cast %parallel_loop3A_614 : vector<16xi32> to vector<16x1xi32>
        %parallel_loop3A_616 = vector.shape_cast %parallel_loop3A_615 : vector<16x1xi32> to vector<16xi32>
        %parallel_loop3A_617 = tpu.dynamic_gather %parallel_loop3A_375[%parallel_loop3A_616] in [0] : vector<16xf32>, vector<16xi32> -> vector<16xf32>
        %parallel_loop3A_618 = arith.constant 1 : i32
        %parallel_loop3A_619 = vector.broadcast %parallel_loop3A_618 : i32 to vector<16xi32>
        %parallel_loop3A_620 = arith.addi %parallel_loop3A_571, %parallel_loop3A_619 : vector<16xi32>
        %parallel_loop3A_621 = vector.shape_cast %parallel_loop3A_620 : vector<16xi32> to vector<16x1xi32>
        %parallel_loop3A_622 = vector.shape_cast %parallel_loop3A_621 : vector<16x1xi32> to vector<16xi32>
        %parallel_loop3A_623 = tpu.dynamic_gather %parallel_loop3A_375[%parallel_loop3A_622] in [0] : vector<16xf32>, vector<16xi32> -> vector<16xf32>
        %parallel_loop3A_624 = arith.constant 1 : i32
        %parallel_loop3A_625 = vector.broadcast %parallel_loop3A_624 : i32 to vector<16xi32>
        %parallel_loop3A_626 = arith.addi %parallel_loop3A_578, %parallel_loop3A_625 : vector<16xi32>
        %parallel_loop3A_627 = vector.shape_cast %parallel_loop3A_626 : vector<16xi32> to vector<16x1xi32>
        %parallel_loop3A_628 = vector.shape_cast %parallel_loop3A_627 : vector<16x1xi32> to vector<16xi32>
        %parallel_loop3A_629 = tpu.dynamic_gather %parallel_loop3A_375[%parallel_loop3A_628] in [0] : vector<16xf32>, vector<16xi32> -> vector<16xf32>
        %parallel_loop3A_630 = arith.constant 1 : i32
        %parallel_loop3A_631 = vector.broadcast %parallel_loop3A_630 : i32 to vector<16xi32>
        %parallel_loop3A_632 = arith.addi %parallel_loop3A_585, %parallel_loop3A_631 : vector<16xi32>
        %parallel_loop3A_633 = vector.shape_cast %parallel_loop3A_632 : vector<16xi32> to vector<16x1xi32>
        %parallel_loop3A_634 = vector.shape_cast %parallel_loop3A_633 : vector<16x1xi32> to vector<16xi32>
        %parallel_loop3A_635 = tpu.dynamic_gather %parallel_loop3A_375[%parallel_loop3A_634] in [0] : vector<16xf32>, vector<16xi32> -> vector<16xf32>
        %parallel_loop3A_636 = arith.constant 1 : i32
        %parallel_loop3A_637 = vector.broadcast %parallel_loop3A_636 : i32 to vector<16xi32>
        %parallel_loop3A_638 = arith.addi %parallel_loop3A_592, %parallel_loop3A_637 : vector<16xi32>
        %parallel_loop3A_639 = vector.shape_cast %parallel_loop3A_638 : vector<16xi32> to vector<16x1xi32>
        %parallel_loop3A_640 = vector.shape_cast %parallel_loop3A_639 : vector<16x1xi32> to vector<16xi32>
        %parallel_loop3A_641 = tpu.dynamic_gather %parallel_loop3A_375[%parallel_loop3A_640] in [0] : vector<16xf32>, vector<16xi32> -> vector<16xf32>
        %parallel_loop3A_642 = arith.constant 1 : i32
        %parallel_loop3A_643 = vector.broadcast %parallel_loop3A_642 : i32 to vector<16xi32>
        %parallel_loop3A_644 = arith.addi %parallel_loop3A_599, %parallel_loop3A_643 : vector<16xi32>
        %parallel_loop3A_645 = vector.shape_cast %parallel_loop3A_644 : vector<16xi32> to vector<16x1xi32>
        %parallel_loop3A_646 = vector.shape_cast %parallel_loop3A_645 : vector<16x1xi32> to vector<16xi32>
        %parallel_loop3A_647 = tpu.dynamic_gather %parallel_loop3A_375[%parallel_loop3A_646] in [0] : vector<16xf32>, vector<16xi32> -> vector<16xf32>
        %parallel_loop3A_648 = arith.cmpf ole, %parallel_loop3A_605, %mul3A_131 : vector<16xf32>
        %parallel_loop3A_649 = arith.constant 2 : i32
        %parallel_loop3A_650 = arith.constant 0 : i32
        %parallel_loop3A_651 = vector.broadcast %parallel_loop3A_649 : i32 to vector<16xi32>
        %parallel_loop3A_652 = vector.broadcast %parallel_loop3A_650 : i32 to vector<16xi32>
        %parallel_loop3A_653 = arith.select %parallel_loop3A_648, %parallel_loop3A_651, %parallel_loop3A_652 : vector<16xi1>, vector<16xi32>
        %parallel_loop3A_654 = arith.addi %parallel_loop3A_550, %parallel_loop3A_653 : vector<16xi32>
        %parallel_loop3A_655 = arith.cmpf ole, %parallel_loop3A_611, %mul3A_140 : vector<16xf32>
        %parallel_loop3A_656 = arith.constant 2 : i32
        %parallel_loop3A_657 = arith.constant 0 : i32
        %parallel_loop3A_658 = vector.broadcast %parallel_loop3A_656 : i32 to vector<16xi32>
        %parallel_loop3A_659 = vector.broadcast %parallel_loop3A_657 : i32 to vector<16xi32>
        %parallel_loop3A_660 = arith.select %parallel_loop3A_655, %parallel_loop3A_658, %parallel_loop3A_659 : vector<16xi1>, vector<16xi32>
        %parallel_loop3A_661 = arith.addi %parallel_loop3A_557, %parallel_loop3A_660 : vector<16xi32>
        %parallel_loop3A_662 = arith.cmpf ole, %parallel_loop3A_617, %mul3A_149 : vector<16xf32>
        %parallel_loop3A_663 = arith.constant 2 : i32
        %parallel_loop3A_664 = arith.constant 0 : i32
        %parallel_loop3A_665 = vector.broadcast %parallel_loop3A_663 : i32 to vector<16xi32>
        %parallel_loop3A_666 = vector.broadcast %parallel_loop3A_664 : i32 to vector<16xi32>
        %parallel_loop3A_667 = arith.select %parallel_loop3A_662, %parallel_loop3A_665, %parallel_loop3A_666 : vector<16xi1>, vector<16xi32>
        %parallel_loop3A_668 = arith.addi %parallel_loop3A_564, %parallel_loop3A_667 : vector<16xi32>
        %parallel_loop3A_669 = arith.cmpf ole, %parallel_loop3A_623, %mul3A_158 : vector<16xf32>
        %parallel_loop3A_670 = arith.constant 2 : i32
        %parallel_loop3A_671 = arith.constant 0 : i32
        %parallel_loop3A_672 = vector.broadcast %parallel_loop3A_670 : i32 to vector<16xi32>
        %parallel_loop3A_673 = vector.broadcast %parallel_loop3A_671 : i32 to vector<16xi32>
        %parallel_loop3A_674 = arith.select %parallel_loop3A_669, %parallel_loop3A_672, %parallel_loop3A_673 : vector<16xi1>, vector<16xi32>
        %parallel_loop3A_675 = arith.addi %parallel_loop3A_571, %parallel_loop3A_674 : vector<16xi32>
        %parallel_loop3A_676 = arith.cmpf ole, %parallel_loop3A_629, %mul3A_167 : vector<16xf32>
        %parallel_loop3A_677 = arith.constant 2 : i32
        %parallel_loop3A_678 = arith.constant 0 : i32
        %parallel_loop3A_679 = vector.broadcast %parallel_loop3A_677 : i32 to vector<16xi32>
        %parallel_loop3A_680 = vector.broadcast %parallel_loop3A_678 : i32 to vector<16xi32>
        %parallel_loop3A_681 = arith.select %parallel_loop3A_676, %parallel_loop3A_679, %parallel_loop3A_680 : vector<16xi1>, vector<16xi32>
        %parallel_loop3A_682 = arith.addi %parallel_loop3A_578, %parallel_loop3A_681 : vector<16xi32>
        %parallel_loop3A_683 = arith.cmpf ole, %parallel_loop3A_635, %mul3A_176 : vector<16xf32>
        %parallel_loop3A_684 = arith.constant 2 : i32
        %parallel_loop3A_685 = arith.constant 0 : i32
        %parallel_loop3A_686 = vector.broadcast %parallel_loop3A_684 : i32 to vector<16xi32>
        %parallel_loop3A_687 = vector.broadcast %parallel_loop3A_685 : i32 to vector<16xi32>
        %parallel_loop3A_688 = arith.select %parallel_loop3A_683, %parallel_loop3A_686, %parallel_loop3A_687 : vector<16xi1>, vector<16xi32>
        %parallel_loop3A_689 = arith.addi %parallel_loop3A_585, %parallel_loop3A_688 : vector<16xi32>
        %parallel_loop3A_690 = arith.cmpf ole, %parallel_loop3A_641, %mul3A_185 : vector<16xf32>
        %parallel_loop3A_691 = arith.constant 2 : i32
        %parallel_loop3A_692 = arith.constant 0 : i32
        %parallel_loop3A_693 = vector.broadcast %parallel_loop3A_691 : i32 to vector<16xi32>
        %parallel_loop3A_694 = vector.broadcast %parallel_loop3A_692 : i32 to vector<16xi32>
        %parallel_loop3A_695 = arith.select %parallel_loop3A_690, %parallel_loop3A_693, %parallel_loop3A_694 : vector<16xi1>, vector<16xi32>
        %parallel_loop3A_696 = arith.addi %parallel_loop3A_592, %parallel_loop3A_695 : vector<16xi32>
        %parallel_loop3A_697 = arith.cmpf ole, %parallel_loop3A_647, %mul3A_194 : vector<16xf32>
        %parallel_loop3A_698 = arith.constant 2 : i32
        %parallel_loop3A_699 = arith.constant 0 : i32
        %parallel_loop3A_700 = vector.broadcast %parallel_loop3A_698 : i32 to vector<16xi32>
        %parallel_loop3A_701 = vector.broadcast %parallel_loop3A_699 : i32 to vector<16xi32>
        %parallel_loop3A_702 = arith.select %parallel_loop3A_697, %parallel_loop3A_700, %parallel_loop3A_701 : vector<16xi1>, vector<16xi32>
        %parallel_loop3A_703 = arith.addi %parallel_loop3A_599, %parallel_loop3A_702 : vector<16xi32>
        %parallel_loop3A_704 = arith.constant 0 : i32
        %parallel_loop3A_705 = vector.broadcast %parallel_loop3A_704 : i32 to vector<16xi32>
        %parallel_loop3A_706 = arith.addi %parallel_loop3A_654, %parallel_loop3A_705 : vector<16xi32>
        %parallel_loop3A_707 = vector.shape_cast %parallel_loop3A_706 : vector<16xi32> to vector<16x1xi32>
        %parallel_loop3A_708 = vector.shape_cast %parallel_loop3A_707 : vector<16x1xi32> to vector<16xi32>
        %parallel_loop3A_709 = tpu.dynamic_gather %parallel_loop3A_375[%parallel_loop3A_708] in [0] : vector<16xf32>, vector<16xi32> -> vector<16xf32>
        %parallel_loop3A_710 = arith.constant 0 : i32
        %parallel_loop3A_711 = vector.broadcast %parallel_loop3A_710 : i32 to vector<16xi32>
        %parallel_loop3A_712 = arith.addi %parallel_loop3A_661, %parallel_loop3A_711 : vector<16xi32>
        %parallel_loop3A_713 = vector.shape_cast %parallel_loop3A_712 : vector<16xi32> to vector<16x1xi32>
        %parallel_loop3A_714 = vector.shape_cast %parallel_loop3A_713 : vector<16x1xi32> to vector<16xi32>
        %parallel_loop3A_715 = tpu.dynamic_gather %parallel_loop3A_375[%parallel_loop3A_714] in [0] : vector<16xf32>, vector<16xi32> -> vector<16xf32>
        %parallel_loop3A_716 = arith.constant 0 : i32
        %parallel_loop3A_717 = vector.broadcast %parallel_loop3A_716 : i32 to vector<16xi32>
        %parallel_loop3A_718 = arith.addi %parallel_loop3A_668, %parallel_loop3A_717 : vector<16xi32>
        %parallel_loop3A_719 = vector.shape_cast %parallel_loop3A_718 : vector<16xi32> to vector<16x1xi32>
        %parallel_loop3A_720 = vector.shape_cast %parallel_loop3A_719 : vector<16x1xi32> to vector<16xi32>
        %parallel_loop3A_721 = tpu.dynamic_gather %parallel_loop3A_375[%parallel_loop3A_720] in [0] : vector<16xf32>, vector<16xi32> -> vector<16xf32>
        %parallel_loop3A_722 = arith.constant 0 : i32
        %parallel_loop3A_723 = vector.broadcast %parallel_loop3A_722 : i32 to vector<16xi32>
        %parallel_loop3A_724 = arith.addi %parallel_loop3A_675, %parallel_loop3A_723 : vector<16xi32>
        %parallel_loop3A_725 = vector.shape_cast %parallel_loop3A_724 : vector<16xi32> to vector<16x1xi32>
        %parallel_loop3A_726 = vector.shape_cast %parallel_loop3A_725 : vector<16x1xi32> to vector<16xi32>
        %parallel_loop3A_727 = tpu.dynamic_gather %parallel_loop3A_375[%parallel_loop3A_726] in [0] : vector<16xf32>, vector<16xi32> -> vector<16xf32>
        %parallel_loop3A_728 = arith.constant 0 : i32
        %parallel_loop3A_729 = vector.broadcast %parallel_loop3A_728 : i32 to vector<16xi32>
        %parallel_loop3A_730 = arith.addi %parallel_loop3A_682, %parallel_loop3A_729 : vector<16xi32>
        %parallel_loop3A_731 = vector.shape_cast %parallel_loop3A_730 : vector<16xi32> to vector<16x1xi32>
        %parallel_loop3A_732 = vector.shape_cast %parallel_loop3A_731 : vector<16x1xi32> to vector<16xi32>
        %parallel_loop3A_733 = tpu.dynamic_gather %parallel_loop3A_375[%parallel_loop3A_732] in [0] : vector<16xf32>, vector<16xi32> -> vector<16xf32>
        %parallel_loop3A_734 = arith.constant 0 : i32
        %parallel_loop3A_735 = vector.broadcast %parallel_loop3A_734 : i32 to vector<16xi32>
        %parallel_loop3A_736 = arith.addi %parallel_loop3A_689, %parallel_loop3A_735 : vector<16xi32>
        %parallel_loop3A_737 = vector.shape_cast %parallel_loop3A_736 : vector<16xi32> to vector<16x1xi32>
        %parallel_loop3A_738 = vector.shape_cast %parallel_loop3A_737 : vector<16x1xi32> to vector<16xi32>
        %parallel_loop3A_739 = tpu.dynamic_gather %parallel_loop3A_375[%parallel_loop3A_738] in [0] : vector<16xf32>, vector<16xi32> -> vector<16xf32>
        %parallel_loop3A_740 = arith.constant 0 : i32
        %parallel_loop3A_741 = vector.broadcast %parallel_loop3A_740 : i32 to vector<16xi32>
        %parallel_loop3A_742 = arith.addi %parallel_loop3A_696, %parallel_loop3A_741 : vector<16xi32>
        %parallel_loop3A_743 = vector.shape_cast %parallel_loop3A_742 : vector<16xi32> to vector<16x1xi32>
        %parallel_loop3A_744 = vector.shape_cast %parallel_loop3A_743 : vector<16x1xi32> to vector<16xi32>
        %parallel_loop3A_745 = tpu.dynamic_gather %parallel_loop3A_375[%parallel_loop3A_744] in [0] : vector<16xf32>, vector<16xi32> -> vector<16xf32>
        %parallel_loop3A_746 = arith.constant 0 : i32
        %parallel_loop3A_747 = vector.broadcast %parallel_loop3A_746 : i32 to vector<16xi32>
        %parallel_loop3A_748 = arith.addi %parallel_loop3A_703, %parallel_loop3A_747 : vector<16xi32>
        %parallel_loop3A_749 = vector.shape_cast %parallel_loop3A_748 : vector<16xi32> to vector<16x1xi32>
        %parallel_loop3A_750 = vector.shape_cast %parallel_loop3A_749 : vector<16x1xi32> to vector<16xi32>
        %parallel_loop3A_751 = tpu.dynamic_gather %parallel_loop3A_375[%parallel_loop3A_750] in [0] : vector<16xf32>, vector<16xi32> -> vector<16xf32>
        %parallel_loop3A_752 = arith.cmpf ole, %parallel_loop3A_709, %mul3A_131 : vector<16xf32>
        %parallel_loop3A_753 = arith.constant 1 : i32
        %parallel_loop3A_754 = arith.constant 0 : i32
        %parallel_loop3A_755 = vector.broadcast %parallel_loop3A_753 : i32 to vector<16xi32>
        %parallel_loop3A_756 = vector.broadcast %parallel_loop3A_754 : i32 to vector<16xi32>
        %parallel_loop3A_757 = arith.select %parallel_loop3A_752, %parallel_loop3A_755, %parallel_loop3A_756 : vector<16xi1>, vector<16xi32>
        %parallel_loop3A_758 = arith.addi %parallel_loop3A_654, %parallel_loop3A_757 : vector<16xi32>
        %parallel_loop3A_759 = arith.cmpf ole, %parallel_loop3A_715, %mul3A_140 : vector<16xf32>
        %parallel_loop3A_760 = arith.constant 1 : i32
        %parallel_loop3A_761 = arith.constant 0 : i32
        %parallel_loop3A_762 = vector.broadcast %parallel_loop3A_760 : i32 to vector<16xi32>
        %parallel_loop3A_763 = vector.broadcast %parallel_loop3A_761 : i32 to vector<16xi32>
        %parallel_loop3A_764 = arith.select %parallel_loop3A_759, %parallel_loop3A_762, %parallel_loop3A_763 : vector<16xi1>, vector<16xi32>
        %parallel_loop3A_765 = arith.addi %parallel_loop3A_661, %parallel_loop3A_764 : vector<16xi32>
        %parallel_loop3A_766 = arith.cmpf ole, %parallel_loop3A_721, %mul3A_149 : vector<16xf32>
        %parallel_loop3A_767 = arith.constant 1 : i32
        %parallel_loop3A_768 = arith.constant 0 : i32
        %parallel_loop3A_769 = vector.broadcast %parallel_loop3A_767 : i32 to vector<16xi32>
        %parallel_loop3A_770 = vector.broadcast %parallel_loop3A_768 : i32 to vector<16xi32>
        %parallel_loop3A_771 = arith.select %parallel_loop3A_766, %parallel_loop3A_769, %parallel_loop3A_770 : vector<16xi1>, vector<16xi32>
        %parallel_loop3A_772 = arith.addi %parallel_loop3A_668, %parallel_loop3A_771 : vector<16xi32>
        %parallel_loop3A_773 = arith.cmpf ole, %parallel_loop3A_727, %mul3A_158 : vector<16xf32>
        %parallel_loop3A_774 = arith.constant 1 : i32
        %parallel_loop3A_775 = arith.constant 0 : i32
        %parallel_loop3A_776 = vector.broadcast %parallel_loop3A_774 : i32 to vector<16xi32>
        %parallel_loop3A_777 = vector.broadcast %parallel_loop3A_775 : i32 to vector<16xi32>
        %parallel_loop3A_778 = arith.select %parallel_loop3A_773, %parallel_loop3A_776, %parallel_loop3A_777 : vector<16xi1>, vector<16xi32>
        %parallel_loop3A_779 = arith.addi %parallel_loop3A_675, %parallel_loop3A_778 : vector<16xi32>
        %parallel_loop3A_780 = arith.cmpf ole, %parallel_loop3A_733, %mul3A_167 : vector<16xf32>
        %parallel_loop3A_781 = arith.constant 1 : i32
        %parallel_loop3A_782 = arith.constant 0 : i32
        %parallel_loop3A_783 = vector.broadcast %parallel_loop3A_781 : i32 to vector<16xi32>
        %parallel_loop3A_784 = vector.broadcast %parallel_loop3A_782 : i32 to vector<16xi32>
        %parallel_loop3A_785 = arith.select %parallel_loop3A_780, %parallel_loop3A_783, %parallel_loop3A_784 : vector<16xi1>, vector<16xi32>
        %parallel_loop3A_786 = arith.addi %parallel_loop3A_682, %parallel_loop3A_785 : vector<16xi32>
        %parallel_loop3A_787 = arith.cmpf ole, %parallel_loop3A_739, %mul3A_176 : vector<16xf32>
        %parallel_loop3A_788 = arith.constant 1 : i32
        %parallel_loop3A_789 = arith.constant 0 : i32
        %parallel_loop3A_790 = vector.broadcast %parallel_loop3A_788 : i32 to vector<16xi32>
        %parallel_loop3A_791 = vector.broadcast %parallel_loop3A_789 : i32 to vector<16xi32>
        %parallel_loop3A_792 = arith.select %parallel_loop3A_787, %parallel_loop3A_790, %parallel_loop3A_791 : vector<16xi1>, vector<16xi32>
        %parallel_loop3A_793 = arith.addi %parallel_loop3A_689, %parallel_loop3A_792 : vector<16xi32>
        %parallel_loop3A_794 = arith.cmpf ole, %parallel_loop3A_745, %mul3A_185 : vector<16xf32>
        %parallel_loop3A_795 = arith.constant 1 : i32
        %parallel_loop3A_796 = arith.constant 0 : i32
        %parallel_loop3A_797 = vector.broadcast %parallel_loop3A_795 : i32 to vector<16xi32>
        %parallel_loop3A_798 = vector.broadcast %parallel_loop3A_796 : i32 to vector<16xi32>
        %parallel_loop3A_799 = arith.select %parallel_loop3A_794, %parallel_loop3A_797, %parallel_loop3A_798 : vector<16xi1>, vector<16xi32>
        %parallel_loop3A_800 = arith.addi %parallel_loop3A_696, %parallel_loop3A_799 : vector<16xi32>
        %parallel_loop3A_801 = arith.cmpf ole, %parallel_loop3A_751, %mul3A_194 : vector<16xf32>
        %parallel_loop3A_802 = arith.constant 1 : i32
        %parallel_loop3A_803 = arith.constant 0 : i32
        %parallel_loop3A_804 = vector.broadcast %parallel_loop3A_802 : i32 to vector<16xi32>
        %parallel_loop3A_805 = vector.broadcast %parallel_loop3A_803 : i32 to vector<16xi32>
        %parallel_loop3A_806 = arith.select %parallel_loop3A_801, %parallel_loop3A_804, %parallel_loop3A_805 : vector<16xi1>, vector<16xi32>
        %parallel_loop3A_807 = arith.addi %parallel_loop3A_703, %parallel_loop3A_806 : vector<16xi32>
        %parallel_loop3A_808 = arith.constant 8 : i32
        %parallel_loop3A_809 = vector.broadcast %parallel_loop3A_808 : i32 to vector<16xi32>
        %parallel_loop3A_810 = arith.muli %parallel_loop3A_758, %parallel_loop3A_809 : vector<16xi32>
        %parallel_loop3A_811 = arith.constant 8 : i32
        %parallel_loop3A_812 = vector.broadcast %parallel_loop3A_811 : i32 to vector<16xi32>
        %parallel_loop3A_813 = arith.muli %parallel_loop3A_765, %parallel_loop3A_812 : vector<16xi32>
        %parallel_loop3A_814 = arith.constant 8 : i32
        %parallel_loop3A_815 = vector.broadcast %parallel_loop3A_814 : i32 to vector<16xi32>
        %parallel_loop3A_816 = arith.muli %parallel_loop3A_772, %parallel_loop3A_815 : vector<16xi32>
        %parallel_loop3A_817 = arith.constant 8 : i32
        %parallel_loop3A_818 = vector.broadcast %parallel_loop3A_817 : i32 to vector<16xi32>
        %parallel_loop3A_819 = arith.muli %parallel_loop3A_779, %parallel_loop3A_818 : vector<16xi32>
        %parallel_loop3A_820 = arith.constant 8 : i32
        %parallel_loop3A_821 = vector.broadcast %parallel_loop3A_820 : i32 to vector<16xi32>
        %parallel_loop3A_822 = arith.muli %parallel_loop3A_786, %parallel_loop3A_821 : vector<16xi32>
        %parallel_loop3A_823 = arith.constant 8 : i32
        %parallel_loop3A_824 = vector.broadcast %parallel_loop3A_823 : i32 to vector<16xi32>
        %parallel_loop3A_825 = arith.muli %parallel_loop3A_793, %parallel_loop3A_824 : vector<16xi32>
        %parallel_loop3A_826 = arith.constant 8 : i32
        %parallel_loop3A_827 = vector.broadcast %parallel_loop3A_826 : i32 to vector<16xi32>
        %parallel_loop3A_828 = arith.muli %parallel_loop3A_800, %parallel_loop3A_827 : vector<16xi32>
        %parallel_loop3A_829 = arith.constant 8 : i32
        %parallel_loop3A_830 = vector.broadcast %parallel_loop3A_829 : i32 to vector<16xi32>
        %parallel_loop3A_831 = arith.muli %parallel_loop3A_807, %parallel_loop3A_830 : vector<16xi32>
        %parallel_loop3A_832 = arith.constant 3 : i32
        %parallel_loop3A_833 = vector.broadcast %parallel_loop3A_832 : i32 to vector<16xi32>
        %parallel_loop3A_834 = arith.addi %parallel_loop3A_810, %parallel_loop3A_833 : vector<16xi32>
        %parallel_loop3A_835 = tpu.vector_load_idx %arg7[%parallel_loop3A_368, %parallel_loop3A_834] : memref<64x128xf32, #tpu.memory_space<vmem>>[vector<16xi32>, vector<16xi32>], vector<16xf32>,
        %parallel_loop3A_836 = arith.constant 3 : i32
        %parallel_loop3A_837 = vector.broadcast %parallel_loop3A_836 : i32 to vector<16xi32>
        %parallel_loop3A_838 = arith.addi %parallel_loop3A_813, %parallel_loop3A_837 : vector<16xi32>
        %parallel_loop3A_839 = tpu.vector_load_idx %arg7[%parallel_loop3A_368, %parallel_loop3A_838] : memref<64x128xf32, #tpu.memory_space<vmem>>[vector<16xi32>, vector<16xi32>], vector<16xf32>,
        %parallel_loop3A_840 = arith.constant 3 : i32
        %parallel_loop3A_841 = vector.broadcast %parallel_loop3A_840 : i32 to vector<16xi32>
        %parallel_loop3A_842 = arith.addi %parallel_loop3A_816, %parallel_loop3A_841 : vector<16xi32>
        %parallel_loop3A_843 = tpu.vector_load_idx %arg7[%parallel_loop3A_368, %parallel_loop3A_842] : memref<64x128xf32, #tpu.memory_space<vmem>>[vector<16xi32>, vector<16xi32>], vector<16xf32>,
        %parallel_loop3A_844 = arith.constant 3 : i32
        %parallel_loop3A_845 = vector.broadcast %parallel_loop3A_844 : i32 to vector<16xi32>
        %parallel_loop3A_846 = arith.addi %parallel_loop3A_819, %parallel_loop3A_845 : vector<16xi32>
        %parallel_loop3A_847 = tpu.vector_load_idx %arg7[%parallel_loop3A_368, %parallel_loop3A_846] : memref<64x128xf32, #tpu.memory_space<vmem>>[vector<16xi32>, vector<16xi32>], vector<16xf32>,
        %parallel_loop3A_848 = arith.constant 3 : i32
        %parallel_loop3A_849 = vector.broadcast %parallel_loop3A_848 : i32 to vector<16xi32>
        %parallel_loop3A_850 = arith.addi %parallel_loop3A_822, %parallel_loop3A_849 : vector<16xi32>
        %parallel_loop3A_851 = tpu.vector_load_idx %arg7[%parallel_loop3A_368, %parallel_loop3A_850] : memref<64x128xf32, #tpu.memory_space<vmem>>[vector<16xi32>, vector<16xi32>], vector<16xf32>,
        %parallel_loop3A_852 = arith.constant 3 : i32
        %parallel_loop3A_853 = vector.broadcast %parallel_loop3A_852 : i32 to vector<16xi32>
        %parallel_loop3A_854 = arith.addi %parallel_loop3A_825, %parallel_loop3A_853 : vector<16xi32>
        %parallel_loop3A_855 = tpu.vector_load_idx %arg7[%parallel_loop3A_368, %parallel_loop3A_854] : memref<64x128xf32, #tpu.memory_space<vmem>>[vector<16xi32>, vector<16xi32>], vector<16xf32>,
        %parallel_loop3A_856 = arith.constant 3 : i32
        %parallel_loop3A_857 = vector.broadcast %parallel_loop3A_856 : i32 to vector<16xi32>
        %parallel_loop3A_858 = arith.addi %parallel_loop3A_828, %parallel_loop3A_857 : vector<16xi32>
        %parallel_loop3A_859 = tpu.vector_load_idx %arg7[%parallel_loop3A_368, %parallel_loop3A_858] : memref<64x128xf32, #tpu.memory_space<vmem>>[vector<16xi32>, vector<16xi32>], vector<16xf32>,
        %parallel_loop3A_860 = arith.constant 3 : i32
        %parallel_loop3A_861 = vector.broadcast %parallel_loop3A_860 : i32 to vector<16xi32>
        %parallel_loop3A_862 = arith.addi %parallel_loop3A_831, %parallel_loop3A_861 : vector<16xi32>
        %parallel_loop3A_863 = tpu.vector_load_idx %arg7[%parallel_loop3A_368, %parallel_loop3A_862] : memref<64x128xf32, #tpu.memory_space<vmem>>[vector<16xi32>, vector<16xi32>], vector<16xf32>,
        %parallel_loop3A_864 = arith.cmpf ole, %parallel_loop3A_835, %mul3A_131 : vector<16xf32>
        %parallel_loop3A_865 = arith.constant 4 : i32
        %parallel_loop3A_866 = arith.constant 0 : i32
        %parallel_loop3A_867 = vector.broadcast %parallel_loop3A_865 : i32 to vector<16xi32>
        %parallel_loop3A_868 = vector.broadcast %parallel_loop3A_866 : i32 to vector<16xi32>
        %parallel_loop3A_869 = arith.select %parallel_loop3A_864, %parallel_loop3A_867, %parallel_loop3A_868 : vector<16xi1>, vector<16xi32>
        %parallel_loop3A_870 = arith.addi %parallel_loop3A_810, %parallel_loop3A_869 : vector<16xi32>
        %parallel_loop3A_871 = arith.cmpf ole, %parallel_loop3A_839, %mul3A_140 : vector<16xf32>
        %parallel_loop3A_872 = arith.constant 4 : i32
        %parallel_loop3A_873 = arith.constant 0 : i32
        %parallel_loop3A_874 = vector.broadcast %parallel_loop3A_872 : i32 to vector<16xi32>
        %parallel_loop3A_875 = vector.broadcast %parallel_loop3A_873 : i32 to vector<16xi32>
        %parallel_loop3A_876 = arith.select %parallel_loop3A_871, %parallel_loop3A_874, %parallel_loop3A_875 : vector<16xi1>, vector<16xi32>
        %parallel_loop3A_877 = arith.addi %parallel_loop3A_813, %parallel_loop3A_876 : vector<16xi32>
        %parallel_loop3A_878 = arith.cmpf ole, %parallel_loop3A_843, %mul3A_149 : vector<16xf32>
        %parallel_loop3A_879 = arith.constant 4 : i32
        %parallel_loop3A_880 = arith.constant 0 : i32
        %parallel_loop3A_881 = vector.broadcast %parallel_loop3A_879 : i32 to vector<16xi32>
        %parallel_loop3A_882 = vector.broadcast %parallel_loop3A_880 : i32 to vector<16xi32>
        %parallel_loop3A_883 = arith.select %parallel_loop3A_878, %parallel_loop3A_881, %parallel_loop3A_882 : vector<16xi1>, vector<16xi32>
        %parallel_loop3A_884 = arith.addi %parallel_loop3A_816, %parallel_loop3A_883 : vector<16xi32>
        %parallel_loop3A_885 = arith.cmpf ole, %parallel_loop3A_847, %mul3A_158 : vector<16xf32>
        %parallel_loop3A_886 = arith.constant 4 : i32
        %parallel_loop3A_887 = arith.constant 0 : i32
        %parallel_loop3A_888 = vector.broadcast %parallel_loop3A_886 : i32 to vector<16xi32>
        %parallel_loop3A_889 = vector.broadcast %parallel_loop3A_887 : i32 to vector<16xi32>
        %parallel_loop3A_890 = arith.select %parallel_loop3A_885, %parallel_loop3A_888, %parallel_loop3A_889 : vector<16xi1>, vector<16xi32>
        %parallel_loop3A_891 = arith.addi %parallel_loop3A_819, %parallel_loop3A_890 : vector<16xi32>
        %parallel_loop3A_892 = arith.cmpf ole, %parallel_loop3A_851, %mul3A_167 : vector<16xf32>
        %parallel_loop3A_893 = arith.constant 4 : i32
        %parallel_loop3A_894 = arith.constant 0 : i32
        %parallel_loop3A_895 = vector.broadcast %parallel_loop3A_893 : i32 to vector<16xi32>
        %parallel_loop3A_896 = vector.broadcast %parallel_loop3A_894 : i32 to vector<16xi32>
        %parallel_loop3A_897 = arith.select %parallel_loop3A_892, %parallel_loop3A_895, %parallel_loop3A_896 : vector<16xi1>, vector<16xi32>
        %parallel_loop3A_898 = arith.addi %parallel_loop3A_822, %parallel_loop3A_897 : vector<16xi32>
        %parallel_loop3A_899 = arith.cmpf ole, %parallel_loop3A_855, %mul3A_176 : vector<16xf32>
        %parallel_loop3A_900 = arith.constant 4 : i32
        %parallel_loop3A_901 = arith.constant 0 : i32
        %parallel_loop3A_902 = vector.broadcast %parallel_loop3A_900 : i32 to vector<16xi32>
        %parallel_loop3A_903 = vector.broadcast %parallel_loop3A_901 : i32 to vector<16xi32>
        %parallel_loop3A_904 = arith.select %parallel_loop3A_899, %parallel_loop3A_902, %parallel_loop3A_903 : vector<16xi1>, vector<16xi32>
        %parallel_loop3A_905 = arith.addi %parallel_loop3A_825, %parallel_loop3A_904 : vector<16xi32>
        %parallel_loop3A_906 = arith.cmpf ole, %parallel_loop3A_859, %mul3A_185 : vector<16xf32>
        %parallel_loop3A_907 = arith.constant 4 : i32
        %parallel_loop3A_908 = arith.constant 0 : i32
        %parallel_loop3A_909 = vector.broadcast %parallel_loop3A_907 : i32 to vector<16xi32>
        %parallel_loop3A_910 = vector.broadcast %parallel_loop3A_908 : i32 to vector<16xi32>
        %parallel_loop3A_911 = arith.select %parallel_loop3A_906, %parallel_loop3A_909, %parallel_loop3A_910 : vector<16xi1>, vector<16xi32>
        %parallel_loop3A_912 = arith.addi %parallel_loop3A_828, %parallel_loop3A_911 : vector<16xi32>
        %parallel_loop3A_913 = arith.cmpf ole, %parallel_loop3A_863, %mul3A_194 : vector<16xf32>
        %parallel_loop3A_914 = arith.constant 4 : i32
        %parallel_loop3A_915 = arith.constant 0 : i32
        %parallel_loop3A_916 = vector.broadcast %parallel_loop3A_914 : i32 to vector<16xi32>
        %parallel_loop3A_917 = vector.broadcast %parallel_loop3A_915 : i32 to vector<16xi32>
        %parallel_loop3A_918 = arith.select %parallel_loop3A_913, %parallel_loop3A_916, %parallel_loop3A_917 : vector<16xi1>, vector<16xi32>
        %parallel_loop3A_919 = arith.addi %parallel_loop3A_831, %parallel_loop3A_918 : vector<16xi32>
        %parallel_loop3A_920 = arith.constant 1 : i32
        %parallel_loop3A_921 = vector.broadcast %parallel_loop3A_920 : i32 to vector<16xi32>
        %parallel_loop3A_922 = arith.addi %parallel_loop3A_870, %parallel_loop3A_921 : vector<16xi32>
        %parallel_loop3A_923 = tpu.vector_load_idx %arg7[%parallel_loop3A_368, %parallel_loop3A_922] : memref<64x128xf32, #tpu.memory_space<vmem>>[vector<16xi32>, vector<16xi32>], vector<16xf32>,
        %parallel_loop3A_924 = arith.constant 1 : i32
        %parallel_loop3A_925 = vector.broadcast %parallel_loop3A_924 : i32 to vector<16xi32>
        %parallel_loop3A_926 = arith.addi %parallel_loop3A_877, %parallel_loop3A_925 : vector<16xi32>
        %parallel_loop3A_927 = tpu.vector_load_idx %arg7[%parallel_loop3A_368, %parallel_loop3A_926] : memref<64x128xf32, #tpu.memory_space<vmem>>[vector<16xi32>, vector<16xi32>], vector<16xf32>,
        %parallel_loop3A_928 = arith.constant 1 : i32
        %parallel_loop3A_929 = vector.broadcast %parallel_loop3A_928 : i32 to vector<16xi32>
        %parallel_loop3A_930 = arith.addi %parallel_loop3A_884, %parallel_loop3A_929 : vector<16xi32>
        %parallel_loop3A_931 = tpu.vector_load_idx %arg7[%parallel_loop3A_368, %parallel_loop3A_930] : memref<64x128xf32, #tpu.memory_space<vmem>>[vector<16xi32>, vector<16xi32>], vector<16xf32>,
        %parallel_loop3A_932 = arith.constant 1 : i32
        %parallel_loop3A_933 = vector.broadcast %parallel_loop3A_932 : i32 to vector<16xi32>
        %parallel_loop3A_934 = arith.addi %parallel_loop3A_891, %parallel_loop3A_933 : vector<16xi32>
        %parallel_loop3A_935 = tpu.vector_load_idx %arg7[%parallel_loop3A_368, %parallel_loop3A_934] : memref<64x128xf32, #tpu.memory_space<vmem>>[vector<16xi32>, vector<16xi32>], vector<16xf32>,
        %parallel_loop3A_936 = arith.constant 1 : i32
        %parallel_loop3A_937 = vector.broadcast %parallel_loop3A_936 : i32 to vector<16xi32>
        %parallel_loop3A_938 = arith.addi %parallel_loop3A_898, %parallel_loop3A_937 : vector<16xi32>
        %parallel_loop3A_939 = tpu.vector_load_idx %arg7[%parallel_loop3A_368, %parallel_loop3A_938] : memref<64x128xf32, #tpu.memory_space<vmem>>[vector<16xi32>, vector<16xi32>], vector<16xf32>,
        %parallel_loop3A_940 = arith.constant 1 : i32
        %parallel_loop3A_941 = vector.broadcast %parallel_loop3A_940 : i32 to vector<16xi32>
        %parallel_loop3A_942 = arith.addi %parallel_loop3A_905, %parallel_loop3A_941 : vector<16xi32>
        %parallel_loop3A_943 = tpu.vector_load_idx %arg7[%parallel_loop3A_368, %parallel_loop3A_942] : memref<64x128xf32, #tpu.memory_space<vmem>>[vector<16xi32>, vector<16xi32>], vector<16xf32>,
        %parallel_loop3A_944 = arith.constant 1 : i32
        %parallel_loop3A_945 = vector.broadcast %parallel_loop3A_944 : i32 to vector<16xi32>
        %parallel_loop3A_946 = arith.addi %parallel_loop3A_912, %parallel_loop3A_945 : vector<16xi32>
        %parallel_loop3A_947 = tpu.vector_load_idx %arg7[%parallel_loop3A_368, %parallel_loop3A_946] : memref<64x128xf32, #tpu.memory_space<vmem>>[vector<16xi32>, vector<16xi32>], vector<16xf32>,
        %parallel_loop3A_948 = arith.constant 1 : i32
        %parallel_loop3A_949 = vector.broadcast %parallel_loop3A_948 : i32 to vector<16xi32>
        %parallel_loop3A_950 = arith.addi %parallel_loop3A_919, %parallel_loop3A_949 : vector<16xi32>
        %parallel_loop3A_951 = tpu.vector_load_idx %arg7[%parallel_loop3A_368, %parallel_loop3A_950] : memref<64x128xf32, #tpu.memory_space<vmem>>[vector<16xi32>, vector<16xi32>], vector<16xf32>,
        %parallel_loop3A_952 = arith.cmpf ole, %parallel_loop3A_923, %mul3A_131 : vector<16xf32>
        %parallel_loop3A_953 = arith.constant 2 : i32
        %parallel_loop3A_954 = arith.constant 0 : i32
        %parallel_loop3A_955 = vector.broadcast %parallel_loop3A_953 : i32 to vector<16xi32>
        %parallel_loop3A_956 = vector.broadcast %parallel_loop3A_954 : i32 to vector<16xi32>
        %parallel_loop3A_957 = arith.select %parallel_loop3A_952, %parallel_loop3A_955, %parallel_loop3A_956 : vector<16xi1>, vector<16xi32>
        %parallel_loop3A_958 = arith.addi %parallel_loop3A_870, %parallel_loop3A_957 : vector<16xi32>
        %parallel_loop3A_959 = arith.cmpf ole, %parallel_loop3A_927, %mul3A_140 : vector<16xf32>
        %parallel_loop3A_960 = arith.constant 2 : i32
        %parallel_loop3A_961 = arith.constant 0 : i32
        %parallel_loop3A_962 = vector.broadcast %parallel_loop3A_960 : i32 to vector<16xi32>
        %parallel_loop3A_963 = vector.broadcast %parallel_loop3A_961 : i32 to vector<16xi32>
        %parallel_loop3A_964 = arith.select %parallel_loop3A_959, %parallel_loop3A_962, %parallel_loop3A_963 : vector<16xi1>, vector<16xi32>
        %parallel_loop3A_965 = arith.addi %parallel_loop3A_877, %parallel_loop3A_964 : vector<16xi32>
        %parallel_loop3A_966 = arith.cmpf ole, %parallel_loop3A_931, %mul3A_149 : vector<16xf32>
        %parallel_loop3A_967 = arith.constant 2 : i32
        %parallel_loop3A_968 = arith.constant 0 : i32
        %parallel_loop3A_969 = vector.broadcast %parallel_loop3A_967 : i32 to vector<16xi32>
        %parallel_loop3A_970 = vector.broadcast %parallel_loop3A_968 : i32 to vector<16xi32>
        %parallel_loop3A_971 = arith.select %parallel_loop3A_966, %parallel_loop3A_969, %parallel_loop3A_970 : vector<16xi1>, vector<16xi32>
        %parallel_loop3A_972 = arith.addi %parallel_loop3A_884, %parallel_loop3A_971 : vector<16xi32>
        %parallel_loop3A_973 = arith.cmpf ole, %parallel_loop3A_935, %mul3A_158 : vector<16xf32>
        %parallel_loop3A_974 = arith.constant 2 : i32
        %parallel_loop3A_975 = arith.constant 0 : i32
        %parallel_loop3A_976 = vector.broadcast %parallel_loop3A_974 : i32 to vector<16xi32>
        %parallel_loop3A_977 = vector.broadcast %parallel_loop3A_975 : i32 to vector<16xi32>
        %parallel_loop3A_978 = arith.select %parallel_loop3A_973, %parallel_loop3A_976, %parallel_loop3A_977 : vector<16xi1>, vector<16xi32>
        %parallel_loop3A_979 = arith.addi %parallel_loop3A_891, %parallel_loop3A_978 : vector<16xi32>
        %parallel_loop3A_980 = arith.cmpf ole, %parallel_loop3A_939, %mul3A_167 : vector<16xf32>
        %parallel_loop3A_981 = arith.constant 2 : i32
        %parallel_loop3A_982 = arith.constant 0 : i32
        %parallel_loop3A_983 = vector.broadcast %parallel_loop3A_981 : i32 to vector<16xi32>
        %parallel_loop3A_984 = vector.broadcast %parallel_loop3A_982 : i32 to vector<16xi32>
        %parallel_loop3A_985 = arith.select %parallel_loop3A_980, %parallel_loop3A_983, %parallel_loop3A_984 : vector<16xi1>, vector<16xi32>
        %parallel_loop3A_986 = arith.addi %parallel_loop3A_898, %parallel_loop3A_985 : vector<16xi32>
        %parallel_loop3A_987 = arith.cmpf ole, %parallel_loop3A_943, %mul3A_176 : vector<16xf32>
        %parallel_loop3A_988 = arith.constant 2 : i32
        %parallel_loop3A_989 = arith.constant 0 : i32
        %parallel_loop3A_990 = vector.broadcast %parallel_loop3A_988 : i32 to vector<16xi32>
        %parallel_loop3A_991 = vector.broadcast %parallel_loop3A_989 : i32 to vector<16xi32>
        %parallel_loop3A_992 = arith.select %parallel_loop3A_987, %parallel_loop3A_990, %parallel_loop3A_991 : vector<16xi1>, vector<16xi32>
        %parallel_loop3A_993 = arith.addi %parallel_loop3A_905, %parallel_loop3A_992 : vector<16xi32>
        %parallel_loop3A_994 = arith.cmpf ole, %parallel_loop3A_947, %mul3A_185 : vector<16xf32>
        %parallel_loop3A_995 = arith.constant 2 : i32
        %parallel_loop3A_996 = arith.constant 0 : i32
        %parallel_loop3A_997 = vector.broadcast %parallel_loop3A_995 : i32 to vector<16xi32>
        %parallel_loop3A_998 = vector.broadcast %parallel_loop3A_996 : i32 to vector<16xi32>
        %parallel_loop3A_999 = arith.select %parallel_loop3A_994, %parallel_loop3A_997, %parallel_loop3A_998 : vector<16xi1>, vector<16xi32>
        %parallel_loop3A_1000 = arith.addi %parallel_loop3A_912, %parallel_loop3A_999 : vector<16xi32>
        %parallel_loop3A_1001 = arith.cmpf ole, %parallel_loop3A_951, %mul3A_194 : vector<16xf32>
        %parallel_loop3A_1002 = arith.constant 2 : i32
        %parallel_loop3A_1003 = arith.constant 0 : i32
        %parallel_loop3A_1004 = vector.broadcast %parallel_loop3A_1002 : i32 to vector<16xi32>
        %parallel_loop3A_1005 = vector.broadcast %parallel_loop3A_1003 : i32 to vector<16xi32>
        %parallel_loop3A_1006 = arith.select %parallel_loop3A_1001, %parallel_loop3A_1004, %parallel_loop3A_1005 : vector<16xi1>, vector<16xi32>
        %parallel_loop3A_1007 = arith.addi %parallel_loop3A_919, %parallel_loop3A_1006 : vector<16xi32>
        %parallel_loop3A_1008 = tpu.vector_load_idx %arg7[%parallel_loop3A_368, %parallel_loop3A_958] : memref<64x128xf32, #tpu.memory_space<vmem>>[vector<16xi32>, vector<16xi32>], vector<16xf32>,
        %parallel_loop3A_1009 = tpu.vector_load_idx %arg7[%parallel_loop3A_368, %parallel_loop3A_965] : memref<64x128xf32, #tpu.memory_space<vmem>>[vector<16xi32>, vector<16xi32>], vector<16xf32>,
        %parallel_loop3A_1010 = tpu.vector_load_idx %arg7[%parallel_loop3A_368, %parallel_loop3A_972] : memref<64x128xf32, #tpu.memory_space<vmem>>[vector<16xi32>, vector<16xi32>], vector<16xf32>,
        %parallel_loop3A_1011 = tpu.vector_load_idx %arg7[%parallel_loop3A_368, %parallel_loop3A_979] : memref<64x128xf32, #tpu.memory_space<vmem>>[vector<16xi32>, vector<16xi32>], vector<16xf32>,
        %parallel_loop3A_1012 = tpu.vector_load_idx %arg7[%parallel_loop3A_368, %parallel_loop3A_986] : memref<64x128xf32, #tpu.memory_space<vmem>>[vector<16xi32>, vector<16xi32>], vector<16xf32>,
        %parallel_loop3A_1013 = tpu.vector_load_idx %arg7[%parallel_loop3A_368, %parallel_loop3A_993] : memref<64x128xf32, #tpu.memory_space<vmem>>[vector<16xi32>, vector<16xi32>], vector<16xf32>,
        %parallel_loop3A_1014 = tpu.vector_load_idx %arg7[%parallel_loop3A_368, %parallel_loop3A_1000] : memref<64x128xf32, #tpu.memory_space<vmem>>[vector<16xi32>, vector<16xi32>], vector<16xf32>,
        %parallel_loop3A_1015 = tpu.vector_load_idx %arg7[%parallel_loop3A_368, %parallel_loop3A_1007] : memref<64x128xf32, #tpu.memory_space<vmem>>[vector<16xi32>, vector<16xi32>], vector<16xf32>,
        %parallel_loop3A_1016 = arith.cmpf ole, %parallel_loop3A_1008, %mul3A_131 : vector<16xf32>
        %parallel_loop3A_1017 = arith.cmpf ole, %parallel_loop3A_1009, %mul3A_140 : vector<16xf32>
        %parallel_loop3A_1018 = arith.cmpf ole, %parallel_loop3A_1010, %mul3A_149 : vector<16xf32>
        %parallel_loop3A_1019 = arith.cmpf ole, %parallel_loop3A_1011, %mul3A_158 : vector<16xf32>
        %parallel_loop3A_1020 = arith.cmpf ole, %parallel_loop3A_1012, %mul3A_167 : vector<16xf32>
        %parallel_loop3A_1021 = arith.cmpf ole, %parallel_loop3A_1013, %mul3A_176 : vector<16xf32>
        %parallel_loop3A_1022 = arith.cmpf ole, %parallel_loop3A_1014, %mul3A_185 : vector<16xf32>
        %parallel_loop3A_1023 = arith.cmpf ole, %parallel_loop3A_1015, %mul3A_194 : vector<16xf32>
        %parallel_loop3A_1024 = arith.constant 1 : i32
        %parallel_loop3A_1025 = arith.constant 0 : i32
        %parallel_loop3A_1026 = vector.broadcast %parallel_loop3A_1024 : i32 to vector<16xi32>
        %parallel_loop3A_1027 = vector.broadcast %parallel_loop3A_1025 : i32 to vector<16xi32>
        %parallel_loop3A_1028 = arith.select %parallel_loop3A_1016, %parallel_loop3A_1026, %parallel_loop3A_1027 : vector<16xi1>, vector<16xi32>
        %parallel_loop3A_1029 = arith.addi %parallel_loop3A_958, %parallel_loop3A_1028 : vector<16xi32>
        %parallel_loop3A_1030 = arith.constant 1 : i32
        %parallel_loop3A_1031 = arith.constant 0 : i32
        %parallel_loop3A_1032 = vector.broadcast %parallel_loop3A_1030 : i32 to vector<16xi32>
        %parallel_loop3A_1033 = vector.broadcast %parallel_loop3A_1031 : i32 to vector<16xi32>
        %parallel_loop3A_1034 = arith.select %parallel_loop3A_1017, %parallel_loop3A_1032, %parallel_loop3A_1033 : vector<16xi1>, vector<16xi32>
        %parallel_loop3A_1035 = arith.addi %parallel_loop3A_965, %parallel_loop3A_1034 : vector<16xi32>
        %parallel_loop3A_1036 = arith.constant 1 : i32
        %parallel_loop3A_1037 = arith.constant 0 : i32
        %parallel_loop3A_1038 = vector.broadcast %parallel_loop3A_1036 : i32 to vector<16xi32>
        %parallel_loop3A_1039 = vector.broadcast %parallel_loop3A_1037 : i32 to vector<16xi32>
        %parallel_loop3A_1040 = arith.select %parallel_loop3A_1018, %parallel_loop3A_1038, %parallel_loop3A_1039 : vector<16xi1>, vector<16xi32>
        %parallel_loop3A_1041 = arith.addi %parallel_loop3A_972, %parallel_loop3A_1040 : vector<16xi32>
        %parallel_loop3A_1042 = arith.constant 1 : i32
        %parallel_loop3A_1043 = arith.constant 0 : i32
        %parallel_loop3A_1044 = vector.broadcast %parallel_loop3A_1042 : i32 to vector<16xi32>
        %parallel_loop3A_1045 = vector.broadcast %parallel_loop3A_1043 : i32 to vector<16xi32>
        %parallel_loop3A_1046 = arith.select %parallel_loop3A_1019, %parallel_loop3A_1044, %parallel_loop3A_1045 : vector<16xi1>, vector<16xi32>
        %parallel_loop3A_1047 = arith.addi %parallel_loop3A_979, %parallel_loop3A_1046 : vector<16xi32>
        %parallel_loop3A_1048 = arith.constant 1 : i32
        %parallel_loop3A_1049 = arith.constant 0 : i32
        %parallel_loop3A_1050 = vector.broadcast %parallel_loop3A_1048 : i32 to vector<16xi32>
        %parallel_loop3A_1051 = vector.broadcast %parallel_loop3A_1049 : i32 to vector<16xi32>
        %parallel_loop3A_1052 = arith.select %parallel_loop3A_1020, %parallel_loop3A_1050, %parallel_loop3A_1051 : vector<16xi1>, vector<16xi32>
        %parallel_loop3A_1053 = arith.addi %parallel_loop3A_986, %parallel_loop3A_1052 : vector<16xi32>
        %parallel_loop3A_1054 = arith.constant 1 : i32
        %parallel_loop3A_1055 = arith.constant 0 : i32
        %parallel_loop3A_1056 = vector.broadcast %parallel_loop3A_1054 : i32 to vector<16xi32>
        %parallel_loop3A_1057 = vector.broadcast %parallel_loop3A_1055 : i32 to vector<16xi32>
        %parallel_loop3A_1058 = arith.select %parallel_loop3A_1021, %parallel_loop3A_1056, %parallel_loop3A_1057 : vector<16xi1>, vector<16xi32>
        %parallel_loop3A_1059 = arith.addi %parallel_loop3A_993, %parallel_loop3A_1058 : vector<16xi32>
        %parallel_loop3A_1060 = arith.constant 1 : i32
        %parallel_loop3A_1061 = arith.constant 0 : i32
        %parallel_loop3A_1062 = vector.broadcast %parallel_loop3A_1060 : i32 to vector<16xi32>
        %parallel_loop3A_1063 = vector.broadcast %parallel_loop3A_1061 : i32 to vector<16xi32>
        %parallel_loop3A_1064 = arith.select %parallel_loop3A_1022, %parallel_loop3A_1062, %parallel_loop3A_1063 : vector<16xi1>, vector<16xi32>
        %parallel_loop3A_1065 = arith.addi %parallel_loop3A_1000, %parallel_loop3A_1064 : vector<16xi32>
        %parallel_loop3A_1066 = arith.constant 1 : i32
        %parallel_loop3A_1067 = arith.constant 0 : i32
        %parallel_loop3A_1068 = vector.broadcast %parallel_loop3A_1066 : i32 to vector<16xi32>
        %parallel_loop3A_1069 = vector.broadcast %parallel_loop3A_1067 : i32 to vector<16xi32>
        %parallel_loop3A_1070 = arith.select %parallel_loop3A_1023, %parallel_loop3A_1068, %parallel_loop3A_1069 : vector<16xi1>, vector<16xi32>
        %parallel_loop3A_1071 = arith.addi %parallel_loop3A_1007, %parallel_loop3A_1070 : vector<16xi32>
        %parallel_loop3A_1072 = arith.constant 1 : i32
        %parallel_loop3A_1073 = vector.broadcast %parallel_loop3A_1072 : i32 to vector<16xi32>
        %parallel_loop3A_1074 = arith.subi %parallel_loop3A_1029, %parallel_loop3A_1073 : vector<16xi32>
        %parallel_loop3A_1075 = arith.constant 0 : i32
        %parallel_loop3A_1076 = vector.broadcast %parallel_loop3A_1075 : i32 to vector<16xi32>
        %parallel_loop3A_1077 = arith.maxsi %parallel_loop3A_1074, %parallel_loop3A_1076 : vector<16xi32>
        %parallel_loop3A_1078 = arith.select %parallel_loop3A_1016, %parallel_loop3A_1029, %parallel_loop3A_1077 : vector<16xi1>, vector<16xi32>
        %parallel_loop3A_1079 = arith.constant 1 : i32
        %parallel_loop3A_1080 = vector.broadcast %parallel_loop3A_1079 : i32 to vector<16xi32>
        %parallel_loop3A_1081 = arith.subi %parallel_loop3A_1035, %parallel_loop3A_1080 : vector<16xi32>
        %parallel_loop3A_1082 = arith.constant 0 : i32
        %parallel_loop3A_1083 = vector.broadcast %parallel_loop3A_1082 : i32 to vector<16xi32>
        %parallel_loop3A_1084 = arith.maxsi %parallel_loop3A_1081, %parallel_loop3A_1083 : vector<16xi32>
        %parallel_loop3A_1085 = arith.select %parallel_loop3A_1017, %parallel_loop3A_1035, %parallel_loop3A_1084 : vector<16xi1>, vector<16xi32>
        %parallel_loop3A_1086 = arith.constant 1 : i32
        %parallel_loop3A_1087 = vector.broadcast %parallel_loop3A_1086 : i32 to vector<16xi32>
        %parallel_loop3A_1088 = arith.subi %parallel_loop3A_1041, %parallel_loop3A_1087 : vector<16xi32>
        %parallel_loop3A_1089 = arith.constant 0 : i32
        %parallel_loop3A_1090 = vector.broadcast %parallel_loop3A_1089 : i32 to vector<16xi32>
        %parallel_loop3A_1091 = arith.maxsi %parallel_loop3A_1088, %parallel_loop3A_1090 : vector<16xi32>
        %parallel_loop3A_1092 = arith.select %parallel_loop3A_1018, %parallel_loop3A_1041, %parallel_loop3A_1091 : vector<16xi1>, vector<16xi32>
        %parallel_loop3A_1093 = arith.constant 1 : i32
        %parallel_loop3A_1094 = vector.broadcast %parallel_loop3A_1093 : i32 to vector<16xi32>
        %parallel_loop3A_1095 = arith.subi %parallel_loop3A_1047, %parallel_loop3A_1094 : vector<16xi32>
        %parallel_loop3A_1096 = arith.constant 0 : i32
        %parallel_loop3A_1097 = vector.broadcast %parallel_loop3A_1096 : i32 to vector<16xi32>
        %parallel_loop3A_1098 = arith.maxsi %parallel_loop3A_1095, %parallel_loop3A_1097 : vector<16xi32>
        %parallel_loop3A_1099 = arith.select %parallel_loop3A_1019, %parallel_loop3A_1047, %parallel_loop3A_1098 : vector<16xi1>, vector<16xi32>
        %parallel_loop3A_1100 = arith.constant 1 : i32
        %parallel_loop3A_1101 = vector.broadcast %parallel_loop3A_1100 : i32 to vector<16xi32>
        %parallel_loop3A_1102 = arith.subi %parallel_loop3A_1053, %parallel_loop3A_1101 : vector<16xi32>
        %parallel_loop3A_1103 = arith.constant 0 : i32
        %parallel_loop3A_1104 = vector.broadcast %parallel_loop3A_1103 : i32 to vector<16xi32>
        %parallel_loop3A_1105 = arith.maxsi %parallel_loop3A_1102, %parallel_loop3A_1104 : vector<16xi32>
        %parallel_loop3A_1106 = arith.select %parallel_loop3A_1020, %parallel_loop3A_1053, %parallel_loop3A_1105 : vector<16xi1>, vector<16xi32>
        %parallel_loop3A_1107 = arith.constant 1 : i32
        %parallel_loop3A_1108 = vector.broadcast %parallel_loop3A_1107 : i32 to vector<16xi32>
        %parallel_loop3A_1109 = arith.subi %parallel_loop3A_1059, %parallel_loop3A_1108 : vector<16xi32>
        %parallel_loop3A_1110 = arith.constant 0 : i32
        %parallel_loop3A_1111 = vector.broadcast %parallel_loop3A_1110 : i32 to vector<16xi32>
        %parallel_loop3A_1112 = arith.maxsi %parallel_loop3A_1109, %parallel_loop3A_1111 : vector<16xi32>
        %parallel_loop3A_1113 = arith.select %parallel_loop3A_1021, %parallel_loop3A_1059, %parallel_loop3A_1112 : vector<16xi1>, vector<16xi32>
        %parallel_loop3A_1114 = arith.constant 1 : i32
        %parallel_loop3A_1115 = vector.broadcast %parallel_loop3A_1114 : i32 to vector<16xi32>
        %parallel_loop3A_1116 = arith.subi %parallel_loop3A_1065, %parallel_loop3A_1115 : vector<16xi32>
        %parallel_loop3A_1117 = arith.constant 0 : i32
        %parallel_loop3A_1118 = vector.broadcast %parallel_loop3A_1117 : i32 to vector<16xi32>
        %parallel_loop3A_1119 = arith.maxsi %parallel_loop3A_1116, %parallel_loop3A_1118 : vector<16xi32>
        %parallel_loop3A_1120 = arith.select %parallel_loop3A_1022, %parallel_loop3A_1065, %parallel_loop3A_1119 : vector<16xi1>, vector<16xi32>
        %parallel_loop3A_1121 = arith.constant 1 : i32
        %parallel_loop3A_1122 = vector.broadcast %parallel_loop3A_1121 : i32 to vector<16xi32>
        %parallel_loop3A_1123 = arith.subi %parallel_loop3A_1071, %parallel_loop3A_1122 : vector<16xi32>
        %parallel_loop3A_1124 = arith.constant 0 : i32
        %parallel_loop3A_1125 = vector.broadcast %parallel_loop3A_1124 : i32 to vector<16xi32>
        %parallel_loop3A_1126 = arith.maxsi %parallel_loop3A_1123, %parallel_loop3A_1125 : vector<16xi32>
        %parallel_loop3A_1127 = arith.select %parallel_loop3A_1023, %parallel_loop3A_1071, %parallel_loop3A_1126 : vector<16xi1>, vector<16xi32>
        %parallel_loop3A_1128 = tpu.vector_load_idx %arg7[%parallel_loop3A_368, %parallel_loop3A_1078] : memref<64x128xf32, #tpu.memory_space<vmem>>[vector<16xi32>, vector<16xi32>], vector<16xf32>,
        %parallel_loop3A_1129 = tpu.vector_load_idx %arg7[%parallel_loop3A_368, %parallel_loop3A_1085] : memref<64x128xf32, #tpu.memory_space<vmem>>[vector<16xi32>, vector<16xi32>], vector<16xf32>,
        %parallel_loop3A_1130 = tpu.vector_load_idx %arg7[%parallel_loop3A_368, %parallel_loop3A_1092] : memref<64x128xf32, #tpu.memory_space<vmem>>[vector<16xi32>, vector<16xi32>], vector<16xf32>,
        %parallel_loop3A_1131 = tpu.vector_load_idx %arg7[%parallel_loop3A_368, %parallel_loop3A_1099] : memref<64x128xf32, #tpu.memory_space<vmem>>[vector<16xi32>, vector<16xi32>], vector<16xf32>,
        %parallel_loop3A_1132 = tpu.vector_load_idx %arg7[%parallel_loop3A_368, %parallel_loop3A_1106] : memref<64x128xf32, #tpu.memory_space<vmem>>[vector<16xi32>, vector<16xi32>], vector<16xf32>,
        %parallel_loop3A_1133 = tpu.vector_load_idx %arg7[%parallel_loop3A_368, %parallel_loop3A_1113] : memref<64x128xf32, #tpu.memory_space<vmem>>[vector<16xi32>, vector<16xi32>], vector<16xf32>,
        %parallel_loop3A_1134 = tpu.vector_load_idx %arg7[%parallel_loop3A_368, %parallel_loop3A_1120] : memref<64x128xf32, #tpu.memory_space<vmem>>[vector<16xi32>, vector<16xi32>], vector<16xf32>,
        %parallel_loop3A_1135 = tpu.vector_load_idx %arg7[%parallel_loop3A_368, %parallel_loop3A_1127] : memref<64x128xf32, #tpu.memory_space<vmem>>[vector<16xi32>, vector<16xi32>], vector<16xf32>,
        %parallel_loop3A_1136 = arith.constant 0 : i32
        %parallel_loop3A_1137 = arith.constant 0 : i32
        %parallel_loop3A_1138 = tpu.memref_slice %arg6[%parallel_loop3A_198, %parallel_loop3A_1136, %parallel_loop3A_1137] : memref<2x64x129xf32, #tpu.memory_space<vmem>> -> memref<1x64x129xf32, #tpu.memory_space<vmem>>
        %parallel_loop3A_1139 = tpu.memref_squeeze %parallel_loop3A_1138 : memref<1x64x129xf32, #tpu.memory_space<vmem>> -> memref<64x129xf32, #tpu.memory_space<vmem>>
        %parallel_loop3A_1140 = tpu.vector_load_idx %parallel_loop3A_1139[%parallel_loop3A_368, %parallel_loop3A_1029] : memref<64x129xf32, #tpu.memory_space<vmem>>[vector<16xi32>, vector<16xi32>], vector<16xf32>,
        %parallel_loop3A_1141 = arith.constant 0 : i32
        %parallel_loop3A_1142 = arith.constant 0 : i32
        %parallel_loop3A_1143 = tpu.memref_slice %arg6[%parallel_loop3A_198, %parallel_loop3A_1141, %parallel_loop3A_1142] : memref<2x64x129xf32, #tpu.memory_space<vmem>> -> memref<1x64x129xf32, #tpu.memory_space<vmem>>
        %parallel_loop3A_1144 = tpu.memref_squeeze %parallel_loop3A_1143 : memref<1x64x129xf32, #tpu.memory_space<vmem>> -> memref<64x129xf32, #tpu.memory_space<vmem>>
        %parallel_loop3A_1145 = tpu.vector_load_idx %parallel_loop3A_1144[%parallel_loop3A_368, %parallel_loop3A_1035] : memref<64x129xf32, #tpu.memory_space<vmem>>[vector<16xi32>, vector<16xi32>], vector<16xf32>,
        %parallel_loop3A_1146 = arith.constant 0 : i32
        %parallel_loop3A_1147 = arith.constant 0 : i32
        %parallel_loop3A_1148 = tpu.memref_slice %arg6[%parallel_loop3A_198, %parallel_loop3A_1146, %parallel_loop3A_1147] : memref<2x64x129xf32, #tpu.memory_space<vmem>> -> memref<1x64x129xf32, #tpu.memory_space<vmem>>
        %parallel_loop3A_1149 = tpu.memref_squeeze %parallel_loop3A_1148 : memref<1x64x129xf32, #tpu.memory_space<vmem>> -> memref<64x129xf32, #tpu.memory_space<vmem>>
        %parallel_loop3A_1150 = tpu.vector_load_idx %parallel_loop3A_1149[%parallel_loop3A_368, %parallel_loop3A_1041] : memref<64x129xf32, #tpu.memory_space<vmem>>[vector<16xi32>, vector<16xi32>], vector<16xf32>,
        %parallel_loop3A_1151 = arith.constant 0 : i32
        %parallel_loop3A_1152 = arith.constant 0 : i32
        %parallel_loop3A_1153 = tpu.memref_slice %arg6[%parallel_loop3A_198, %parallel_loop3A_1151, %parallel_loop3A_1152] : memref<2x64x129xf32, #tpu.memory_space<vmem>> -> memref<1x64x129xf32, #tpu.memory_space<vmem>>
        %parallel_loop3A_1154 = tpu.memref_squeeze %parallel_loop3A_1153 : memref<1x64x129xf32, #tpu.memory_space<vmem>> -> memref<64x129xf32, #tpu.memory_space<vmem>>
        %parallel_loop3A_1155 = tpu.vector_load_idx %parallel_loop3A_1154[%parallel_loop3A_368, %parallel_loop3A_1047] : memref<64x129xf32, #tpu.memory_space<vmem>>[vector<16xi32>, vector<16xi32>], vector<16xf32>,
        %parallel_loop3A_1156 = arith.constant 0 : i32
        %parallel_loop3A_1157 = arith.constant 0 : i32
        %parallel_loop3A_1158 = tpu.memref_slice %arg6[%parallel_loop3A_198, %parallel_loop3A_1156, %parallel_loop3A_1157] : memref<2x64x129xf32, #tpu.memory_space<vmem>> -> memref<1x64x129xf32, #tpu.memory_space<vmem>>
        %parallel_loop3A_1159 = tpu.memref_squeeze %parallel_loop3A_1158 : memref<1x64x129xf32, #tpu.memory_space<vmem>> -> memref<64x129xf32, #tpu.memory_space<vmem>>
        %parallel_loop3A_1160 = tpu.vector_load_idx %parallel_loop3A_1159[%parallel_loop3A_368, %parallel_loop3A_1053] : memref<64x129xf32, #tpu.memory_space<vmem>>[vector<16xi32>, vector<16xi32>], vector<16xf32>,
        %parallel_loop3A_1161 = arith.constant 0 : i32
        %parallel_loop3A_1162 = arith.constant 0 : i32
        %parallel_loop3A_1163 = tpu.memref_slice %arg6[%parallel_loop3A_198, %parallel_loop3A_1161, %parallel_loop3A_1162] : memref<2x64x129xf32, #tpu.memory_space<vmem>> -> memref<1x64x129xf32, #tpu.memory_space<vmem>>
        %parallel_loop3A_1164 = tpu.memref_squeeze %parallel_loop3A_1163 : memref<1x64x129xf32, #tpu.memory_space<vmem>> -> memref<64x129xf32, #tpu.memory_space<vmem>>
        %parallel_loop3A_1165 = tpu.vector_load_idx %parallel_loop3A_1164[%parallel_loop3A_368, %parallel_loop3A_1059] : memref<64x129xf32, #tpu.memory_space<vmem>>[vector<16xi32>, vector<16xi32>], vector<16xf32>,
        %parallel_loop3A_1166 = arith.constant 0 : i32
        %parallel_loop3A_1167 = arith.constant 0 : i32
        %parallel_loop3A_1168 = tpu.memref_slice %arg6[%parallel_loop3A_198, %parallel_loop3A_1166, %parallel_loop3A_1167] : memref<2x64x129xf32, #tpu.memory_space<vmem>> -> memref<1x64x129xf32, #tpu.memory_space<vmem>>
        %parallel_loop3A_1169 = tpu.memref_squeeze %parallel_loop3A_1168 : memref<1x64x129xf32, #tpu.memory_space<vmem>> -> memref<64x129xf32, #tpu.memory_space<vmem>>
        %parallel_loop3A_1170 = tpu.vector_load_idx %parallel_loop3A_1169[%parallel_loop3A_368, %parallel_loop3A_1065] : memref<64x129xf32, #tpu.memory_space<vmem>>[vector<16xi32>, vector<16xi32>], vector<16xf32>,
        %parallel_loop3A_1171 = arith.constant 0 : i32
        %parallel_loop3A_1172 = arith.constant 0 : i32
        %parallel_loop3A_1173 = tpu.memref_slice %arg6[%parallel_loop3A_198, %parallel_loop3A_1171, %parallel_loop3A_1172] : memref<2x64x129xf32, #tpu.memory_space<vmem>> -> memref<1x64x129xf32, #tpu.memory_space<vmem>>
        %parallel_loop3A_1174 = tpu.memref_squeeze %parallel_loop3A_1173 : memref<1x64x129xf32, #tpu.memory_space<vmem>> -> memref<64x129xf32, #tpu.memory_space<vmem>>
        %parallel_loop3A_1175 = tpu.vector_load_idx %parallel_loop3A_1174[%parallel_loop3A_368, %parallel_loop3A_1071] : memref<64x129xf32, #tpu.memory_space<vmem>>[vector<16xi32>, vector<16xi32>], vector<16xf32>,
        %parallel_loop3A_1176 = arith.constant 1 : i32
        %parallel_loop3A_1177 = vector.broadcast %parallel_loop3A_1176 : i32 to vector<16xi32>
        %parallel_loop3A_1178 = arith.addi %parallel_loop3A_1029, %parallel_loop3A_1177 : vector<16xi32>
        %parallel_loop3A_1179 = arith.constant 0 : i32
        %parallel_loop3A_1180 = arith.constant 0 : i32
        %parallel_loop3A_1181 = tpu.memref_slice %arg6[%parallel_loop3A_198, %parallel_loop3A_1179, %parallel_loop3A_1180] : memref<2x64x129xf32, #tpu.memory_space<vmem>> -> memref<1x64x129xf32, #tpu.memory_space<vmem>>
        %parallel_loop3A_1182 = tpu.memref_squeeze %parallel_loop3A_1181 : memref<1x64x129xf32, #tpu.memory_space<vmem>> -> memref<64x129xf32, #tpu.memory_space<vmem>>
        %parallel_loop3A_1183 = tpu.vector_load_idx %parallel_loop3A_1182[%parallel_loop3A_368, %parallel_loop3A_1178] : memref<64x129xf32, #tpu.memory_space<vmem>>[vector<16xi32>, vector<16xi32>], vector<16xf32>,
        %parallel_loop3A_1184 = arith.constant 1 : i32
        %parallel_loop3A_1185 = vector.broadcast %parallel_loop3A_1184 : i32 to vector<16xi32>
        %parallel_loop3A_1186 = arith.addi %parallel_loop3A_1035, %parallel_loop3A_1185 : vector<16xi32>
        %parallel_loop3A_1187 = arith.constant 0 : i32
        %parallel_loop3A_1188 = arith.constant 0 : i32
        %parallel_loop3A_1189 = tpu.memref_slice %arg6[%parallel_loop3A_198, %parallel_loop3A_1187, %parallel_loop3A_1188] : memref<2x64x129xf32, #tpu.memory_space<vmem>> -> memref<1x64x129xf32, #tpu.memory_space<vmem>>
        %parallel_loop3A_1190 = tpu.memref_squeeze %parallel_loop3A_1189 : memref<1x64x129xf32, #tpu.memory_space<vmem>> -> memref<64x129xf32, #tpu.memory_space<vmem>>
        %parallel_loop3A_1191 = tpu.vector_load_idx %parallel_loop3A_1190[%parallel_loop3A_368, %parallel_loop3A_1186] : memref<64x129xf32, #tpu.memory_space<vmem>>[vector<16xi32>, vector<16xi32>], vector<16xf32>,
        %parallel_loop3A_1192 = arith.constant 1 : i32
        %parallel_loop3A_1193 = vector.broadcast %parallel_loop3A_1192 : i32 to vector<16xi32>
        %parallel_loop3A_1194 = arith.addi %parallel_loop3A_1041, %parallel_loop3A_1193 : vector<16xi32>
        %parallel_loop3A_1195 = arith.constant 0 : i32
        %parallel_loop3A_1196 = arith.constant 0 : i32
        %parallel_loop3A_1197 = tpu.memref_slice %arg6[%parallel_loop3A_198, %parallel_loop3A_1195, %parallel_loop3A_1196] : memref<2x64x129xf32, #tpu.memory_space<vmem>> -> memref<1x64x129xf32, #tpu.memory_space<vmem>>
        %parallel_loop3A_1198 = tpu.memref_squeeze %parallel_loop3A_1197 : memref<1x64x129xf32, #tpu.memory_space<vmem>> -> memref<64x129xf32, #tpu.memory_space<vmem>>
        %parallel_loop3A_1199 = tpu.vector_load_idx %parallel_loop3A_1198[%parallel_loop3A_368, %parallel_loop3A_1194] : memref<64x129xf32, #tpu.memory_space<vmem>>[vector<16xi32>, vector<16xi32>], vector<16xf32>,
        %parallel_loop3A_1200 = arith.constant 1 : i32
        %parallel_loop3A_1201 = vector.broadcast %parallel_loop3A_1200 : i32 to vector<16xi32>
        %parallel_loop3A_1202 = arith.addi %parallel_loop3A_1047, %parallel_loop3A_1201 : vector<16xi32>
        %parallel_loop3A_1203 = arith.constant 0 : i32
        %parallel_loop3A_1204 = arith.constant 0 : i32
        %parallel_loop3A_1205 = tpu.memref_slice %arg6[%parallel_loop3A_198, %parallel_loop3A_1203, %parallel_loop3A_1204] : memref<2x64x129xf32, #tpu.memory_space<vmem>> -> memref<1x64x129xf32, #tpu.memory_space<vmem>>
        %parallel_loop3A_1206 = tpu.memref_squeeze %parallel_loop3A_1205 : memref<1x64x129xf32, #tpu.memory_space<vmem>> -> memref<64x129xf32, #tpu.memory_space<vmem>>
        %parallel_loop3A_1207 = tpu.vector_load_idx %parallel_loop3A_1206[%parallel_loop3A_368, %parallel_loop3A_1202] : memref<64x129xf32, #tpu.memory_space<vmem>>[vector<16xi32>, vector<16xi32>], vector<16xf32>,
        %parallel_loop3A_1208 = arith.constant 1 : i32
        %parallel_loop3A_1209 = vector.broadcast %parallel_loop3A_1208 : i32 to vector<16xi32>
        %parallel_loop3A_1210 = arith.addi %parallel_loop3A_1053, %parallel_loop3A_1209 : vector<16xi32>
        %parallel_loop3A_1211 = arith.constant 0 : i32
        %parallel_loop3A_1212 = arith.constant 0 : i32
        %parallel_loop3A_1213 = tpu.memref_slice %arg6[%parallel_loop3A_198, %parallel_loop3A_1211, %parallel_loop3A_1212] : memref<2x64x129xf32, #tpu.memory_space<vmem>> -> memref<1x64x129xf32, #tpu.memory_space<vmem>>
        %parallel_loop3A_1214 = tpu.memref_squeeze %parallel_loop3A_1213 : memref<1x64x129xf32, #tpu.memory_space<vmem>> -> memref<64x129xf32, #tpu.memory_space<vmem>>
        %parallel_loop3A_1215 = tpu.vector_load_idx %parallel_loop3A_1214[%parallel_loop3A_368, %parallel_loop3A_1210] : memref<64x129xf32, #tpu.memory_space<vmem>>[vector<16xi32>, vector<16xi32>], vector<16xf32>,
        %parallel_loop3A_1216 = arith.constant 1 : i32
        %parallel_loop3A_1217 = vector.broadcast %parallel_loop3A_1216 : i32 to vector<16xi32>
        %parallel_loop3A_1218 = arith.addi %parallel_loop3A_1059, %parallel_loop3A_1217 : vector<16xi32>
        %parallel_loop3A_1219 = arith.constant 0 : i32
        %parallel_loop3A_1220 = arith.constant 0 : i32
        %parallel_loop3A_1221 = tpu.memref_slice %arg6[%parallel_loop3A_198, %parallel_loop3A_1219, %parallel_loop3A_1220] : memref<2x64x129xf32, #tpu.memory_space<vmem>> -> memref<1x64x129xf32, #tpu.memory_space<vmem>>
        %parallel_loop3A_1222 = tpu.memref_squeeze %parallel_loop3A_1221 : memref<1x64x129xf32, #tpu.memory_space<vmem>> -> memref<64x129xf32, #tpu.memory_space<vmem>>
        %parallel_loop3A_1223 = tpu.vector_load_idx %parallel_loop3A_1222[%parallel_loop3A_368, %parallel_loop3A_1218] : memref<64x129xf32, #tpu.memory_space<vmem>>[vector<16xi32>, vector<16xi32>], vector<16xf32>,
        %parallel_loop3A_1224 = arith.constant 1 : i32
        %parallel_loop3A_1225 = vector.broadcast %parallel_loop3A_1224 : i32 to vector<16xi32>
        %parallel_loop3A_1226 = arith.addi %parallel_loop3A_1065, %parallel_loop3A_1225 : vector<16xi32>
        %parallel_loop3A_1227 = arith.constant 0 : i32
        %parallel_loop3A_1228 = arith.constant 0 : i32
        %parallel_loop3A_1229 = tpu.memref_slice %arg6[%parallel_loop3A_198, %parallel_loop3A_1227, %parallel_loop3A_1228] : memref<2x64x129xf32, #tpu.memory_space<vmem>> -> memref<1x64x129xf32, #tpu.memory_space<vmem>>
        %parallel_loop3A_1230 = tpu.memref_squeeze %parallel_loop3A_1229 : memref<1x64x129xf32, #tpu.memory_space<vmem>> -> memref<64x129xf32, #tpu.memory_space<vmem>>
        %parallel_loop3A_1231 = tpu.vector_load_idx %parallel_loop3A_1230[%parallel_loop3A_368, %parallel_loop3A_1226] : memref<64x129xf32, #tpu.memory_space<vmem>>[vector<16xi32>, vector<16xi32>], vector<16xf32>,
        %parallel_loop3A_1232 = arith.constant 1 : i32
        %parallel_loop3A_1233 = vector.broadcast %parallel_loop3A_1232 : i32 to vector<16xi32>
        %parallel_loop3A_1234 = arith.addi %parallel_loop3A_1071, %parallel_loop3A_1233 : vector<16xi32>
        %parallel_loop3A_1235 = arith.constant 0 : i32
        %parallel_loop3A_1236 = arith.constant 0 : i32
        %parallel_loop3A_1237 = tpu.memref_slice %arg6[%parallel_loop3A_198, %parallel_loop3A_1235, %parallel_loop3A_1236] : memref<2x64x129xf32, #tpu.memory_space<vmem>> -> memref<1x64x129xf32, #tpu.memory_space<vmem>>
        %parallel_loop3A_1238 = tpu.memref_squeeze %parallel_loop3A_1237 : memref<1x64x129xf32, #tpu.memory_space<vmem>> -> memref<64x129xf32, #tpu.memory_space<vmem>>
        %parallel_loop3A_1239 = tpu.vector_load_idx %parallel_loop3A_1238[%parallel_loop3A_368, %parallel_loop3A_1234] : memref<64x129xf32, #tpu.memory_space<vmem>>[vector<16xi32>, vector<16xi32>], vector<16xf32>,
        %parallel_loop3A_1240 = arith.select %parallel_loop3A_1016, %parallel_loop3A_1008, %parallel_loop3A_1128 : vector<16xi1>, vector<16xf32>
        %parallel_loop3A_1241 = arith.constant 0 : i32
        %parallel_loop3A_1242 = vector.broadcast %parallel_loop3A_1241 : i32 to vector<16xi32>
        %parallel_loop3A_1243 = arith.cmpi sgt, %parallel_loop3A_1029, %parallel_loop3A_1242 : vector<16xi32>
        %parallel_loop3A_1244 = arith.constant 0.000000e+00 : f32
        %parallel_loop3A_1245 = vector.broadcast %parallel_loop3A_1244 : f32 to vector<16xf32>
        %parallel_loop3A_1246 = arith.select %parallel_loop3A_1243, %parallel_loop3A_1240, %parallel_loop3A_1245 : vector<16xi1>, vector<16xf32>
        %parallel_loop3A_1247 = arith.select %parallel_loop3A_1016, %parallel_loop3A_1128, %parallel_loop3A_1008 : vector<16xi1>, vector<16xf32>
        %parallel_loop3A_1248 = arith.subf %parallel_loop3A_1247, %parallel_loop3A_1246 : vector<16xf32>
        %parallel_loop3A_1249 = arith.constant 9.99999974E-6 : f32
        %parallel_loop3A_1250 = vector.broadcast %parallel_loop3A_1249 : f32 to vector<16xf32>
        %parallel_loop3A_1251 = arith.cmpf olt, %parallel_loop3A_1248, %parallel_loop3A_1250 : vector<16xf32>
        %parallel_loop3A_1252 = arith.constant 1.000000e+00 : f32
        %parallel_loop3A_1253 = vector.broadcast %parallel_loop3A_1252 : f32 to vector<16xf32>
        %parallel_loop3A_1254 = arith.select %parallel_loop3A_1251, %parallel_loop3A_1253, %parallel_loop3A_1248 : vector<16xi1>, vector<16xf32>
        %parallel_loop3A_1255 = arith.subf %mul3A_131, %parallel_loop3A_1246 : vector<16xf32>
        %parallel_loop3A_1256 = arith.divf %parallel_loop3A_1255, %parallel_loop3A_1254 : vector<16xf32>
        %parallel_loop3A_1257 = arith.subf %parallel_loop3A_1183, %parallel_loop3A_1140 : vector<16xf32>
        %parallel_loop3A_1258 = arith.mulf %parallel_loop3A_1256, %parallel_loop3A_1257 : vector<16xf32>
        %parallel_loop3A_1259 = arith.addf %parallel_loop3A_1140, %parallel_loop3A_1258 : vector<16xf32>
        %parallel_loop3A_1260 = arith.constant 0 : i32
        %parallel_loop3A_1261 = arith.constant 0 : i32
        %parallel_loop3A_1262 = tpu.memref_slice %arg8[%parallel_loop3A_199, %parallel_loop3A_1260, %parallel_loop3A_1261] : memref<2x64x128xf32, #tpu.memory_space<vmem>> -> memref<1x64x128xf32, #tpu.memory_space<vmem>>
        %parallel_loop3A_1263 = tpu.memref_squeeze %parallel_loop3A_1262 : memref<1x64x128xf32, #tpu.memory_space<vmem>> -> memref<64x128xf32, #tpu.memory_space<vmem>>
        %parallel_loop3A_1264 = arith.index_cast %parallel_loop3A_367 : i32 to index
        %parallel_loop3A_1265 = arith.constant 0 : index
        %parallel_loop3A_1266 = tpu.vector_load %parallel_loop3A_1263[%parallel_loop3A_1264, %parallel_loop3A_1265] {strides = array<i32>} : memref<64x128xf32, #tpu.memory_space<vmem>>, vector<16xf32>,
        tpu.vector_store %parallel_loop3A_1263[%parallel_loop3A_1264, %parallel_loop3A_1265], %parallel_loop3A_1259 {strides = array<i32>} : memref<64x128xf32, #tpu.memory_space<vmem>>, vector<16xf32>,
        %parallel_loop3A_1267 = arith.select %parallel_loop3A_1017, %parallel_loop3A_1009, %parallel_loop3A_1129 : vector<16xi1>, vector<16xf32>
        %parallel_loop3A_1268 = arith.constant 0 : i32
        %parallel_loop3A_1269 = vector.broadcast %parallel_loop3A_1268 : i32 to vector<16xi32>
        %parallel_loop3A_1270 = arith.cmpi sgt, %parallel_loop3A_1035, %parallel_loop3A_1269 : vector<16xi32>
        %parallel_loop3A_1271 = arith.constant 0.000000e+00 : f32
        %parallel_loop3A_1272 = vector.broadcast %parallel_loop3A_1271 : f32 to vector<16xf32>
        %parallel_loop3A_1273 = arith.select %parallel_loop3A_1270, %parallel_loop3A_1267, %parallel_loop3A_1272 : vector<16xi1>, vector<16xf32>
        %parallel_loop3A_1274 = arith.select %parallel_loop3A_1017, %parallel_loop3A_1129, %parallel_loop3A_1009 : vector<16xi1>, vector<16xf32>
        %parallel_loop3A_1275 = arith.subf %parallel_loop3A_1274, %parallel_loop3A_1273 : vector<16xf32>
        %parallel_loop3A_1276 = arith.constant 9.99999974E-6 : f32
        %parallel_loop3A_1277 = vector.broadcast %parallel_loop3A_1276 : f32 to vector<16xf32>
        %parallel_loop3A_1278 = arith.cmpf olt, %parallel_loop3A_1275, %parallel_loop3A_1277 : vector<16xf32>
        %parallel_loop3A_1279 = arith.constant 1.000000e+00 : f32
        %parallel_loop3A_1280 = vector.broadcast %parallel_loop3A_1279 : f32 to vector<16xf32>
        %parallel_loop3A_1281 = arith.select %parallel_loop3A_1278, %parallel_loop3A_1280, %parallel_loop3A_1275 : vector<16xi1>, vector<16xf32>
        %parallel_loop3A_1282 = arith.subf %mul3A_140, %parallel_loop3A_1273 : vector<16xf32>
        %parallel_loop3A_1283 = arith.divf %parallel_loop3A_1282, %parallel_loop3A_1281 : vector<16xf32>
        %parallel_loop3A_1284 = arith.subf %parallel_loop3A_1191, %parallel_loop3A_1145 : vector<16xf32>
        %parallel_loop3A_1285 = arith.mulf %parallel_loop3A_1283, %parallel_loop3A_1284 : vector<16xf32>
        %parallel_loop3A_1286 = arith.addf %parallel_loop3A_1145, %parallel_loop3A_1285 : vector<16xf32>
        %parallel_loop3A_1287 = arith.constant 0 : i32
        %parallel_loop3A_1288 = arith.constant 0 : i32
        %parallel_loop3A_1289 = tpu.memref_slice %arg8[%parallel_loop3A_199, %parallel_loop3A_1287, %parallel_loop3A_1288] : memref<2x64x128xf32, #tpu.memory_space<vmem>> -> memref<1x64x128xf32, #tpu.memory_space<vmem>>
        %parallel_loop3A_1290 = tpu.memref_squeeze %parallel_loop3A_1289 : memref<1x64x128xf32, #tpu.memory_space<vmem>> -> memref<64x128xf32, #tpu.memory_space<vmem>>
        %parallel_loop3A_1291 = arith.index_cast %parallel_loop3A_367 : i32 to index
        %parallel_loop3A_1292 = arith.constant 16 : index
        %parallel_loop3A_1293 = tpu.vector_load %parallel_loop3A_1290[%parallel_loop3A_1291, %parallel_loop3A_1292] {strides = array<i32>} : memref<64x128xf32, #tpu.memory_space<vmem>>, vector<16xf32>,
        tpu.vector_store %parallel_loop3A_1290[%parallel_loop3A_1291, %parallel_loop3A_1292], %parallel_loop3A_1286 {strides = array<i32>} : memref<64x128xf32, #tpu.memory_space<vmem>>, vector<16xf32>,
        %parallel_loop3A_1294 = arith.select %parallel_loop3A_1018, %parallel_loop3A_1010, %parallel_loop3A_1130 : vector<16xi1>, vector<16xf32>
        %parallel_loop3A_1295 = arith.constant 0 : i32
        %parallel_loop3A_1296 = vector.broadcast %parallel_loop3A_1295 : i32 to vector<16xi32>
        %parallel_loop3A_1297 = arith.cmpi sgt, %parallel_loop3A_1041, %parallel_loop3A_1296 : vector<16xi32>
        %parallel_loop3A_1298 = arith.constant 0.000000e+00 : f32
        %parallel_loop3A_1299 = vector.broadcast %parallel_loop3A_1298 : f32 to vector<16xf32>
        %parallel_loop3A_1300 = arith.select %parallel_loop3A_1297, %parallel_loop3A_1294, %parallel_loop3A_1299 : vector<16xi1>, vector<16xf32>
        %parallel_loop3A_1301 = arith.select %parallel_loop3A_1018, %parallel_loop3A_1130, %parallel_loop3A_1010 : vector<16xi1>, vector<16xf32>
        %parallel_loop3A_1302 = arith.subf %parallel_loop3A_1301, %parallel_loop3A_1300 : vector<16xf32>
        %parallel_loop3A_1303 = arith.constant 9.99999974E-6 : f32
        %parallel_loop3A_1304 = vector.broadcast %parallel_loop3A_1303 : f32 to vector<16xf32>
        %parallel_loop3A_1305 = arith.cmpf olt, %parallel_loop3A_1302, %parallel_loop3A_1304 : vector<16xf32>
        %parallel_loop3A_1306 = arith.constant 1.000000e+00 : f32
        %parallel_loop3A_1307 = vector.broadcast %parallel_loop3A_1306 : f32 to vector<16xf32>
        %parallel_loop3A_1308 = arith.select %parallel_loop3A_1305, %parallel_loop3A_1307, %parallel_loop3A_1302 : vector<16xi1>, vector<16xf32>
        %parallel_loop3A_1309 = arith.subf %mul3A_149, %parallel_loop3A_1300 : vector<16xf32>
        %parallel_loop3A_1310 = arith.divf %parallel_loop3A_1309, %parallel_loop3A_1308 : vector<16xf32>
        %parallel_loop3A_1311 = arith.subf %parallel_loop3A_1199, %parallel_loop3A_1150 : vector<16xf32>
        %parallel_loop3A_1312 = arith.mulf %parallel_loop3A_1310, %parallel_loop3A_1311 : vector<16xf32>
        %parallel_loop3A_1313 = arith.addf %parallel_loop3A_1150, %parallel_loop3A_1312 : vector<16xf32>
        %parallel_loop3A_1314 = arith.constant 0 : i32
        %parallel_loop3A_1315 = arith.constant 0 : i32
        %parallel_loop3A_1316 = tpu.memref_slice %arg8[%parallel_loop3A_199, %parallel_loop3A_1314, %parallel_loop3A_1315] : memref<2x64x128xf32, #tpu.memory_space<vmem>> -> memref<1x64x128xf32, #tpu.memory_space<vmem>>
        %parallel_loop3A_1317 = tpu.memref_squeeze %parallel_loop3A_1316 : memref<1x64x128xf32, #tpu.memory_space<vmem>> -> memref<64x128xf32, #tpu.memory_space<vmem>>
        %parallel_loop3A_1318 = arith.index_cast %parallel_loop3A_367 : i32 to index
        %parallel_loop3A_1319 = arith.constant 32 : index
        %parallel_loop3A_1320 = tpu.vector_load %parallel_loop3A_1317[%parallel_loop3A_1318, %parallel_loop3A_1319] {strides = array<i32>} : memref<64x128xf32, #tpu.memory_space<vmem>>, vector<16xf32>,
        tpu.vector_store %parallel_loop3A_1317[%parallel_loop3A_1318, %parallel_loop3A_1319], %parallel_loop3A_1313 {strides = array<i32>} : memref<64x128xf32, #tpu.memory_space<vmem>>, vector<16xf32>,
        %parallel_loop3A_1321 = arith.select %parallel_loop3A_1019, %parallel_loop3A_1011, %parallel_loop3A_1131 : vector<16xi1>, vector<16xf32>
        %parallel_loop3A_1322 = arith.constant 0 : i32
        %parallel_loop3A_1323 = vector.broadcast %parallel_loop3A_1322 : i32 to vector<16xi32>
        %parallel_loop3A_1324 = arith.cmpi sgt, %parallel_loop3A_1047, %parallel_loop3A_1323 : vector<16xi32>
        %parallel_loop3A_1325 = arith.constant 0.000000e+00 : f32
        %parallel_loop3A_1326 = vector.broadcast %parallel_loop3A_1325 : f32 to vector<16xf32>
        %parallel_loop3A_1327 = arith.select %parallel_loop3A_1324, %parallel_loop3A_1321, %parallel_loop3A_1326 : vector<16xi1>, vector<16xf32>
        %parallel_loop3A_1328 = arith.select %parallel_loop3A_1019, %parallel_loop3A_1131, %parallel_loop3A_1011 : vector<16xi1>, vector<16xf32>
        %parallel_loop3A_1329 = arith.subf %parallel_loop3A_1328, %parallel_loop3A_1327 : vector<16xf32>
        %parallel_loop3A_1330 = arith.constant 9.99999974E-6 : f32
        %parallel_loop3A_1331 = vector.broadcast %parallel_loop3A_1330 : f32 to vector<16xf32>
        %parallel_loop3A_1332 = arith.cmpf olt, %parallel_loop3A_1329, %parallel_loop3A_1331 : vector<16xf32>
        %parallel_loop3A_1333 = arith.constant 1.000000e+00 : f32
        %parallel_loop3A_1334 = vector.broadcast %parallel_loop3A_1333 : f32 to vector<16xf32>
        %parallel_loop3A_1335 = arith.select %parallel_loop3A_1332, %parallel_loop3A_1334, %parallel_loop3A_1329 : vector<16xi1>, vector<16xf32>
        %parallel_loop3A_1336 = arith.subf %mul3A_158, %parallel_loop3A_1327 : vector<16xf32>
        %parallel_loop3A_1337 = arith.divf %parallel_loop3A_1336, %parallel_loop3A_1335 : vector<16xf32>
        %parallel_loop3A_1338 = arith.subf %parallel_loop3A_1207, %parallel_loop3A_1155 : vector<16xf32>
        %parallel_loop3A_1339 = arith.mulf %parallel_loop3A_1337, %parallel_loop3A_1338 : vector<16xf32>
        %parallel_loop3A_1340 = arith.addf %parallel_loop3A_1155, %parallel_loop3A_1339 : vector<16xf32>
        %parallel_loop3A_1341 = arith.constant 0 : i32
        %parallel_loop3A_1342 = arith.constant 0 : i32
        %parallel_loop3A_1343 = tpu.memref_slice %arg8[%parallel_loop3A_199, %parallel_loop3A_1341, %parallel_loop3A_1342] : memref<2x64x128xf32, #tpu.memory_space<vmem>> -> memref<1x64x128xf32, #tpu.memory_space<vmem>>
        %parallel_loop3A_1344 = tpu.memref_squeeze %parallel_loop3A_1343 : memref<1x64x128xf32, #tpu.memory_space<vmem>> -> memref<64x128xf32, #tpu.memory_space<vmem>>
        %parallel_loop3A_1345 = arith.index_cast %parallel_loop3A_367 : i32 to index
        %parallel_loop3A_1346 = arith.constant 48 : index
        %parallel_loop3A_1347 = tpu.vector_load %parallel_loop3A_1344[%parallel_loop3A_1345, %parallel_loop3A_1346] {strides = array<i32>} : memref<64x128xf32, #tpu.memory_space<vmem>>, vector<16xf32>,
        tpu.vector_store %parallel_loop3A_1344[%parallel_loop3A_1345, %parallel_loop3A_1346], %parallel_loop3A_1340 {strides = array<i32>} : memref<64x128xf32, #tpu.memory_space<vmem>>, vector<16xf32>,
        %parallel_loop3A_1348 = arith.select %parallel_loop3A_1020, %parallel_loop3A_1012, %parallel_loop3A_1132 : vector<16xi1>, vector<16xf32>
        %parallel_loop3A_1349 = arith.constant 0 : i32
        %parallel_loop3A_1350 = vector.broadcast %parallel_loop3A_1349 : i32 to vector<16xi32>
        %parallel_loop3A_1351 = arith.cmpi sgt, %parallel_loop3A_1053, %parallel_loop3A_1350 : vector<16xi32>
        %parallel_loop3A_1352 = arith.constant 0.000000e+00 : f32
        %parallel_loop3A_1353 = vector.broadcast %parallel_loop3A_1352 : f32 to vector<16xf32>
        %parallel_loop3A_1354 = arith.select %parallel_loop3A_1351, %parallel_loop3A_1348, %parallel_loop3A_1353 : vector<16xi1>, vector<16xf32>
        %parallel_loop3A_1355 = arith.select %parallel_loop3A_1020, %parallel_loop3A_1132, %parallel_loop3A_1012 : vector<16xi1>, vector<16xf32>
        %parallel_loop3A_1356 = arith.subf %parallel_loop3A_1355, %parallel_loop3A_1354 : vector<16xf32>
        %parallel_loop3A_1357 = arith.constant 9.99999974E-6 : f32
        %parallel_loop3A_1358 = vector.broadcast %parallel_loop3A_1357 : f32 to vector<16xf32>
        %parallel_loop3A_1359 = arith.cmpf olt, %parallel_loop3A_1356, %parallel_loop3A_1358 : vector<16xf32>
        %parallel_loop3A_1360 = arith.constant 1.000000e+00 : f32
        %parallel_loop3A_1361 = vector.broadcast %parallel_loop3A_1360 : f32 to vector<16xf32>
        %parallel_loop3A_1362 = arith.select %parallel_loop3A_1359, %parallel_loop3A_1361, %parallel_loop3A_1356 : vector<16xi1>, vector<16xf32>
        %parallel_loop3A_1363 = arith.subf %mul3A_167, %parallel_loop3A_1354 : vector<16xf32>
        %parallel_loop3A_1364 = arith.divf %parallel_loop3A_1363, %parallel_loop3A_1362 : vector<16xf32>
        %parallel_loop3A_1365 = arith.subf %parallel_loop3A_1215, %parallel_loop3A_1160 : vector<16xf32>
        %parallel_loop3A_1366 = arith.mulf %parallel_loop3A_1364, %parallel_loop3A_1365 : vector<16xf32>
        %parallel_loop3A_1367 = arith.addf %parallel_loop3A_1160, %parallel_loop3A_1366 : vector<16xf32>
        %parallel_loop3A_1368 = arith.constant 0 : i32
        %parallel_loop3A_1369 = arith.constant 0 : i32
        %parallel_loop3A_1370 = tpu.memref_slice %arg8[%parallel_loop3A_199, %parallel_loop3A_1368, %parallel_loop3A_1369] : memref<2x64x128xf32, #tpu.memory_space<vmem>> -> memref<1x64x128xf32, #tpu.memory_space<vmem>>
        %parallel_loop3A_1371 = tpu.memref_squeeze %parallel_loop3A_1370 : memref<1x64x128xf32, #tpu.memory_space<vmem>> -> memref<64x128xf32, #tpu.memory_space<vmem>>
        %parallel_loop3A_1372 = arith.index_cast %parallel_loop3A_367 : i32 to index
        %parallel_loop3A_1373 = arith.constant 64 : index
        %parallel_loop3A_1374 = tpu.vector_load %parallel_loop3A_1371[%parallel_loop3A_1372, %parallel_loop3A_1373] {strides = array<i32>} : memref<64x128xf32, #tpu.memory_space<vmem>>, vector<16xf32>,
        tpu.vector_store %parallel_loop3A_1371[%parallel_loop3A_1372, %parallel_loop3A_1373], %parallel_loop3A_1367 {strides = array<i32>} : memref<64x128xf32, #tpu.memory_space<vmem>>, vector<16xf32>,
        %parallel_loop3A_1375 = arith.select %parallel_loop3A_1021, %parallel_loop3A_1013, %parallel_loop3A_1133 : vector<16xi1>, vector<16xf32>
        %parallel_loop3A_1376 = arith.constant 0 : i32
        %parallel_loop3A_1377 = vector.broadcast %parallel_loop3A_1376 : i32 to vector<16xi32>
        %parallel_loop3A_1378 = arith.cmpi sgt, %parallel_loop3A_1059, %parallel_loop3A_1377 : vector<16xi32>
        %parallel_loop3A_1379 = arith.constant 0.000000e+00 : f32
        %parallel_loop3A_1380 = vector.broadcast %parallel_loop3A_1379 : f32 to vector<16xf32>
        %parallel_loop3A_1381 = arith.select %parallel_loop3A_1378, %parallel_loop3A_1375, %parallel_loop3A_1380 : vector<16xi1>, vector<16xf32>
        %parallel_loop3A_1382 = arith.select %parallel_loop3A_1021, %parallel_loop3A_1133, %parallel_loop3A_1013 : vector<16xi1>, vector<16xf32>
        %parallel_loop3A_1383 = arith.subf %parallel_loop3A_1382, %parallel_loop3A_1381 : vector<16xf32>
        %parallel_loop3A_1384 = arith.constant 9.99999974E-6 : f32
        %parallel_loop3A_1385 = vector.broadcast %parallel_loop3A_1384 : f32 to vector<16xf32>
        %parallel_loop3A_1386 = arith.cmpf olt, %parallel_loop3A_1383, %parallel_loop3A_1385 : vector<16xf32>
        %parallel_loop3A_1387 = arith.constant 1.000000e+00 : f32
        %parallel_loop3A_1388 = vector.broadcast %parallel_loop3A_1387 : f32 to vector<16xf32>
        %parallel_loop3A_1389 = arith.select %parallel_loop3A_1386, %parallel_loop3A_1388, %parallel_loop3A_1383 : vector<16xi1>, vector<16xf32>
        %parallel_loop3A_1390 = arith.subf %mul3A_176, %parallel_loop3A_1381 : vector<16xf32>
        %parallel_loop3A_1391 = arith.divf %parallel_loop3A_1390, %parallel_loop3A_1389 : vector<16xf32>
        %parallel_loop3A_1392 = arith.subf %parallel_loop3A_1223, %parallel_loop3A_1165 : vector<16xf32>
        %parallel_loop3A_1393 = arith.mulf %parallel_loop3A_1391, %parallel_loop3A_1392 : vector<16xf32>
        %parallel_loop3A_1394 = arith.addf %parallel_loop3A_1165, %parallel_loop3A_1393 : vector<16xf32>
        %parallel_loop3A_1395 = arith.constant 0 : i32
        %parallel_loop3A_1396 = arith.constant 0 : i32
        %parallel_loop3A_1397 = tpu.memref_slice %arg8[%parallel_loop3A_199, %parallel_loop3A_1395, %parallel_loop3A_1396] : memref<2x64x128xf32, #tpu.memory_space<vmem>> -> memref<1x64x128xf32, #tpu.memory_space<vmem>>
        %parallel_loop3A_1398 = tpu.memref_squeeze %parallel_loop3A_1397 : memref<1x64x128xf32, #tpu.memory_space<vmem>> -> memref<64x128xf32, #tpu.memory_space<vmem>>
        %parallel_loop3A_1399 = arith.index_cast %parallel_loop3A_367 : i32 to index
        %parallel_loop3A_1400 = arith.constant 80 : index
        %parallel_loop3A_1401 = tpu.vector_load %parallel_loop3A_1398[%parallel_loop3A_1399, %parallel_loop3A_1400] {strides = array<i32>} : memref<64x128xf32, #tpu.memory_space<vmem>>, vector<16xf32>,
        tpu.vector_store %parallel_loop3A_1398[%parallel_loop3A_1399, %parallel_loop3A_1400], %parallel_loop3A_1394 {strides = array<i32>} : memref<64x128xf32, #tpu.memory_space<vmem>>, vector<16xf32>,
        %parallel_loop3A_1402 = arith.select %parallel_loop3A_1022, %parallel_loop3A_1014, %parallel_loop3A_1134 : vector<16xi1>, vector<16xf32>
        %parallel_loop3A_1403 = arith.constant 0 : i32
        %parallel_loop3A_1404 = vector.broadcast %parallel_loop3A_1403 : i32 to vector<16xi32>
        %parallel_loop3A_1405 = arith.cmpi sgt, %parallel_loop3A_1065, %parallel_loop3A_1404 : vector<16xi32>
        %parallel_loop3A_1406 = arith.constant 0.000000e+00 : f32
        %parallel_loop3A_1407 = vector.broadcast %parallel_loop3A_1406 : f32 to vector<16xf32>
        %parallel_loop3A_1408 = arith.select %parallel_loop3A_1405, %parallel_loop3A_1402, %parallel_loop3A_1407 : vector<16xi1>, vector<16xf32>
        %parallel_loop3A_1409 = arith.select %parallel_loop3A_1022, %parallel_loop3A_1134, %parallel_loop3A_1014 : vector<16xi1>, vector<16xf32>
        %parallel_loop3A_1410 = arith.subf %parallel_loop3A_1409, %parallel_loop3A_1408 : vector<16xf32>
        %parallel_loop3A_1411 = arith.constant 9.99999974E-6 : f32
        %parallel_loop3A_1412 = vector.broadcast %parallel_loop3A_1411 : f32 to vector<16xf32>
        %parallel_loop3A_1413 = arith.cmpf olt, %parallel_loop3A_1410, %parallel_loop3A_1412 : vector<16xf32>
        %parallel_loop3A_1414 = arith.constant 1.000000e+00 : f32
        %parallel_loop3A_1415 = vector.broadcast %parallel_loop3A_1414 : f32 to vector<16xf32>
        %parallel_loop3A_1416 = arith.select %parallel_loop3A_1413, %parallel_loop3A_1415, %parallel_loop3A_1410 : vector<16xi1>, vector<16xf32>
        %parallel_loop3A_1417 = arith.subf %mul3A_185, %parallel_loop3A_1408 : vector<16xf32>
        %parallel_loop3A_1418 = arith.divf %parallel_loop3A_1417, %parallel_loop3A_1416 : vector<16xf32>
        %parallel_loop3A_1419 = arith.subf %parallel_loop3A_1231, %parallel_loop3A_1170 : vector<16xf32>
        %parallel_loop3A_1420 = arith.mulf %parallel_loop3A_1418, %parallel_loop3A_1419 : vector<16xf32>
        %parallel_loop3A_1421 = arith.addf %parallel_loop3A_1170, %parallel_loop3A_1420 : vector<16xf32>
        %parallel_loop3A_1422 = arith.constant 0 : i32
        %parallel_loop3A_1423 = arith.constant 0 : i32
        %parallel_loop3A_1424 = tpu.memref_slice %arg8[%parallel_loop3A_199, %parallel_loop3A_1422, %parallel_loop3A_1423] : memref<2x64x128xf32, #tpu.memory_space<vmem>> -> memref<1x64x128xf32, #tpu.memory_space<vmem>>
        %parallel_loop3A_1425 = tpu.memref_squeeze %parallel_loop3A_1424 : memref<1x64x128xf32, #tpu.memory_space<vmem>> -> memref<64x128xf32, #tpu.memory_space<vmem>>
        %parallel_loop3A_1426 = arith.index_cast %parallel_loop3A_367 : i32 to index
        %parallel_loop3A_1427 = arith.constant 96 : index
        %parallel_loop3A_1428 = tpu.vector_load %parallel_loop3A_1425[%parallel_loop3A_1426, %parallel_loop3A_1427] {strides = array<i32>} : memref<64x128xf32, #tpu.memory_space<vmem>>, vector<16xf32>,
        tpu.vector_store %parallel_loop3A_1425[%parallel_loop3A_1426, %parallel_loop3A_1427], %parallel_loop3A_1421 {strides = array<i32>} : memref<64x128xf32, #tpu.memory_space<vmem>>, vector<16xf32>,
        %parallel_loop3A_1429 = arith.select %parallel_loop3A_1023, %parallel_loop3A_1015, %parallel_loop3A_1135 : vector<16xi1>, vector<16xf32>
        %parallel_loop3A_1430 = arith.constant 0 : i32
        %parallel_loop3A_1431 = vector.broadcast %parallel_loop3A_1430 : i32 to vector<16xi32>
        %parallel_loop3A_1432 = arith.cmpi sgt, %parallel_loop3A_1071, %parallel_loop3A_1431 : vector<16xi32>
        %parallel_loop3A_1433 = arith.constant 0.000000e+00 : f32
        %parallel_loop3A_1434 = vector.broadcast %parallel_loop3A_1433 : f32 to vector<16xf32>
        %parallel_loop3A_1435 = arith.select %parallel_loop3A_1432, %parallel_loop3A_1429, %parallel_loop3A_1434 : vector<16xi1>, vector<16xf32>
        %parallel_loop3A_1436 = arith.select %parallel_loop3A_1023, %parallel_loop3A_1135, %parallel_loop3A_1015 : vector<16xi1>, vector<16xf32>
        %parallel_loop3A_1437 = arith.subf %parallel_loop3A_1436, %parallel_loop3A_1435 : vector<16xf32>
        %parallel_loop3A_1438 = arith.constant 9.99999974E-6 : f32
        %parallel_loop3A_1439 = vector.broadcast %parallel_loop3A_1438 : f32 to vector<16xf32>
        %parallel_loop3A_1440 = arith.cmpf olt, %parallel_loop3A_1437, %parallel_loop3A_1439 : vector<16xf32>
        %parallel_loop3A_1441 = arith.constant 1.000000e+00 : f32
        %parallel_loop3A_1442 = vector.broadcast %parallel_loop3A_1441 : f32 to vector<16xf32>
        %parallel_loop3A_1443 = arith.select %parallel_loop3A_1440, %parallel_loop3A_1442, %parallel_loop3A_1437 : vector<16xi1>, vector<16xf32>
        %parallel_loop3A_1444 = arith.subf %mul3A_194, %parallel_loop3A_1435 : vector<16xf32>
        %parallel_loop3A_1445 = arith.divf %parallel_loop3A_1444, %parallel_loop3A_1443 : vector<16xf32>
        %parallel_loop3A_1446 = arith.subf %parallel_loop3A_1239, %parallel_loop3A_1175 : vector<16xf32>
        %parallel_loop3A_1447 = arith.mulf %parallel_loop3A_1445, %parallel_loop3A_1446 : vector<16xf32>
        %parallel_loop3A_1448 = arith.addf %parallel_loop3A_1175, %parallel_loop3A_1447 : vector<16xf32>
        %parallel_loop3A_1449 = arith.constant 0 : i32
        %parallel_loop3A_1450 = arith.constant 0 : i32
        %parallel_loop3A_1451 = tpu.memref_slice %arg8[%parallel_loop3A_199, %parallel_loop3A_1449, %parallel_loop3A_1450] : memref<2x64x128xf32, #tpu.memory_space<vmem>> -> memref<1x64x128xf32, #tpu.memory_space<vmem>>
        %parallel_loop3A_1452 = tpu.memref_squeeze %parallel_loop3A_1451 : memref<1x64x128xf32, #tpu.memory_space<vmem>> -> memref<64x128xf32, #tpu.memory_space<vmem>>
        %parallel_loop3A_1453 = arith.index_cast %parallel_loop3A_367 : i32 to index
        %parallel_loop3A_1454 = arith.constant 112 : index
        %parallel_loop3A_1455 = tpu.vector_load %parallel_loop3A_1452[%parallel_loop3A_1453, %parallel_loop3A_1454] {strides = array<i32>} : memref<64x128xf32, #tpu.memory_space<vmem>>, vector<16xf32>,
        tpu.vector_store %parallel_loop3A_1452[%parallel_loop3A_1453, %parallel_loop3A_1454], %parallel_loop3A_1448 {strides = array<i32>} : memref<64x128xf32, #tpu.memory_space<vmem>>, vector<16xf32>,
      } {sc.loop_unroll_factor = 2 : i64, sc.parallel_access}
      %mul3A_200 = arith.constant 64 : i32
      %mul3A_201 = arith.muli %add3A_78, %mul3A_200 : i32
      %add3A_202 = arith.addi %mul3A_2, %mul3A_201 : i32
      %dma_start3A_203 = arith.constant 0 : i32
      %dma_start3A_204 = arith.constant 0 : i32
      %dma_start3A_205 = arith.constant 0 : i32
      %dma_start3A_206 = arith.constant 0 : i32
      %dma_start3A_207 = tpu.memref_slice %arg8[%dma_start3A_203, %dma_start3A_205, %dma_start3A_206] : memref<2x64x128xf32, #tpu.memory_space<vmem>> -> memref<1x64x128xf32, #tpu.memory_space<vmem>>
      %dma_start3A_208 = tpu.memref_squeeze %dma_start3A_207 : memref<1x64x128xf32, #tpu.memory_space<vmem>> -> memref<64x128xf32, #tpu.memory_space<vmem>>
      %dma_start3A_209 = arith.constant 0 : i32
      %dma_start3A_210 = tpu.memref_slice %arg4[%add3A_202, %dma_start3A_209] : memref<65536x128xf32, #tpu.memory_space<hbm>> -> memref<64x128xf32, #tpu.memory_space<hbm>>
      %dma_start3A_211 = tpu.memref_slice %arg10[%dma_start3A_204] : memref<2x!tpu.dma_semaphore, #tpu.memory_space<semaphore_mem>> -> memref<1x!tpu.dma_semaphore, #tpu.memory_space<semaphore_mem>>
      %dma_start3A_212 = tpu.memref_squeeze %dma_start3A_211 : memref<1x!tpu.dma_semaphore, #tpu.memory_space<semaphore_mem>> -> memref<!tpu.dma_semaphore, #tpu.memory_space<semaphore_mem>>
      %dma_start3A_213 = arith.constant 0 : i32
      %dma_start3A_214 = tpu.memref_slice %arg4[%add3A_202, %dma_start3A_213] : memref<65536x128xf32, #tpu.memory_space<hbm>> -> memref<64x128xf32, #tpu.memory_space<hbm>>
      %dma_start3A_215 = arith.constant 0 : i32
      %dma_start3A_216 = arith.constant 0 : i32
      %dma_start3A_217 = tpu.memref_slice %arg8[%dma_start3A_203, %dma_start3A_215, %dma_start3A_216] : memref<2x64x128xf32, #tpu.memory_space<vmem>> -> memref<1x64x128xf32, #tpu.memory_space<vmem>>
      %dma_start3A_218 = tpu.memref_squeeze %dma_start3A_217 : memref<1x64x128xf32, #tpu.memory_space<vmem>> -> memref<64x128xf32, #tpu.memory_space<vmem>>
      tpu.enqueue_dma source(%dma_start3A_218 : memref<64x128xf32, #tpu.memory_space<vmem>>) target(%dma_start3A_214 : memref<64x128xf32, #tpu.memory_space<hbm>>) target_semaphore(%dma_start3A_212 : memref<!tpu.dma_semaphore, #tpu.memory_space<semaphore_mem>>)
      %add3A_219 = arith.constant 1 : i32
      %add3A_220 = arith.addi %add3A_76, %add3A_219 : i32
      %add3A_221 = arith.constant 1 : i32
      %add3A_222 = arith.addi %add3A_220, %add3A_221 : i32
      %lt3A_223 = arith.constant 32 : i32
      %lt3A_224 = arith.cmpi slt, %add3A_222, %lt3A_223 : i32
      %convert_element_type3A_225 = arith.extui %lt3A_224 : i1 to i32
      %cond3A_226 = arith.constant 0 : i32
      %cond3A_227 = arith.cmpi ne, %convert_element_type3A_225, %cond3A_226 : i32
      scf.if %cond3A_227 {
        %add3A_367 = arith.constant 1 : i32
        %add3A_368 = arith.addi %add3A_220, %add3A_367 : i32
        %mul3A_369 = arith.constant 64 : i32
        %mul3A_370 = arith.muli %add3A_368, %mul3A_369 : i32
        %add3A_371 = arith.addi %mul3A_2, %mul3A_370 : i32
        %dma_start3A_372 = arith.constant 0 : i32
        %dma_start3A_373 = arith.constant 0 : i32
        %dma_start3A_374 = arith.constant 0 : i32
        %dma_start3A_375 = arith.constant 0 : i32
        %dma_start3A_376 = tpu.memref_slice %arg5[%dma_start3A_372, %dma_start3A_374, %dma_start3A_375] : memref<2x64x128xf32, #tpu.memory_space<vmem>> -> memref<1x64x128xf32, #tpu.memory_space<vmem>>
        %dma_start3A_377 = tpu.memref_squeeze %dma_start3A_376 : memref<1x64x128xf32, #tpu.memory_space<vmem>> -> memref<64x128xf32, #tpu.memory_space<vmem>>
        %dma_start3A_378 = arith.constant 0 : i32
        %dma_start3A_379 = tpu.memref_slice %arg3[%add3A_371, %dma_start3A_378] : memref<65536x128xf32, #tpu.memory_space<hbm>> -> memref<64x128xf32, #tpu.memory_space<hbm>>
        %dma_start3A_380 = tpu.memref_slice %arg9[%dma_start3A_373] : memref<2x!tpu.dma_semaphore, #tpu.memory_space<semaphore_mem>> -> memref<1x!tpu.dma_semaphore, #tpu.memory_space<semaphore_mem>>
        %dma_start3A_381 = tpu.memref_squeeze %dma_start3A_380 : memref<1x!tpu.dma_semaphore, #tpu.memory_space<semaphore_mem>> -> memref<!tpu.dma_semaphore, #tpu.memory_space<semaphore_mem>>
        %dma_start3A_382 = arith.constant 0 : i32
        %dma_start3A_383 = arith.constant 0 : i32
        %dma_start3A_384 = tpu.memref_slice %arg5[%dma_start3A_372, %dma_start3A_382, %dma_start3A_383] : memref<2x64x128xf32, #tpu.memory_space<vmem>> -> memref<1x64x128xf32, #tpu.memory_space<vmem>>
        %dma_start3A_385 = tpu.memref_squeeze %dma_start3A_384 : memref<1x64x128xf32, #tpu.memory_space<vmem>> -> memref<64x128xf32, #tpu.memory_space<vmem>>
        %dma_start3A_386 = arith.constant 0 : i32
        %dma_start3A_387 = tpu.memref_slice %arg3[%add3A_371, %dma_start3A_386] : memref<65536x128xf32, #tpu.memory_space<hbm>> -> memref<64x128xf32, #tpu.memory_space<hbm>>
        tpu.enqueue_dma source(%dma_start3A_387 : memref<64x128xf32, #tpu.memory_space<hbm>>) target(%dma_start3A_385 : memref<64x128xf32, #tpu.memory_space<vmem>>) target_semaphore(%dma_start3A_381 : memref<!tpu.dma_semaphore, #tpu.memory_space<semaphore_mem>>)
        %dma_start3A_388 = arith.constant 0 : i32
        %dma_start3A_389 = arith.constant 0 : i32
        %dma_start3A_390 = arith.constant 0 : i32
        %dma_start3A_391 = arith.constant 0 : i32
        %dma_start3A_392 = tpu.memref_slice %arg6[%dma_start3A_388, %dma_start3A_390, %dma_start3A_391] : memref<2x64x129xf32, #tpu.memory_space<vmem>> -> memref<1x64x129xf32, #tpu.memory_space<vmem>>
        %dma_start3A_393 = tpu.memref_squeeze %dma_start3A_392 : memref<1x64x129xf32, #tpu.memory_space<vmem>> -> memref<64x129xf32, #tpu.memory_space<vmem>>
        %dma_start3A_394 = arith.constant 0 : i32
        %dma_start3A_395 = tpu.memref_slice %arg2[%add3A_371, %dma_start3A_394] : memref<65536x129xf32, #tpu.memory_space<hbm>> -> memref<64x129xf32, #tpu.memory_space<hbm>>
        %dma_start3A_396 = tpu.memref_slice %arg9[%dma_start3A_389] : memref<2x!tpu.dma_semaphore, #tpu.memory_space<semaphore_mem>> -> memref<1x!tpu.dma_semaphore, #tpu.memory_space<semaphore_mem>>
        %dma_start3A_397 = tpu.memref_squeeze %dma_start3A_396 : memref<1x!tpu.dma_semaphore, #tpu.memory_space<semaphore_mem>> -> memref<!tpu.dma_semaphore, #tpu.memory_space<semaphore_mem>>
        %dma_start3A_398 = arith.constant 0 : i32
        %dma_start3A_399 = arith.constant 0 : i32
        %dma_start3A_400 = tpu.memref_slice %arg6[%dma_start3A_388, %dma_start3A_398, %dma_start3A_399] : memref<2x64x129xf32, #tpu.memory_space<vmem>> -> memref<1x64x129xf32, #tpu.memory_space<vmem>>
        %dma_start3A_401 = tpu.memref_squeeze %dma_start3A_400 : memref<1x64x129xf32, #tpu.memory_space<vmem>> -> memref<64x129xf32, #tpu.memory_space<vmem>>
        %dma_start3A_402 = arith.constant 0 : i32
        %dma_start3A_403 = tpu.memref_slice %arg2[%add3A_371, %dma_start3A_402] : memref<65536x129xf32, #tpu.memory_space<hbm>> -> memref<64x129xf32, #tpu.memory_space<hbm>>
        tpu.enqueue_dma source(%dma_start3A_403 : memref<64x129xf32, #tpu.memory_space<hbm>>) target(%dma_start3A_401 : memref<64x129xf32, #tpu.memory_space<vmem>>) target_semaphore(%dma_start3A_397 : memref<!tpu.dma_semaphore, #tpu.memory_space<semaphore_mem>>)
      } else {
      }
      %dma_wait3A_228 = arith.constant 1 : i32
      %dma_wait3A_229 = arith.constant 1 : i32
      %dma_wait3A_230 = arith.constant 0 : i32
      %dma_wait3A_231 = arith.constant 0 : i32
      %dma_wait3A_232 = tpu.memref_slice %arg5[%dma_wait3A_228, %dma_wait3A_230, %dma_wait3A_231] : memref<2x64x128xf32, #tpu.memory_space<vmem>> -> memref<1x64x128xf32, #tpu.memory_space<vmem>>
      %dma_wait3A_233 = tpu.memref_squeeze %dma_wait3A_232 : memref<1x64x128xf32, #tpu.memory_space<vmem>> -> memref<64x128xf32, #tpu.memory_space<vmem>>
      %dma_wait3A_234 = arith.constant 0 : i32
      %dma_wait3A_235 = tpu.memref_slice %arg3[%mul3A_2, %dma_wait3A_234] : memref<65536x128xf32, #tpu.memory_space<hbm>> -> memref<64x128xf32, #tpu.memory_space<hbm>>
      %dma_wait3A_236 = tpu.memref_slice %arg9[%dma_wait3A_229] : memref<2x!tpu.dma_semaphore, #tpu.memory_space<semaphore_mem>> -> memref<1x!tpu.dma_semaphore, #tpu.memory_space<semaphore_mem>>
      %dma_wait3A_237 = tpu.memref_squeeze %dma_wait3A_236 : memref<1x!tpu.dma_semaphore, #tpu.memory_space<semaphore_mem>> -> memref<!tpu.dma_semaphore, #tpu.memory_space<semaphore_mem>>
      %dma_wait3A_238 = arith.constant 0 : i32
      %dma_wait3A_239 = arith.constant 0 : i32
      %dma_wait3A_240 = tpu.memref_slice %arg5[%dma_wait3A_228, %dma_wait3A_238, %dma_wait3A_239] : memref<2x64x128xf32, #tpu.memory_space<vmem>> -> memref<1x64x128xf32, #tpu.memory_space<vmem>>
      %dma_wait3A_241 = tpu.memref_squeeze %dma_wait3A_240 : memref<1x64x128xf32, #tpu.memory_space<vmem>> -> memref<64x128xf32, #tpu.memory_space<vmem>>
      %dma_wait3A_242 = arith.constant 0 : i32
      %dma_wait3A_243 = tpu.memref_slice %arg3[%mul3A_2, %dma_wait3A_242] : memref<65536x128xf32, #tpu.memory_space<hbm>> -> memref<64x128xf32, #tpu.memory_space<hbm>>
      tpu.wait_dma2 semaphore(%dma_wait3A_237 : memref<!tpu.dma_semaphore, #tpu.memory_space<semaphore_mem>>) src(%dma_wait3A_243 : memref<64x128xf32, #tpu.memory_space<hbm>>) dst(%dma_wait3A_241 : memref<64x128xf32, #tpu.memory_space<vmem>>)
      %dma_wait3A_244 = arith.constant 1 : i32
      %dma_wait3A_245 = arith.constant 1 : i32
      %dma_wait3A_246 = arith.constant 0 : i32
      %dma_wait3A_247 = arith.constant 0 : i32
      %dma_wait3A_248 = tpu.memref_slice %arg6[%dma_wait3A_244, %dma_wait3A_246, %dma_wait3A_247] : memref<2x64x129xf32, #tpu.memory_space<vmem>> -> memref<1x64x129xf32, #tpu.memory_space<vmem>>
      %dma_wait3A_249 = tpu.memref_squeeze %dma_wait3A_248 : memref<1x64x129xf32, #tpu.memory_space<vmem>> -> memref<64x129xf32, #tpu.memory_space<vmem>>
      %dma_wait3A_250 = arith.constant 0 : i32
      %dma_wait3A_251 = tpu.memref_slice %arg2[%mul3A_2, %dma_wait3A_250] : memref<65536x129xf32, #tpu.memory_space<hbm>> -> memref<64x129xf32, #tpu.memory_space<hbm>>
      %dma_wait3A_252 = tpu.memref_slice %arg9[%dma_wait3A_245] : memref<2x!tpu.dma_semaphore, #tpu.memory_space<semaphore_mem>> -> memref<1x!tpu.dma_semaphore, #tpu.memory_space<semaphore_mem>>
      %dma_wait3A_253 = tpu.memref_squeeze %dma_wait3A_252 : memref<1x!tpu.dma_semaphore, #tpu.memory_space<semaphore_mem>> -> memref<!tpu.dma_semaphore, #tpu.memory_space<semaphore_mem>>
      %dma_wait3A_254 = arith.constant 0 : i32
      %dma_wait3A_255 = arith.constant 0 : i32
      %dma_wait3A_256 = tpu.memref_slice %arg6[%dma_wait3A_244, %dma_wait3A_254, %dma_wait3A_255] : memref<2x64x129xf32, #tpu.memory_space<vmem>> -> memref<1x64x129xf32, #tpu.memory_space<vmem>>
      %dma_wait3A_257 = tpu.memref_squeeze %dma_wait3A_256 : memref<1x64x129xf32, #tpu.memory_space<vmem>> -> memref<64x129xf32, #tpu.memory_space<vmem>>
      %dma_wait3A_258 = arith.constant 0 : i32
      %dma_wait3A_259 = tpu.memref_slice %arg2[%mul3A_2, %dma_wait3A_258] : memref<65536x129xf32, #tpu.memory_space<hbm>> -> memref<64x129xf32, #tpu.memory_space<hbm>>
      tpu.wait_dma2 semaphore(%dma_wait3A_253 : memref<!tpu.dma_semaphore, #tpu.memory_space<semaphore_mem>>) src(%dma_wait3A_259 : memref<64x129xf32, #tpu.memory_space<hbm>>) dst(%dma_wait3A_257 : memref<64x129xf32, #tpu.memory_space<vmem>>)
      %ge3A_260 = arith.constant 2 : i32
      %ge3A_261 = arith.cmpi sge, %add3A_220, %ge3A_260 : i32
      %convert_element_type3A_262 = arith.extui %ge3A_261 : i1 to i32
      %cond3A_263 = arith.constant 0 : i32
      %cond3A_264 = arith.cmpi ne, %convert_element_type3A_262, %cond3A_263 : i32
      scf.if %cond3A_264 {
        %dma_wait3A_367 = arith.constant 1 : i32
        %dma_wait3A_368 = arith.constant 1 : i32
        %dma_wait3A_369 = arith.constant 0 : i32
        %dma_wait3A_370 = arith.constant 0 : i32
        %dma_wait3A_371 = tpu.memref_slice %arg8[%dma_wait3A_367, %dma_wait3A_369, %dma_wait3A_370] : memref<2x64x128xf32, #tpu.memory_space<vmem>> -> memref<1x64x128xf32, #tpu.memory_space<vmem>>
        %dma_wait3A_372 = tpu.memref_squeeze %dma_wait3A_371 : memref<1x64x128xf32, #tpu.memory_space<vmem>> -> memref<64x128xf32, #tpu.memory_space<vmem>>
        %dma_wait3A_373 = arith.constant 0 : i32
        %dma_wait3A_374 = tpu.memref_slice %arg4[%mul3A_2, %dma_wait3A_373] : memref<65536x128xf32, #tpu.memory_space<hbm>> -> memref<64x128xf32, #tpu.memory_space<hbm>>
        %dma_wait3A_375 = tpu.memref_slice %arg10[%dma_wait3A_368] : memref<2x!tpu.dma_semaphore, #tpu.memory_space<semaphore_mem>> -> memref<1x!tpu.dma_semaphore, #tpu.memory_space<semaphore_mem>>
        %dma_wait3A_376 = tpu.memref_squeeze %dma_wait3A_375 : memref<1x!tpu.dma_semaphore, #tpu.memory_space<semaphore_mem>> -> memref<!tpu.dma_semaphore, #tpu.memory_space<semaphore_mem>>
        %dma_wait3A_377 = arith.constant 0 : i32
        %dma_wait3A_378 = tpu.memref_slice %arg4[%mul3A_2, %dma_wait3A_377] : memref<65536x128xf32, #tpu.memory_space<hbm>> -> memref<64x128xf32, #tpu.memory_space<hbm>>
        %dma_wait3A_379 = arith.constant 0 : i32
        %dma_wait3A_380 = arith.constant 0 : i32
        %dma_wait3A_381 = tpu.memref_slice %arg8[%dma_wait3A_367, %dma_wait3A_379, %dma_wait3A_380] : memref<2x64x128xf32, #tpu.memory_space<vmem>> -> memref<1x64x128xf32, #tpu.memory_space<vmem>>
        %dma_wait3A_382 = tpu.memref_squeeze %dma_wait3A_381 : memref<1x64x128xf32, #tpu.memory_space<vmem>> -> memref<64x128xf32, #tpu.memory_space<vmem>>
        tpu.wait_dma2 semaphore(%dma_wait3A_376 : memref<!tpu.dma_semaphore, #tpu.memory_space<semaphore_mem>>) src(%dma_wait3A_382 : memref<64x128xf32, #tpu.memory_space<vmem>>) dst(%dma_wait3A_378 : memref<64x128xf32, #tpu.memory_space<hbm>>)
      } else {
      }
      %broadcast_in_dim3A_265 = arith.constant 15 : i32
      %broadcast_in_dim3A_266 = vector.broadcast %broadcast_in_dim3A_265 : i32 to vector<16xi32>
      %parallel_loop3A_267 = arith.constant 0 : i32
      %parallel_loop3A_268 = arith.constant 64 : i32
      %parallel_loop3A_269 = arith.constant 1 : i32
      %parallel_loop3A_270 = arith.constant 1 : i32
      scf.for %parallel_loop3A_367 = %parallel_loop3A_267 to %parallel_loop3A_268 step %parallel_loop3A_269  : i32 {
        %parallel_loop3A_368 = arith.constant 0 : i32
        %parallel_loop3A_369 = arith.constant 0 : i32
        %parallel_loop3A_370 = tpu.memref_slice %arg5[%parallel_loop3A_270, %parallel_loop3A_368, %parallel_loop3A_369] : memref<2x64x128xf32, #tpu.memory_space<vmem>> -> memref<1x64x128xf32, #tpu.memory_space<vmem>>
        %parallel_loop3A_371 = tpu.memref_squeeze %parallel_loop3A_370 : memref<1x64x128xf32, #tpu.memory_space<vmem>> -> memref<64x128xf32, #tpu.memory_space<vmem>>
        %parallel_loop3A_372 = arith.index_cast %parallel_loop3A_367 : i32 to index
        %parallel_loop3A_373 = arith.constant 0 : index
        %parallel_loop3A_374 = tpu.vector_load %parallel_loop3A_371[%parallel_loop3A_372, %parallel_loop3A_373] {strides = array<i32>} : memref<64x128xf32, #tpu.memory_space<vmem>>, vector<16xf32>,
        %parallel_loop3A_375 = arith.constant 9.99999974E-6 : f32
        %parallel_loop3A_376 = vector.broadcast %parallel_loop3A_375 : f32 to vector<16xf32>
        %parallel_loop3A_377 = arith.addf %parallel_loop3A_374, %parallel_loop3A_376 : vector<16xf32>
        %parallel_loop3A_378 = arith.constant 0 : i32
        %parallel_loop3A_379 = arith.constant 0 : i32
        %parallel_loop3A_380 = tpu.memref_slice %arg5[%parallel_loop3A_270, %parallel_loop3A_378, %parallel_loop3A_379] : memref<2x64x128xf32, #tpu.memory_space<vmem>> -> memref<1x64x128xf32, #tpu.memory_space<vmem>>
        %parallel_loop3A_381 = tpu.memref_squeeze %parallel_loop3A_380 : memref<1x64x128xf32, #tpu.memory_space<vmem>> -> memref<64x128xf32, #tpu.memory_space<vmem>>
        %parallel_loop3A_382 = arith.index_cast %parallel_loop3A_367 : i32 to index
        %parallel_loop3A_383 = arith.constant 16 : index
        %parallel_loop3A_384 = tpu.vector_load %parallel_loop3A_381[%parallel_loop3A_382, %parallel_loop3A_383] {strides = array<i32>} : memref<64x128xf32, #tpu.memory_space<vmem>>, vector<16xf32>,
        %parallel_loop3A_385 = arith.constant 9.99999974E-6 : f32
        %parallel_loop3A_386 = vector.broadcast %parallel_loop3A_385 : f32 to vector<16xf32>
        %parallel_loop3A_387 = arith.addf %parallel_loop3A_384, %parallel_loop3A_386 : vector<16xf32>
        %parallel_loop3A_388 = arith.constant 0 : i32
        %parallel_loop3A_389 = arith.constant 0 : i32
        %parallel_loop3A_390 = tpu.memref_slice %arg5[%parallel_loop3A_270, %parallel_loop3A_388, %parallel_loop3A_389] : memref<2x64x128xf32, #tpu.memory_space<vmem>> -> memref<1x64x128xf32, #tpu.memory_space<vmem>>
        %parallel_loop3A_391 = tpu.memref_squeeze %parallel_loop3A_390 : memref<1x64x128xf32, #tpu.memory_space<vmem>> -> memref<64x128xf32, #tpu.memory_space<vmem>>
        %parallel_loop3A_392 = arith.index_cast %parallel_loop3A_367 : i32 to index
        %parallel_loop3A_393 = arith.constant 32 : index
        %parallel_loop3A_394 = tpu.vector_load %parallel_loop3A_391[%parallel_loop3A_392, %parallel_loop3A_393] {strides = array<i32>} : memref<64x128xf32, #tpu.memory_space<vmem>>, vector<16xf32>,
        %parallel_loop3A_395 = arith.constant 9.99999974E-6 : f32
        %parallel_loop3A_396 = vector.broadcast %parallel_loop3A_395 : f32 to vector<16xf32>
        %parallel_loop3A_397 = arith.addf %parallel_loop3A_394, %parallel_loop3A_396 : vector<16xf32>
        %parallel_loop3A_398 = arith.constant 0 : i32
        %parallel_loop3A_399 = arith.constant 0 : i32
        %parallel_loop3A_400 = tpu.memref_slice %arg5[%parallel_loop3A_270, %parallel_loop3A_398, %parallel_loop3A_399] : memref<2x64x128xf32, #tpu.memory_space<vmem>> -> memref<1x64x128xf32, #tpu.memory_space<vmem>>
        %parallel_loop3A_401 = tpu.memref_squeeze %parallel_loop3A_400 : memref<1x64x128xf32, #tpu.memory_space<vmem>> -> memref<64x128xf32, #tpu.memory_space<vmem>>
        %parallel_loop3A_402 = arith.index_cast %parallel_loop3A_367 : i32 to index
        %parallel_loop3A_403 = arith.constant 48 : index
        %parallel_loop3A_404 = tpu.vector_load %parallel_loop3A_401[%parallel_loop3A_402, %parallel_loop3A_403] {strides = array<i32>} : memref<64x128xf32, #tpu.memory_space<vmem>>, vector<16xf32>,
        %parallel_loop3A_405 = arith.constant 9.99999974E-6 : f32
        %parallel_loop3A_406 = vector.broadcast %parallel_loop3A_405 : f32 to vector<16xf32>
        %parallel_loop3A_407 = arith.addf %parallel_loop3A_404, %parallel_loop3A_406 : vector<16xf32>
        %parallel_loop3A_408 = arith.constant 0 : i32
        %parallel_loop3A_409 = arith.constant 0 : i32
        %parallel_loop3A_410 = tpu.memref_slice %arg5[%parallel_loop3A_270, %parallel_loop3A_408, %parallel_loop3A_409] : memref<2x64x128xf32, #tpu.memory_space<vmem>> -> memref<1x64x128xf32, #tpu.memory_space<vmem>>
        %parallel_loop3A_411 = tpu.memref_squeeze %parallel_loop3A_410 : memref<1x64x128xf32, #tpu.memory_space<vmem>> -> memref<64x128xf32, #tpu.memory_space<vmem>>
        %parallel_loop3A_412 = arith.index_cast %parallel_loop3A_367 : i32 to index
        %parallel_loop3A_413 = arith.constant 64 : index
        %parallel_loop3A_414 = tpu.vector_load %parallel_loop3A_411[%parallel_loop3A_412, %parallel_loop3A_413] {strides = array<i32>} : memref<64x128xf32, #tpu.memory_space<vmem>>, vector<16xf32>,
        %parallel_loop3A_415 = arith.constant 9.99999974E-6 : f32
        %parallel_loop3A_416 = vector.broadcast %parallel_loop3A_415 : f32 to vector<16xf32>
        %parallel_loop3A_417 = arith.addf %parallel_loop3A_414, %parallel_loop3A_416 : vector<16xf32>
        %parallel_loop3A_418 = arith.constant 0 : i32
        %parallel_loop3A_419 = arith.constant 0 : i32
        %parallel_loop3A_420 = tpu.memref_slice %arg5[%parallel_loop3A_270, %parallel_loop3A_418, %parallel_loop3A_419] : memref<2x64x128xf32, #tpu.memory_space<vmem>> -> memref<1x64x128xf32, #tpu.memory_space<vmem>>
        %parallel_loop3A_421 = tpu.memref_squeeze %parallel_loop3A_420 : memref<1x64x128xf32, #tpu.memory_space<vmem>> -> memref<64x128xf32, #tpu.memory_space<vmem>>
        %parallel_loop3A_422 = arith.index_cast %parallel_loop3A_367 : i32 to index
        %parallel_loop3A_423 = arith.constant 80 : index
        %parallel_loop3A_424 = tpu.vector_load %parallel_loop3A_421[%parallel_loop3A_422, %parallel_loop3A_423] {strides = array<i32>} : memref<64x128xf32, #tpu.memory_space<vmem>>, vector<16xf32>,
        %parallel_loop3A_425 = arith.constant 9.99999974E-6 : f32
        %parallel_loop3A_426 = vector.broadcast %parallel_loop3A_425 : f32 to vector<16xf32>
        %parallel_loop3A_427 = arith.addf %parallel_loop3A_424, %parallel_loop3A_426 : vector<16xf32>
        %parallel_loop3A_428 = arith.constant 0 : i32
        %parallel_loop3A_429 = arith.constant 0 : i32
        %parallel_loop3A_430 = tpu.memref_slice %arg5[%parallel_loop3A_270, %parallel_loop3A_428, %parallel_loop3A_429] : memref<2x64x128xf32, #tpu.memory_space<vmem>> -> memref<1x64x128xf32, #tpu.memory_space<vmem>>
        %parallel_loop3A_431 = tpu.memref_squeeze %parallel_loop3A_430 : memref<1x64x128xf32, #tpu.memory_space<vmem>> -> memref<64x128xf32, #tpu.memory_space<vmem>>
        %parallel_loop3A_432 = arith.index_cast %parallel_loop3A_367 : i32 to index
        %parallel_loop3A_433 = arith.constant 96 : index
        %parallel_loop3A_434 = tpu.vector_load %parallel_loop3A_431[%parallel_loop3A_432, %parallel_loop3A_433] {strides = array<i32>} : memref<64x128xf32, #tpu.memory_space<vmem>>, vector<16xf32>,
        %parallel_loop3A_435 = arith.constant 9.99999974E-6 : f32
        %parallel_loop3A_436 = vector.broadcast %parallel_loop3A_435 : f32 to vector<16xf32>
        %parallel_loop3A_437 = arith.addf %parallel_loop3A_434, %parallel_loop3A_436 : vector<16xf32>
        %parallel_loop3A_438 = arith.constant 0 : i32
        %parallel_loop3A_439 = arith.constant 0 : i32
        %parallel_loop3A_440 = tpu.memref_slice %arg5[%parallel_loop3A_270, %parallel_loop3A_438, %parallel_loop3A_439] : memref<2x64x128xf32, #tpu.memory_space<vmem>> -> memref<1x64x128xf32, #tpu.memory_space<vmem>>
        %parallel_loop3A_441 = tpu.memref_squeeze %parallel_loop3A_440 : memref<1x64x128xf32, #tpu.memory_space<vmem>> -> memref<64x128xf32, #tpu.memory_space<vmem>>
        %parallel_loop3A_442 = arith.index_cast %parallel_loop3A_367 : i32 to index
        %parallel_loop3A_443 = arith.constant 112 : index
        %parallel_loop3A_444 = tpu.vector_load %parallel_loop3A_441[%parallel_loop3A_442, %parallel_loop3A_443] {strides = array<i32>} : memref<64x128xf32, #tpu.memory_space<vmem>>, vector<16xf32>,
        %parallel_loop3A_445 = arith.constant 9.99999974E-6 : f32
        %parallel_loop3A_446 = vector.broadcast %parallel_loop3A_445 : f32 to vector<16xf32>
        %parallel_loop3A_447 = arith.addf %parallel_loop3A_444, %parallel_loop3A_446 : vector<16xf32>
        %parallel_loop3A_448 = arith.constant true
        %parallel_loop3A_449 = vector.broadcast %parallel_loop3A_448 : i1 to vector<16xi1>
        %parallel_loop3A_450 = tpu.scan <sum>, %parallel_loop3A_377 masked %parallel_loop3A_449 : vector<16xf32>, vector<16xi1> -> vector<16xf32>
        %parallel_loop3A_451 = arith.constant true
        %parallel_loop3A_452 = vector.broadcast %parallel_loop3A_451 : i1 to vector<16xi1>
        %parallel_loop3A_453 = tpu.scan <sum>, %parallel_loop3A_387 masked %parallel_loop3A_452 : vector<16xf32>, vector<16xi1> -> vector<16xf32>
        %parallel_loop3A_454 = arith.constant true
        %parallel_loop3A_455 = vector.broadcast %parallel_loop3A_454 : i1 to vector<16xi1>
        %parallel_loop3A_456 = tpu.scan <sum>, %parallel_loop3A_397 masked %parallel_loop3A_455 : vector<16xf32>, vector<16xi1> -> vector<16xf32>
        %parallel_loop3A_457 = arith.constant true
        %parallel_loop3A_458 = vector.broadcast %parallel_loop3A_457 : i1 to vector<16xi1>
        %parallel_loop3A_459 = tpu.scan <sum>, %parallel_loop3A_407 masked %parallel_loop3A_458 : vector<16xf32>, vector<16xi1> -> vector<16xf32>
        %parallel_loop3A_460 = arith.constant true
        %parallel_loop3A_461 = vector.broadcast %parallel_loop3A_460 : i1 to vector<16xi1>
        %parallel_loop3A_462 = tpu.scan <sum>, %parallel_loop3A_417 masked %parallel_loop3A_461 : vector<16xf32>, vector<16xi1> -> vector<16xf32>
        %parallel_loop3A_463 = arith.constant true
        %parallel_loop3A_464 = vector.broadcast %parallel_loop3A_463 : i1 to vector<16xi1>
        %parallel_loop3A_465 = tpu.scan <sum>, %parallel_loop3A_427 masked %parallel_loop3A_464 : vector<16xf32>, vector<16xi1> -> vector<16xf32>
        %parallel_loop3A_466 = arith.constant true
        %parallel_loop3A_467 = vector.broadcast %parallel_loop3A_466 : i1 to vector<16xi1>
        %parallel_loop3A_468 = tpu.scan <sum>, %parallel_loop3A_437 masked %parallel_loop3A_467 : vector<16xf32>, vector<16xi1> -> vector<16xf32>
        %parallel_loop3A_469 = arith.constant true
        %parallel_loop3A_470 = vector.broadcast %parallel_loop3A_469 : i1 to vector<16xi1>
        %parallel_loop3A_471 = tpu.scan <sum>, %parallel_loop3A_447 masked %parallel_loop3A_470 : vector<16xf32>, vector<16xi1> -> vector<16xf32>
        %parallel_loop3A_472 = vector.shape_cast %broadcast_in_dim3A_266 : vector<16xi32> to vector<16x1xi32>
        %parallel_loop3A_473 = vector.shape_cast %parallel_loop3A_472 : vector<16x1xi32> to vector<16xi32>
        %parallel_loop3A_474 = tpu.dynamic_gather %parallel_loop3A_450[%parallel_loop3A_473] in [0] : vector<16xf32>, vector<16xi32> -> vector<16xf32>
        %parallel_loop3A_475 = arith.addf %parallel_loop3A_453, %parallel_loop3A_474 : vector<16xf32>
        %parallel_loop3A_476 = vector.shape_cast %broadcast_in_dim3A_266 : vector<16xi32> to vector<16x1xi32>
        %parallel_loop3A_477 = vector.shape_cast %parallel_loop3A_476 : vector<16x1xi32> to vector<16xi32>
        %parallel_loop3A_478 = tpu.dynamic_gather %parallel_loop3A_475[%parallel_loop3A_477] in [0] : vector<16xf32>, vector<16xi32> -> vector<16xf32>
        %parallel_loop3A_479 = arith.addf %parallel_loop3A_456, %parallel_loop3A_478 : vector<16xf32>
        %parallel_loop3A_480 = vector.shape_cast %broadcast_in_dim3A_266 : vector<16xi32> to vector<16x1xi32>
        %parallel_loop3A_481 = vector.shape_cast %parallel_loop3A_480 : vector<16x1xi32> to vector<16xi32>
        %parallel_loop3A_482 = tpu.dynamic_gather %parallel_loop3A_479[%parallel_loop3A_481] in [0] : vector<16xf32>, vector<16xi32> -> vector<16xf32>
        %parallel_loop3A_483 = arith.addf %parallel_loop3A_459, %parallel_loop3A_482 : vector<16xf32>
        %parallel_loop3A_484 = vector.shape_cast %broadcast_in_dim3A_266 : vector<16xi32> to vector<16x1xi32>
        %parallel_loop3A_485 = vector.shape_cast %parallel_loop3A_484 : vector<16x1xi32> to vector<16xi32>
        %parallel_loop3A_486 = tpu.dynamic_gather %parallel_loop3A_483[%parallel_loop3A_485] in [0] : vector<16xf32>, vector<16xi32> -> vector<16xf32>
        %parallel_loop3A_487 = arith.addf %parallel_loop3A_462, %parallel_loop3A_486 : vector<16xf32>
        %parallel_loop3A_488 = vector.shape_cast %broadcast_in_dim3A_266 : vector<16xi32> to vector<16x1xi32>
        %parallel_loop3A_489 = vector.shape_cast %parallel_loop3A_488 : vector<16x1xi32> to vector<16xi32>
        %parallel_loop3A_490 = tpu.dynamic_gather %parallel_loop3A_487[%parallel_loop3A_489] in [0] : vector<16xf32>, vector<16xi32> -> vector<16xf32>
        %parallel_loop3A_491 = arith.addf %parallel_loop3A_465, %parallel_loop3A_490 : vector<16xf32>
        %parallel_loop3A_492 = vector.shape_cast %broadcast_in_dim3A_266 : vector<16xi32> to vector<16x1xi32>
        %parallel_loop3A_493 = vector.shape_cast %parallel_loop3A_492 : vector<16x1xi32> to vector<16xi32>
        %parallel_loop3A_494 = tpu.dynamic_gather %parallel_loop3A_491[%parallel_loop3A_493] in [0] : vector<16xf32>, vector<16xi32> -> vector<16xf32>
        %parallel_loop3A_495 = arith.addf %parallel_loop3A_468, %parallel_loop3A_494 : vector<16xf32>
        %parallel_loop3A_496 = vector.shape_cast %broadcast_in_dim3A_266 : vector<16xi32> to vector<16x1xi32>
        %parallel_loop3A_497 = vector.shape_cast %parallel_loop3A_496 : vector<16x1xi32> to vector<16xi32>
        %parallel_loop3A_498 = tpu.dynamic_gather %parallel_loop3A_495[%parallel_loop3A_497] in [0] : vector<16xf32>, vector<16xi32> -> vector<16xf32>
        %parallel_loop3A_499 = arith.addf %parallel_loop3A_471, %parallel_loop3A_498 : vector<16xf32>
        %parallel_loop3A_500 = arith.constant 1.000000e+00 : f32
        %parallel_loop3A_501 = vector.broadcast %parallel_loop3A_500 : f32 to vector<16xf32>
        %parallel_loop3A_502 = vector.shape_cast %broadcast_in_dim3A_266 : vector<16xi32> to vector<16x1xi32>
        %parallel_loop3A_503 = vector.shape_cast %parallel_loop3A_502 : vector<16x1xi32> to vector<16xi32>
        %parallel_loop3A_504 = tpu.dynamic_gather %parallel_loop3A_499[%parallel_loop3A_503] in [0] : vector<16xf32>, vector<16xi32> -> vector<16xf32>
        %parallel_loop3A_505 = arith.divf %parallel_loop3A_501, %parallel_loop3A_504 : vector<16xf32>
        %parallel_loop3A_506 = arith.mulf %parallel_loop3A_450, %parallel_loop3A_505 : vector<16xf32>
        %parallel_loop3A_507 = arith.index_cast %parallel_loop3A_367 : i32 to index
        %parallel_loop3A_508 = arith.constant 0 : index
        %parallel_loop3A_509 = tpu.vector_load %arg7[%parallel_loop3A_507, %parallel_loop3A_508] {strides = array<i32>} : memref<64x128xf32, #tpu.memory_space<vmem>>, vector<16xf32>,
        tpu.vector_store %arg7[%parallel_loop3A_507, %parallel_loop3A_508], %parallel_loop3A_506 {strides = array<i32>} : memref<64x128xf32, #tpu.memory_space<vmem>>, vector<16xf32>,
        %parallel_loop3A_510 = arith.mulf %parallel_loop3A_475, %parallel_loop3A_505 : vector<16xf32>
        %parallel_loop3A_511 = arith.index_cast %parallel_loop3A_367 : i32 to index
        %parallel_loop3A_512 = arith.constant 16 : index
        %parallel_loop3A_513 = tpu.vector_load %arg7[%parallel_loop3A_511, %parallel_loop3A_512] {strides = array<i32>} : memref<64x128xf32, #tpu.memory_space<vmem>>, vector<16xf32>,
        tpu.vector_store %arg7[%parallel_loop3A_511, %parallel_loop3A_512], %parallel_loop3A_510 {strides = array<i32>} : memref<64x128xf32, #tpu.memory_space<vmem>>, vector<16xf32>,
        %parallel_loop3A_514 = arith.mulf %parallel_loop3A_479, %parallel_loop3A_505 : vector<16xf32>
        %parallel_loop3A_515 = arith.index_cast %parallel_loop3A_367 : i32 to index
        %parallel_loop3A_516 = arith.constant 32 : index
        %parallel_loop3A_517 = tpu.vector_load %arg7[%parallel_loop3A_515, %parallel_loop3A_516] {strides = array<i32>} : memref<64x128xf32, #tpu.memory_space<vmem>>, vector<16xf32>,
        tpu.vector_store %arg7[%parallel_loop3A_515, %parallel_loop3A_516], %parallel_loop3A_514 {strides = array<i32>} : memref<64x128xf32, #tpu.memory_space<vmem>>, vector<16xf32>,
        %parallel_loop3A_518 = arith.mulf %parallel_loop3A_483, %parallel_loop3A_505 : vector<16xf32>
        %parallel_loop3A_519 = arith.index_cast %parallel_loop3A_367 : i32 to index
        %parallel_loop3A_520 = arith.constant 48 : index
        %parallel_loop3A_521 = tpu.vector_load %arg7[%parallel_loop3A_519, %parallel_loop3A_520] {strides = array<i32>} : memref<64x128xf32, #tpu.memory_space<vmem>>, vector<16xf32>,
        tpu.vector_store %arg7[%parallel_loop3A_519, %parallel_loop3A_520], %parallel_loop3A_518 {strides = array<i32>} : memref<64x128xf32, #tpu.memory_space<vmem>>, vector<16xf32>,
        %parallel_loop3A_522 = arith.mulf %parallel_loop3A_487, %parallel_loop3A_505 : vector<16xf32>
        %parallel_loop3A_523 = arith.index_cast %parallel_loop3A_367 : i32 to index
        %parallel_loop3A_524 = arith.constant 64 : index
        %parallel_loop3A_525 = tpu.vector_load %arg7[%parallel_loop3A_523, %parallel_loop3A_524] {strides = array<i32>} : memref<64x128xf32, #tpu.memory_space<vmem>>, vector<16xf32>,
        tpu.vector_store %arg7[%parallel_loop3A_523, %parallel_loop3A_524], %parallel_loop3A_522 {strides = array<i32>} : memref<64x128xf32, #tpu.memory_space<vmem>>, vector<16xf32>,
        %parallel_loop3A_526 = arith.mulf %parallel_loop3A_491, %parallel_loop3A_505 : vector<16xf32>
        %parallel_loop3A_527 = arith.index_cast %parallel_loop3A_367 : i32 to index
        %parallel_loop3A_528 = arith.constant 80 : index
        %parallel_loop3A_529 = tpu.vector_load %arg7[%parallel_loop3A_527, %parallel_loop3A_528] {strides = array<i32>} : memref<64x128xf32, #tpu.memory_space<vmem>>, vector<16xf32>,
        tpu.vector_store %arg7[%parallel_loop3A_527, %parallel_loop3A_528], %parallel_loop3A_526 {strides = array<i32>} : memref<64x128xf32, #tpu.memory_space<vmem>>, vector<16xf32>,
        %parallel_loop3A_530 = arith.mulf %parallel_loop3A_495, %parallel_loop3A_505 : vector<16xf32>
        %parallel_loop3A_531 = arith.index_cast %parallel_loop3A_367 : i32 to index
        %parallel_loop3A_532 = arith.constant 96 : index
        %parallel_loop3A_533 = tpu.vector_load %arg7[%parallel_loop3A_531, %parallel_loop3A_532] {strides = array<i32>} : memref<64x128xf32, #tpu.memory_space<vmem>>, vector<16xf32>,
        tpu.vector_store %arg7[%parallel_loop3A_531, %parallel_loop3A_532], %parallel_loop3A_530 {strides = array<i32>} : memref<64x128xf32, #tpu.memory_space<vmem>>, vector<16xf32>,
        %parallel_loop3A_534 = arith.mulf %parallel_loop3A_499, %parallel_loop3A_505 : vector<16xf32>
        %parallel_loop3A_535 = arith.index_cast %parallel_loop3A_367 : i32 to index
        %parallel_loop3A_536 = arith.constant 112 : index
        %parallel_loop3A_537 = tpu.vector_load %arg7[%parallel_loop3A_535, %parallel_loop3A_536] {strides = array<i32>} : memref<64x128xf32, #tpu.memory_space<vmem>>, vector<16xf32>,
        tpu.vector_store %arg7[%parallel_loop3A_535, %parallel_loop3A_536], %parallel_loop3A_534 {strides = array<i32>} : memref<64x128xf32, #tpu.memory_space<vmem>>, vector<16xf32>,
      } {sc.loop_unroll_factor = 4 : i64, sc.parallel_access}
      %mul3A_271 = arith.constant 2 : i32
      %mul3A_272 = vector.broadcast %mul3A_271 : i32 to vector<16xi32>
      %mul3A_273 = arith.muli %iota3A, %mul3A_272 : vector<16xi32>
      %add3A_274 = arith.constant 1 : i32
      %add3A_275 = vector.broadcast %add3A_274 : i32 to vector<16xi32>
      %add3A_276 = arith.addi %mul3A_273, %add3A_275 : vector<16xi32>
      %convert_element_type3A_277 = arith.sitofp %add3A_276 : vector<16xi32> to vector<16xf32>
      %mul3A_278 = vector.broadcast %scan3A : f32 to vector<16xf32>
      %mul3A_279 = arith.mulf %convert_element_type3A_277, %mul3A_278 : vector<16xf32>
      %mul3A_280 = arith.constant 2 : i32
      %mul3A_281 = vector.broadcast %mul3A_280 : i32 to vector<16xi32>
      %mul3A_282 = arith.muli %iota3A, %mul3A_281 : vector<16xi32>
      %add3A_283 = arith.constant 33 : i32
      %add3A_284 = vector.broadcast %add3A_283 : i32 to vector<16xi32>
      %add3A_285 = arith.addi %mul3A_282, %add3A_284 : vector<16xi32>
      %convert_element_type3A_286 = arith.sitofp %add3A_285 : vector<16xi32> to vector<16xf32>
      %mul3A_287 = vector.broadcast %scan3A : f32 to vector<16xf32>
      %mul3A_288 = arith.mulf %convert_element_type3A_286, %mul3A_287 : vector<16xf32>
      %mul3A_289 = arith.constant 2 : i32
      %mul3A_290 = vector.broadcast %mul3A_289 : i32 to vector<16xi32>
      %mul3A_291 = arith.muli %iota3A, %mul3A_290 : vector<16xi32>
      %add3A_292 = arith.constant 65 : i32
      %add3A_293 = vector.broadcast %add3A_292 : i32 to vector<16xi32>
      %add3A_294 = arith.addi %mul3A_291, %add3A_293 : vector<16xi32>
      %convert_element_type3A_295 = arith.sitofp %add3A_294 : vector<16xi32> to vector<16xf32>
      %mul3A_296 = vector.broadcast %scan3A : f32 to vector<16xf32>
      %mul3A_297 = arith.mulf %convert_element_type3A_295, %mul3A_296 : vector<16xf32>
      %mul3A_298 = arith.constant 2 : i32
      %mul3A_299 = vector.broadcast %mul3A_298 : i32 to vector<16xi32>
      %mul3A_300 = arith.muli %iota3A, %mul3A_299 : vector<16xi32>
      %add3A_301 = arith.constant 97 : i32
      %add3A_302 = vector.broadcast %add3A_301 : i32 to vector<16xi32>
      %add3A_303 = arith.addi %mul3A_300, %add3A_302 : vector<16xi32>
      %convert_element_type3A_304 = arith.sitofp %add3A_303 : vector<16xi32> to vector<16xf32>
      %mul3A_305 = vector.broadcast %scan3A : f32 to vector<16xf32>
      %mul3A_306 = arith.mulf %convert_element_type3A_304, %mul3A_305 : vector<16xf32>
      %mul3A_307 = arith.constant 2 : i32
      %mul3A_308 = vector.broadcast %mul3A_307 : i32 to vector<16xi32>
      %mul3A_309 = arith.muli %iota3A, %mul3A_308 : vector<16xi32>
      %add3A_310 = arith.constant 129 : i32
      %add3A_311 = vector.broadcast %add3A_310 : i32 to vector<16xi32>
      %add3A_312 = arith.addi %mul3A_309, %add3A_311 : vector<16xi32>
      %convert_element_type3A_313 = arith.sitofp %add3A_312 : vector<16xi32> to vector<16xf32>
      %mul3A_314 = vector.broadcast %scan3A : f32 to vector<16xf32>
      %mul3A_315 = arith.mulf %convert_element_type3A_313, %mul3A_314 : vector<16xf32>
      %mul3A_316 = arith.constant 2 : i32
      %mul3A_317 = vector.broadcast %mul3A_316 : i32 to vector<16xi32>
      %mul3A_318 = arith.muli %iota3A, %mul3A_317 : vector<16xi32>
      %add3A_319 = arith.constant 161 : i32
      %add3A_320 = vector.broadcast %add3A_319 : i32 to vector<16xi32>
      %add3A_321 = arith.addi %mul3A_318, %add3A_320 : vector<16xi32>
      %convert_element_type3A_322 = arith.sitofp %add3A_321 : vector<16xi32> to vector<16xf32>
      %mul3A_323 = vector.broadcast %scan3A : f32 to vector<16xf32>
      %mul3A_324 = arith.mulf %convert_element_type3A_322, %mul3A_323 : vector<16xf32>
      %mul3A_325 = arith.constant 2 : i32
      %mul3A_326 = vector.broadcast %mul3A_325 : i32 to vector<16xi32>
      %mul3A_327 = arith.muli %iota3A, %mul3A_326 : vector<16xi32>
      %add3A_328 = arith.constant 193 : i32
      %add3A_329 = vector.broadcast %add3A_328 : i32 to vector<16xi32>
      %add3A_330 = arith.addi %mul3A_327, %add3A_329 : vector<16xi32>
      %convert_element_type3A_331 = arith.sitofp %add3A_330 : vector<16xi32> to vector<16xf32>
      %mul3A_332 = vector.broadcast %scan3A : f32 to vector<16xf32>
      %mul3A_333 = arith.mulf %convert_element_type3A_331, %mul3A_332 : vector<16xf32>
      %mul3A_334 = arith.constant 2 : i32
      %mul3A_335 = vector.broadcast %mul3A_334 : i32 to vector<16xi32>
      %mul3A_336 = arith.muli %iota3A, %mul3A_335 : vector<16xi32>
      %add3A_337 = arith.constant 225 : i32
      %add3A_338 = vector.broadcast %add3A_337 : i32 to vector<16xi32>
      %add3A_339 = arith.addi %mul3A_336, %add3A_338 : vector<16xi32>
      %convert_element_type3A_340 = arith.sitofp %add3A_339 : vector<16xi32> to vector<16xf32>
      %mul3A_341 = vector.broadcast %scan3A : f32 to vector<16xf32>
      %mul3A_342 = arith.mulf %convert_element_type3A_340, %mul3A_341 : vector<16xf32>
      %parallel_loop3A_343 = arith.constant 0 : i32
      %parallel_loop3A_344 = arith.constant 64 : i32
      %parallel_loop3A_345 = arith.constant 1 : i32
      %parallel_loop3A_346 = arith.constant 1 : i32
      %parallel_loop3A_347 = arith.constant 1 : i32
      scf.for %parallel_loop3A_367 = %parallel_loop3A_343 to %parallel_loop3A_344 step %parallel_loop3A_345  : i32 {
        %parallel_loop3A_368 = vector.broadcast %parallel_loop3A_367 : i32 to vector<16xi32>
        %parallel_loop3A_369 = arith.constant 8 : i32
        %parallel_loop3A_370 = vector.broadcast %parallel_loop3A_369 : i32 to vector<16xi32>
        %parallel_loop3A_371 = arith.muli %iota3A, %parallel_loop3A_370 : vector<16xi32>
        %parallel_loop3A_372 = arith.constant 7 : i32
        %parallel_loop3A_373 = vector.broadcast %parallel_loop3A_372 : i32 to vector<16xi32>
        %parallel_loop3A_374 = arith.addi %parallel_loop3A_371, %parallel_loop3A_373 : vector<16xi32>
        %parallel_loop3A_375 = tpu.vector_load_idx %arg7[%parallel_loop3A_368, %parallel_loop3A_374] : memref<64x128xf32, #tpu.memory_space<vmem>>[vector<16xi32>, vector<16xi32>], vector<16xf32>,
        %parallel_loop3A_376 = arith.constant 0 : i32
        %parallel_loop3A_377 = vector.broadcast %parallel_loop3A_376 : i32 to vector<16xi32>
        %parallel_loop3A_378 = arith.constant 0 : i32
        %parallel_loop3A_379 = vector.broadcast %parallel_loop3A_378 : i32 to vector<16xi32>
        %parallel_loop3A_380 = arith.constant 0 : i32
        %parallel_loop3A_381 = vector.broadcast %parallel_loop3A_380 : i32 to vector<16xi32>
        %parallel_loop3A_382 = arith.constant 0 : i32
        %parallel_loop3A_383 = vector.broadcast %parallel_loop3A_382 : i32 to vector<16xi32>
        %parallel_loop3A_384 = arith.constant 0 : i32
        %parallel_loop3A_385 = vector.broadcast %parallel_loop3A_384 : i32 to vector<16xi32>
        %parallel_loop3A_386 = arith.constant 0 : i32
        %parallel_loop3A_387 = vector.broadcast %parallel_loop3A_386 : i32 to vector<16xi32>
        %parallel_loop3A_388 = arith.constant 0 : i32
        %parallel_loop3A_389 = vector.broadcast %parallel_loop3A_388 : i32 to vector<16xi32>
        %parallel_loop3A_390 = arith.constant 0 : i32
        %parallel_loop3A_391 = vector.broadcast %parallel_loop3A_390 : i32 to vector<16xi32>
        %parallel_loop3A_392 = arith.constant 7 : i32
        %parallel_loop3A_393 = vector.broadcast %parallel_loop3A_392 : i32 to vector<16xi32>
        %parallel_loop3A_394 = arith.addi %parallel_loop3A_377, %parallel_loop3A_393 : vector<16xi32>
        %parallel_loop3A_395 = vector.shape_cast %parallel_loop3A_394 : vector<16xi32> to vector<16x1xi32>
        %parallel_loop3A_396 = vector.shape_cast %parallel_loop3A_395 : vector<16x1xi32> to vector<16xi32>
        %parallel_loop3A_397 = tpu.dynamic_gather %parallel_loop3A_375[%parallel_loop3A_396] in [0] : vector<16xf32>, vector<16xi32> -> vector<16xf32>
        %parallel_loop3A_398 = arith.constant 7 : i32
        %parallel_loop3A_399 = vector.broadcast %parallel_loop3A_398 : i32 to vector<16xi32>
        %parallel_loop3A_400 = arith.addi %parallel_loop3A_379, %parallel_loop3A_399 : vector<16xi32>
        %parallel_loop3A_401 = vector.shape_cast %parallel_loop3A_400 : vector<16xi32> to vector<16x1xi32>
        %parallel_loop3A_402 = vector.shape_cast %parallel_loop3A_401 : vector<16x1xi32> to vector<16xi32>
        %parallel_loop3A_403 = tpu.dynamic_gather %parallel_loop3A_375[%parallel_loop3A_402] in [0] : vector<16xf32>, vector<16xi32> -> vector<16xf32>
        %parallel_loop3A_404 = arith.constant 7 : i32
        %parallel_loop3A_405 = vector.broadcast %parallel_loop3A_404 : i32 to vector<16xi32>
        %parallel_loop3A_406 = arith.addi %parallel_loop3A_381, %parallel_loop3A_405 : vector<16xi32>
        %parallel_loop3A_407 = vector.shape_cast %parallel_loop3A_406 : vector<16xi32> to vector<16x1xi32>
        %parallel_loop3A_408 = vector.shape_cast %parallel_loop3A_407 : vector<16x1xi32> to vector<16xi32>
        %parallel_loop3A_409 = tpu.dynamic_gather %parallel_loop3A_375[%parallel_loop3A_408] in [0] : vector<16xf32>, vector<16xi32> -> vector<16xf32>
        %parallel_loop3A_410 = arith.constant 7 : i32
        %parallel_loop3A_411 = vector.broadcast %parallel_loop3A_410 : i32 to vector<16xi32>
        %parallel_loop3A_412 = arith.addi %parallel_loop3A_383, %parallel_loop3A_411 : vector<16xi32>
        %parallel_loop3A_413 = vector.shape_cast %parallel_loop3A_412 : vector<16xi32> to vector<16x1xi32>
        %parallel_loop3A_414 = vector.shape_cast %parallel_loop3A_413 : vector<16x1xi32> to vector<16xi32>
        %parallel_loop3A_415 = tpu.dynamic_gather %parallel_loop3A_375[%parallel_loop3A_414] in [0] : vector<16xf32>, vector<16xi32> -> vector<16xf32>
        %parallel_loop3A_416 = arith.constant 7 : i32
        %parallel_loop3A_417 = vector.broadcast %parallel_loop3A_416 : i32 to vector<16xi32>
        %parallel_loop3A_418 = arith.addi %parallel_loop3A_385, %parallel_loop3A_417 : vector<16xi32>
        %parallel_loop3A_419 = vector.shape_cast %parallel_loop3A_418 : vector<16xi32> to vector<16x1xi32>
        %parallel_loop3A_420 = vector.shape_cast %parallel_loop3A_419 : vector<16x1xi32> to vector<16xi32>
        %parallel_loop3A_421 = tpu.dynamic_gather %parallel_loop3A_375[%parallel_loop3A_420] in [0] : vector<16xf32>, vector<16xi32> -> vector<16xf32>
        %parallel_loop3A_422 = arith.constant 7 : i32
        %parallel_loop3A_423 = vector.broadcast %parallel_loop3A_422 : i32 to vector<16xi32>
        %parallel_loop3A_424 = arith.addi %parallel_loop3A_387, %parallel_loop3A_423 : vector<16xi32>
        %parallel_loop3A_425 = vector.shape_cast %parallel_loop3A_424 : vector<16xi32> to vector<16x1xi32>
        %parallel_loop3A_426 = vector.shape_cast %parallel_loop3A_425 : vector<16x1xi32> to vector<16xi32>
        %parallel_loop3A_427 = tpu.dynamic_gather %parallel_loop3A_375[%parallel_loop3A_426] in [0] : vector<16xf32>, vector<16xi32> -> vector<16xf32>
        %parallel_loop3A_428 = arith.constant 7 : i32
        %parallel_loop3A_429 = vector.broadcast %parallel_loop3A_428 : i32 to vector<16xi32>
        %parallel_loop3A_430 = arith.addi %parallel_loop3A_389, %parallel_loop3A_429 : vector<16xi32>
        %parallel_loop3A_431 = vector.shape_cast %parallel_loop3A_430 : vector<16xi32> to vector<16x1xi32>
        %parallel_loop3A_432 = vector.shape_cast %parallel_loop3A_431 : vector<16x1xi32> to vector<16xi32>
        %parallel_loop3A_433 = tpu.dynamic_gather %parallel_loop3A_375[%parallel_loop3A_432] in [0] : vector<16xf32>, vector<16xi32> -> vector<16xf32>
        %parallel_loop3A_434 = arith.constant 7 : i32
        %parallel_loop3A_435 = vector.broadcast %parallel_loop3A_434 : i32 to vector<16xi32>
        %parallel_loop3A_436 = arith.addi %parallel_loop3A_391, %parallel_loop3A_435 : vector<16xi32>
        %parallel_loop3A_437 = vector.shape_cast %parallel_loop3A_436 : vector<16xi32> to vector<16x1xi32>
        %parallel_loop3A_438 = vector.shape_cast %parallel_loop3A_437 : vector<16x1xi32> to vector<16xi32>
        %parallel_loop3A_439 = tpu.dynamic_gather %parallel_loop3A_375[%parallel_loop3A_438] in [0] : vector<16xf32>, vector<16xi32> -> vector<16xf32>
        %parallel_loop3A_440 = arith.cmpf ole, %parallel_loop3A_397, %mul3A_279 : vector<16xf32>
        %parallel_loop3A_441 = arith.constant 8 : i32
        %parallel_loop3A_442 = arith.constant 0 : i32
        %parallel_loop3A_443 = vector.broadcast %parallel_loop3A_441 : i32 to vector<16xi32>
        %parallel_loop3A_444 = vector.broadcast %parallel_loop3A_442 : i32 to vector<16xi32>
        %parallel_loop3A_445 = arith.select %parallel_loop3A_440, %parallel_loop3A_443, %parallel_loop3A_444 : vector<16xi1>, vector<16xi32>
        %parallel_loop3A_446 = arith.addi %parallel_loop3A_377, %parallel_loop3A_445 : vector<16xi32>
        %parallel_loop3A_447 = arith.cmpf ole, %parallel_loop3A_403, %mul3A_288 : vector<16xf32>
        %parallel_loop3A_448 = arith.constant 8 : i32
        %parallel_loop3A_449 = arith.constant 0 : i32
        %parallel_loop3A_450 = vector.broadcast %parallel_loop3A_448 : i32 to vector<16xi32>
        %parallel_loop3A_451 = vector.broadcast %parallel_loop3A_449 : i32 to vector<16xi32>
        %parallel_loop3A_452 = arith.select %parallel_loop3A_447, %parallel_loop3A_450, %parallel_loop3A_451 : vector<16xi1>, vector<16xi32>
        %parallel_loop3A_453 = arith.addi %parallel_loop3A_379, %parallel_loop3A_452 : vector<16xi32>
        %parallel_loop3A_454 = arith.cmpf ole, %parallel_loop3A_409, %mul3A_297 : vector<16xf32>
        %parallel_loop3A_455 = arith.constant 8 : i32
        %parallel_loop3A_456 = arith.constant 0 : i32
        %parallel_loop3A_457 = vector.broadcast %parallel_loop3A_455 : i32 to vector<16xi32>
        %parallel_loop3A_458 = vector.broadcast %parallel_loop3A_456 : i32 to vector<16xi32>
        %parallel_loop3A_459 = arith.select %parallel_loop3A_454, %parallel_loop3A_457, %parallel_loop3A_458 : vector<16xi1>, vector<16xi32>
        %parallel_loop3A_460 = arith.addi %parallel_loop3A_381, %parallel_loop3A_459 : vector<16xi32>
        %parallel_loop3A_461 = arith.cmpf ole, %parallel_loop3A_415, %mul3A_306 : vector<16xf32>
        %parallel_loop3A_462 = arith.constant 8 : i32
        %parallel_loop3A_463 = arith.constant 0 : i32
        %parallel_loop3A_464 = vector.broadcast %parallel_loop3A_462 : i32 to vector<16xi32>
        %parallel_loop3A_465 = vector.broadcast %parallel_loop3A_463 : i32 to vector<16xi32>
        %parallel_loop3A_466 = arith.select %parallel_loop3A_461, %parallel_loop3A_464, %parallel_loop3A_465 : vector<16xi1>, vector<16xi32>
        %parallel_loop3A_467 = arith.addi %parallel_loop3A_383, %parallel_loop3A_466 : vector<16xi32>
        %parallel_loop3A_468 = arith.cmpf ole, %parallel_loop3A_421, %mul3A_315 : vector<16xf32>
        %parallel_loop3A_469 = arith.constant 8 : i32
        %parallel_loop3A_470 = arith.constant 0 : i32
        %parallel_loop3A_471 = vector.broadcast %parallel_loop3A_469 : i32 to vector<16xi32>
        %parallel_loop3A_472 = vector.broadcast %parallel_loop3A_470 : i32 to vector<16xi32>
        %parallel_loop3A_473 = arith.select %parallel_loop3A_468, %parallel_loop3A_471, %parallel_loop3A_472 : vector<16xi1>, vector<16xi32>
        %parallel_loop3A_474 = arith.addi %parallel_loop3A_385, %parallel_loop3A_473 : vector<16xi32>
        %parallel_loop3A_475 = arith.cmpf ole, %parallel_loop3A_427, %mul3A_324 : vector<16xf32>
        %parallel_loop3A_476 = arith.constant 8 : i32
        %parallel_loop3A_477 = arith.constant 0 : i32
        %parallel_loop3A_478 = vector.broadcast %parallel_loop3A_476 : i32 to vector<16xi32>
        %parallel_loop3A_479 = vector.broadcast %parallel_loop3A_477 : i32 to vector<16xi32>
        %parallel_loop3A_480 = arith.select %parallel_loop3A_475, %parallel_loop3A_478, %parallel_loop3A_479 : vector<16xi1>, vector<16xi32>
        %parallel_loop3A_481 = arith.addi %parallel_loop3A_387, %parallel_loop3A_480 : vector<16xi32>
        %parallel_loop3A_482 = arith.cmpf ole, %parallel_loop3A_433, %mul3A_333 : vector<16xf32>
        %parallel_loop3A_483 = arith.constant 8 : i32
        %parallel_loop3A_484 = arith.constant 0 : i32
        %parallel_loop3A_485 = vector.broadcast %parallel_loop3A_483 : i32 to vector<16xi32>
        %parallel_loop3A_486 = vector.broadcast %parallel_loop3A_484 : i32 to vector<16xi32>
        %parallel_loop3A_487 = arith.select %parallel_loop3A_482, %parallel_loop3A_485, %parallel_loop3A_486 : vector<16xi1>, vector<16xi32>
        %parallel_loop3A_488 = arith.addi %parallel_loop3A_389, %parallel_loop3A_487 : vector<16xi32>
        %parallel_loop3A_489 = arith.cmpf ole, %parallel_loop3A_439, %mul3A_342 : vector<16xf32>
        %parallel_loop3A_490 = arith.constant 8 : i32
        %parallel_loop3A_491 = arith.constant 0 : i32
        %parallel_loop3A_492 = vector.broadcast %parallel_loop3A_490 : i32 to vector<16xi32>
        %parallel_loop3A_493 = vector.broadcast %parallel_loop3A_491 : i32 to vector<16xi32>
        %parallel_loop3A_494 = arith.select %parallel_loop3A_489, %parallel_loop3A_492, %parallel_loop3A_493 : vector<16xi1>, vector<16xi32>
        %parallel_loop3A_495 = arith.addi %parallel_loop3A_391, %parallel_loop3A_494 : vector<16xi32>
        %parallel_loop3A_496 = arith.constant 3 : i32
        %parallel_loop3A_497 = vector.broadcast %parallel_loop3A_496 : i32 to vector<16xi32>
        %parallel_loop3A_498 = arith.addi %parallel_loop3A_446, %parallel_loop3A_497 : vector<16xi32>
        %parallel_loop3A_499 = vector.shape_cast %parallel_loop3A_498 : vector<16xi32> to vector<16x1xi32>
        %parallel_loop3A_500 = vector.shape_cast %parallel_loop3A_499 : vector<16x1xi32> to vector<16xi32>
        %parallel_loop3A_501 = tpu.dynamic_gather %parallel_loop3A_375[%parallel_loop3A_500] in [0] : vector<16xf32>, vector<16xi32> -> vector<16xf32>
        %parallel_loop3A_502 = arith.constant 3 : i32
        %parallel_loop3A_503 = vector.broadcast %parallel_loop3A_502 : i32 to vector<16xi32>
        %parallel_loop3A_504 = arith.addi %parallel_loop3A_453, %parallel_loop3A_503 : vector<16xi32>
        %parallel_loop3A_505 = vector.shape_cast %parallel_loop3A_504 : vector<16xi32> to vector<16x1xi32>
        %parallel_loop3A_506 = vector.shape_cast %parallel_loop3A_505 : vector<16x1xi32> to vector<16xi32>
        %parallel_loop3A_507 = tpu.dynamic_gather %parallel_loop3A_375[%parallel_loop3A_506] in [0] : vector<16xf32>, vector<16xi32> -> vector<16xf32>
        %parallel_loop3A_508 = arith.constant 3 : i32
        %parallel_loop3A_509 = vector.broadcast %parallel_loop3A_508 : i32 to vector<16xi32>
        %parallel_loop3A_510 = arith.addi %parallel_loop3A_460, %parallel_loop3A_509 : vector<16xi32>
        %parallel_loop3A_511 = vector.shape_cast %parallel_loop3A_510 : vector<16xi32> to vector<16x1xi32>
        %parallel_loop3A_512 = vector.shape_cast %parallel_loop3A_511 : vector<16x1xi32> to vector<16xi32>
        %parallel_loop3A_513 = tpu.dynamic_gather %parallel_loop3A_375[%parallel_loop3A_512] in [0] : vector<16xf32>, vector<16xi32> -> vector<16xf32>
        %parallel_loop3A_514 = arith.constant 3 : i32
        %parallel_loop3A_515 = vector.broadcast %parallel_loop3A_514 : i32 to vector<16xi32>
        %parallel_loop3A_516 = arith.addi %parallel_loop3A_467, %parallel_loop3A_515 : vector<16xi32>
        %parallel_loop3A_517 = vector.shape_cast %parallel_loop3A_516 : vector<16xi32> to vector<16x1xi32>
        %parallel_loop3A_518 = vector.shape_cast %parallel_loop3A_517 : vector<16x1xi32> to vector<16xi32>
        %parallel_loop3A_519 = tpu.dynamic_gather %parallel_loop3A_375[%parallel_loop3A_518] in [0] : vector<16xf32>, vector<16xi32> -> vector<16xf32>
        %parallel_loop3A_520 = arith.constant 3 : i32
        %parallel_loop3A_521 = vector.broadcast %parallel_loop3A_520 : i32 to vector<16xi32>
        %parallel_loop3A_522 = arith.addi %parallel_loop3A_474, %parallel_loop3A_521 : vector<16xi32>
        %parallel_loop3A_523 = vector.shape_cast %parallel_loop3A_522 : vector<16xi32> to vector<16x1xi32>
        %parallel_loop3A_524 = vector.shape_cast %parallel_loop3A_523 : vector<16x1xi32> to vector<16xi32>
        %parallel_loop3A_525 = tpu.dynamic_gather %parallel_loop3A_375[%parallel_loop3A_524] in [0] : vector<16xf32>, vector<16xi32> -> vector<16xf32>
        %parallel_loop3A_526 = arith.constant 3 : i32
        %parallel_loop3A_527 = vector.broadcast %parallel_loop3A_526 : i32 to vector<16xi32>
        %parallel_loop3A_528 = arith.addi %parallel_loop3A_481, %parallel_loop3A_527 : vector<16xi32>
        %parallel_loop3A_529 = vector.shape_cast %parallel_loop3A_528 : vector<16xi32> to vector<16x1xi32>
        %parallel_loop3A_530 = vector.shape_cast %parallel_loop3A_529 : vector<16x1xi32> to vector<16xi32>
        %parallel_loop3A_531 = tpu.dynamic_gather %parallel_loop3A_375[%parallel_loop3A_530] in [0] : vector<16xf32>, vector<16xi32> -> vector<16xf32>
        %parallel_loop3A_532 = arith.constant 3 : i32
        %parallel_loop3A_533 = vector.broadcast %parallel_loop3A_532 : i32 to vector<16xi32>
        %parallel_loop3A_534 = arith.addi %parallel_loop3A_488, %parallel_loop3A_533 : vector<16xi32>
        %parallel_loop3A_535 = vector.shape_cast %parallel_loop3A_534 : vector<16xi32> to vector<16x1xi32>
        %parallel_loop3A_536 = vector.shape_cast %parallel_loop3A_535 : vector<16x1xi32> to vector<16xi32>
        %parallel_loop3A_537 = tpu.dynamic_gather %parallel_loop3A_375[%parallel_loop3A_536] in [0] : vector<16xf32>, vector<16xi32> -> vector<16xf32>
        %parallel_loop3A_538 = arith.constant 3 : i32
        %parallel_loop3A_539 = vector.broadcast %parallel_loop3A_538 : i32 to vector<16xi32>
        %parallel_loop3A_540 = arith.addi %parallel_loop3A_495, %parallel_loop3A_539 : vector<16xi32>
        %parallel_loop3A_541 = vector.shape_cast %parallel_loop3A_540 : vector<16xi32> to vector<16x1xi32>
        %parallel_loop3A_542 = vector.shape_cast %parallel_loop3A_541 : vector<16x1xi32> to vector<16xi32>
        %parallel_loop3A_543 = tpu.dynamic_gather %parallel_loop3A_375[%parallel_loop3A_542] in [0] : vector<16xf32>, vector<16xi32> -> vector<16xf32>
        %parallel_loop3A_544 = arith.cmpf ole, %parallel_loop3A_501, %mul3A_279 : vector<16xf32>
        %parallel_loop3A_545 = arith.constant 4 : i32
        %parallel_loop3A_546 = arith.constant 0 : i32
        %parallel_loop3A_547 = vector.broadcast %parallel_loop3A_545 : i32 to vector<16xi32>
        %parallel_loop3A_548 = vector.broadcast %parallel_loop3A_546 : i32 to vector<16xi32>
        %parallel_loop3A_549 = arith.select %parallel_loop3A_544, %parallel_loop3A_547, %parallel_loop3A_548 : vector<16xi1>, vector<16xi32>
        %parallel_loop3A_550 = arith.addi %parallel_loop3A_446, %parallel_loop3A_549 : vector<16xi32>
        %parallel_loop3A_551 = arith.cmpf ole, %parallel_loop3A_507, %mul3A_288 : vector<16xf32>
        %parallel_loop3A_552 = arith.constant 4 : i32
        %parallel_loop3A_553 = arith.constant 0 : i32
        %parallel_loop3A_554 = vector.broadcast %parallel_loop3A_552 : i32 to vector<16xi32>
        %parallel_loop3A_555 = vector.broadcast %parallel_loop3A_553 : i32 to vector<16xi32>
        %parallel_loop3A_556 = arith.select %parallel_loop3A_551, %parallel_loop3A_554, %parallel_loop3A_555 : vector<16xi1>, vector<16xi32>
        %parallel_loop3A_557 = arith.addi %parallel_loop3A_453, %parallel_loop3A_556 : vector<16xi32>
        %parallel_loop3A_558 = arith.cmpf ole, %parallel_loop3A_513, %mul3A_297 : vector<16xf32>
        %parallel_loop3A_559 = arith.constant 4 : i32
        %parallel_loop3A_560 = arith.constant 0 : i32
        %parallel_loop3A_561 = vector.broadcast %parallel_loop3A_559 : i32 to vector<16xi32>
        %parallel_loop3A_562 = vector.broadcast %parallel_loop3A_560 : i32 to vector<16xi32>
        %parallel_loop3A_563 = arith.select %parallel_loop3A_558, %parallel_loop3A_561, %parallel_loop3A_562 : vector<16xi1>, vector<16xi32>
        %parallel_loop3A_564 = arith.addi %parallel_loop3A_460, %parallel_loop3A_563 : vector<16xi32>
        %parallel_loop3A_565 = arith.cmpf ole, %parallel_loop3A_519, %mul3A_306 : vector<16xf32>
        %parallel_loop3A_566 = arith.constant 4 : i32
        %parallel_loop3A_567 = arith.constant 0 : i32
        %parallel_loop3A_568 = vector.broadcast %parallel_loop3A_566 : i32 to vector<16xi32>
        %parallel_loop3A_569 = vector.broadcast %parallel_loop3A_567 : i32 to vector<16xi32>
        %parallel_loop3A_570 = arith.select %parallel_loop3A_565, %parallel_loop3A_568, %parallel_loop3A_569 : vector<16xi1>, vector<16xi32>
        %parallel_loop3A_571 = arith.addi %parallel_loop3A_467, %parallel_loop3A_570 : vector<16xi32>
        %parallel_loop3A_572 = arith.cmpf ole, %parallel_loop3A_525, %mul3A_315 : vector<16xf32>
        %parallel_loop3A_573 = arith.constant 4 : i32
        %parallel_loop3A_574 = arith.constant 0 : i32
        %parallel_loop3A_575 = vector.broadcast %parallel_loop3A_573 : i32 to vector<16xi32>
        %parallel_loop3A_576 = vector.broadcast %parallel_loop3A_574 : i32 to vector<16xi32>
        %parallel_loop3A_577 = arith.select %parallel_loop3A_572, %parallel_loop3A_575, %parallel_loop3A_576 : vector<16xi1>, vector<16xi32>
        %parallel_loop3A_578 = arith.addi %parallel_loop3A_474, %parallel_loop3A_577 : vector<16xi32>
        %parallel_loop3A_579 = arith.cmpf ole, %parallel_loop3A_531, %mul3A_324 : vector<16xf32>
        %parallel_loop3A_580 = arith.constant 4 : i32
        %parallel_loop3A_581 = arith.constant 0 : i32
        %parallel_loop3A_582 = vector.broadcast %parallel_loop3A_580 : i32 to vector<16xi32>
        %parallel_loop3A_583 = vector.broadcast %parallel_loop3A_581 : i32 to vector<16xi32>
        %parallel_loop3A_584 = arith.select %parallel_loop3A_579, %parallel_loop3A_582, %parallel_loop3A_583 : vector<16xi1>, vector<16xi32>
        %parallel_loop3A_585 = arith.addi %parallel_loop3A_481, %parallel_loop3A_584 : vector<16xi32>
        %parallel_loop3A_586 = arith.cmpf ole, %parallel_loop3A_537, %mul3A_333 : vector<16xf32>
        %parallel_loop3A_587 = arith.constant 4 : i32
        %parallel_loop3A_588 = arith.constant 0 : i32
        %parallel_loop3A_589 = vector.broadcast %parallel_loop3A_587 : i32 to vector<16xi32>
        %parallel_loop3A_590 = vector.broadcast %parallel_loop3A_588 : i32 to vector<16xi32>
        %parallel_loop3A_591 = arith.select %parallel_loop3A_586, %parallel_loop3A_589, %parallel_loop3A_590 : vector<16xi1>, vector<16xi32>
        %parallel_loop3A_592 = arith.addi %parallel_loop3A_488, %parallel_loop3A_591 : vector<16xi32>
        %parallel_loop3A_593 = arith.cmpf ole, %parallel_loop3A_543, %mul3A_342 : vector<16xf32>
        %parallel_loop3A_594 = arith.constant 4 : i32
        %parallel_loop3A_595 = arith.constant 0 : i32
        %parallel_loop3A_596 = vector.broadcast %parallel_loop3A_594 : i32 to vector<16xi32>
        %parallel_loop3A_597 = vector.broadcast %parallel_loop3A_595 : i32 to vector<16xi32>
        %parallel_loop3A_598 = arith.select %parallel_loop3A_593, %parallel_loop3A_596, %parallel_loop3A_597 : vector<16xi1>, vector<16xi32>
        %parallel_loop3A_599 = arith.addi %parallel_loop3A_495, %parallel_loop3A_598 : vector<16xi32>
        %parallel_loop3A_600 = arith.constant 1 : i32
        %parallel_loop3A_601 = vector.broadcast %parallel_loop3A_600 : i32 to vector<16xi32>
        %parallel_loop3A_602 = arith.addi %parallel_loop3A_550, %parallel_loop3A_601 : vector<16xi32>
        %parallel_loop3A_603 = vector.shape_cast %parallel_loop3A_602 : vector<16xi32> to vector<16x1xi32>
        %parallel_loop3A_604 = vector.shape_cast %parallel_loop3A_603 : vector<16x1xi32> to vector<16xi32>
        %parallel_loop3A_605 = tpu.dynamic_gather %parallel_loop3A_375[%parallel_loop3A_604] in [0] : vector<16xf32>, vector<16xi32> -> vector<16xf32>
        %parallel_loop3A_606 = arith.constant 1 : i32
        %parallel_loop3A_607 = vector.broadcast %parallel_loop3A_606 : i32 to vector<16xi32>
        %parallel_loop3A_608 = arith.addi %parallel_loop3A_557, %parallel_loop3A_607 : vector<16xi32>
        %parallel_loop3A_609 = vector.shape_cast %parallel_loop3A_608 : vector<16xi32> to vector<16x1xi32>
        %parallel_loop3A_610 = vector.shape_cast %parallel_loop3A_609 : vector<16x1xi32> to vector<16xi32>
        %parallel_loop3A_611 = tpu.dynamic_gather %parallel_loop3A_375[%parallel_loop3A_610] in [0] : vector<16xf32>, vector<16xi32> -> vector<16xf32>
        %parallel_loop3A_612 = arith.constant 1 : i32
        %parallel_loop3A_613 = vector.broadcast %parallel_loop3A_612 : i32 to vector<16xi32>
        %parallel_loop3A_614 = arith.addi %parallel_loop3A_564, %parallel_loop3A_613 : vector<16xi32>
        %parallel_loop3A_615 = vector.shape_cast %parallel_loop3A_614 : vector<16xi32> to vector<16x1xi32>
        %parallel_loop3A_616 = vector.shape_cast %parallel_loop3A_615 : vector<16x1xi32> to vector<16xi32>
        %parallel_loop3A_617 = tpu.dynamic_gather %parallel_loop3A_375[%parallel_loop3A_616] in [0] : vector<16xf32>, vector<16xi32> -> vector<16xf32>
        %parallel_loop3A_618 = arith.constant 1 : i32
        %parallel_loop3A_619 = vector.broadcast %parallel_loop3A_618 : i32 to vector<16xi32>
        %parallel_loop3A_620 = arith.addi %parallel_loop3A_571, %parallel_loop3A_619 : vector<16xi32>
        %parallel_loop3A_621 = vector.shape_cast %parallel_loop3A_620 : vector<16xi32> to vector<16x1xi32>
        %parallel_loop3A_622 = vector.shape_cast %parallel_loop3A_621 : vector<16x1xi32> to vector<16xi32>
        %parallel_loop3A_623 = tpu.dynamic_gather %parallel_loop3A_375[%parallel_loop3A_622] in [0] : vector<16xf32>, vector<16xi32> -> vector<16xf32>
        %parallel_loop3A_624 = arith.constant 1 : i32
        %parallel_loop3A_625 = vector.broadcast %parallel_loop3A_624 : i32 to vector<16xi32>
        %parallel_loop3A_626 = arith.addi %parallel_loop3A_578, %parallel_loop3A_625 : vector<16xi32>
        %parallel_loop3A_627 = vector.shape_cast %parallel_loop3A_626 : vector<16xi32> to vector<16x1xi32>
        %parallel_loop3A_628 = vector.shape_cast %parallel_loop3A_627 : vector<16x1xi32> to vector<16xi32>
        %parallel_loop3A_629 = tpu.dynamic_gather %parallel_loop3A_375[%parallel_loop3A_628] in [0] : vector<16xf32>, vector<16xi32> -> vector<16xf32>
        %parallel_loop3A_630 = arith.constant 1 : i32
        %parallel_loop3A_631 = vector.broadcast %parallel_loop3A_630 : i32 to vector<16xi32>
        %parallel_loop3A_632 = arith.addi %parallel_loop3A_585, %parallel_loop3A_631 : vector<16xi32>
        %parallel_loop3A_633 = vector.shape_cast %parallel_loop3A_632 : vector<16xi32> to vector<16x1xi32>
        %parallel_loop3A_634 = vector.shape_cast %parallel_loop3A_633 : vector<16x1xi32> to vector<16xi32>
        %parallel_loop3A_635 = tpu.dynamic_gather %parallel_loop3A_375[%parallel_loop3A_634] in [0] : vector<16xf32>, vector<16xi32> -> vector<16xf32>
        %parallel_loop3A_636 = arith.constant 1 : i32
        %parallel_loop3A_637 = vector.broadcast %parallel_loop3A_636 : i32 to vector<16xi32>
        %parallel_loop3A_638 = arith.addi %parallel_loop3A_592, %parallel_loop3A_637 : vector<16xi32>
        %parallel_loop3A_639 = vector.shape_cast %parallel_loop3A_638 : vector<16xi32> to vector<16x1xi32>
        %parallel_loop3A_640 = vector.shape_cast %parallel_loop3A_639 : vector<16x1xi32> to vector<16xi32>
        %parallel_loop3A_641 = tpu.dynamic_gather %parallel_loop3A_375[%parallel_loop3A_640] in [0] : vector<16xf32>, vector<16xi32> -> vector<16xf32>
        %parallel_loop3A_642 = arith.constant 1 : i32
        %parallel_loop3A_643 = vector.broadcast %parallel_loop3A_642 : i32 to vector<16xi32>
        %parallel_loop3A_644 = arith.addi %parallel_loop3A_599, %parallel_loop3A_643 : vector<16xi32>
        %parallel_loop3A_645 = vector.shape_cast %parallel_loop3A_644 : vector<16xi32> to vector<16x1xi32>
        %parallel_loop3A_646 = vector.shape_cast %parallel_loop3A_645 : vector<16x1xi32> to vector<16xi32>
        %parallel_loop3A_647 = tpu.dynamic_gather %parallel_loop3A_375[%parallel_loop3A_646] in [0] : vector<16xf32>, vector<16xi32> -> vector<16xf32>
        %parallel_loop3A_648 = arith.cmpf ole, %parallel_loop3A_605, %mul3A_279 : vector<16xf32>
        %parallel_loop3A_649 = arith.constant 2 : i32
        %parallel_loop3A_650 = arith.constant 0 : i32
        %parallel_loop3A_651 = vector.broadcast %parallel_loop3A_649 : i32 to vector<16xi32>
        %parallel_loop3A_652 = vector.broadcast %parallel_loop3A_650 : i32 to vector<16xi32>
        %parallel_loop3A_653 = arith.select %parallel_loop3A_648, %parallel_loop3A_651, %parallel_loop3A_652 : vector<16xi1>, vector<16xi32>
        %parallel_loop3A_654 = arith.addi %parallel_loop3A_550, %parallel_loop3A_653 : vector<16xi32>
        %parallel_loop3A_655 = arith.cmpf ole, %parallel_loop3A_611, %mul3A_288 : vector<16xf32>
        %parallel_loop3A_656 = arith.constant 2 : i32
        %parallel_loop3A_657 = arith.constant 0 : i32
        %parallel_loop3A_658 = vector.broadcast %parallel_loop3A_656 : i32 to vector<16xi32>
        %parallel_loop3A_659 = vector.broadcast %parallel_loop3A_657 : i32 to vector<16xi32>
        %parallel_loop3A_660 = arith.select %parallel_loop3A_655, %parallel_loop3A_658, %parallel_loop3A_659 : vector<16xi1>, vector<16xi32>
        %parallel_loop3A_661 = arith.addi %parallel_loop3A_557, %parallel_loop3A_660 : vector<16xi32>
        %parallel_loop3A_662 = arith.cmpf ole, %parallel_loop3A_617, %mul3A_297 : vector<16xf32>
        %parallel_loop3A_663 = arith.constant 2 : i32
        %parallel_loop3A_664 = arith.constant 0 : i32
        %parallel_loop3A_665 = vector.broadcast %parallel_loop3A_663 : i32 to vector<16xi32>
        %parallel_loop3A_666 = vector.broadcast %parallel_loop3A_664 : i32 to vector<16xi32>
        %parallel_loop3A_667 = arith.select %parallel_loop3A_662, %parallel_loop3A_665, %parallel_loop3A_666 : vector<16xi1>, vector<16xi32>
        %parallel_loop3A_668 = arith.addi %parallel_loop3A_564, %parallel_loop3A_667 : vector<16xi32>
        %parallel_loop3A_669 = arith.cmpf ole, %parallel_loop3A_623, %mul3A_306 : vector<16xf32>
        %parallel_loop3A_670 = arith.constant 2 : i32
        %parallel_loop3A_671 = arith.constant 0 : i32
        %parallel_loop3A_672 = vector.broadcast %parallel_loop3A_670 : i32 to vector<16xi32>
        %parallel_loop3A_673 = vector.broadcast %parallel_loop3A_671 : i32 to vector<16xi32>
        %parallel_loop3A_674 = arith.select %parallel_loop3A_669, %parallel_loop3A_672, %parallel_loop3A_673 : vector<16xi1>, vector<16xi32>
        %parallel_loop3A_675 = arith.addi %parallel_loop3A_571, %parallel_loop3A_674 : vector<16xi32>
        %parallel_loop3A_676 = arith.cmpf ole, %parallel_loop3A_629, %mul3A_315 : vector<16xf32>
        %parallel_loop3A_677 = arith.constant 2 : i32
        %parallel_loop3A_678 = arith.constant 0 : i32
        %parallel_loop3A_679 = vector.broadcast %parallel_loop3A_677 : i32 to vector<16xi32>
        %parallel_loop3A_680 = vector.broadcast %parallel_loop3A_678 : i32 to vector<16xi32>
        %parallel_loop3A_681 = arith.select %parallel_loop3A_676, %parallel_loop3A_679, %parallel_loop3A_680 : vector<16xi1>, vector<16xi32>
        %parallel_loop3A_682 = arith.addi %parallel_loop3A_578, %parallel_loop3A_681 : vector<16xi32>
        %parallel_loop3A_683 = arith.cmpf ole, %parallel_loop3A_635, %mul3A_324 : vector<16xf32>
        %parallel_loop3A_684 = arith.constant 2 : i32
        %parallel_loop3A_685 = arith.constant 0 : i32
        %parallel_loop3A_686 = vector.broadcast %parallel_loop3A_684 : i32 to vector<16xi32>
        %parallel_loop3A_687 = vector.broadcast %parallel_loop3A_685 : i32 to vector<16xi32>
        %parallel_loop3A_688 = arith.select %parallel_loop3A_683, %parallel_loop3A_686, %parallel_loop3A_687 : vector<16xi1>, vector<16xi32>
        %parallel_loop3A_689 = arith.addi %parallel_loop3A_585, %parallel_loop3A_688 : vector<16xi32>
        %parallel_loop3A_690 = arith.cmpf ole, %parallel_loop3A_641, %mul3A_333 : vector<16xf32>
        %parallel_loop3A_691 = arith.constant 2 : i32
        %parallel_loop3A_692 = arith.constant 0 : i32
        %parallel_loop3A_693 = vector.broadcast %parallel_loop3A_691 : i32 to vector<16xi32>
        %parallel_loop3A_694 = vector.broadcast %parallel_loop3A_692 : i32 to vector<16xi32>
        %parallel_loop3A_695 = arith.select %parallel_loop3A_690, %parallel_loop3A_693, %parallel_loop3A_694 : vector<16xi1>, vector<16xi32>
        %parallel_loop3A_696 = arith.addi %parallel_loop3A_592, %parallel_loop3A_695 : vector<16xi32>
        %parallel_loop3A_697 = arith.cmpf ole, %parallel_loop3A_647, %mul3A_342 : vector<16xf32>
        %parallel_loop3A_698 = arith.constant 2 : i32
        %parallel_loop3A_699 = arith.constant 0 : i32
        %parallel_loop3A_700 = vector.broadcast %parallel_loop3A_698 : i32 to vector<16xi32>
        %parallel_loop3A_701 = vector.broadcast %parallel_loop3A_699 : i32 to vector<16xi32>
        %parallel_loop3A_702 = arith.select %parallel_loop3A_697, %parallel_loop3A_700, %parallel_loop3A_701 : vector<16xi1>, vector<16xi32>
        %parallel_loop3A_703 = arith.addi %parallel_loop3A_599, %parallel_loop3A_702 : vector<16xi32>
        %parallel_loop3A_704 = arith.constant 0 : i32
        %parallel_loop3A_705 = vector.broadcast %parallel_loop3A_704 : i32 to vector<16xi32>
        %parallel_loop3A_706 = arith.addi %parallel_loop3A_654, %parallel_loop3A_705 : vector<16xi32>
        %parallel_loop3A_707 = vector.shape_cast %parallel_loop3A_706 : vector<16xi32> to vector<16x1xi32>
        %parallel_loop3A_708 = vector.shape_cast %parallel_loop3A_707 : vector<16x1xi32> to vector<16xi32>
        %parallel_loop3A_709 = tpu.dynamic_gather %parallel_loop3A_375[%parallel_loop3A_708] in [0] : vector<16xf32>, vector<16xi32> -> vector<16xf32>
        %parallel_loop3A_710 = arith.constant 0 : i32
        %parallel_loop3A_711 = vector.broadcast %parallel_loop3A_710 : i32 to vector<16xi32>
        %parallel_loop3A_712 = arith.addi %parallel_loop3A_661, %parallel_loop3A_711 : vector<16xi32>
        %parallel_loop3A_713 = vector.shape_cast %parallel_loop3A_712 : vector<16xi32> to vector<16x1xi32>
        %parallel_loop3A_714 = vector.shape_cast %parallel_loop3A_713 : vector<16x1xi32> to vector<16xi32>
        %parallel_loop3A_715 = tpu.dynamic_gather %parallel_loop3A_375[%parallel_loop3A_714] in [0] : vector<16xf32>, vector<16xi32> -> vector<16xf32>
        %parallel_loop3A_716 = arith.constant 0 : i32
        %parallel_loop3A_717 = vector.broadcast %parallel_loop3A_716 : i32 to vector<16xi32>
        %parallel_loop3A_718 = arith.addi %parallel_loop3A_668, %parallel_loop3A_717 : vector<16xi32>
        %parallel_loop3A_719 = vector.shape_cast %parallel_loop3A_718 : vector<16xi32> to vector<16x1xi32>
        %parallel_loop3A_720 = vector.shape_cast %parallel_loop3A_719 : vector<16x1xi32> to vector<16xi32>
        %parallel_loop3A_721 = tpu.dynamic_gather %parallel_loop3A_375[%parallel_loop3A_720] in [0] : vector<16xf32>, vector<16xi32> -> vector<16xf32>
        %parallel_loop3A_722 = arith.constant 0 : i32
        %parallel_loop3A_723 = vector.broadcast %parallel_loop3A_722 : i32 to vector<16xi32>
        %parallel_loop3A_724 = arith.addi %parallel_loop3A_675, %parallel_loop3A_723 : vector<16xi32>
        %parallel_loop3A_725 = vector.shape_cast %parallel_loop3A_724 : vector<16xi32> to vector<16x1xi32>
        %parallel_loop3A_726 = vector.shape_cast %parallel_loop3A_725 : vector<16x1xi32> to vector<16xi32>
        %parallel_loop3A_727 = tpu.dynamic_gather %parallel_loop3A_375[%parallel_loop3A_726] in [0] : vector<16xf32>, vector<16xi32> -> vector<16xf32>
        %parallel_loop3A_728 = arith.constant 0 : i32
        %parallel_loop3A_729 = vector.broadcast %parallel_loop3A_728 : i32 to vector<16xi32>
        %parallel_loop3A_730 = arith.addi %parallel_loop3A_682, %parallel_loop3A_729 : vector<16xi32>
        %parallel_loop3A_731 = vector.shape_cast %parallel_loop3A_730 : vector<16xi32> to vector<16x1xi32>
        %parallel_loop3A_732 = vector.shape_cast %parallel_loop3A_731 : vector<16x1xi32> to vector<16xi32>
        %parallel_loop3A_733 = tpu.dynamic_gather %parallel_loop3A_375[%parallel_loop3A_732] in [0] : vector<16xf32>, vector<16xi32> -> vector<16xf32>
        %parallel_loop3A_734 = arith.constant 0 : i32
        %parallel_loop3A_735 = vector.broadcast %parallel_loop3A_734 : i32 to vector<16xi32>
        %parallel_loop3A_736 = arith.addi %parallel_loop3A_689, %parallel_loop3A_735 : vector<16xi32>
        %parallel_loop3A_737 = vector.shape_cast %parallel_loop3A_736 : vector<16xi32> to vector<16x1xi32>
        %parallel_loop3A_738 = vector.shape_cast %parallel_loop3A_737 : vector<16x1xi32> to vector<16xi32>
        %parallel_loop3A_739 = tpu.dynamic_gather %parallel_loop3A_375[%parallel_loop3A_738] in [0] : vector<16xf32>, vector<16xi32> -> vector<16xf32>
        %parallel_loop3A_740 = arith.constant 0 : i32
        %parallel_loop3A_741 = vector.broadcast %parallel_loop3A_740 : i32 to vector<16xi32>
        %parallel_loop3A_742 = arith.addi %parallel_loop3A_696, %parallel_loop3A_741 : vector<16xi32>
        %parallel_loop3A_743 = vector.shape_cast %parallel_loop3A_742 : vector<16xi32> to vector<16x1xi32>
        %parallel_loop3A_744 = vector.shape_cast %parallel_loop3A_743 : vector<16x1xi32> to vector<16xi32>
        %parallel_loop3A_745 = tpu.dynamic_gather %parallel_loop3A_375[%parallel_loop3A_744] in [0] : vector<16xf32>, vector<16xi32> -> vector<16xf32>
        %parallel_loop3A_746 = arith.constant 0 : i32
        %parallel_loop3A_747 = vector.broadcast %parallel_loop3A_746 : i32 to vector<16xi32>
        %parallel_loop3A_748 = arith.addi %parallel_loop3A_703, %parallel_loop3A_747 : vector<16xi32>
        %parallel_loop3A_749 = vector.shape_cast %parallel_loop3A_748 : vector<16xi32> to vector<16x1xi32>
        %parallel_loop3A_750 = vector.shape_cast %parallel_loop3A_749 : vector<16x1xi32> to vector<16xi32>
        %parallel_loop3A_751 = tpu.dynamic_gather %parallel_loop3A_375[%parallel_loop3A_750] in [0] : vector<16xf32>, vector<16xi32> -> vector<16xf32>
        %parallel_loop3A_752 = arith.cmpf ole, %parallel_loop3A_709, %mul3A_279 : vector<16xf32>
        %parallel_loop3A_753 = arith.constant 1 : i32
        %parallel_loop3A_754 = arith.constant 0 : i32
        %parallel_loop3A_755 = vector.broadcast %parallel_loop3A_753 : i32 to vector<16xi32>
        %parallel_loop3A_756 = vector.broadcast %parallel_loop3A_754 : i32 to vector<16xi32>
        %parallel_loop3A_757 = arith.select %parallel_loop3A_752, %parallel_loop3A_755, %parallel_loop3A_756 : vector<16xi1>, vector<16xi32>
        %parallel_loop3A_758 = arith.addi %parallel_loop3A_654, %parallel_loop3A_757 : vector<16xi32>
        %parallel_loop3A_759 = arith.cmpf ole, %parallel_loop3A_715, %mul3A_288 : vector<16xf32>
        %parallel_loop3A_760 = arith.constant 1 : i32
        %parallel_loop3A_761 = arith.constant 0 : i32
        %parallel_loop3A_762 = vector.broadcast %parallel_loop3A_760 : i32 to vector<16xi32>
        %parallel_loop3A_763 = vector.broadcast %parallel_loop3A_761 : i32 to vector<16xi32>
        %parallel_loop3A_764 = arith.select %parallel_loop3A_759, %parallel_loop3A_762, %parallel_loop3A_763 : vector<16xi1>, vector<16xi32>
        %parallel_loop3A_765 = arith.addi %parallel_loop3A_661, %parallel_loop3A_764 : vector<16xi32>
        %parallel_loop3A_766 = arith.cmpf ole, %parallel_loop3A_721, %mul3A_297 : vector<16xf32>
        %parallel_loop3A_767 = arith.constant 1 : i32
        %parallel_loop3A_768 = arith.constant 0 : i32
        %parallel_loop3A_769 = vector.broadcast %parallel_loop3A_767 : i32 to vector<16xi32>
        %parallel_loop3A_770 = vector.broadcast %parallel_loop3A_768 : i32 to vector<16xi32>
        %parallel_loop3A_771 = arith.select %parallel_loop3A_766, %parallel_loop3A_769, %parallel_loop3A_770 : vector<16xi1>, vector<16xi32>
        %parallel_loop3A_772 = arith.addi %parallel_loop3A_668, %parallel_loop3A_771 : vector<16xi32>
        %parallel_loop3A_773 = arith.cmpf ole, %parallel_loop3A_727, %mul3A_306 : vector<16xf32>
        %parallel_loop3A_774 = arith.constant 1 : i32
        %parallel_loop3A_775 = arith.constant 0 : i32
        %parallel_loop3A_776 = vector.broadcast %parallel_loop3A_774 : i32 to vector<16xi32>
        %parallel_loop3A_777 = vector.broadcast %parallel_loop3A_775 : i32 to vector<16xi32>
        %parallel_loop3A_778 = arith.select %parallel_loop3A_773, %parallel_loop3A_776, %parallel_loop3A_777 : vector<16xi1>, vector<16xi32>
        %parallel_loop3A_779 = arith.addi %parallel_loop3A_675, %parallel_loop3A_778 : vector<16xi32>
        %parallel_loop3A_780 = arith.cmpf ole, %parallel_loop3A_733, %mul3A_315 : vector<16xf32>
        %parallel_loop3A_781 = arith.constant 1 : i32
        %parallel_loop3A_782 = arith.constant 0 : i32
        %parallel_loop3A_783 = vector.broadcast %parallel_loop3A_781 : i32 to vector<16xi32>
        %parallel_loop3A_784 = vector.broadcast %parallel_loop3A_782 : i32 to vector<16xi32>
        %parallel_loop3A_785 = arith.select %parallel_loop3A_780, %parallel_loop3A_783, %parallel_loop3A_784 : vector<16xi1>, vector<16xi32>
        %parallel_loop3A_786 = arith.addi %parallel_loop3A_682, %parallel_loop3A_785 : vector<16xi32>
        %parallel_loop3A_787 = arith.cmpf ole, %parallel_loop3A_739, %mul3A_324 : vector<16xf32>
        %parallel_loop3A_788 = arith.constant 1 : i32
        %parallel_loop3A_789 = arith.constant 0 : i32
        %parallel_loop3A_790 = vector.broadcast %parallel_loop3A_788 : i32 to vector<16xi32>
        %parallel_loop3A_791 = vector.broadcast %parallel_loop3A_789 : i32 to vector<16xi32>
        %parallel_loop3A_792 = arith.select %parallel_loop3A_787, %parallel_loop3A_790, %parallel_loop3A_791 : vector<16xi1>, vector<16xi32>
        %parallel_loop3A_793 = arith.addi %parallel_loop3A_689, %parallel_loop3A_792 : vector<16xi32>
        %parallel_loop3A_794 = arith.cmpf ole, %parallel_loop3A_745, %mul3A_333 : vector<16xf32>
        %parallel_loop3A_795 = arith.constant 1 : i32
        %parallel_loop3A_796 = arith.constant 0 : i32
        %parallel_loop3A_797 = vector.broadcast %parallel_loop3A_795 : i32 to vector<16xi32>
        %parallel_loop3A_798 = vector.broadcast %parallel_loop3A_796 : i32 to vector<16xi32>
        %parallel_loop3A_799 = arith.select %parallel_loop3A_794, %parallel_loop3A_797, %parallel_loop3A_798 : vector<16xi1>, vector<16xi32>
        %parallel_loop3A_800 = arith.addi %parallel_loop3A_696, %parallel_loop3A_799 : vector<16xi32>
        %parallel_loop3A_801 = arith.cmpf ole, %parallel_loop3A_751, %mul3A_342 : vector<16xf32>
        %parallel_loop3A_802 = arith.constant 1 : i32
        %parallel_loop3A_803 = arith.constant 0 : i32
        %parallel_loop3A_804 = vector.broadcast %parallel_loop3A_802 : i32 to vector<16xi32>
        %parallel_loop3A_805 = vector.broadcast %parallel_loop3A_803 : i32 to vector<16xi32>
        %parallel_loop3A_806 = arith.select %parallel_loop3A_801, %parallel_loop3A_804, %parallel_loop3A_805 : vector<16xi1>, vector<16xi32>
        %parallel_loop3A_807 = arith.addi %parallel_loop3A_703, %parallel_loop3A_806 : vector<16xi32>
        %parallel_loop3A_808 = arith.constant 8 : i32
        %parallel_loop3A_809 = vector.broadcast %parallel_loop3A_808 : i32 to vector<16xi32>
        %parallel_loop3A_810 = arith.muli %parallel_loop3A_758, %parallel_loop3A_809 : vector<16xi32>
        %parallel_loop3A_811 = arith.constant 8 : i32
        %parallel_loop3A_812 = vector.broadcast %parallel_loop3A_811 : i32 to vector<16xi32>
        %parallel_loop3A_813 = arith.muli %parallel_loop3A_765, %parallel_loop3A_812 : vector<16xi32>
        %parallel_loop3A_814 = arith.constant 8 : i32
        %parallel_loop3A_815 = vector.broadcast %parallel_loop3A_814 : i32 to vector<16xi32>
        %parallel_loop3A_816 = arith.muli %parallel_loop3A_772, %parallel_loop3A_815 : vector<16xi32>
        %parallel_loop3A_817 = arith.constant 8 : i32
        %parallel_loop3A_818 = vector.broadcast %parallel_loop3A_817 : i32 to vector<16xi32>
        %parallel_loop3A_819 = arith.muli %parallel_loop3A_779, %parallel_loop3A_818 : vector<16xi32>
        %parallel_loop3A_820 = arith.constant 8 : i32
        %parallel_loop3A_821 = vector.broadcast %parallel_loop3A_820 : i32 to vector<16xi32>
        %parallel_loop3A_822 = arith.muli %parallel_loop3A_786, %parallel_loop3A_821 : vector<16xi32>
        %parallel_loop3A_823 = arith.constant 8 : i32
        %parallel_loop3A_824 = vector.broadcast %parallel_loop3A_823 : i32 to vector<16xi32>
        %parallel_loop3A_825 = arith.muli %parallel_loop3A_793, %parallel_loop3A_824 : vector<16xi32>
        %parallel_loop3A_826 = arith.constant 8 : i32
        %parallel_loop3A_827 = vector.broadcast %parallel_loop3A_826 : i32 to vector<16xi32>
        %parallel_loop3A_828 = arith.muli %parallel_loop3A_800, %parallel_loop3A_827 : vector<16xi32>
        %parallel_loop3A_829 = arith.constant 8 : i32
        %parallel_loop3A_830 = vector.broadcast %parallel_loop3A_829 : i32 to vector<16xi32>
        %parallel_loop3A_831 = arith.muli %parallel_loop3A_807, %parallel_loop3A_830 : vector<16xi32>
        %parallel_loop3A_832 = arith.constant 3 : i32
        %parallel_loop3A_833 = vector.broadcast %parallel_loop3A_832 : i32 to vector<16xi32>
        %parallel_loop3A_834 = arith.addi %parallel_loop3A_810, %parallel_loop3A_833 : vector<16xi32>
        %parallel_loop3A_835 = tpu.vector_load_idx %arg7[%parallel_loop3A_368, %parallel_loop3A_834] : memref<64x128xf32, #tpu.memory_space<vmem>>[vector<16xi32>, vector<16xi32>], vector<16xf32>,
        %parallel_loop3A_836 = arith.constant 3 : i32
        %parallel_loop3A_837 = vector.broadcast %parallel_loop3A_836 : i32 to vector<16xi32>
        %parallel_loop3A_838 = arith.addi %parallel_loop3A_813, %parallel_loop3A_837 : vector<16xi32>
        %parallel_loop3A_839 = tpu.vector_load_idx %arg7[%parallel_loop3A_368, %parallel_loop3A_838] : memref<64x128xf32, #tpu.memory_space<vmem>>[vector<16xi32>, vector<16xi32>], vector<16xf32>,
        %parallel_loop3A_840 = arith.constant 3 : i32
        %parallel_loop3A_841 = vector.broadcast %parallel_loop3A_840 : i32 to vector<16xi32>
        %parallel_loop3A_842 = arith.addi %parallel_loop3A_816, %parallel_loop3A_841 : vector<16xi32>
        %parallel_loop3A_843 = tpu.vector_load_idx %arg7[%parallel_loop3A_368, %parallel_loop3A_842] : memref<64x128xf32, #tpu.memory_space<vmem>>[vector<16xi32>, vector<16xi32>], vector<16xf32>,
        %parallel_loop3A_844 = arith.constant 3 : i32
        %parallel_loop3A_845 = vector.broadcast %parallel_loop3A_844 : i32 to vector<16xi32>
        %parallel_loop3A_846 = arith.addi %parallel_loop3A_819, %parallel_loop3A_845 : vector<16xi32>
        %parallel_loop3A_847 = tpu.vector_load_idx %arg7[%parallel_loop3A_368, %parallel_loop3A_846] : memref<64x128xf32, #tpu.memory_space<vmem>>[vector<16xi32>, vector<16xi32>], vector<16xf32>,
        %parallel_loop3A_848 = arith.constant 3 : i32
        %parallel_loop3A_849 = vector.broadcast %parallel_loop3A_848 : i32 to vector<16xi32>
        %parallel_loop3A_850 = arith.addi %parallel_loop3A_822, %parallel_loop3A_849 : vector<16xi32>
        %parallel_loop3A_851 = tpu.vector_load_idx %arg7[%parallel_loop3A_368, %parallel_loop3A_850] : memref<64x128xf32, #tpu.memory_space<vmem>>[vector<16xi32>, vector<16xi32>], vector<16xf32>,
        %parallel_loop3A_852 = arith.constant 3 : i32
        %parallel_loop3A_853 = vector.broadcast %parallel_loop3A_852 : i32 to vector<16xi32>
        %parallel_loop3A_854 = arith.addi %parallel_loop3A_825, %parallel_loop3A_853 : vector<16xi32>
        %parallel_loop3A_855 = tpu.vector_load_idx %arg7[%parallel_loop3A_368, %parallel_loop3A_854] : memref<64x128xf32, #tpu.memory_space<vmem>>[vector<16xi32>, vector<16xi32>], vector<16xf32>,
        %parallel_loop3A_856 = arith.constant 3 : i32
        %parallel_loop3A_857 = vector.broadcast %parallel_loop3A_856 : i32 to vector<16xi32>
        %parallel_loop3A_858 = arith.addi %parallel_loop3A_828, %parallel_loop3A_857 : vector<16xi32>
        %parallel_loop3A_859 = tpu.vector_load_idx %arg7[%parallel_loop3A_368, %parallel_loop3A_858] : memref<64x128xf32, #tpu.memory_space<vmem>>[vector<16xi32>, vector<16xi32>], vector<16xf32>,
        %parallel_loop3A_860 = arith.constant 3 : i32
        %parallel_loop3A_861 = vector.broadcast %parallel_loop3A_860 : i32 to vector<16xi32>
        %parallel_loop3A_862 = arith.addi %parallel_loop3A_831, %parallel_loop3A_861 : vector<16xi32>
        %parallel_loop3A_863 = tpu.vector_load_idx %arg7[%parallel_loop3A_368, %parallel_loop3A_862] : memref<64x128xf32, #tpu.memory_space<vmem>>[vector<16xi32>, vector<16xi32>], vector<16xf32>,
        %parallel_loop3A_864 = arith.cmpf ole, %parallel_loop3A_835, %mul3A_279 : vector<16xf32>
        %parallel_loop3A_865 = arith.constant 4 : i32
        %parallel_loop3A_866 = arith.constant 0 : i32
        %parallel_loop3A_867 = vector.broadcast %parallel_loop3A_865 : i32 to vector<16xi32>
        %parallel_loop3A_868 = vector.broadcast %parallel_loop3A_866 : i32 to vector<16xi32>
        %parallel_loop3A_869 = arith.select %parallel_loop3A_864, %parallel_loop3A_867, %parallel_loop3A_868 : vector<16xi1>, vector<16xi32>
        %parallel_loop3A_870 = arith.addi %parallel_loop3A_810, %parallel_loop3A_869 : vector<16xi32>
        %parallel_loop3A_871 = arith.cmpf ole, %parallel_loop3A_839, %mul3A_288 : vector<16xf32>
        %parallel_loop3A_872 = arith.constant 4 : i32
        %parallel_loop3A_873 = arith.constant 0 : i32
        %parallel_loop3A_874 = vector.broadcast %parallel_loop3A_872 : i32 to vector<16xi32>
        %parallel_loop3A_875 = vector.broadcast %parallel_loop3A_873 : i32 to vector<16xi32>
        %parallel_loop3A_876 = arith.select %parallel_loop3A_871, %parallel_loop3A_874, %parallel_loop3A_875 : vector<16xi1>, vector<16xi32>
        %parallel_loop3A_877 = arith.addi %parallel_loop3A_813, %parallel_loop3A_876 : vector<16xi32>
        %parallel_loop3A_878 = arith.cmpf ole, %parallel_loop3A_843, %mul3A_297 : vector<16xf32>
        %parallel_loop3A_879 = arith.constant 4 : i32
        %parallel_loop3A_880 = arith.constant 0 : i32
        %parallel_loop3A_881 = vector.broadcast %parallel_loop3A_879 : i32 to vector<16xi32>
        %parallel_loop3A_882 = vector.broadcast %parallel_loop3A_880 : i32 to vector<16xi32>
        %parallel_loop3A_883 = arith.select %parallel_loop3A_878, %parallel_loop3A_881, %parallel_loop3A_882 : vector<16xi1>, vector<16xi32>
        %parallel_loop3A_884 = arith.addi %parallel_loop3A_816, %parallel_loop3A_883 : vector<16xi32>
        %parallel_loop3A_885 = arith.cmpf ole, %parallel_loop3A_847, %mul3A_306 : vector<16xf32>
        %parallel_loop3A_886 = arith.constant 4 : i32
        %parallel_loop3A_887 = arith.constant 0 : i32
        %parallel_loop3A_888 = vector.broadcast %parallel_loop3A_886 : i32 to vector<16xi32>
        %parallel_loop3A_889 = vector.broadcast %parallel_loop3A_887 : i32 to vector<16xi32>
        %parallel_loop3A_890 = arith.select %parallel_loop3A_885, %parallel_loop3A_888, %parallel_loop3A_889 : vector<16xi1>, vector<16xi32>
        %parallel_loop3A_891 = arith.addi %parallel_loop3A_819, %parallel_loop3A_890 : vector<16xi32>
        %parallel_loop3A_892 = arith.cmpf ole, %parallel_loop3A_851, %mul3A_315 : vector<16xf32>
        %parallel_loop3A_893 = arith.constant 4 : i32
        %parallel_loop3A_894 = arith.constant 0 : i32
        %parallel_loop3A_895 = vector.broadcast %parallel_loop3A_893 : i32 to vector<16xi32>
        %parallel_loop3A_896 = vector.broadcast %parallel_loop3A_894 : i32 to vector<16xi32>
        %parallel_loop3A_897 = arith.select %parallel_loop3A_892, %parallel_loop3A_895, %parallel_loop3A_896 : vector<16xi1>, vector<16xi32>
        %parallel_loop3A_898 = arith.addi %parallel_loop3A_822, %parallel_loop3A_897 : vector<16xi32>
        %parallel_loop3A_899 = arith.cmpf ole, %parallel_loop3A_855, %mul3A_324 : vector<16xf32>
        %parallel_loop3A_900 = arith.constant 4 : i32
        %parallel_loop3A_901 = arith.constant 0 : i32
        %parallel_loop3A_902 = vector.broadcast %parallel_loop3A_900 : i32 to vector<16xi32>
        %parallel_loop3A_903 = vector.broadcast %parallel_loop3A_901 : i32 to vector<16xi32>
        %parallel_loop3A_904 = arith.select %parallel_loop3A_899, %parallel_loop3A_902, %parallel_loop3A_903 : vector<16xi1>, vector<16xi32>
        %parallel_loop3A_905 = arith.addi %parallel_loop3A_825, %parallel_loop3A_904 : vector<16xi32>
        %parallel_loop3A_906 = arith.cmpf ole, %parallel_loop3A_859, %mul3A_333 : vector<16xf32>
        %parallel_loop3A_907 = arith.constant 4 : i32
        %parallel_loop3A_908 = arith.constant 0 : i32
        %parallel_loop3A_909 = vector.broadcast %parallel_loop3A_907 : i32 to vector<16xi32>
        %parallel_loop3A_910 = vector.broadcast %parallel_loop3A_908 : i32 to vector<16xi32>
        %parallel_loop3A_911 = arith.select %parallel_loop3A_906, %parallel_loop3A_909, %parallel_loop3A_910 : vector<16xi1>, vector<16xi32>
        %parallel_loop3A_912 = arith.addi %parallel_loop3A_828, %parallel_loop3A_911 : vector<16xi32>
        %parallel_loop3A_913 = arith.cmpf ole, %parallel_loop3A_863, %mul3A_342 : vector<16xf32>
        %parallel_loop3A_914 = arith.constant 4 : i32
        %parallel_loop3A_915 = arith.constant 0 : i32
        %parallel_loop3A_916 = vector.broadcast %parallel_loop3A_914 : i32 to vector<16xi32>
        %parallel_loop3A_917 = vector.broadcast %parallel_loop3A_915 : i32 to vector<16xi32>
        %parallel_loop3A_918 = arith.select %parallel_loop3A_913, %parallel_loop3A_916, %parallel_loop3A_917 : vector<16xi1>, vector<16xi32>
        %parallel_loop3A_919 = arith.addi %parallel_loop3A_831, %parallel_loop3A_918 : vector<16xi32>
        %parallel_loop3A_920 = arith.constant 1 : i32
        %parallel_loop3A_921 = vector.broadcast %parallel_loop3A_920 : i32 to vector<16xi32>
        %parallel_loop3A_922 = arith.addi %parallel_loop3A_870, %parallel_loop3A_921 : vector<16xi32>
        %parallel_loop3A_923 = tpu.vector_load_idx %arg7[%parallel_loop3A_368, %parallel_loop3A_922] : memref<64x128xf32, #tpu.memory_space<vmem>>[vector<16xi32>, vector<16xi32>], vector<16xf32>,
        %parallel_loop3A_924 = arith.constant 1 : i32
        %parallel_loop3A_925 = vector.broadcast %parallel_loop3A_924 : i32 to vector<16xi32>
        %parallel_loop3A_926 = arith.addi %parallel_loop3A_877, %parallel_loop3A_925 : vector<16xi32>
        %parallel_loop3A_927 = tpu.vector_load_idx %arg7[%parallel_loop3A_368, %parallel_loop3A_926] : memref<64x128xf32, #tpu.memory_space<vmem>>[vector<16xi32>, vector<16xi32>], vector<16xf32>,
        %parallel_loop3A_928 = arith.constant 1 : i32
        %parallel_loop3A_929 = vector.broadcast %parallel_loop3A_928 : i32 to vector<16xi32>
        %parallel_loop3A_930 = arith.addi %parallel_loop3A_884, %parallel_loop3A_929 : vector<16xi32>
        %parallel_loop3A_931 = tpu.vector_load_idx %arg7[%parallel_loop3A_368, %parallel_loop3A_930] : memref<64x128xf32, #tpu.memory_space<vmem>>[vector<16xi32>, vector<16xi32>], vector<16xf32>,
        %parallel_loop3A_932 = arith.constant 1 : i32
        %parallel_loop3A_933 = vector.broadcast %parallel_loop3A_932 : i32 to vector<16xi32>
        %parallel_loop3A_934 = arith.addi %parallel_loop3A_891, %parallel_loop3A_933 : vector<16xi32>
        %parallel_loop3A_935 = tpu.vector_load_idx %arg7[%parallel_loop3A_368, %parallel_loop3A_934] : memref<64x128xf32, #tpu.memory_space<vmem>>[vector<16xi32>, vector<16xi32>], vector<16xf32>,
        %parallel_loop3A_936 = arith.constant 1 : i32
        %parallel_loop3A_937 = vector.broadcast %parallel_loop3A_936 : i32 to vector<16xi32>
        %parallel_loop3A_938 = arith.addi %parallel_loop3A_898, %parallel_loop3A_937 : vector<16xi32>
        %parallel_loop3A_939 = tpu.vector_load_idx %arg7[%parallel_loop3A_368, %parallel_loop3A_938] : memref<64x128xf32, #tpu.memory_space<vmem>>[vector<16xi32>, vector<16xi32>], vector<16xf32>,
        %parallel_loop3A_940 = arith.constant 1 : i32
        %parallel_loop3A_941 = vector.broadcast %parallel_loop3A_940 : i32 to vector<16xi32>
        %parallel_loop3A_942 = arith.addi %parallel_loop3A_905, %parallel_loop3A_941 : vector<16xi32>
        %parallel_loop3A_943 = tpu.vector_load_idx %arg7[%parallel_loop3A_368, %parallel_loop3A_942] : memref<64x128xf32, #tpu.memory_space<vmem>>[vector<16xi32>, vector<16xi32>], vector<16xf32>,
        %parallel_loop3A_944 = arith.constant 1 : i32
        %parallel_loop3A_945 = vector.broadcast %parallel_loop3A_944 : i32 to vector<16xi32>
        %parallel_loop3A_946 = arith.addi %parallel_loop3A_912, %parallel_loop3A_945 : vector<16xi32>
        %parallel_loop3A_947 = tpu.vector_load_idx %arg7[%parallel_loop3A_368, %parallel_loop3A_946] : memref<64x128xf32, #tpu.memory_space<vmem>>[vector<16xi32>, vector<16xi32>], vector<16xf32>,
        %parallel_loop3A_948 = arith.constant 1 : i32
        %parallel_loop3A_949 = vector.broadcast %parallel_loop3A_948 : i32 to vector<16xi32>
        %parallel_loop3A_950 = arith.addi %parallel_loop3A_919, %parallel_loop3A_949 : vector<16xi32>
        %parallel_loop3A_951 = tpu.vector_load_idx %arg7[%parallel_loop3A_368, %parallel_loop3A_950] : memref<64x128xf32, #tpu.memory_space<vmem>>[vector<16xi32>, vector<16xi32>], vector<16xf32>,
        %parallel_loop3A_952 = arith.cmpf ole, %parallel_loop3A_923, %mul3A_279 : vector<16xf32>
        %parallel_loop3A_953 = arith.constant 2 : i32
        %parallel_loop3A_954 = arith.constant 0 : i32
        %parallel_loop3A_955 = vector.broadcast %parallel_loop3A_953 : i32 to vector<16xi32>
        %parallel_loop3A_956 = vector.broadcast %parallel_loop3A_954 : i32 to vector<16xi32>
        %parallel_loop3A_957 = arith.select %parallel_loop3A_952, %parallel_loop3A_955, %parallel_loop3A_956 : vector<16xi1>, vector<16xi32>
        %parallel_loop3A_958 = arith.addi %parallel_loop3A_870, %parallel_loop3A_957 : vector<16xi32>
        %parallel_loop3A_959 = arith.cmpf ole, %parallel_loop3A_927, %mul3A_288 : vector<16xf32>
        %parallel_loop3A_960 = arith.constant 2 : i32
        %parallel_loop3A_961 = arith.constant 0 : i32
        %parallel_loop3A_962 = vector.broadcast %parallel_loop3A_960 : i32 to vector<16xi32>
        %parallel_loop3A_963 = vector.broadcast %parallel_loop3A_961 : i32 to vector<16xi32>
        %parallel_loop3A_964 = arith.select %parallel_loop3A_959, %parallel_loop3A_962, %parallel_loop3A_963 : vector<16xi1>, vector<16xi32>
        %parallel_loop3A_965 = arith.addi %parallel_loop3A_877, %parallel_loop3A_964 : vector<16xi32>
        %parallel_loop3A_966 = arith.cmpf ole, %parallel_loop3A_931, %mul3A_297 : vector<16xf32>
        %parallel_loop3A_967 = arith.constant 2 : i32
        %parallel_loop3A_968 = arith.constant 0 : i32
        %parallel_loop3A_969 = vector.broadcast %parallel_loop3A_967 : i32 to vector<16xi32>
        %parallel_loop3A_970 = vector.broadcast %parallel_loop3A_968 : i32 to vector<16xi32>
        %parallel_loop3A_971 = arith.select %parallel_loop3A_966, %parallel_loop3A_969, %parallel_loop3A_970 : vector<16xi1>, vector<16xi32>
        %parallel_loop3A_972 = arith.addi %parallel_loop3A_884, %parallel_loop3A_971 : vector<16xi32>
        %parallel_loop3A_973 = arith.cmpf ole, %parallel_loop3A_935, %mul3A_306 : vector<16xf32>
        %parallel_loop3A_974 = arith.constant 2 : i32
        %parallel_loop3A_975 = arith.constant 0 : i32
        %parallel_loop3A_976 = vector.broadcast %parallel_loop3A_974 : i32 to vector<16xi32>
        %parallel_loop3A_977 = vector.broadcast %parallel_loop3A_975 : i32 to vector<16xi32>
        %parallel_loop3A_978 = arith.select %parallel_loop3A_973, %parallel_loop3A_976, %parallel_loop3A_977 : vector<16xi1>, vector<16xi32>
        %parallel_loop3A_979 = arith.addi %parallel_loop3A_891, %parallel_loop3A_978 : vector<16xi32>
        %parallel_loop3A_980 = arith.cmpf ole, %parallel_loop3A_939, %mul3A_315 : vector<16xf32>
        %parallel_loop3A_981 = arith.constant 2 : i32
        %parallel_loop3A_982 = arith.constant 0 : i32
        %parallel_loop3A_983 = vector.broadcast %parallel_loop3A_981 : i32 to vector<16xi32>
        %parallel_loop3A_984 = vector.broadcast %parallel_loop3A_982 : i32 to vector<16xi32>
        %parallel_loop3A_985 = arith.select %parallel_loop3A_980, %parallel_loop3A_983, %parallel_loop3A_984 : vector<16xi1>, vector<16xi32>
        %parallel_loop3A_986 = arith.addi %parallel_loop3A_898, %parallel_loop3A_985 : vector<16xi32>
        %parallel_loop3A_987 = arith.cmpf ole, %parallel_loop3A_943, %mul3A_324 : vector<16xf32>
        %parallel_loop3A_988 = arith.constant 2 : i32
        %parallel_loop3A_989 = arith.constant 0 : i32
        %parallel_loop3A_990 = vector.broadcast %parallel_loop3A_988 : i32 to vector<16xi32>
        %parallel_loop3A_991 = vector.broadcast %parallel_loop3A_989 : i32 to vector<16xi32>
        %parallel_loop3A_992 = arith.select %parallel_loop3A_987, %parallel_loop3A_990, %parallel_loop3A_991 : vector<16xi1>, vector<16xi32>
        %parallel_loop3A_993 = arith.addi %parallel_loop3A_905, %parallel_loop3A_992 : vector<16xi32>
        %parallel_loop3A_994 = arith.cmpf ole, %parallel_loop3A_947, %mul3A_333 : vector<16xf32>
        %parallel_loop3A_995 = arith.constant 2 : i32
        %parallel_loop3A_996 = arith.constant 0 : i32
        %parallel_loop3A_997 = vector.broadcast %parallel_loop3A_995 : i32 to vector<16xi32>
        %parallel_loop3A_998 = vector.broadcast %parallel_loop3A_996 : i32 to vector<16xi32>
        %parallel_loop3A_999 = arith.select %parallel_loop3A_994, %parallel_loop3A_997, %parallel_loop3A_998 : vector<16xi1>, vector<16xi32>
        %parallel_loop3A_1000 = arith.addi %parallel_loop3A_912, %parallel_loop3A_999 : vector<16xi32>
        %parallel_loop3A_1001 = arith.cmpf ole, %parallel_loop3A_951, %mul3A_342 : vector<16xf32>
        %parallel_loop3A_1002 = arith.constant 2 : i32
        %parallel_loop3A_1003 = arith.constant 0 : i32
        %parallel_loop3A_1004 = vector.broadcast %parallel_loop3A_1002 : i32 to vector<16xi32>
        %parallel_loop3A_1005 = vector.broadcast %parallel_loop3A_1003 : i32 to vector<16xi32>
        %parallel_loop3A_1006 = arith.select %parallel_loop3A_1001, %parallel_loop3A_1004, %parallel_loop3A_1005 : vector<16xi1>, vector<16xi32>
        %parallel_loop3A_1007 = arith.addi %parallel_loop3A_919, %parallel_loop3A_1006 : vector<16xi32>
        %parallel_loop3A_1008 = tpu.vector_load_idx %arg7[%parallel_loop3A_368, %parallel_loop3A_958] : memref<64x128xf32, #tpu.memory_space<vmem>>[vector<16xi32>, vector<16xi32>], vector<16xf32>,
        %parallel_loop3A_1009 = tpu.vector_load_idx %arg7[%parallel_loop3A_368, %parallel_loop3A_965] : memref<64x128xf32, #tpu.memory_space<vmem>>[vector<16xi32>, vector<16xi32>], vector<16xf32>,
        %parallel_loop3A_1010 = tpu.vector_load_idx %arg7[%parallel_loop3A_368, %parallel_loop3A_972] : memref<64x128xf32, #tpu.memory_space<vmem>>[vector<16xi32>, vector<16xi32>], vector<16xf32>,
        %parallel_loop3A_1011 = tpu.vector_load_idx %arg7[%parallel_loop3A_368, %parallel_loop3A_979] : memref<64x128xf32, #tpu.memory_space<vmem>>[vector<16xi32>, vector<16xi32>], vector<16xf32>,
        %parallel_loop3A_1012 = tpu.vector_load_idx %arg7[%parallel_loop3A_368, %parallel_loop3A_986] : memref<64x128xf32, #tpu.memory_space<vmem>>[vector<16xi32>, vector<16xi32>], vector<16xf32>,
        %parallel_loop3A_1013 = tpu.vector_load_idx %arg7[%parallel_loop3A_368, %parallel_loop3A_993] : memref<64x128xf32, #tpu.memory_space<vmem>>[vector<16xi32>, vector<16xi32>], vector<16xf32>,
        %parallel_loop3A_1014 = tpu.vector_load_idx %arg7[%parallel_loop3A_368, %parallel_loop3A_1000] : memref<64x128xf32, #tpu.memory_space<vmem>>[vector<16xi32>, vector<16xi32>], vector<16xf32>,
        %parallel_loop3A_1015 = tpu.vector_load_idx %arg7[%parallel_loop3A_368, %parallel_loop3A_1007] : memref<64x128xf32, #tpu.memory_space<vmem>>[vector<16xi32>, vector<16xi32>], vector<16xf32>,
        %parallel_loop3A_1016 = arith.cmpf ole, %parallel_loop3A_1008, %mul3A_279 : vector<16xf32>
        %parallel_loop3A_1017 = arith.cmpf ole, %parallel_loop3A_1009, %mul3A_288 : vector<16xf32>
        %parallel_loop3A_1018 = arith.cmpf ole, %parallel_loop3A_1010, %mul3A_297 : vector<16xf32>
        %parallel_loop3A_1019 = arith.cmpf ole, %parallel_loop3A_1011, %mul3A_306 : vector<16xf32>
        %parallel_loop3A_1020 = arith.cmpf ole, %parallel_loop3A_1012, %mul3A_315 : vector<16xf32>
        %parallel_loop3A_1021 = arith.cmpf ole, %parallel_loop3A_1013, %mul3A_324 : vector<16xf32>
        %parallel_loop3A_1022 = arith.cmpf ole, %parallel_loop3A_1014, %mul3A_333 : vector<16xf32>
        %parallel_loop3A_1023 = arith.cmpf ole, %parallel_loop3A_1015, %mul3A_342 : vector<16xf32>
        %parallel_loop3A_1024 = arith.constant 1 : i32
        %parallel_loop3A_1025 = arith.constant 0 : i32
        %parallel_loop3A_1026 = vector.broadcast %parallel_loop3A_1024 : i32 to vector<16xi32>
        %parallel_loop3A_1027 = vector.broadcast %parallel_loop3A_1025 : i32 to vector<16xi32>
        %parallel_loop3A_1028 = arith.select %parallel_loop3A_1016, %parallel_loop3A_1026, %parallel_loop3A_1027 : vector<16xi1>, vector<16xi32>
        %parallel_loop3A_1029 = arith.addi %parallel_loop3A_958, %parallel_loop3A_1028 : vector<16xi32>
        %parallel_loop3A_1030 = arith.constant 1 : i32
        %parallel_loop3A_1031 = arith.constant 0 : i32
        %parallel_loop3A_1032 = vector.broadcast %parallel_loop3A_1030 : i32 to vector<16xi32>
        %parallel_loop3A_1033 = vector.broadcast %parallel_loop3A_1031 : i32 to vector<16xi32>
        %parallel_loop3A_1034 = arith.select %parallel_loop3A_1017, %parallel_loop3A_1032, %parallel_loop3A_1033 : vector<16xi1>, vector<16xi32>
        %parallel_loop3A_1035 = arith.addi %parallel_loop3A_965, %parallel_loop3A_1034 : vector<16xi32>
        %parallel_loop3A_1036 = arith.constant 1 : i32
        %parallel_loop3A_1037 = arith.constant 0 : i32
        %parallel_loop3A_1038 = vector.broadcast %parallel_loop3A_1036 : i32 to vector<16xi32>
        %parallel_loop3A_1039 = vector.broadcast %parallel_loop3A_1037 : i32 to vector<16xi32>
        %parallel_loop3A_1040 = arith.select %parallel_loop3A_1018, %parallel_loop3A_1038, %parallel_loop3A_1039 : vector<16xi1>, vector<16xi32>
        %parallel_loop3A_1041 = arith.addi %parallel_loop3A_972, %parallel_loop3A_1040 : vector<16xi32>
        %parallel_loop3A_1042 = arith.constant 1 : i32
        %parallel_loop3A_1043 = arith.constant 0 : i32
        %parallel_loop3A_1044 = vector.broadcast %parallel_loop3A_1042 : i32 to vector<16xi32>
        %parallel_loop3A_1045 = vector.broadcast %parallel_loop3A_1043 : i32 to vector<16xi32>
        %parallel_loop3A_1046 = arith.select %parallel_loop3A_1019, %parallel_loop3A_1044, %parallel_loop3A_1045 : vector<16xi1>, vector<16xi32>
        %parallel_loop3A_1047 = arith.addi %parallel_loop3A_979, %parallel_loop3A_1046 : vector<16xi32>
        %parallel_loop3A_1048 = arith.constant 1 : i32
        %parallel_loop3A_1049 = arith.constant 0 : i32
        %parallel_loop3A_1050 = vector.broadcast %parallel_loop3A_1048 : i32 to vector<16xi32>
        %parallel_loop3A_1051 = vector.broadcast %parallel_loop3A_1049 : i32 to vector<16xi32>
        %parallel_loop3A_1052 = arith.select %parallel_loop3A_1020, %parallel_loop3A_1050, %parallel_loop3A_1051 : vector<16xi1>, vector<16xi32>
        %parallel_loop3A_1053 = arith.addi %parallel_loop3A_986, %parallel_loop3A_1052 : vector<16xi32>
        %parallel_loop3A_1054 = arith.constant 1 : i32
        %parallel_loop3A_1055 = arith.constant 0 : i32
        %parallel_loop3A_1056 = vector.broadcast %parallel_loop3A_1054 : i32 to vector<16xi32>
        %parallel_loop3A_1057 = vector.broadcast %parallel_loop3A_1055 : i32 to vector<16xi32>
        %parallel_loop3A_1058 = arith.select %parallel_loop3A_1021, %parallel_loop3A_1056, %parallel_loop3A_1057 : vector<16xi1>, vector<16xi32>
        %parallel_loop3A_1059 = arith.addi %parallel_loop3A_993, %parallel_loop3A_1058 : vector<16xi32>
        %parallel_loop3A_1060 = arith.constant 1 : i32
        %parallel_loop3A_1061 = arith.constant 0 : i32
        %parallel_loop3A_1062 = vector.broadcast %parallel_loop3A_1060 : i32 to vector<16xi32>
        %parallel_loop3A_1063 = vector.broadcast %parallel_loop3A_1061 : i32 to vector<16xi32>
        %parallel_loop3A_1064 = arith.select %parallel_loop3A_1022, %parallel_loop3A_1062, %parallel_loop3A_1063 : vector<16xi1>, vector<16xi32>
        %parallel_loop3A_1065 = arith.addi %parallel_loop3A_1000, %parallel_loop3A_1064 : vector<16xi32>
        %parallel_loop3A_1066 = arith.constant 1 : i32
        %parallel_loop3A_1067 = arith.constant 0 : i32
        %parallel_loop3A_1068 = vector.broadcast %parallel_loop3A_1066 : i32 to vector<16xi32>
        %parallel_loop3A_1069 = vector.broadcast %parallel_loop3A_1067 : i32 to vector<16xi32>
        %parallel_loop3A_1070 = arith.select %parallel_loop3A_1023, %parallel_loop3A_1068, %parallel_loop3A_1069 : vector<16xi1>, vector<16xi32>
        %parallel_loop3A_1071 = arith.addi %parallel_loop3A_1007, %parallel_loop3A_1070 : vector<16xi32>
        %parallel_loop3A_1072 = arith.constant 1 : i32
        %parallel_loop3A_1073 = vector.broadcast %parallel_loop3A_1072 : i32 to vector<16xi32>
        %parallel_loop3A_1074 = arith.subi %parallel_loop3A_1029, %parallel_loop3A_1073 : vector<16xi32>
        %parallel_loop3A_1075 = arith.constant 0 : i32
        %parallel_loop3A_1076 = vector.broadcast %parallel_loop3A_1075 : i32 to vector<16xi32>
        %parallel_loop3A_1077 = arith.maxsi %parallel_loop3A_1074, %parallel_loop3A_1076 : vector<16xi32>
        %parallel_loop3A_1078 = arith.select %parallel_loop3A_1016, %parallel_loop3A_1029, %parallel_loop3A_1077 : vector<16xi1>, vector<16xi32>
        %parallel_loop3A_1079 = arith.constant 1 : i32
        %parallel_loop3A_1080 = vector.broadcast %parallel_loop3A_1079 : i32 to vector<16xi32>
        %parallel_loop3A_1081 = arith.subi %parallel_loop3A_1035, %parallel_loop3A_1080 : vector<16xi32>
        %parallel_loop3A_1082 = arith.constant 0 : i32
        %parallel_loop3A_1083 = vector.broadcast %parallel_loop3A_1082 : i32 to vector<16xi32>
        %parallel_loop3A_1084 = arith.maxsi %parallel_loop3A_1081, %parallel_loop3A_1083 : vector<16xi32>
        %parallel_loop3A_1085 = arith.select %parallel_loop3A_1017, %parallel_loop3A_1035, %parallel_loop3A_1084 : vector<16xi1>, vector<16xi32>
        %parallel_loop3A_1086 = arith.constant 1 : i32
        %parallel_loop3A_1087 = vector.broadcast %parallel_loop3A_1086 : i32 to vector<16xi32>
        %parallel_loop3A_1088 = arith.subi %parallel_loop3A_1041, %parallel_loop3A_1087 : vector<16xi32>
        %parallel_loop3A_1089 = arith.constant 0 : i32
        %parallel_loop3A_1090 = vector.broadcast %parallel_loop3A_1089 : i32 to vector<16xi32>
        %parallel_loop3A_1091 = arith.maxsi %parallel_loop3A_1088, %parallel_loop3A_1090 : vector<16xi32>
        %parallel_loop3A_1092 = arith.select %parallel_loop3A_1018, %parallel_loop3A_1041, %parallel_loop3A_1091 : vector<16xi1>, vector<16xi32>
        %parallel_loop3A_1093 = arith.constant 1 : i32
        %parallel_loop3A_1094 = vector.broadcast %parallel_loop3A_1093 : i32 to vector<16xi32>
        %parallel_loop3A_1095 = arith.subi %parallel_loop3A_1047, %parallel_loop3A_1094 : vector<16xi32>
        %parallel_loop3A_1096 = arith.constant 0 : i32
        %parallel_loop3A_1097 = vector.broadcast %parallel_loop3A_1096 : i32 to vector<16xi32>
        %parallel_loop3A_1098 = arith.maxsi %parallel_loop3A_1095, %parallel_loop3A_1097 : vector<16xi32>
        %parallel_loop3A_1099 = arith.select %parallel_loop3A_1019, %parallel_loop3A_1047, %parallel_loop3A_1098 : vector<16xi1>, vector<16xi32>
        %parallel_loop3A_1100 = arith.constant 1 : i32
        %parallel_loop3A_1101 = vector.broadcast %parallel_loop3A_1100 : i32 to vector<16xi32>
        %parallel_loop3A_1102 = arith.subi %parallel_loop3A_1053, %parallel_loop3A_1101 : vector<16xi32>
        %parallel_loop3A_1103 = arith.constant 0 : i32
        %parallel_loop3A_1104 = vector.broadcast %parallel_loop3A_1103 : i32 to vector<16xi32>
        %parallel_loop3A_1105 = arith.maxsi %parallel_loop3A_1102, %parallel_loop3A_1104 : vector<16xi32>
        %parallel_loop3A_1106 = arith.select %parallel_loop3A_1020, %parallel_loop3A_1053, %parallel_loop3A_1105 : vector<16xi1>, vector<16xi32>
        %parallel_loop3A_1107 = arith.constant 1 : i32
        %parallel_loop3A_1108 = vector.broadcast %parallel_loop3A_1107 : i32 to vector<16xi32>
        %parallel_loop3A_1109 = arith.subi %parallel_loop3A_1059, %parallel_loop3A_1108 : vector<16xi32>
        %parallel_loop3A_1110 = arith.constant 0 : i32
        %parallel_loop3A_1111 = vector.broadcast %parallel_loop3A_1110 : i32 to vector<16xi32>
        %parallel_loop3A_1112 = arith.maxsi %parallel_loop3A_1109, %parallel_loop3A_1111 : vector<16xi32>
        %parallel_loop3A_1113 = arith.select %parallel_loop3A_1021, %parallel_loop3A_1059, %parallel_loop3A_1112 : vector<16xi1>, vector<16xi32>
        %parallel_loop3A_1114 = arith.constant 1 : i32
        %parallel_loop3A_1115 = vector.broadcast %parallel_loop3A_1114 : i32 to vector<16xi32>
        %parallel_loop3A_1116 = arith.subi %parallel_loop3A_1065, %parallel_loop3A_1115 : vector<16xi32>
        %parallel_loop3A_1117 = arith.constant 0 : i32
        %parallel_loop3A_1118 = vector.broadcast %parallel_loop3A_1117 : i32 to vector<16xi32>
        %parallel_loop3A_1119 = arith.maxsi %parallel_loop3A_1116, %parallel_loop3A_1118 : vector<16xi32>
        %parallel_loop3A_1120 = arith.select %parallel_loop3A_1022, %parallel_loop3A_1065, %parallel_loop3A_1119 : vector<16xi1>, vector<16xi32>
        %parallel_loop3A_1121 = arith.constant 1 : i32
        %parallel_loop3A_1122 = vector.broadcast %parallel_loop3A_1121 : i32 to vector<16xi32>
        %parallel_loop3A_1123 = arith.subi %parallel_loop3A_1071, %parallel_loop3A_1122 : vector<16xi32>
        %parallel_loop3A_1124 = arith.constant 0 : i32
        %parallel_loop3A_1125 = vector.broadcast %parallel_loop3A_1124 : i32 to vector<16xi32>
        %parallel_loop3A_1126 = arith.maxsi %parallel_loop3A_1123, %parallel_loop3A_1125 : vector<16xi32>
        %parallel_loop3A_1127 = arith.select %parallel_loop3A_1023, %parallel_loop3A_1071, %parallel_loop3A_1126 : vector<16xi1>, vector<16xi32>
        %parallel_loop3A_1128 = tpu.vector_load_idx %arg7[%parallel_loop3A_368, %parallel_loop3A_1078] : memref<64x128xf32, #tpu.memory_space<vmem>>[vector<16xi32>, vector<16xi32>], vector<16xf32>,
        %parallel_loop3A_1129 = tpu.vector_load_idx %arg7[%parallel_loop3A_368, %parallel_loop3A_1085] : memref<64x128xf32, #tpu.memory_space<vmem>>[vector<16xi32>, vector<16xi32>], vector<16xf32>,
        %parallel_loop3A_1130 = tpu.vector_load_idx %arg7[%parallel_loop3A_368, %parallel_loop3A_1092] : memref<64x128xf32, #tpu.memory_space<vmem>>[vector<16xi32>, vector<16xi32>], vector<16xf32>,
        %parallel_loop3A_1131 = tpu.vector_load_idx %arg7[%parallel_loop3A_368, %parallel_loop3A_1099] : memref<64x128xf32, #tpu.memory_space<vmem>>[vector<16xi32>, vector<16xi32>], vector<16xf32>,
        %parallel_loop3A_1132 = tpu.vector_load_idx %arg7[%parallel_loop3A_368, %parallel_loop3A_1106] : memref<64x128xf32, #tpu.memory_space<vmem>>[vector<16xi32>, vector<16xi32>], vector<16xf32>,
        %parallel_loop3A_1133 = tpu.vector_load_idx %arg7[%parallel_loop3A_368, %parallel_loop3A_1113] : memref<64x128xf32, #tpu.memory_space<vmem>>[vector<16xi32>, vector<16xi32>], vector<16xf32>,
        %parallel_loop3A_1134 = tpu.vector_load_idx %arg7[%parallel_loop3A_368, %parallel_loop3A_1120] : memref<64x128xf32, #tpu.memory_space<vmem>>[vector<16xi32>, vector<16xi32>], vector<16xf32>,
        %parallel_loop3A_1135 = tpu.vector_load_idx %arg7[%parallel_loop3A_368, %parallel_loop3A_1127] : memref<64x128xf32, #tpu.memory_space<vmem>>[vector<16xi32>, vector<16xi32>], vector<16xf32>,
        %parallel_loop3A_1136 = arith.constant 0 : i32
        %parallel_loop3A_1137 = arith.constant 0 : i32
        %parallel_loop3A_1138 = tpu.memref_slice %arg6[%parallel_loop3A_346, %parallel_loop3A_1136, %parallel_loop3A_1137] : memref<2x64x129xf32, #tpu.memory_space<vmem>> -> memref<1x64x129xf32, #tpu.memory_space<vmem>>
        %parallel_loop3A_1139 = tpu.memref_squeeze %parallel_loop3A_1138 : memref<1x64x129xf32, #tpu.memory_space<vmem>> -> memref<64x129xf32, #tpu.memory_space<vmem>>
        %parallel_loop3A_1140 = tpu.vector_load_idx %parallel_loop3A_1139[%parallel_loop3A_368, %parallel_loop3A_1029] : memref<64x129xf32, #tpu.memory_space<vmem>>[vector<16xi32>, vector<16xi32>], vector<16xf32>,
        %parallel_loop3A_1141 = arith.constant 0 : i32
        %parallel_loop3A_1142 = arith.constant 0 : i32
        %parallel_loop3A_1143 = tpu.memref_slice %arg6[%parallel_loop3A_346, %parallel_loop3A_1141, %parallel_loop3A_1142] : memref<2x64x129xf32, #tpu.memory_space<vmem>> -> memref<1x64x129xf32, #tpu.memory_space<vmem>>
        %parallel_loop3A_1144 = tpu.memref_squeeze %parallel_loop3A_1143 : memref<1x64x129xf32, #tpu.memory_space<vmem>> -> memref<64x129xf32, #tpu.memory_space<vmem>>
        %parallel_loop3A_1145 = tpu.vector_load_idx %parallel_loop3A_1144[%parallel_loop3A_368, %parallel_loop3A_1035] : memref<64x129xf32, #tpu.memory_space<vmem>>[vector<16xi32>, vector<16xi32>], vector<16xf32>,
        %parallel_loop3A_1146 = arith.constant 0 : i32
        %parallel_loop3A_1147 = arith.constant 0 : i32
        %parallel_loop3A_1148 = tpu.memref_slice %arg6[%parallel_loop3A_346, %parallel_loop3A_1146, %parallel_loop3A_1147] : memref<2x64x129xf32, #tpu.memory_space<vmem>> -> memref<1x64x129xf32, #tpu.memory_space<vmem>>
        %parallel_loop3A_1149 = tpu.memref_squeeze %parallel_loop3A_1148 : memref<1x64x129xf32, #tpu.memory_space<vmem>> -> memref<64x129xf32, #tpu.memory_space<vmem>>
        %parallel_loop3A_1150 = tpu.vector_load_idx %parallel_loop3A_1149[%parallel_loop3A_368, %parallel_loop3A_1041] : memref<64x129xf32, #tpu.memory_space<vmem>>[vector<16xi32>, vector<16xi32>], vector<16xf32>,
        %parallel_loop3A_1151 = arith.constant 0 : i32
        %parallel_loop3A_1152 = arith.constant 0 : i32
        %parallel_loop3A_1153 = tpu.memref_slice %arg6[%parallel_loop3A_346, %parallel_loop3A_1151, %parallel_loop3A_1152] : memref<2x64x129xf32, #tpu.memory_space<vmem>> -> memref<1x64x129xf32, #tpu.memory_space<vmem>>
        %parallel_loop3A_1154 = tpu.memref_squeeze %parallel_loop3A_1153 : memref<1x64x129xf32, #tpu.memory_space<vmem>> -> memref<64x129xf32, #tpu.memory_space<vmem>>
        %parallel_loop3A_1155 = tpu.vector_load_idx %parallel_loop3A_1154[%parallel_loop3A_368, %parallel_loop3A_1047] : memref<64x129xf32, #tpu.memory_space<vmem>>[vector<16xi32>, vector<16xi32>], vector<16xf32>,
        %parallel_loop3A_1156 = arith.constant 0 : i32
        %parallel_loop3A_1157 = arith.constant 0 : i32
        %parallel_loop3A_1158 = tpu.memref_slice %arg6[%parallel_loop3A_346, %parallel_loop3A_1156, %parallel_loop3A_1157] : memref<2x64x129xf32, #tpu.memory_space<vmem>> -> memref<1x64x129xf32, #tpu.memory_space<vmem>>
        %parallel_loop3A_1159 = tpu.memref_squeeze %parallel_loop3A_1158 : memref<1x64x129xf32, #tpu.memory_space<vmem>> -> memref<64x129xf32, #tpu.memory_space<vmem>>
        %parallel_loop3A_1160 = tpu.vector_load_idx %parallel_loop3A_1159[%parallel_loop3A_368, %parallel_loop3A_1053] : memref<64x129xf32, #tpu.memory_space<vmem>>[vector<16xi32>, vector<16xi32>], vector<16xf32>,
        %parallel_loop3A_1161 = arith.constant 0 : i32
        %parallel_loop3A_1162 = arith.constant 0 : i32
        %parallel_loop3A_1163 = tpu.memref_slice %arg6[%parallel_loop3A_346, %parallel_loop3A_1161, %parallel_loop3A_1162] : memref<2x64x129xf32, #tpu.memory_space<vmem>> -> memref<1x64x129xf32, #tpu.memory_space<vmem>>
        %parallel_loop3A_1164 = tpu.memref_squeeze %parallel_loop3A_1163 : memref<1x64x129xf32, #tpu.memory_space<vmem>> -> memref<64x129xf32, #tpu.memory_space<vmem>>
        %parallel_loop3A_1165 = tpu.vector_load_idx %parallel_loop3A_1164[%parallel_loop3A_368, %parallel_loop3A_1059] : memref<64x129xf32, #tpu.memory_space<vmem>>[vector<16xi32>, vector<16xi32>], vector<16xf32>,
        %parallel_loop3A_1166 = arith.constant 0 : i32
        %parallel_loop3A_1167 = arith.constant 0 : i32
        %parallel_loop3A_1168 = tpu.memref_slice %arg6[%parallel_loop3A_346, %parallel_loop3A_1166, %parallel_loop3A_1167] : memref<2x64x129xf32, #tpu.memory_space<vmem>> -> memref<1x64x129xf32, #tpu.memory_space<vmem>>
        %parallel_loop3A_1169 = tpu.memref_squeeze %parallel_loop3A_1168 : memref<1x64x129xf32, #tpu.memory_space<vmem>> -> memref<64x129xf32, #tpu.memory_space<vmem>>
        %parallel_loop3A_1170 = tpu.vector_load_idx %parallel_loop3A_1169[%parallel_loop3A_368, %parallel_loop3A_1065] : memref<64x129xf32, #tpu.memory_space<vmem>>[vector<16xi32>, vector<16xi32>], vector<16xf32>,
        %parallel_loop3A_1171 = arith.constant 0 : i32
        %parallel_loop3A_1172 = arith.constant 0 : i32
        %parallel_loop3A_1173 = tpu.memref_slice %arg6[%parallel_loop3A_346, %parallel_loop3A_1171, %parallel_loop3A_1172] : memref<2x64x129xf32, #tpu.memory_space<vmem>> -> memref<1x64x129xf32, #tpu.memory_space<vmem>>
        %parallel_loop3A_1174 = tpu.memref_squeeze %parallel_loop3A_1173 : memref<1x64x129xf32, #tpu.memory_space<vmem>> -> memref<64x129xf32, #tpu.memory_space<vmem>>
        %parallel_loop3A_1175 = tpu.vector_load_idx %parallel_loop3A_1174[%parallel_loop3A_368, %parallel_loop3A_1071] : memref<64x129xf32, #tpu.memory_space<vmem>>[vector<16xi32>, vector<16xi32>], vector<16xf32>,
        %parallel_loop3A_1176 = arith.constant 1 : i32
        %parallel_loop3A_1177 = vector.broadcast %parallel_loop3A_1176 : i32 to vector<16xi32>
        %parallel_loop3A_1178 = arith.addi %parallel_loop3A_1029, %parallel_loop3A_1177 : vector<16xi32>
        %parallel_loop3A_1179 = arith.constant 0 : i32
        %parallel_loop3A_1180 = arith.constant 0 : i32
        %parallel_loop3A_1181 = tpu.memref_slice %arg6[%parallel_loop3A_346, %parallel_loop3A_1179, %parallel_loop3A_1180] : memref<2x64x129xf32, #tpu.memory_space<vmem>> -> memref<1x64x129xf32, #tpu.memory_space<vmem>>
        %parallel_loop3A_1182 = tpu.memref_squeeze %parallel_loop3A_1181 : memref<1x64x129xf32, #tpu.memory_space<vmem>> -> memref<64x129xf32, #tpu.memory_space<vmem>>
        %parallel_loop3A_1183 = tpu.vector_load_idx %parallel_loop3A_1182[%parallel_loop3A_368, %parallel_loop3A_1178] : memref<64x129xf32, #tpu.memory_space<vmem>>[vector<16xi32>, vector<16xi32>], vector<16xf32>,
        %parallel_loop3A_1184 = arith.constant 1 : i32
        %parallel_loop3A_1185 = vector.broadcast %parallel_loop3A_1184 : i32 to vector<16xi32>
        %parallel_loop3A_1186 = arith.addi %parallel_loop3A_1035, %parallel_loop3A_1185 : vector<16xi32>
        %parallel_loop3A_1187 = arith.constant 0 : i32
        %parallel_loop3A_1188 = arith.constant 0 : i32
        %parallel_loop3A_1189 = tpu.memref_slice %arg6[%parallel_loop3A_346, %parallel_loop3A_1187, %parallel_loop3A_1188] : memref<2x64x129xf32, #tpu.memory_space<vmem>> -> memref<1x64x129xf32, #tpu.memory_space<vmem>>
        %parallel_loop3A_1190 = tpu.memref_squeeze %parallel_loop3A_1189 : memref<1x64x129xf32, #tpu.memory_space<vmem>> -> memref<64x129xf32, #tpu.memory_space<vmem>>
        %parallel_loop3A_1191 = tpu.vector_load_idx %parallel_loop3A_1190[%parallel_loop3A_368, %parallel_loop3A_1186] : memref<64x129xf32, #tpu.memory_space<vmem>>[vector<16xi32>, vector<16xi32>], vector<16xf32>,
        %parallel_loop3A_1192 = arith.constant 1 : i32
        %parallel_loop3A_1193 = vector.broadcast %parallel_loop3A_1192 : i32 to vector<16xi32>
        %parallel_loop3A_1194 = arith.addi %parallel_loop3A_1041, %parallel_loop3A_1193 : vector<16xi32>
        %parallel_loop3A_1195 = arith.constant 0 : i32
        %parallel_loop3A_1196 = arith.constant 0 : i32
        %parallel_loop3A_1197 = tpu.memref_slice %arg6[%parallel_loop3A_346, %parallel_loop3A_1195, %parallel_loop3A_1196] : memref<2x64x129xf32, #tpu.memory_space<vmem>> -> memref<1x64x129xf32, #tpu.memory_space<vmem>>
        %parallel_loop3A_1198 = tpu.memref_squeeze %parallel_loop3A_1197 : memref<1x64x129xf32, #tpu.memory_space<vmem>> -> memref<64x129xf32, #tpu.memory_space<vmem>>
        %parallel_loop3A_1199 = tpu.vector_load_idx %parallel_loop3A_1198[%parallel_loop3A_368, %parallel_loop3A_1194] : memref<64x129xf32, #tpu.memory_space<vmem>>[vector<16xi32>, vector<16xi32>], vector<16xf32>,
        %parallel_loop3A_1200 = arith.constant 1 : i32
        %parallel_loop3A_1201 = vector.broadcast %parallel_loop3A_1200 : i32 to vector<16xi32>
        %parallel_loop3A_1202 = arith.addi %parallel_loop3A_1047, %parallel_loop3A_1201 : vector<16xi32>
        %parallel_loop3A_1203 = arith.constant 0 : i32
        %parallel_loop3A_1204 = arith.constant 0 : i32
        %parallel_loop3A_1205 = tpu.memref_slice %arg6[%parallel_loop3A_346, %parallel_loop3A_1203, %parallel_loop3A_1204] : memref<2x64x129xf32, #tpu.memory_space<vmem>> -> memref<1x64x129xf32, #tpu.memory_space<vmem>>
        %parallel_loop3A_1206 = tpu.memref_squeeze %parallel_loop3A_1205 : memref<1x64x129xf32, #tpu.memory_space<vmem>> -> memref<64x129xf32, #tpu.memory_space<vmem>>
        %parallel_loop3A_1207 = tpu.vector_load_idx %parallel_loop3A_1206[%parallel_loop3A_368, %parallel_loop3A_1202] : memref<64x129xf32, #tpu.memory_space<vmem>>[vector<16xi32>, vector<16xi32>], vector<16xf32>,
        %parallel_loop3A_1208 = arith.constant 1 : i32
        %parallel_loop3A_1209 = vector.broadcast %parallel_loop3A_1208 : i32 to vector<16xi32>
        %parallel_loop3A_1210 = arith.addi %parallel_loop3A_1053, %parallel_loop3A_1209 : vector<16xi32>
        %parallel_loop3A_1211 = arith.constant 0 : i32
        %parallel_loop3A_1212 = arith.constant 0 : i32
        %parallel_loop3A_1213 = tpu.memref_slice %arg6[%parallel_loop3A_346, %parallel_loop3A_1211, %parallel_loop3A_1212] : memref<2x64x129xf32, #tpu.memory_space<vmem>> -> memref<1x64x129xf32, #tpu.memory_space<vmem>>
        %parallel_loop3A_1214 = tpu.memref_squeeze %parallel_loop3A_1213 : memref<1x64x129xf32, #tpu.memory_space<vmem>> -> memref<64x129xf32, #tpu.memory_space<vmem>>
        %parallel_loop3A_1215 = tpu.vector_load_idx %parallel_loop3A_1214[%parallel_loop3A_368, %parallel_loop3A_1210] : memref<64x129xf32, #tpu.memory_space<vmem>>[vector<16xi32>, vector<16xi32>], vector<16xf32>,
        %parallel_loop3A_1216 = arith.constant 1 : i32
        %parallel_loop3A_1217 = vector.broadcast %parallel_loop3A_1216 : i32 to vector<16xi32>
        %parallel_loop3A_1218 = arith.addi %parallel_loop3A_1059, %parallel_loop3A_1217 : vector<16xi32>
        %parallel_loop3A_1219 = arith.constant 0 : i32
        %parallel_loop3A_1220 = arith.constant 0 : i32
        %parallel_loop3A_1221 = tpu.memref_slice %arg6[%parallel_loop3A_346, %parallel_loop3A_1219, %parallel_loop3A_1220] : memref<2x64x129xf32, #tpu.memory_space<vmem>> -> memref<1x64x129xf32, #tpu.memory_space<vmem>>
        %parallel_loop3A_1222 = tpu.memref_squeeze %parallel_loop3A_1221 : memref<1x64x129xf32, #tpu.memory_space<vmem>> -> memref<64x129xf32, #tpu.memory_space<vmem>>
        %parallel_loop3A_1223 = tpu.vector_load_idx %parallel_loop3A_1222[%parallel_loop3A_368, %parallel_loop3A_1218] : memref<64x129xf32, #tpu.memory_space<vmem>>[vector<16xi32>, vector<16xi32>], vector<16xf32>,
        %parallel_loop3A_1224 = arith.constant 1 : i32
        %parallel_loop3A_1225 = vector.broadcast %parallel_loop3A_1224 : i32 to vector<16xi32>
        %parallel_loop3A_1226 = arith.addi %parallel_loop3A_1065, %parallel_loop3A_1225 : vector<16xi32>
        %parallel_loop3A_1227 = arith.constant 0 : i32
        %parallel_loop3A_1228 = arith.constant 0 : i32
        %parallel_loop3A_1229 = tpu.memref_slice %arg6[%parallel_loop3A_346, %parallel_loop3A_1227, %parallel_loop3A_1228] : memref<2x64x129xf32, #tpu.memory_space<vmem>> -> memref<1x64x129xf32, #tpu.memory_space<vmem>>
        %parallel_loop3A_1230 = tpu.memref_squeeze %parallel_loop3A_1229 : memref<1x64x129xf32, #tpu.memory_space<vmem>> -> memref<64x129xf32, #tpu.memory_space<vmem>>
        %parallel_loop3A_1231 = tpu.vector_load_idx %parallel_loop3A_1230[%parallel_loop3A_368, %parallel_loop3A_1226] : memref<64x129xf32, #tpu.memory_space<vmem>>[vector<16xi32>, vector<16xi32>], vector<16xf32>,
        %parallel_loop3A_1232 = arith.constant 1 : i32
        %parallel_loop3A_1233 = vector.broadcast %parallel_loop3A_1232 : i32 to vector<16xi32>
        %parallel_loop3A_1234 = arith.addi %parallel_loop3A_1071, %parallel_loop3A_1233 : vector<16xi32>
        %parallel_loop3A_1235 = arith.constant 0 : i32
        %parallel_loop3A_1236 = arith.constant 0 : i32
        %parallel_loop3A_1237 = tpu.memref_slice %arg6[%parallel_loop3A_346, %parallel_loop3A_1235, %parallel_loop3A_1236] : memref<2x64x129xf32, #tpu.memory_space<vmem>> -> memref<1x64x129xf32, #tpu.memory_space<vmem>>
        %parallel_loop3A_1238 = tpu.memref_squeeze %parallel_loop3A_1237 : memref<1x64x129xf32, #tpu.memory_space<vmem>> -> memref<64x129xf32, #tpu.memory_space<vmem>>
        %parallel_loop3A_1239 = tpu.vector_load_idx %parallel_loop3A_1238[%parallel_loop3A_368, %parallel_loop3A_1234] : memref<64x129xf32, #tpu.memory_space<vmem>>[vector<16xi32>, vector<16xi32>], vector<16xf32>,
        %parallel_loop3A_1240 = arith.select %parallel_loop3A_1016, %parallel_loop3A_1008, %parallel_loop3A_1128 : vector<16xi1>, vector<16xf32>
        %parallel_loop3A_1241 = arith.constant 0 : i32
        %parallel_loop3A_1242 = vector.broadcast %parallel_loop3A_1241 : i32 to vector<16xi32>
        %parallel_loop3A_1243 = arith.cmpi sgt, %parallel_loop3A_1029, %parallel_loop3A_1242 : vector<16xi32>
        %parallel_loop3A_1244 = arith.constant 0.000000e+00 : f32
        %parallel_loop3A_1245 = vector.broadcast %parallel_loop3A_1244 : f32 to vector<16xf32>
        %parallel_loop3A_1246 = arith.select %parallel_loop3A_1243, %parallel_loop3A_1240, %parallel_loop3A_1245 : vector<16xi1>, vector<16xf32>
        %parallel_loop3A_1247 = arith.select %parallel_loop3A_1016, %parallel_loop3A_1128, %parallel_loop3A_1008 : vector<16xi1>, vector<16xf32>
        %parallel_loop3A_1248 = arith.subf %parallel_loop3A_1247, %parallel_loop3A_1246 : vector<16xf32>
        %parallel_loop3A_1249 = arith.constant 9.99999974E-6 : f32
        %parallel_loop3A_1250 = vector.broadcast %parallel_loop3A_1249 : f32 to vector<16xf32>
        %parallel_loop3A_1251 = arith.cmpf olt, %parallel_loop3A_1248, %parallel_loop3A_1250 : vector<16xf32>
        %parallel_loop3A_1252 = arith.constant 1.000000e+00 : f32
        %parallel_loop3A_1253 = vector.broadcast %parallel_loop3A_1252 : f32 to vector<16xf32>
        %parallel_loop3A_1254 = arith.select %parallel_loop3A_1251, %parallel_loop3A_1253, %parallel_loop3A_1248 : vector<16xi1>, vector<16xf32>
        %parallel_loop3A_1255 = arith.subf %mul3A_279, %parallel_loop3A_1246 : vector<16xf32>
        %parallel_loop3A_1256 = arith.divf %parallel_loop3A_1255, %parallel_loop3A_1254 : vector<16xf32>
        %parallel_loop3A_1257 = arith.subf %parallel_loop3A_1183, %parallel_loop3A_1140 : vector<16xf32>
        %parallel_loop3A_1258 = arith.mulf %parallel_loop3A_1256, %parallel_loop3A_1257 : vector<16xf32>
        %parallel_loop3A_1259 = arith.addf %parallel_loop3A_1140, %parallel_loop3A_1258 : vector<16xf32>
        %parallel_loop3A_1260 = arith.constant 0 : i32
        %parallel_loop3A_1261 = arith.constant 0 : i32
        %parallel_loop3A_1262 = tpu.memref_slice %arg8[%parallel_loop3A_347, %parallel_loop3A_1260, %parallel_loop3A_1261] : memref<2x64x128xf32, #tpu.memory_space<vmem>> -> memref<1x64x128xf32, #tpu.memory_space<vmem>>
        %parallel_loop3A_1263 = tpu.memref_squeeze %parallel_loop3A_1262 : memref<1x64x128xf32, #tpu.memory_space<vmem>> -> memref<64x128xf32, #tpu.memory_space<vmem>>
        %parallel_loop3A_1264 = arith.index_cast %parallel_loop3A_367 : i32 to index
        %parallel_loop3A_1265 = arith.constant 0 : index
        %parallel_loop3A_1266 = tpu.vector_load %parallel_loop3A_1263[%parallel_loop3A_1264, %parallel_loop3A_1265] {strides = array<i32>} : memref<64x128xf32, #tpu.memory_space<vmem>>, vector<16xf32>,
        tpu.vector_store %parallel_loop3A_1263[%parallel_loop3A_1264, %parallel_loop3A_1265], %parallel_loop3A_1259 {strides = array<i32>} : memref<64x128xf32, #tpu.memory_space<vmem>>, vector<16xf32>,
        %parallel_loop3A_1267 = arith.select %parallel_loop3A_1017, %parallel_loop3A_1009, %parallel_loop3A_1129 : vector<16xi1>, vector<16xf32>
        %parallel_loop3A_1268 = arith.constant 0 : i32
        %parallel_loop3A_1269 = vector.broadcast %parallel_loop3A_1268 : i32 to vector<16xi32>
        %parallel_loop3A_1270 = arith.cmpi sgt, %parallel_loop3A_1035, %parallel_loop3A_1269 : vector<16xi32>
        %parallel_loop3A_1271 = arith.constant 0.000000e+00 : f32
        %parallel_loop3A_1272 = vector.broadcast %parallel_loop3A_1271 : f32 to vector<16xf32>
        %parallel_loop3A_1273 = arith.select %parallel_loop3A_1270, %parallel_loop3A_1267, %parallel_loop3A_1272 : vector<16xi1>, vector<16xf32>
        %parallel_loop3A_1274 = arith.select %parallel_loop3A_1017, %parallel_loop3A_1129, %parallel_loop3A_1009 : vector<16xi1>, vector<16xf32>
        %parallel_loop3A_1275 = arith.subf %parallel_loop3A_1274, %parallel_loop3A_1273 : vector<16xf32>
        %parallel_loop3A_1276 = arith.constant 9.99999974E-6 : f32
        %parallel_loop3A_1277 = vector.broadcast %parallel_loop3A_1276 : f32 to vector<16xf32>
        %parallel_loop3A_1278 = arith.cmpf olt, %parallel_loop3A_1275, %parallel_loop3A_1277 : vector<16xf32>
        %parallel_loop3A_1279 = arith.constant 1.000000e+00 : f32
        %parallel_loop3A_1280 = vector.broadcast %parallel_loop3A_1279 : f32 to vector<16xf32>
        %parallel_loop3A_1281 = arith.select %parallel_loop3A_1278, %parallel_loop3A_1280, %parallel_loop3A_1275 : vector<16xi1>, vector<16xf32>
        %parallel_loop3A_1282 = arith.subf %mul3A_288, %parallel_loop3A_1273 : vector<16xf32>
        %parallel_loop3A_1283 = arith.divf %parallel_loop3A_1282, %parallel_loop3A_1281 : vector<16xf32>
        %parallel_loop3A_1284 = arith.subf %parallel_loop3A_1191, %parallel_loop3A_1145 : vector<16xf32>
        %parallel_loop3A_1285 = arith.mulf %parallel_loop3A_1283, %parallel_loop3A_1284 : vector<16xf32>
        %parallel_loop3A_1286 = arith.addf %parallel_loop3A_1145, %parallel_loop3A_1285 : vector<16xf32>
        %parallel_loop3A_1287 = arith.constant 0 : i32
        %parallel_loop3A_1288 = arith.constant 0 : i32
        %parallel_loop3A_1289 = tpu.memref_slice %arg8[%parallel_loop3A_347, %parallel_loop3A_1287, %parallel_loop3A_1288] : memref<2x64x128xf32, #tpu.memory_space<vmem>> -> memref<1x64x128xf32, #tpu.memory_space<vmem>>
        %parallel_loop3A_1290 = tpu.memref_squeeze %parallel_loop3A_1289 : memref<1x64x128xf32, #tpu.memory_space<vmem>> -> memref<64x128xf32, #tpu.memory_space<vmem>>
        %parallel_loop3A_1291 = arith.index_cast %parallel_loop3A_367 : i32 to index
        %parallel_loop3A_1292 = arith.constant 16 : index
        %parallel_loop3A_1293 = tpu.vector_load %parallel_loop3A_1290[%parallel_loop3A_1291, %parallel_loop3A_1292] {strides = array<i32>} : memref<64x128xf32, #tpu.memory_space<vmem>>, vector<16xf32>,
        tpu.vector_store %parallel_loop3A_1290[%parallel_loop3A_1291, %parallel_loop3A_1292], %parallel_loop3A_1286 {strides = array<i32>} : memref<64x128xf32, #tpu.memory_space<vmem>>, vector<16xf32>,
        %parallel_loop3A_1294 = arith.select %parallel_loop3A_1018, %parallel_loop3A_1010, %parallel_loop3A_1130 : vector<16xi1>, vector<16xf32>
        %parallel_loop3A_1295 = arith.constant 0 : i32
        %parallel_loop3A_1296 = vector.broadcast %parallel_loop3A_1295 : i32 to vector<16xi32>
        %parallel_loop3A_1297 = arith.cmpi sgt, %parallel_loop3A_1041, %parallel_loop3A_1296 : vector<16xi32>
        %parallel_loop3A_1298 = arith.constant 0.000000e+00 : f32
        %parallel_loop3A_1299 = vector.broadcast %parallel_loop3A_1298 : f32 to vector<16xf32>
        %parallel_loop3A_1300 = arith.select %parallel_loop3A_1297, %parallel_loop3A_1294, %parallel_loop3A_1299 : vector<16xi1>, vector<16xf32>
        %parallel_loop3A_1301 = arith.select %parallel_loop3A_1018, %parallel_loop3A_1130, %parallel_loop3A_1010 : vector<16xi1>, vector<16xf32>
        %parallel_loop3A_1302 = arith.subf %parallel_loop3A_1301, %parallel_loop3A_1300 : vector<16xf32>
        %parallel_loop3A_1303 = arith.constant 9.99999974E-6 : f32
        %parallel_loop3A_1304 = vector.broadcast %parallel_loop3A_1303 : f32 to vector<16xf32>
        %parallel_loop3A_1305 = arith.cmpf olt, %parallel_loop3A_1302, %parallel_loop3A_1304 : vector<16xf32>
        %parallel_loop3A_1306 = arith.constant 1.000000e+00 : f32
        %parallel_loop3A_1307 = vector.broadcast %parallel_loop3A_1306 : f32 to vector<16xf32>
        %parallel_loop3A_1308 = arith.select %parallel_loop3A_1305, %parallel_loop3A_1307, %parallel_loop3A_1302 : vector<16xi1>, vector<16xf32>
        %parallel_loop3A_1309 = arith.subf %mul3A_297, %parallel_loop3A_1300 : vector<16xf32>
        %parallel_loop3A_1310 = arith.divf %parallel_loop3A_1309, %parallel_loop3A_1308 : vector<16xf32>
        %parallel_loop3A_1311 = arith.subf %parallel_loop3A_1199, %parallel_loop3A_1150 : vector<16xf32>
        %parallel_loop3A_1312 = arith.mulf %parallel_loop3A_1310, %parallel_loop3A_1311 : vector<16xf32>
        %parallel_loop3A_1313 = arith.addf %parallel_loop3A_1150, %parallel_loop3A_1312 : vector<16xf32>
        %parallel_loop3A_1314 = arith.constant 0 : i32
        %parallel_loop3A_1315 = arith.constant 0 : i32
        %parallel_loop3A_1316 = tpu.memref_slice %arg8[%parallel_loop3A_347, %parallel_loop3A_1314, %parallel_loop3A_1315] : memref<2x64x128xf32, #tpu.memory_space<vmem>> -> memref<1x64x128xf32, #tpu.memory_space<vmem>>
        %parallel_loop3A_1317 = tpu.memref_squeeze %parallel_loop3A_1316 : memref<1x64x128xf32, #tpu.memory_space<vmem>> -> memref<64x128xf32, #tpu.memory_space<vmem>>
        %parallel_loop3A_1318 = arith.index_cast %parallel_loop3A_367 : i32 to index
        %parallel_loop3A_1319 = arith.constant 32 : index
        %parallel_loop3A_1320 = tpu.vector_load %parallel_loop3A_1317[%parallel_loop3A_1318, %parallel_loop3A_1319] {strides = array<i32>} : memref<64x128xf32, #tpu.memory_space<vmem>>, vector<16xf32>,
        tpu.vector_store %parallel_loop3A_1317[%parallel_loop3A_1318, %parallel_loop3A_1319], %parallel_loop3A_1313 {strides = array<i32>} : memref<64x128xf32, #tpu.memory_space<vmem>>, vector<16xf32>,
        %parallel_loop3A_1321 = arith.select %parallel_loop3A_1019, %parallel_loop3A_1011, %parallel_loop3A_1131 : vector<16xi1>, vector<16xf32>
        %parallel_loop3A_1322 = arith.constant 0 : i32
        %parallel_loop3A_1323 = vector.broadcast %parallel_loop3A_1322 : i32 to vector<16xi32>
        %parallel_loop3A_1324 = arith.cmpi sgt, %parallel_loop3A_1047, %parallel_loop3A_1323 : vector<16xi32>
        %parallel_loop3A_1325 = arith.constant 0.000000e+00 : f32
        %parallel_loop3A_1326 = vector.broadcast %parallel_loop3A_1325 : f32 to vector<16xf32>
        %parallel_loop3A_1327 = arith.select %parallel_loop3A_1324, %parallel_loop3A_1321, %parallel_loop3A_1326 : vector<16xi1>, vector<16xf32>
        %parallel_loop3A_1328 = arith.select %parallel_loop3A_1019, %parallel_loop3A_1131, %parallel_loop3A_1011 : vector<16xi1>, vector<16xf32>
        %parallel_loop3A_1329 = arith.subf %parallel_loop3A_1328, %parallel_loop3A_1327 : vector<16xf32>
        %parallel_loop3A_1330 = arith.constant 9.99999974E-6 : f32
        %parallel_loop3A_1331 = vector.broadcast %parallel_loop3A_1330 : f32 to vector<16xf32>
        %parallel_loop3A_1332 = arith.cmpf olt, %parallel_loop3A_1329, %parallel_loop3A_1331 : vector<16xf32>
        %parallel_loop3A_1333 = arith.constant 1.000000e+00 : f32
        %parallel_loop3A_1334 = vector.broadcast %parallel_loop3A_1333 : f32 to vector<16xf32>
        %parallel_loop3A_1335 = arith.select %parallel_loop3A_1332, %parallel_loop3A_1334, %parallel_loop3A_1329 : vector<16xi1>, vector<16xf32>
        %parallel_loop3A_1336 = arith.subf %mul3A_306, %parallel_loop3A_1327 : vector<16xf32>
        %parallel_loop3A_1337 = arith.divf %parallel_loop3A_1336, %parallel_loop3A_1335 : vector<16xf32>
        %parallel_loop3A_1338 = arith.subf %parallel_loop3A_1207, %parallel_loop3A_1155 : vector<16xf32>
        %parallel_loop3A_1339 = arith.mulf %parallel_loop3A_1337, %parallel_loop3A_1338 : vector<16xf32>
        %parallel_loop3A_1340 = arith.addf %parallel_loop3A_1155, %parallel_loop3A_1339 : vector<16xf32>
        %parallel_loop3A_1341 = arith.constant 0 : i32
        %parallel_loop3A_1342 = arith.constant 0 : i32
        %parallel_loop3A_1343 = tpu.memref_slice %arg8[%parallel_loop3A_347, %parallel_loop3A_1341, %parallel_loop3A_1342] : memref<2x64x128xf32, #tpu.memory_space<vmem>> -> memref<1x64x128xf32, #tpu.memory_space<vmem>>
        %parallel_loop3A_1344 = tpu.memref_squeeze %parallel_loop3A_1343 : memref<1x64x128xf32, #tpu.memory_space<vmem>> -> memref<64x128xf32, #tpu.memory_space<vmem>>
        %parallel_loop3A_1345 = arith.index_cast %parallel_loop3A_367 : i32 to index
        %parallel_loop3A_1346 = arith.constant 48 : index
        %parallel_loop3A_1347 = tpu.vector_load %parallel_loop3A_1344[%parallel_loop3A_1345, %parallel_loop3A_1346] {strides = array<i32>} : memref<64x128xf32, #tpu.memory_space<vmem>>, vector<16xf32>,
        tpu.vector_store %parallel_loop3A_1344[%parallel_loop3A_1345, %parallel_loop3A_1346], %parallel_loop3A_1340 {strides = array<i32>} : memref<64x128xf32, #tpu.memory_space<vmem>>, vector<16xf32>,
        %parallel_loop3A_1348 = arith.select %parallel_loop3A_1020, %parallel_loop3A_1012, %parallel_loop3A_1132 : vector<16xi1>, vector<16xf32>
        %parallel_loop3A_1349 = arith.constant 0 : i32
        %parallel_loop3A_1350 = vector.broadcast %parallel_loop3A_1349 : i32 to vector<16xi32>
        %parallel_loop3A_1351 = arith.cmpi sgt, %parallel_loop3A_1053, %parallel_loop3A_1350 : vector<16xi32>
        %parallel_loop3A_1352 = arith.constant 0.000000e+00 : f32
        %parallel_loop3A_1353 = vector.broadcast %parallel_loop3A_1352 : f32 to vector<16xf32>
        %parallel_loop3A_1354 = arith.select %parallel_loop3A_1351, %parallel_loop3A_1348, %parallel_loop3A_1353 : vector<16xi1>, vector<16xf32>
        %parallel_loop3A_1355 = arith.select %parallel_loop3A_1020, %parallel_loop3A_1132, %parallel_loop3A_1012 : vector<16xi1>, vector<16xf32>
        %parallel_loop3A_1356 = arith.subf %parallel_loop3A_1355, %parallel_loop3A_1354 : vector<16xf32>
        %parallel_loop3A_1357 = arith.constant 9.99999974E-6 : f32
        %parallel_loop3A_1358 = vector.broadcast %parallel_loop3A_1357 : f32 to vector<16xf32>
        %parallel_loop3A_1359 = arith.cmpf olt, %parallel_loop3A_1356, %parallel_loop3A_1358 : vector<16xf32>
        %parallel_loop3A_1360 = arith.constant 1.000000e+00 : f32
        %parallel_loop3A_1361 = vector.broadcast %parallel_loop3A_1360 : f32 to vector<16xf32>
        %parallel_loop3A_1362 = arith.select %parallel_loop3A_1359, %parallel_loop3A_1361, %parallel_loop3A_1356 : vector<16xi1>, vector<16xf32>
        %parallel_loop3A_1363 = arith.subf %mul3A_315, %parallel_loop3A_1354 : vector<16xf32>
        %parallel_loop3A_1364 = arith.divf %parallel_loop3A_1363, %parallel_loop3A_1362 : vector<16xf32>
        %parallel_loop3A_1365 = arith.subf %parallel_loop3A_1215, %parallel_loop3A_1160 : vector<16xf32>
        %parallel_loop3A_1366 = arith.mulf %parallel_loop3A_1364, %parallel_loop3A_1365 : vector<16xf32>
        %parallel_loop3A_1367 = arith.addf %parallel_loop3A_1160, %parallel_loop3A_1366 : vector<16xf32>
        %parallel_loop3A_1368 = arith.constant 0 : i32
        %parallel_loop3A_1369 = arith.constant 0 : i32
        %parallel_loop3A_1370 = tpu.memref_slice %arg8[%parallel_loop3A_347, %parallel_loop3A_1368, %parallel_loop3A_1369] : memref<2x64x128xf32, #tpu.memory_space<vmem>> -> memref<1x64x128xf32, #tpu.memory_space<vmem>>
        %parallel_loop3A_1371 = tpu.memref_squeeze %parallel_loop3A_1370 : memref<1x64x128xf32, #tpu.memory_space<vmem>> -> memref<64x128xf32, #tpu.memory_space<vmem>>
        %parallel_loop3A_1372 = arith.index_cast %parallel_loop3A_367 : i32 to index
        %parallel_loop3A_1373 = arith.constant 64 : index
        %parallel_loop3A_1374 = tpu.vector_load %parallel_loop3A_1371[%parallel_loop3A_1372, %parallel_loop3A_1373] {strides = array<i32>} : memref<64x128xf32, #tpu.memory_space<vmem>>, vector<16xf32>,
        tpu.vector_store %parallel_loop3A_1371[%parallel_loop3A_1372, %parallel_loop3A_1373], %parallel_loop3A_1367 {strides = array<i32>} : memref<64x128xf32, #tpu.memory_space<vmem>>, vector<16xf32>,
        %parallel_loop3A_1375 = arith.select %parallel_loop3A_1021, %parallel_loop3A_1013, %parallel_loop3A_1133 : vector<16xi1>, vector<16xf32>
        %parallel_loop3A_1376 = arith.constant 0 : i32
        %parallel_loop3A_1377 = vector.broadcast %parallel_loop3A_1376 : i32 to vector<16xi32>
        %parallel_loop3A_1378 = arith.cmpi sgt, %parallel_loop3A_1059, %parallel_loop3A_1377 : vector<16xi32>
        %parallel_loop3A_1379 = arith.constant 0.000000e+00 : f32
        %parallel_loop3A_1380 = vector.broadcast %parallel_loop3A_1379 : f32 to vector<16xf32>
        %parallel_loop3A_1381 = arith.select %parallel_loop3A_1378, %parallel_loop3A_1375, %parallel_loop3A_1380 : vector<16xi1>, vector<16xf32>
        %parallel_loop3A_1382 = arith.select %parallel_loop3A_1021, %parallel_loop3A_1133, %parallel_loop3A_1013 : vector<16xi1>, vector<16xf32>
        %parallel_loop3A_1383 = arith.subf %parallel_loop3A_1382, %parallel_loop3A_1381 : vector<16xf32>
        %parallel_loop3A_1384 = arith.constant 9.99999974E-6 : f32
        %parallel_loop3A_1385 = vector.broadcast %parallel_loop3A_1384 : f32 to vector<16xf32>
        %parallel_loop3A_1386 = arith.cmpf olt, %parallel_loop3A_1383, %parallel_loop3A_1385 : vector<16xf32>
        %parallel_loop3A_1387 = arith.constant 1.000000e+00 : f32
        %parallel_loop3A_1388 = vector.broadcast %parallel_loop3A_1387 : f32 to vector<16xf32>
        %parallel_loop3A_1389 = arith.select %parallel_loop3A_1386, %parallel_loop3A_1388, %parallel_loop3A_1383 : vector<16xi1>, vector<16xf32>
        %parallel_loop3A_1390 = arith.subf %mul3A_324, %parallel_loop3A_1381 : vector<16xf32>
        %parallel_loop3A_1391 = arith.divf %parallel_loop3A_1390, %parallel_loop3A_1389 : vector<16xf32>
        %parallel_loop3A_1392 = arith.subf %parallel_loop3A_1223, %parallel_loop3A_1165 : vector<16xf32>
        %parallel_loop3A_1393 = arith.mulf %parallel_loop3A_1391, %parallel_loop3A_1392 : vector<16xf32>
        %parallel_loop3A_1394 = arith.addf %parallel_loop3A_1165, %parallel_loop3A_1393 : vector<16xf32>
        %parallel_loop3A_1395 = arith.constant 0 : i32
        %parallel_loop3A_1396 = arith.constant 0 : i32
        %parallel_loop3A_1397 = tpu.memref_slice %arg8[%parallel_loop3A_347, %parallel_loop3A_1395, %parallel_loop3A_1396] : memref<2x64x128xf32, #tpu.memory_space<vmem>> -> memref<1x64x128xf32, #tpu.memory_space<vmem>>
        %parallel_loop3A_1398 = tpu.memref_squeeze %parallel_loop3A_1397 : memref<1x64x128xf32, #tpu.memory_space<vmem>> -> memref<64x128xf32, #tpu.memory_space<vmem>>
        %parallel_loop3A_1399 = arith.index_cast %parallel_loop3A_367 : i32 to index
        %parallel_loop3A_1400 = arith.constant 80 : index
        %parallel_loop3A_1401 = tpu.vector_load %parallel_loop3A_1398[%parallel_loop3A_1399, %parallel_loop3A_1400] {strides = array<i32>} : memref<64x128xf32, #tpu.memory_space<vmem>>, vector<16xf32>,
        tpu.vector_store %parallel_loop3A_1398[%parallel_loop3A_1399, %parallel_loop3A_1400], %parallel_loop3A_1394 {strides = array<i32>} : memref<64x128xf32, #tpu.memory_space<vmem>>, vector<16xf32>,
        %parallel_loop3A_1402 = arith.select %parallel_loop3A_1022, %parallel_loop3A_1014, %parallel_loop3A_1134 : vector<16xi1>, vector<16xf32>
        %parallel_loop3A_1403 = arith.constant 0 : i32
        %parallel_loop3A_1404 = vector.broadcast %parallel_loop3A_1403 : i32 to vector<16xi32>
        %parallel_loop3A_1405 = arith.cmpi sgt, %parallel_loop3A_1065, %parallel_loop3A_1404 : vector<16xi32>
        %parallel_loop3A_1406 = arith.constant 0.000000e+00 : f32
        %parallel_loop3A_1407 = vector.broadcast %parallel_loop3A_1406 : f32 to vector<16xf32>
        %parallel_loop3A_1408 = arith.select %parallel_loop3A_1405, %parallel_loop3A_1402, %parallel_loop3A_1407 : vector<16xi1>, vector<16xf32>
        %parallel_loop3A_1409 = arith.select %parallel_loop3A_1022, %parallel_loop3A_1134, %parallel_loop3A_1014 : vector<16xi1>, vector<16xf32>
        %parallel_loop3A_1410 = arith.subf %parallel_loop3A_1409, %parallel_loop3A_1408 : vector<16xf32>
        %parallel_loop3A_1411 = arith.constant 9.99999974E-6 : f32
        %parallel_loop3A_1412 = vector.broadcast %parallel_loop3A_1411 : f32 to vector<16xf32>
        %parallel_loop3A_1413 = arith.cmpf olt, %parallel_loop3A_1410, %parallel_loop3A_1412 : vector<16xf32>
        %parallel_loop3A_1414 = arith.constant 1.000000e+00 : f32
        %parallel_loop3A_1415 = vector.broadcast %parallel_loop3A_1414 : f32 to vector<16xf32>
        %parallel_loop3A_1416 = arith.select %parallel_loop3A_1413, %parallel_loop3A_1415, %parallel_loop3A_1410 : vector<16xi1>, vector<16xf32>
        %parallel_loop3A_1417 = arith.subf %mul3A_333, %parallel_loop3A_1408 : vector<16xf32>
        %parallel_loop3A_1418 = arith.divf %parallel_loop3A_1417, %parallel_loop3A_1416 : vector<16xf32>
        %parallel_loop3A_1419 = arith.subf %parallel_loop3A_1231, %parallel_loop3A_1170 : vector<16xf32>
        %parallel_loop3A_1420 = arith.mulf %parallel_loop3A_1418, %parallel_loop3A_1419 : vector<16xf32>
        %parallel_loop3A_1421 = arith.addf %parallel_loop3A_1170, %parallel_loop3A_1420 : vector<16xf32>
        %parallel_loop3A_1422 = arith.constant 0 : i32
        %parallel_loop3A_1423 = arith.constant 0 : i32
        %parallel_loop3A_1424 = tpu.memref_slice %arg8[%parallel_loop3A_347, %parallel_loop3A_1422, %parallel_loop3A_1423] : memref<2x64x128xf32, #tpu.memory_space<vmem>> -> memref<1x64x128xf32, #tpu.memory_space<vmem>>
        %parallel_loop3A_1425 = tpu.memref_squeeze %parallel_loop3A_1424 : memref<1x64x128xf32, #tpu.memory_space<vmem>> -> memref<64x128xf32, #tpu.memory_space<vmem>>
        %parallel_loop3A_1426 = arith.index_cast %parallel_loop3A_367 : i32 to index
        %parallel_loop3A_1427 = arith.constant 96 : index
        %parallel_loop3A_1428 = tpu.vector_load %parallel_loop3A_1425[%parallel_loop3A_1426, %parallel_loop3A_1427] {strides = array<i32>} : memref<64x128xf32, #tpu.memory_space<vmem>>, vector<16xf32>,
        tpu.vector_store %parallel_loop3A_1425[%parallel_loop3A_1426, %parallel_loop3A_1427], %parallel_loop3A_1421 {strides = array<i32>} : memref<64x128xf32, #tpu.memory_space<vmem>>, vector<16xf32>,
        %parallel_loop3A_1429 = arith.select %parallel_loop3A_1023, %parallel_loop3A_1015, %parallel_loop3A_1135 : vector<16xi1>, vector<16xf32>
        %parallel_loop3A_1430 = arith.constant 0 : i32
        %parallel_loop3A_1431 = vector.broadcast %parallel_loop3A_1430 : i32 to vector<16xi32>
        %parallel_loop3A_1432 = arith.cmpi sgt, %parallel_loop3A_1071, %parallel_loop3A_1431 : vector<16xi32>
        %parallel_loop3A_1433 = arith.constant 0.000000e+00 : f32
        %parallel_loop3A_1434 = vector.broadcast %parallel_loop3A_1433 : f32 to vector<16xf32>
        %parallel_loop3A_1435 = arith.select %parallel_loop3A_1432, %parallel_loop3A_1429, %parallel_loop3A_1434 : vector<16xi1>, vector<16xf32>
        %parallel_loop3A_1436 = arith.select %parallel_loop3A_1023, %parallel_loop3A_1135, %parallel_loop3A_1015 : vector<16xi1>, vector<16xf32>
        %parallel_loop3A_1437 = arith.subf %parallel_loop3A_1436, %parallel_loop3A_1435 : vector<16xf32>
        %parallel_loop3A_1438 = arith.constant 9.99999974E-6 : f32
        %parallel_loop3A_1439 = vector.broadcast %parallel_loop3A_1438 : f32 to vector<16xf32>
        %parallel_loop3A_1440 = arith.cmpf olt, %parallel_loop3A_1437, %parallel_loop3A_1439 : vector<16xf32>
        %parallel_loop3A_1441 = arith.constant 1.000000e+00 : f32
        %parallel_loop3A_1442 = vector.broadcast %parallel_loop3A_1441 : f32 to vector<16xf32>
        %parallel_loop3A_1443 = arith.select %parallel_loop3A_1440, %parallel_loop3A_1442, %parallel_loop3A_1437 : vector<16xi1>, vector<16xf32>
        %parallel_loop3A_1444 = arith.subf %mul3A_342, %parallel_loop3A_1435 : vector<16xf32>
        %parallel_loop3A_1445 = arith.divf %parallel_loop3A_1444, %parallel_loop3A_1443 : vector<16xf32>
        %parallel_loop3A_1446 = arith.subf %parallel_loop3A_1239, %parallel_loop3A_1175 : vector<16xf32>
        %parallel_loop3A_1447 = arith.mulf %parallel_loop3A_1445, %parallel_loop3A_1446 : vector<16xf32>
        %parallel_loop3A_1448 = arith.addf %parallel_loop3A_1175, %parallel_loop3A_1447 : vector<16xf32>
        %parallel_loop3A_1449 = arith.constant 0 : i32
        %parallel_loop3A_1450 = arith.constant 0 : i32
        %parallel_loop3A_1451 = tpu.memref_slice %arg8[%parallel_loop3A_347, %parallel_loop3A_1449, %parallel_loop3A_1450] : memref<2x64x128xf32, #tpu.memory_space<vmem>> -> memref<1x64x128xf32, #tpu.memory_space<vmem>>
        %parallel_loop3A_1452 = tpu.memref_squeeze %parallel_loop3A_1451 : memref<1x64x128xf32, #tpu.memory_space<vmem>> -> memref<64x128xf32, #tpu.memory_space<vmem>>
        %parallel_loop3A_1453 = arith.index_cast %parallel_loop3A_367 : i32 to index
        %parallel_loop3A_1454 = arith.constant 112 : index
        %parallel_loop3A_1455 = tpu.vector_load %parallel_loop3A_1452[%parallel_loop3A_1453, %parallel_loop3A_1454] {strides = array<i32>} : memref<64x128xf32, #tpu.memory_space<vmem>>, vector<16xf32>,
        tpu.vector_store %parallel_loop3A_1452[%parallel_loop3A_1453, %parallel_loop3A_1454], %parallel_loop3A_1448 {strides = array<i32>} : memref<64x128xf32, #tpu.memory_space<vmem>>, vector<16xf32>,
      } {sc.loop_unroll_factor = 2 : i64, sc.parallel_access}
      %mul3A_348 = arith.constant 64 : i32
      %mul3A_349 = arith.muli %add3A_220, %mul3A_348 : i32
      %add3A_350 = arith.addi %mul3A_2, %mul3A_349 : i32
      %dma_start3A_351 = arith.constant 1 : i32
      %dma_start3A_352 = arith.constant 1 : i32
      %dma_start3A_353 = arith.constant 0 : i32
      %dma_start3A_354 = arith.constant 0 : i32
      %dma_start3A_355 = tpu.memref_slice %arg8[%dma_start3A_351, %dma_start3A_353, %dma_start3A_354] : memref<2x64x128xf32, #tpu.memory_space<vmem>> -> memref<1x64x128xf32, #tpu.memory_space<vmem>>
      %dma_start3A_356 = tpu.memref_squeeze %dma_start3A_355 : memref<1x64x128xf32, #tpu.memory_space<vmem>> -> memref<64x128xf32, #tpu.memory_space<vmem>>
      %dma_start3A_357 = arith.constant 0 : i32
      %dma_start3A_358 = tpu.memref_slice %arg4[%add3A_350, %dma_start3A_357] : memref<65536x128xf32, #tpu.memory_space<hbm>> -> memref<64x128xf32, #tpu.memory_space<hbm>>
      %dma_start3A_359 = tpu.memref_slice %arg10[%dma_start3A_352] : memref<2x!tpu.dma_semaphore, #tpu.memory_space<semaphore_mem>> -> memref<1x!tpu.dma_semaphore, #tpu.memory_space<semaphore_mem>>
      %dma_start3A_360 = tpu.memref_squeeze %dma_start3A_359 : memref<1x!tpu.dma_semaphore, #tpu.memory_space<semaphore_mem>> -> memref<!tpu.dma_semaphore, #tpu.memory_space<semaphore_mem>>
      %dma_start3A_361 = arith.constant 0 : i32
      %dma_start3A_362 = tpu.memref_slice %arg4[%add3A_350, %dma_start3A_361] : memref<65536x128xf32, #tpu.memory_space<hbm>> -> memref<64x128xf32, #tpu.memory_space<hbm>>
      %dma_start3A_363 = arith.constant 0 : i32
      %dma_start3A_364 = arith.constant 0 : i32
      %dma_start3A_365 = tpu.memref_slice %arg8[%dma_start3A_351, %dma_start3A_363, %dma_start3A_364] : memref<2x64x128xf32, #tpu.memory_space<vmem>> -> memref<1x64x128xf32, #tpu.memory_space<vmem>>
      %dma_start3A_366 = tpu.memref_squeeze %dma_start3A_365 : memref<1x64x128xf32, #tpu.memory_space<vmem>> -> memref<64x128xf32, #tpu.memory_space<vmem>>
      tpu.enqueue_dma source(%dma_start3A_366 : memref<64x128xf32, #tpu.memory_space<vmem>>) target(%dma_start3A_362 : memref<64x128xf32, #tpu.memory_space<hbm>>) target_semaphore(%dma_start3A_360 : memref<!tpu.dma_semaphore, #tpu.memory_space<semaphore_mem>>)
    }
    %scan3A_40 = arith.constant 16 : i32
    %dma_wait3A = arith.constant 0 : i32
    %dma_wait3A_41 = arith.constant 0 : i32
    %dma_wait3A_42 = arith.constant 0 : i32
    %dma_wait3A_43 = arith.constant 0 : i32
    %dma_wait3A_44 = tpu.memref_slice %arg8[%dma_wait3A, %dma_wait3A_42, %dma_wait3A_43] : memref<2x64x128xf32, #tpu.memory_space<vmem>> -> memref<1x64x128xf32, #tpu.memory_space<vmem>>
    %dma_wait3A_45 = tpu.memref_squeeze %dma_wait3A_44 : memref<1x64x128xf32, #tpu.memory_space<vmem>> -> memref<64x128xf32, #tpu.memory_space<vmem>>
    %dma_wait3A_46 = arith.constant 0 : i32
    %dma_wait3A_47 = tpu.memref_slice %arg4[%mul3A_2, %dma_wait3A_46] : memref<65536x128xf32, #tpu.memory_space<hbm>> -> memref<64x128xf32, #tpu.memory_space<hbm>>
    %dma_wait3A_48 = tpu.memref_slice %arg10[%dma_wait3A_41] : memref<2x!tpu.dma_semaphore, #tpu.memory_space<semaphore_mem>> -> memref<1x!tpu.dma_semaphore, #tpu.memory_space<semaphore_mem>>
    %dma_wait3A_49 = tpu.memref_squeeze %dma_wait3A_48 : memref<1x!tpu.dma_semaphore, #tpu.memory_space<semaphore_mem>> -> memref<!tpu.dma_semaphore, #tpu.memory_space<semaphore_mem>>
    %dma_wait3A_50 = arith.constant 0 : i32
    %dma_wait3A_51 = tpu.memref_slice %arg4[%mul3A_2, %dma_wait3A_50] : memref<65536x128xf32, #tpu.memory_space<hbm>> -> memref<64x128xf32, #tpu.memory_space<hbm>>
    %dma_wait3A_52 = arith.constant 0 : i32
    %dma_wait3A_53 = arith.constant 0 : i32
    %dma_wait3A_54 = tpu.memref_slice %arg8[%dma_wait3A, %dma_wait3A_52, %dma_wait3A_53] : memref<2x64x128xf32, #tpu.memory_space<vmem>> -> memref<1x64x128xf32, #tpu.memory_space<vmem>>
    %dma_wait3A_55 = tpu.memref_squeeze %dma_wait3A_54 : memref<1x64x128xf32, #tpu.memory_space<vmem>> -> memref<64x128xf32, #tpu.memory_space<vmem>>
    tpu.wait_dma2 semaphore(%dma_wait3A_49 : memref<!tpu.dma_semaphore, #tpu.memory_space<semaphore_mem>>) src(%dma_wait3A_55 : memref<64x128xf32, #tpu.memory_space<vmem>>) dst(%dma_wait3A_51 : memref<64x128xf32, #tpu.memory_space<hbm>>)
    %dma_wait3A_56 = arith.constant 1 : i32
    %dma_wait3A_57 = arith.constant 1 : i32
    %dma_wait3A_58 = arith.constant 0 : i32
    %dma_wait3A_59 = arith.constant 0 : i32
    %dma_wait3A_60 = tpu.memref_slice %arg8[%dma_wait3A_56, %dma_wait3A_58, %dma_wait3A_59] : memref<2x64x128xf32, #tpu.memory_space<vmem>> -> memref<1x64x128xf32, #tpu.memory_space<vmem>>
    %dma_wait3A_61 = tpu.memref_squeeze %dma_wait3A_60 : memref<1x64x128xf32, #tpu.memory_space<vmem>> -> memref<64x128xf32, #tpu.memory_space<vmem>>
    %dma_wait3A_62 = arith.constant 0 : i32
    %dma_wait3A_63 = tpu.memref_slice %arg4[%mul3A_2, %dma_wait3A_62] : memref<65536x128xf32, #tpu.memory_space<hbm>> -> memref<64x128xf32, #tpu.memory_space<hbm>>
    %dma_wait3A_64 = tpu.memref_slice %arg10[%dma_wait3A_57] : memref<2x!tpu.dma_semaphore, #tpu.memory_space<semaphore_mem>> -> memref<1x!tpu.dma_semaphore, #tpu.memory_space<semaphore_mem>>
    %dma_wait3A_65 = tpu.memref_squeeze %dma_wait3A_64 : memref<1x!tpu.dma_semaphore, #tpu.memory_space<semaphore_mem>> -> memref<!tpu.dma_semaphore, #tpu.memory_space<semaphore_mem>>
    %dma_wait3A_66 = arith.constant 0 : i32
    %dma_wait3A_67 = tpu.memref_slice %arg4[%mul3A_2, %dma_wait3A_66] : memref<65536x128xf32, #tpu.memory_space<hbm>> -> memref<64x128xf32, #tpu.memory_space<hbm>>
    %dma_wait3A_68 = arith.constant 0 : i32
    %dma_wait3A_69 = arith.constant 0 : i32
    %dma_wait3A_70 = tpu.memref_slice %arg8[%dma_wait3A_56, %dma_wait3A_68, %dma_wait3A_69] : memref<2x64x128xf32, #tpu.memory_space<vmem>> -> memref<1x64x128xf32, #tpu.memory_space<vmem>>
    %dma_wait3A_71 = tpu.memref_squeeze %dma_wait3A_70 : memref<1x64x128xf32, #tpu.memory_space<vmem>> -> memref<64x128xf32, #tpu.memory_space<vmem>>
    tpu.wait_dma2 semaphore(%dma_wait3A_65 : memref<!tpu.dma_semaphore, #tpu.memory_space<semaphore_mem>>) src(%dma_wait3A_71 : memref<64x128xf32, #tpu.memory_space<vmem>>) dst(%dma_wait3A_67 : memref<64x128xf32, #tpu.memory_space<hbm>>)
    return
  }
}

</mosaic_0001>

<sc_bundles>
// kernel: _sample_pdf_sc.3.cloned.1.call-start
scs
__scs_entry_jumppad:
0x0: {  	(pc) =	sbr.rel $0x88, $3  }
0x1: {  	(tag) =	ssettag $0x0;
	lr =	simm.s32 $0x1  }
0x2: {  	[smem:$0x3F9F] =	sst lr;
	_ =	strace $0xD0000000  }
0x3: {  	_ = 	snop  }
0x4: {  	_ = 	snop  }
0x5: {  	_ = 	snop  }
0x6: {  	_ = 	snop  }
0x7: {  	_ = 	snop  }
__scs_overlays_trampoline_lowered:
0x8: {  	[smem:$0x3FAE] =	sst s0  }
0x9: {  	[smem:$0x3FAF] =	sst s1  }
0xa: {  	[smem:$0x3FB0] =	sst s2  }
0xb: {  	[smem:$0x3FB1] =	sst s3  }
0xc: {  	[smem:$0x3FB2] =	sst s4  }
0xd: {  	[smem:$0x3FB3] =	sst s5  }
0xe: {  	[smem:$0x3FB4] =	sst s6  }
0xf: {  	[smem:$0x3FB5] =	sst s7  }
0x10: {  	[smem:$0x3FB6] =	sst s8  }
0x11: {  	[smem:$0x3FB7] =	sst s9;
	s0 =	simm.s32 @!p0 $0x0  }
0x12: {  	s1 =	sld [smem:$0x3F9D];
	s0 =	simm.s32 @p0 $0x1  }
0x13: {  	[smem:$0x3FB8] =	sst s0;
	s0 =	simm.s32 @!p1 $0x0  }
0x14: {  	s2 =	sld [smem:$0x3F9C];
	s0 =	simm.s32 @p1 $0x1  }
0x15: {  	[smem:$0x3FB9] =	sst s0;
	s0 =	simm.s32 @!p2 $0x0  }
0x16: {  	s3 =	sld [smem:$0x3FDB];
	s0 =	simm.s32 @p2 $0x1  }
0x17: {  	s4 =	simm.s32 $0x1BF5;
	[smem:$0x3FBB] =	sst s0  }
0x18: {  	s0 =	sld [smem:$0x3F9E];
	_ =	swait.ge [sflag:s4], $0x0  }
0x19: {  	s7 =	sld [smem:$0x3F9F]  }
0x1a: {  	s8 =	sadd.s32 $0xFFFFE003, lr  }
0x1b: {  	s9 =	sadd.s32 $0xFFFFFEF7, lr;
	s5 =	simm.s32 $0xFFFFFFFF;
	p2 =	slt.u32 s8, $0xFFFFF086  }
0x1c: {  	p1 =	slt.u32 s9, $0xF7A;
	s5 =	simm.s32 @!p2 $0x0  }
0x1d: {  	s5 =	simm.s32 @p1 $0x1;
	p0 =	seq.s32 s7, s2  }
0x1e: {  	s7 =	smul.u32 @!p0 $0xF7A, s2;
	p2 =	seq.s32 @!p0 s5, $0x0  }
0x1f: {  	s9 =	smul.u32 $0xF7A, s1;
	s8 =	simm.s32 @!p0 $0x1BF5;
	p2 =	por !p2, p0  }
0x20: {  	[sflag:s8] =	ssyncset.s32 @!p0 $0xFFFFF086;
	s6 =	sadd.s32 @!p0 s3, s7;
	s7 =	simm.s32 @!p0 $0x108  }
0x21: {  	s3 =	sadd.s32 s3, s9;
	s6 =	sadd.s32 @!p0 $0x88, s6;
	s7 =	simm.s32 @p2 $0x1082  }
0x22: {  	[simem:s7], [sflag:s8] =	dma.local @!p0 [hbm:s6], $0xF7A  }
0x23: {  	s9 =	sor.u32 $0xD0000000, s2;
	s6 =	simm.s32 $0x108;
	_ =	swait.ge @!p0 [sflag:s8], $0x0  }
0x24: {  	s3 =	sadd.s32 $0x88, s3;
	s6 =	simm.s32 @!p1 $0x1082;
	[sflag:s4] =	ssyncset.s32 $0xFFFFF086  }
0x25: {  	[simem:s6], [sflag:s4] =	dma.local [hbm:s3], $0xF7A  }
0x26: {  	[smem:$0x3F9F] =	sst s1;
	(tag) =	ssettag s2;
	_ =	strace s9  }
0x27: {  	s1 =	sld [smem:$0x3FAF]  }
0x28: {  	s2 =	sld [smem:$0x3FB0]  }
0x29: {  	s4 =	sld [smem:$0x3FB2]  }
0x2a: {  	p0 =	seq.s32 s5, $0x0;
	s5 =	sld [smem:$0x3FB3]  }
0x2b: {  	s6 =	sld [smem:$0x3FB4]  }
0x2c: {  	s7 =	sld [smem:$0x3FB5]  }
0x2d: {  	s3 =	simm.s32 $0x108;
	s8 =	sld [smem:$0x3FB6]  }
0x2e: {  	s3 =	simm.s32 @!p0 $0x1082;
	s9 =	sld [smem:$0x3FB7]  }
0x2f: {  	lr =	sadd.s32 s0, s3;
	s0 =	sld [smem:$0x3FAE]  }
0x30: {  	s3 =	sld [smem:$0x3FB1]  }
0x31: {  	[smem:$0x3FBA] =	sst s10  }
0x32: {  	s10 =	sld [smem:$0x3FB8];
	_ =	sdelay $0x3  }
0x33: {  	p0 =	seq.s32 s10, $0x1;
	s10 =	sld [smem:$0x3FBA];
	_ =	sdelay $0x3  }
0x34: {  	[smem:$0x3FBA] =	sst s10  }
0x35: {  	s10 =	sld [smem:$0x3FB9];
	_ =	sdelay $0x3  }
0x36: {  	p1 =	seq.s32 s10, $0x1;
	s10 =	sld [smem:$0x3FBA];
	_ =	sdelay $0x3  }
0x37: {  	[smem:$0x3FBA] =	sst s10  }
0x38: {  	s10 =	sld [smem:$0x3FBB]  }
0x39: {  	_ = 	snop;
	(pc) =	sbr.ind lr, $3  }
0x3a: {  	_ = 	snop  }
0x3b: {  	_ = 	snop  }
0x3c: {  	p2 =	seq.s32 s10, $0x1;
	s10 =	sld [smem:$0x3FBA]  }
0x3d: {  	_ =	shalt  }
0x3e: {  	_ =	shalt  }
0x3f: {  	_ =	shalt  }
0x40: {  	_ =	shalt  }
0x41: {  	_ =	shalt  }
0x42: {  	_ =	shalt  }
0x43: {  	_ =	shalt  }
0x44: {  	_ =	shalt  }
0x45: {  	_ =	shalt  }
0x46: {  	_ =	shalt  }
0x47: {  	_ =	shalt  }
0x48: {  	_ =	shalt  }
0x49: {  	_ =	shalt  }
0x4a: {  	_ =	shalt  }
0x4b: {  	_ =	shalt  }
0x4c: {  	_ =	shalt  }
0x4d: {  	_ =	shalt  }
0x4e: {  	_ =	shalt  }
0x4f: {  	_ =	shalt  }
0x50: {  	_ =	shalt  }
0x51: {  	_ =	shalt  }
0x52: {  	_ =	shalt  }
0x53: {  	_ =	shalt  }
0x54: {  	_ =	shalt  }
0x55: {  	_ =	shalt  }
0x56: {  	_ =	shalt  }
0x57: {  	_ =	shalt  }
0x58: {  	_ =	shalt  }
0x59: {  	_ =	shalt  }
0x5a: {  	_ =	shalt  }
0x5b: {  	_ =	shalt  }
0x5c: {  	_ =	shalt  }
0x5d: {  	_ =	shalt  }
0x5e: {  	_ =	shalt  }
0x5f: {  	_ =	shalt  }
0x60: {  	_ =	shalt  }
0x61: {  	_ =	shalt  }
0x62: {  	_ =	shalt  }
0x63: {  	_ =	shalt  }
0x64: {  	_ =	shalt  }
0x65: {  	_ =	shalt  }
0x66: {  	_ =	shalt  }
0x67: {  	_ =	shalt  }
0x68: {  	_ =	shalt  }
0x69: {  	_ =	shalt  }
0x6a: {  	_ =	shalt  }
0x6b: {  	_ =	shalt  }
0x6c: {  	_ =	shalt  }
0x6d: {  	_ =	shalt  }
0x6e: {  	_ =	shalt  }
0x6f: {  	_ =	shalt  }
0x70: {  	_ =	shalt  }
0x71: {  	_ =	shalt  }
0x72: {  	_ =	shalt  }
0x73: {  	_ =	shalt  }
0x74: {  	_ =	shalt  }
0x75: {  	_ =	shalt  }
0x76: {  	_ =	shalt  }
0x77: {  	_ =	shalt  }
0x78: {  	_ =	shalt  }
0x79: {  	_ =	shalt  }
0x7a: {  	_ =	shalt  }
0x7b: {  	_ =	shalt  }
0x7c: {  	_ =	shalt  }
0x7d: {  	_ =	shalt  }
0x7e: {  	_ =	shalt  }
0x7f: {  	_ =	shalt  }
0x80: {  	_ =	shalt  }
0x81: {  	_ =	shalt  }
0x82: {  	_ =	shalt  }
0x83: {  	_ =	shalt  }
0x84: {  	_ =	shalt  }
0x85: {  	_ =	shalt  }
0x86: {  	_ =	shalt  }
0x87: {  	_ =	shalt  }
.Lfunc_end0:
.L_simem_size_0:
called_computation_lowered:
.L_overlay_start_0:
0x88: {  	s2 =	sld [smem:$0x3FD9]  }
0x89: {  	s3 =	sld [smem:$0x3FFE];
	_ =	sdelay $0x1  }
0x8a: {  	s1 =	srdreg.scid  }
0x8b: {  	s0 =	sand.u32 $0x1, s1  }
0x8c: {  	s17 =	sshll.u32 s0, $0xA;
	s2 =	sadd.s32 s3, s2  }
0x8d: {  	s2 =	sadd.s32 s2, s17  }
0x8e: {  	[smem:$0x3FC6] =	sst s2  }
0x8f: {  	_ = 	snop  }
0x90: {  	s2 =	sld [smem:$0x3FC8]  }
0x91: {  	s18 =	sld [smem:$0x3FD0];
	(tm) =	ssettm $0x1  }
0x92: {  	s4 =	sld [smem:$0x3FFB];
	_ =	sdelay $0x3  }
0x93: {  	_ =	strace s4  }
0x94: {  	s4 =	sld [smem:$0x3FFC];
	_ =	sdelay $0x3  }
0x95: {  	_ =	strace s4  }
0x96: {  	s4 =	sld [smem:$0x3FFD];
	_ =	sdelay $0x3  }
0x97: {  	_ =	strace s4  }
0x98: {  	_ =	strace $0x8FFFFFFF  }
0x99: {  	s19 =	sld [smem:$0x3FDB];
	_ =	sdelay $0x1  }
0x9a: {  	s5 =	simm.s32 $_scs_section_size  }
0x9b: {  	s6 =	simm.s32 $_size__tile_overlayer_lowered;
	s7 =	simm.s32 $_tile_overlayer_lowered  }
0x9c: {  	s22 =	simm.s32 $0x1BFF;
	s21 =	sshll.u32 s7, $0x1;
	s4 =	sadd.s32 s5, s19  }
0x9d: {  	s8 =	simm.s32 $0x0;
	s20 =	sshll.u32 s6, $0x1;
	s6 =	sadd.s32 s21, s4  }
0x9e: {  	[timem:s8], [sflag:s22] =	dma.local [hbm:s6], s20  }
0x9f: {  	_ =	swait.ge [sflag:s22], s20  }
0xa0: {  	s5 =	ssub.s32 $0x0, s20;
	[sflag:s22] =	ssyncset.done $0x0  }
0xa1: {  	[sflag:s22] =	ssyncadd.s32 s5;
	_ =	sdelay $0x1  }
0xa2: {  	s23 =	simm.s32 $0x1B8B  }
0xa3: {  	_ =	swait.ge [sflag:s23], $0x1  }
0xa4: {  	[sflag:s23] =	ssyncset.done $0x0  }
0xa5: {  	s25 =	simm.s32 $0x1B8E;
	s24 =	sld [smem:$0x3FFE];
	[sflag:s23] =	ssyncadd.s32 $0xFFFFFFFF  }
0xa6: {  	s26 =	simm.s32 $execute0_lowered;
	[smem:$0x3FD2] =	sst s25  }
0xa7: {  	s6 =	sshll.u32 s26, $0x1;
	_ =	strace $0x80000046;
	[dreg:$0x1] =	wrdreg $0xFFFFFFFF  }
0xa8: {  	s28 =	simm.s32 $_size_execute0_lowered;
	s4 =	sadd.s32 s4, s6;
	[dreg:$0x0] =	wrdreg $0x0  }
0xa9: {  	s6 =	sshll.u32 s28, $0x1;
	[dreg:$0x2] =	wrdreg s4  }
0xaa: {  	[dreg:$0x3] =	wrdreg s6  }
0xab: {  	[dreg:$0x4] =	wrdreg $0xC0  }
0xac: {  	_ =	task [dreg:s8], $0x5FFFF  }
0xad: {  	[dreg:$0x1] =	wrdreg $0xFFFFFFFF  }
0xae: {  	[dreg:$0x0] =	wrdreg $0x60  }
0xaf: {  	[dreg:$0x2] =	wrdreg s24  }
0xb0: {  	[dreg:$0x3] =	wrdreg s2  }
0xb1: {  	[dreg:$0x4] =	wrdreg s18  }
0xb2: {  	[dreg:$0x5] =	wrdreg $0x9  }
0xb3: {  	_ =	task.clear_ibuf [dreg:s8], $0x6FFFF;
	_ =	strace $0x90000046  }
0xb4: {  	s29 =	simm.s32 $0x9;
	_ =	strace $0x80000048  }
0xb5: {  	_ =	swait.ge [sflag:s29], $0x1  }
0xb6: {  	[sflag:s29] =	ssyncadd.s32 $0xFFFFFFFF  }
0xb7: {  	_ =	strace $0x90000048  }
0xb8: {  	_ =	sfence  }
0xb9: {  	s30 =	sld [smem:$0x0];
	_ =	sdelay $0x2  }
0xba: {  	s31 =	sshll.u32 s1, $0xD;
	s1 =	sshrl.u32 s1, $0x2  }
0xbb: {  	s3 =	sand.u32 $0x4000, s31;
	s1 =	sadd.s32 s1, s30  }
0xbc: {  	s0 =	sor.u32 s3, s0;
	s1 =	sshll.u32 s1, $0x11  }
0xbd: {  	s0 =	sor.u32 s1, s0  }
0xbe: {  	s0 =	sadd.s32 $0x8F2B, s0  }
0xbf: {  	[sflag:s0] =	ssyncadd.remote.s32 $0x1  }
0xc0: {  	_ =	sfence.sel $0xFFFF  }
0xc1: {  	[dreg:$0x0] =	wrdreg $0xFFFFFFFF;
	(pc) =	sbr.abs _section_cstart, $3  }
0xc2: {  	[dreg:$0x1] =	wrdreg $0xFFFFFFFF  }
0xc3: {  	_ =	task.clear_ibuf [dreg:s8], $0x2FFFF;
	_ =	strace $0x9FFFFFFF  }
0xc4: {  	(tm) =	ssettm $0x7FFFFFFF  }
0xc5: {  	_ =	shalt  }
tec
execute0_lowered:
.L_overlay_start_1:
0x0: {  	(tag) =	ssettag $0x1  }
0x1: {  	v0 =	vlaneseq.u32;
	v2 =	vimm.f32 $1.210937500e-01;
	vm14 =	vcmask $0x300  }
0x2: {  	vm13 =	vcmask $0x704;
	v3 =	vimm.f32 $2.460937500e-01;
	vm12 =	vcmask $0xB08  }
0x3: {  	vm11 =	vcmask $0xF0C;
	vm10 =	vcmask $0x1310;
	vm9 =	vcmask $0x1714  }
0x4: {  	vm8 =	vcmask $0x1B18;
	vm7 =	vcmask $0x1F1C;
	vm6 =	vcmask $0x2320  }
0x5: {  	vm5 =	vcmask $0x2724;
	vm4 =	vcmask $0x2B28;
	vm3 =	vcmask $0x2F2C  }
0x6: {  	vm1 =	vcmask $0x3330;
	vm2 =	vcmask $0x3734;
	vm0 =	vcmask $0x3B38  }
0x7: {  	v6 =	vimm.f32 $3.710937500e-01;
	v7 =	vimm.f32 $4.960937500e-01;
	v8 =	vimm.f32 $6.210937500e-01  }
0x8: {  	v9 =	vimm.f32 $7.460937500e-01;
	v10 =	vimm.f32 $8.710937500e-01;
	v11 =	vimm.f32 $9.960937500e-01  }
0x9: {  	v12 =	vimm.s32 $0x1;
	v1 =	vmul.u32 $0x8, v0;
	v0 =	vimm.s32 $0xF  }
0xa: {  	v2 =	vsel vm14, $0x3B800000, v2;
	v3 =	vsel vm14, $0x3E040000, v3;
	v6 =	vsel vm14, $0x3E820000, v6  }
0xb: {  	v7 =	vsel vm14, $0x3EC20000, v7;
	v8 =	vsel vm14, $0x3F010000, v8;
	v9 =	vsel vm14, $0x3F210000, v9  }
0xc: {  	v10 =	vsel vm14, $0x3F410000, v10;
	v11 =	vsel vm14, $0x3F610000, v11;
	v2 =	vsel vm13, $0x3C400000, v2  }
0xd: {  	v3 =	vsel vm13, $0x3E0C0000, v3;
	v6 =	vsel vm13, $0x3E860000, v6;
	v7 =	vsel vm13, $0x3EC60000, v7  }
0xe: {  	v8 =	vsel vm13, $0x3F030000, v8;
	v9 =	vsel vm13, $0x3F230000, v9;
	v10 =	vsel vm13, $0x3F430000, v10  }
0xf: {  	v11 =	vsel vm13, $0x3F630000, v11;
	v1 =	vor.u32 $0x7, v1;
	v2 =	vsel vm12, $0x3CA00000, v2  }
0x10: {  	v3 =	vsel vm12, $0x3E140000, v3;
	v6 =	vsel vm12, $0x3E8A0000, v6;
	v7 =	vsel vm12, $0x3ECA0000, v7  }
0x11: {  	v8 =	vsel vm12, $0x3F050000, v8;
	v9 =	vsel vm12, $0x3F250000, v9;
	v10 =	vsel vm12, $0x3F450000, v10  }
0x12: {  	v11 =	vsel vm12, $0x3F650000, v11;
	v2 =	vsel vm11, $0x3CE00000, v2;
	v3 =	vsel vm11, $0x3E1C0000, v3  }
0x13: {  	v6 =	vsel vm11, $0x3E8E0000, v6;
	v7 =	vsel vm11, $0x3ECE0000, v7;
	v8 =	vsel vm11, $0x3F070000, v8  }
0x14: {  	v9 =	vsel vm11, $0x3F270000, v9;
	v10 =	vsel vm11, $0x3F470000, v10;
	v11 =	vsel vm11, $0x3F670000, v11  }
0x15: {  	v2 =	vsel vm10, $0x3D100000, v2;
	v3 =	vsel vm10, $0x3E240000, v3;
	v6 =	vsel vm10, $0x3E920000, v6  }
0x16: {  	v7 =	vsel vm10, $0x3ED20000, v7;
	v8 =	vsel vm10, $0x3F090000, v8;
	v9 =	vsel vm10, $0x3F290000, v9  }
0x17: {  	v10 =	vsel vm10, $0x3F490000, v10;
	v11 =	vsel vm10, $0x3F690000, v11;
	v2 =	vsel vm9, $0x3D300000, v2  }
0x18: {  	v3 =	vsel vm9, $0x3E2C0000, v3;
	v6 =	vsel vm9, $0x3E960000, v6;
	v7 =	vsel vm9, $0x3ED60000, v7  }
0x19: {  	v8 =	vsel vm9, $0x3F0B0000, v8;
	v9 =	vsel vm9, $0x3F2B0000, v9;
	v10 =	vsel vm9, $0x3F4B0000, v10  }
0x1a: {  	v11 =	vsel vm9, $0x3F6B0000, v11;
	v2 =	vsel vm8, $0x3D500000, v2;
	v3 =	vsel vm8, $0x3E340000, v3  }
0x1b: {  	v6 =	vsel vm8, $0x3E9A0000, v6;
	v7 =	vsel vm8, $0x3EDA0000, v7;
	v8 =	vsel vm8, $0x3F0D0000, v8  }
0x1c: {  	v9 =	vsel vm8, $0x3F2D0000, v9;
	v10 =	vsel vm8, $0x3F4D0000, v10;
	v11 =	vsel vm8, $0x3F6D0000, v11  }
0x1d: {  	v2 =	vsel vm7, $0x3D700000, v2;
	v3 =	vsel vm7, $0x3E3C0000, v3;
	v6 =	vsel vm7, $0x3E9E0000, v6  }
0x1e: {  	v7 =	vsel vm7, $0x3EDE0000, v7;
	v8 =	vsel vm7, $0x3F0F0000, v8;
	v9 =	vsel vm7, $0x3F2F0000, v9  }
0x1f: {  	v10 =	vsel vm7, $0x3F4F0000, v10;
	v11 =	vsel vm7, $0x3F6F0000, v11;
	v2 =	vsel vm6, $0x3D880000, v2  }
0x20: {  	v3 =	vsel vm6, $0x3E440000, v3;
	v6 =	vsel vm6, $0x3EA20000, v6;
	v7 =	vsel vm6, $0x3EE20000, v7  }
0x21: {  	v8 =	vsel vm6, $0x3F110000, v8;
	v9 =	vsel vm6, $0x3F310000, v9;
	v10 =	vsel vm6, $0x3F510000, v10  }
0x22: {  	v11 =	vsel vm6, $0x3F710000, v11;
	v2 =	vsel vm5, $0x3D980000, v2;
	v3 =	vsel vm5, $0x3E4C0000, v3  }
0x23: {  	v6 =	vsel vm5, $0x3EA60000, v6;
	v7 =	vsel vm5, $0x3EE60000, v7;
	v8 =	vsel vm5, $0x3F130000, v8  }
0x24: {  	v9 =	vsel vm5, $0x3F330000, v9;
	v10 =	vsel vm5, $0x3F530000, v10;
	v11 =	vsel vm5, $0x3F730000, v11  }
0x25: {  	s5 =	rddreg [dreg:$0x0];
	v2 =	vsel vm4, $0x3DA80000, v2;
	v3 =	vsel vm4, $0x3E540000, v3;
	v6 =	vsel vm4, $0x3EAA0000, v6  }
0x26: {  	s0 =	rddreg [dreg:$0x1];
	v7 =	vsel vm4, $0x3EEA0000, v7;
	v8 =	vsel vm4, $0x3F150000, v8;
	v9 =	vsel vm4, $0x3F350000, v9  }
0x27: {  	s8 =	rddreg [dreg:$0x2];
	v10 =	vsel vm4, $0x3F550000, v10;
	v11 =	vsel vm4, $0x3F750000, v11;
	v2 =	vsel vm3, $0x3DB80000, v2  }
0x28: {  	s1 =	rddreg [dreg:$0x3];
	s4 =	srdreg.scid;
	v3 =	vsel vm3, $0x3E5C0000, v3;
	v6 =	vsel vm3, $0x3EAE0000, v6;
	v7 =	vsel vm3, $0x3EEE0000, v7  }
0x29: {  	s3 =	simm.s32 $0x0;
	s2 =	stileid.u32;
	s12 =	simm.s32 $0x2000;
	v8 =	vsel vm3, $0x3F170000, v8;
	v9 =	vsel vm3, $0x3F370000, v9;
	v10 =	vsel vm3, $0x3F570000, v10  }
0x2a: {  	s13 =	simm.s32 $0x8000;
	s14 =	simm.s32 $0x1;
	s15 =	simm.s32 $0xC000;
	v11 =	vsel vm3, $0x3F770000, v11;
	v2 =	vsel vm1, $0x3DC80000, v2;
	v5 =	vsel vm1, $0x3E640000, v3  }
0x2b: {  	s16 =	simm.s32 $0xE000;
	s17 =	simm.s32 $0x2;
	s18 =	simm.s32 $0x10000;
	v6 =	vsel vm1, $0x3EB20000, v6;
	v7 =	vsel vm1, $0x3EF20000, v7;
	v8 =	vsel vm1, $0x3F190000, v8  }
0x2c: {  	s19 =	simm.s32 $0x3;
	s20 =	simm.s32 $0x4;
	s21 =	simm.s32 $0x0;
	v9 =	vsel vm1, $0x3F390000, v9;
	v10 =	vsel vm1, $0x3F590000, v10;
	v11 =	vsel vm1, $0x3F790000, v11  }
0x2d: {  	s4 =	sand.u32 $0x1, s4;
	[smem:$0x7FF] =	sst s3;
	s6 =	sshll.u32 s2, $0xC;
	v4 =	vsel vm2, $0x3DD80000, v2;
	v2 =	vimm.s32 $0x7;
	v5 =	vsel vm2, $0x3E6C0000, v5  }
0x2e: {  	s5 =	sadd.s32 $0x400, s5;
	s7 =	sshll.u32 s4, $0xB;
	s9 =	ssub.s32 $0x2, s4;
	v6 =	vsel vm2, $0x3EB60000, v6;
	v7 =	vsel vm2, $0x3EF60000, v7;
	v8 =	vsel vm2, $0x3F1B0000, v8  }
0x2f: {  	_ =	strace $0x80000047;
	s4 =	sor.u32 s7, s6;
	s31 =	sshrl.u32 s9, $0x1;
	v9 =	vsel vm2, $0x3F3B0000, v9;
	v10 =	vsel vm2, $0x3F5B0000, v10;
	v11 =	vsel vm2, $0x3F7B0000, v11  }
0x30: {  	s10 =	sshll.u32 s4, $0x4;
	s11 =	ssub.s32 s9, s31;
	s7 =	sshll.u32 s4, $0x5;
	v3 =	vsel vm0, $0x3DE80000, v4;
	v4 =	vimm.s32 $0x0;
	v5 =	vsel vm0, $0x3E740000, v5  }
0x31: {  	s9 =	sor.u32 $0x80, s4;
	s6 =	sadd.s32 s0, s10;
	s7 =	sadd.s32 s5, s7;
	v6 =	vsel vm0, $0x3EBA0000, v6;
	v7 =	vsel vm0, $0x3EFA0000, v7;
	v8 =	vsel vm0, $0x3F1D0000, v8  }
0x32: {  	s8 =	sadd.s32 s8, s10;
	s10 =	smax.u32 s11, $0x1;
	s11 =	simm.s32 $0x4000;
	v9 =	vsel vm0, $0x3F3D0000, v9;
	v10 =	vsel vm0, $0x3F5D0000, v10;
	v11 =	vsel vm0, $0x3F7D0000, v11  }
.LBB2_1:
0x33: {  	[tilespmem:s3], [sflag:$0x1] =	stream.linear.gather [hbm4b:s6+s3], $0x2000, $0x38;
	[tilespmem:$0x12000] =	vst v63  }
0x34: {  	s22 =	simm.s32 $0x0  }
0x35: {  	[tilespmem:s11], [sflag:$0x1] =	stream.linear.gather [hbm4b:s7+s3], $0x4000, $0x38;
	[tilespmem:$0x12000] =	vst v63  }
.LBB2_2:
0x36: {  	s23 =	sshllo.u32 s22, $0x1  }
0x37: {  	s24 =	sshll.u32 s23, $0x6  }
0x38: {  	s24 =	sadd.s32 s4, s24  }
0x39: {  	s25 =	sshll.u32 s24, $0x4  }
0x3a: {  	s24 =	sshll.u32 s24, $0x5;
	s25 =	sadd.s32 s0, s25  }
0x3b: {  	[tilespmem:s12], [sflag:$0x2] =	stream.linear.gather [hbm4b:s25+s3], $0x2000, $0x38;
	[tilespmem:$0x12000] =	vst v63  }
0x3c: {  	s24 =	sadd.s32 s5, s24  }
0x3d: {  	[tilespmem:s13], [sflag:$0x2] =	stream.linear.gather [hbm4b:s24+s3], $0x4000, $0x38;
	[tilespmem:$0x12000] =	vst v63  }
0x3e: {  	_ =	swait.ge [sflag:s14], $0x2000  }
0x3f: {  	[sflag:s14] =	ssyncset.done $0x0  }
0x40: {  	[sflag:s14] =	ssyncadd.s32 $0xFFFFE000  }
0x41: {  	_ =	swait.ge [sflag:s14], $0x4000  }
0x42: {  	p0 =	seq.s32 s22, $0x0;
	[sflag:s14] =	ssyncset.done $0x0  }
0x43: {  	s24 =	simm.s32 @!p0 $0x3;
	[sflag:s14] =	ssyncadd.s32 $0xFFFFC000  }
0x44: {  	_ =	swait.ge @!p0 [sflag:s24], $0x2000  }
0x45: {  	s26 =	simm.s32 $0xFFFFFFFC;
	[sflag:s24] =	ssyncset.done @!p0 $0x0  }
0x46: {  	s28 =	simm.s32 $0x100;
	s29 =	simm.s32 $0xC100;
	[sflag:s24] =	ssyncadd.s32 @!p0 $0xFFFFE000  }
.LBB2_3:
0x47: {  	v13 =	vld [tilespmem:s28+$0xFFFFFF00]  }
0x48: {  	v14 =	vld [tilespmem:s28+$0xFFFFFF10]  }
0x49: {  	v15 =	vld [tilespmem:s28+$0xFFFFFF20]  }
0x4a: {  	v16 =	vld [tilespmem:s28+$0xFFFFFF30]  }
0x4b: {  	v17 =	vld [tilespmem:s28+$0xFFFFFF40]  }
0x4c: {  	v18 =	vld [tilespmem:s28+$0xFFFFFF50];
	v13 =	vadd.f32 $9.999999740e-06, v13  }
0x4d: {  	v19 =	vld [tilespmem:s28+$0xFFFFFF60];
	v14 =	vadd.f32 $9.999999740e-06, v14  }
0x4e: {  	(xrf2) =	vadd.scan.msk.f32 $0xffff, v13;
	v13 =	vadd.f32 $9.999999740e-06, v15;
	v15 =	vld [tilespmem:s28+$0xFFFFFF70]  }
0x4f: {  	v16 =	vadd.f32 $9.999999740e-06, v16;
	(xrf2) =	vadd.scan.msk.f32 $0xffff, v14;
	v14 =	vld [tilespmem:s28+$0xFFFFFF80]  }
0x50: {  	v49 =	vld [tilespmem:s28+$0xFFFFFF90];
	v17 =	vadd.f32 $9.999999740e-06, v17;
	(xrf2) =	vadd.scan.msk.f32 $0xffff, v13  }
0x51: {  	v51 =	vld [tilespmem:s28+$0xFFFFFFA0];
	v13 =	vadd.f32 $9.999999740e-06, v18;
	(xrf2) =	vadd.scan.msk.f32 $0xffff, v16  }
0x52: {  	v52 =	vld [tilespmem:s28+$0xFFFFFFB0];
	v50 =	vadd.f32 $9.999999740e-06, v19;
	(xrf2) =	vadd.scan.msk.f32 $0xffff, v17  }
0x53: {  	v53 =	vld [tilespmem:s28+$0xFFFFFFE0];
	v15 =	vadd.f32 $9.999999740e-06, v15;
	(xrf2) =	vadd.scan.msk.f32 $0xffff, v13  }
0x54: {  	(xrf2) =	vadd.scan.msk.f32 $0xffff, v50;
	v13 =	vadd.f32 $9.999999740e-06, v14;
	v14 =	vld [tilespmem:s28+$0xFFFFFFC0]  }
0x55: {  	(xrf2) =	vadd.scan.msk.f32 $0xffff, v15;
	v15 =	vld [tilespmem:s28+$0xFFFFFFD0]  }
0x56: {  	v20 =	vld [tilespmem:s28+$0xFFFFFFF0];
	v16 =	vadd.f32 $9.999999740e-06, v49;
	(xrf2) =	vadd.scan.msk.f32 $0xffff, v13  }
0x57: {  	v54 =	vld [tilespmem:s28+$0x0];
	v17 =	vadd.f32 $9.999999740e-06, v51  }
0x58: {  	v19 =	vadd.f32 $9.999999740e-06, v52;
	v13, _, _ =	vpop (xrf2);
	(xrf2) =	vadd.scan.msk.f32 $0xffff, v16  }
0x59: {  	v55 =	vld [tilespmem:s28+$0x10];
	v21 =	vperm.xlane v13, v0;
	v22, _, _ =	vpop (xrf2);
	v23 =	vadd.f32 $9.999999740e-06, v14;
	(xrf2) =	vadd.scan.msk.f32 $0xffff, v17  }
0x5a: {  	v56 =	vld [tilespmem:s28+$0x20];
	v24, _, _ =	vpop (xrf2);
	v15 =	vadd.f32 $9.999999740e-06, v15;
	(xrf2) =	vadd.scan.msk.f32 $0xffff, v19  }
0x5b: {  	v58 =	vld [tilespmem:s28+$0x30];
	v18 =	vadd.f32 $9.999999740e-06, v53;
	v14 =	vadd.f32 v21, v22;
	v57, _, _ =	vpop (xrf2);
	(xrf2) =	vadd.scan.msk.f32 $0xffff, v23  }
0x5c: {  	v26 =	vld [tilespmem:s28+$0x40];
	v20 =	vadd.f32 $9.999999740e-06, v20;
	v59, _, _ =	vpop (xrf2);
	(xrf2) =	vadd.scan.msk.f32 $0xffff, v15;
	v15 =	vadd.f32 $9.999999740e-06, v54  }
0x5d: {  	v60 =	vld [tilespmem:s28+$0x50];
	v25 =	vperm.xlane v14, v0;
	v27, _, _ =	vpop (xrf2);
	(xrf2) =	vadd.scan.msk.f32 $0xffff, v18  }
0x5e: {  	v62 =	vld [tilespmem:s28+$0x60];
	v61, _, _ =	vpop (xrf2);
	(xrf2) =	vadd.scan.msk.f32 $0xffff, v20  }
0x5f: {  	v43 =	vld [tilespmem:s28+$0x80];
	v17 =	vadd.f32 $9.999999740e-06, v55;
	v24 =	vadd.f32 v25, v24;
	v63, _, _ =	vpop (xrf2);
	(xrf2) =	vadd.scan.msk.f32 $0xffff, v15  }
0x60: {  	v28 =	vld [tilespmem:s28+$0x70];
	v19 =	vadd.f32 $9.999999740e-06, v56;
	v15, _, _ =	vpop (xrf2)  }
0x61: {  	v22 =	vadd.f32 $9.999999740e-06, v58;
	(xrf2) =	vadd.scan.msk.f32 $0xffff, v17;
	v29 =	vperm.xlane v24, v0;
	v30 =	vperm.xlane v15, v0  }
0x62: {  	v26 =	vadd.f32 $9.999999740e-06, v26;
	v16 =	vadd.f32 $9.999999740e-06, v60;
	(xrf2) =	vadd.scan.msk.f32 $0xffff, v19;
	v44, _, _ =	vpop (xrf2)  }
0x63: {  	v45 =	vld [tilespmem:s28+$0x90];
	(xrf2) =	vadd.scan.msk.f32 $0xffff, v22;
	v19 =	vadd.f32 v29, v57;
	v46, _, _ =	vpop (xrf2);
	v21 =	vadd.f32 v30, v44  }
0x64: {  	v20 =	vadd.f32 $9.999999740e-06, v62;
	v17 =	vadd.f32 $9.999999740e-06, v43;
	(xrf2) =	vadd.scan.msk.f32 $0xffff, v26;
	v48, _, _ =	vpop (xrf2)  }
0x65: {  	v28 =	vadd.f32 $9.999999740e-06, v28;
	(xrf2) =	vadd.scan.msk.f32 $0xffff, v16;
	v47 =	vperm.xlane v19, v0;
	v49, _, _ =	vpop (xrf2);
	v31 =	vperm.xlane v21, v0  }
0x66: {  	(xrf2) =	vadd.scan.msk.f32 $0xffff, v20;
	v50, _, _ =	vpop (xrf2)  }
0x67: {  	v51 =	vld [tilespmem:s28+$0xA0];
	(xrf2) =	vadd.scan.msk.f32 $0xffff, v28;
	v20 =	vadd.f32 v47, v59;
	v52, _, _ =	vpop (xrf2);
	v29 =	vadd.f32 v31, v46  }
0x68: {  	v22 =	vadd.f32 $9.999999740e-06, v45;
	(xrf2) =	vadd.scan.msk.f32 $0xffff, v17;
	v17, _, _ =	vpop (xrf2)  }
0x69: {  	v53 =	vperm.xlane v20, v0;
	v32 =	vperm.xlane v29, v0;
	v33, _, _ =	vpop (xrf2)  }
0x6a: {  	(xrf2) =	vadd.scan.msk.f32 $0xffff, v22;
	v55 =	vperm.xlane v33, v0  }
0x6b: {  	v34 =	vld [tilespmem:s28+$0xB0];
	v54, _, _ =	vpop (xrf2);
	v27 =	vadd.f32 v53, v27;
	v30 =	vadd.f32 v32, v48  }
0x6c: {  	v26 =	vadd.f32 $9.999999740e-06, v51;
	v35, _, _ =	vpop (xrf2);
	v22 =	vadd.f32 v55, v54  }
0x6d: {  	v38 =	vld [tilespmem:s28+$0xC0];
	v56, _, _ =	vpop (xrf2);
	v36 =	vperm.xlane v27, v0;
	v57 =	vperm.xlane v30, v0  }
0x6e: {  	(xrf2) =	vadd.scan.msk.f32 $0xffff, v26;
	v37, _, _ =	vpop (xrf2);
	v59 =	vperm.xlane v22, v0  }
0x6f: {  	v58, _, _ =	vpop (xrf2);
	v18 =	vadd.f32 v36, v61;
	v16 =	vadd.f32 v57, v49  }
0x70: {  	v60 =	vadd.f32 $9.999999740e-06, v34;
	v39, _, _ =	vpop (xrf2);
	v35 =	vadd.f32 v59, v35  }
0x71: {  	v34, _, _ =	vpop (xrf2);
	v40 =	vperm.xlane v18, v0;
	v61 =	vperm.xlane v16, v0  }
0x72: {  	v46 =	vadd.f32 $9.999999740e-06, v38;
	(xrf2) =	vadd.scan.msk.f32 $0xffff, v60;
	v41, _, _ =	vpop (xrf2);
	v62 =	vperm.xlane v35, v0  }
0x73: {  	v42 =	vperm.xlane v41, v0;
	v25 =	vadd.f32 v40, v63;
	v63 =	vld [tilespmem:s28+$0xD0];
	v23 =	vadd.f32 v61, v50  }
0x74: {  	v47, _, _ =	vpop (xrf2);
	v31 =	vadd.f32 v62, v56  }
0x75: {  	(xrf2) =	vadd.scan.msk.f32 $0xffff, v46;
	v32 =	vadd.f32 v42, v47;
	v48 =	vperm.xlane v25, v0;
	v49 =	vperm.xlane v23, v0  }
0x76: {  	v43 =	vld [tilespmem:s28+$0xE0];
	v50 =	vperm.xlane v31, v0  }
0x77: {  	v44 =	vperm.xlane v32, v0;
	(erf) = vrcp.f32 v48;
	v28 =	vadd.f32 v49, v52  }
0x78: {  	v52, _, _ =	vpop (xrf2);
	v51 =	vadd.f32 $9.999999740e-06, v63;
	v36 =	vadd.f32 v50, v37  }
0x79: {  	v37 =	vadd.f32 v44, v52  }
0x7a: {  	v53 =	vperm.xlane v28, v0;
	(xrf2) =	vadd.scan.msk.f32 $0xffff, v51;
	v54 =	vperm.xlane v36, v0  }
0x7b: {  	v55 =	vld [tilespmem:s28+$0xF0];
	v56 =	vadd.f32 $9.999999740e-06, v43;
	v44 =	vperm.xlane v37, v0  }
0x7c: {  	v57, _, _ =	vpop (xrf2);
	v17 =	vadd.f32 v53, v17;
	v26 =	vadd.f32 v54, v58  }
0x7d: {  	v38 =	vadd.f32 v44, v57  }
0x7e: {  	(xrf2) =	vadd.scan.msk.f32 $0xffff, v56;
	v58 =	vperm.xlane v17, v0;
	v59 =	vperm.xlane v26, v0  }
0x7f: {  	v45, _, _ =	vpop (xrf2);
	v44 =	vperm.xlane v38, v0  }
0x80: {  	v42 =	vadd.f32 $9.999999740e-06, v55;
	(erf) = vrcp.f32 v58;
	v60 =	vpop (erf);
	v39 =	vadd.f32 v59, v39  }
0x81: {  	v40 =	vadd.f32 v44, v45;
	v13 =	vmul.f32 v60, v13  }
0x82: {  	(xrf2) =	vadd.scan.msk.f32 $0xffff, v42;
	v14 =	vmul.f32 v60, v14;
	v61 =	vperm.xlane v39, v0  }
0x83: {  	v44 =	vperm.xlane v40, v0;
	[tilespmem:s29+$0xFFFFFF00] =	vst v13  }
0x84: {  	[tilespmem:s29+$0xFFFFFF10] =	vst v14;
	v14 =	vmul.f32 v60, v19;
	v62, _, _ =	vpop (xrf2);
	v13 =	vadd.f32 v61, v34  }
0x85: {  	v34 =	vadd.f32 v44, v62  }
0x86: {  	[tilespmem:s29+$0xFFFFFF30] =	vst v14;
	v14 =	vmul.f32 v60, v27;
	v45 =	vperm.xlane v13, v0  }
0x87: {  	v24 =	vmul.f32 v60, v24;
	v46 =	vperm.xlane v34, v0  }
0x88: {  	v47, _, _ =	vpop (xrf2);
	[tilespmem:s29+$0xFFFFFF50] =	vst v14;
	v14 =	vmul.f32 v60, v25;
	(erf) = vrcp.f32 v45  }
0x89: {  	v63 =	vmul.f32 v60, v20;
	[tilespmem:s29+$0xFFFFFF20] =	vst v24;
	v49 =	vpop (erf);
	v48 =	vadd.f32 v46, v47  }
0x8a: {  	[tilespmem:s29+$0xFFFFFF70] =	vst v14;
	v14 =	vmul.f32 v49, v21  }
0x8b: {  	[tilespmem:s29+$0xFFFFFF40] =	vst v63;
	v15 =	vmul.f32 v49, v15;
	v50 =	vperm.xlane v48, v0  }
0x8c: {  	v51, _, _ =	vpop (xrf2);
	[tilespmem:s29+$0xFFFFFF90] =	vst v14;
	v14 =	vmul.f32 v49, v30  }
0x8d: {  	v18 =	vmul.f32 v60, v18;
	[tilespmem:s29+$0xFFFFFF80] =	vst v15;
	v15 =	vadd.f32 v50, v51  }
0x8e: {  	[tilespmem:s29+$0xFFFFFFB0] =	vst v14;
	v14 =	vmul.f32 v49, v23  }
0x8f: {  	[tilespmem:s29+$0xFFFFFF60] =	vst v18;
	v52 =	vmul.f32 v49, v29;
	v53 =	vperm.xlane v15, v0  }
0x90: {  	[tilespmem:s29+$0xFFFFFFD0] =	vst v14;
	v14 =	vmul.f32 v49, v17  }
0x91: {  	v16 =	vmul.f32 v49, v16;
	[tilespmem:s29+$0xFFFFFFA0] =	vst v52;
	(erf) = vrcp.f32 v53;
	v55 =	vpop (erf)  }
0x92: {  	[tilespmem:s29+$0xFFFFFFF0] =	vst v14;
	v14 =	vmul.f32 v55, v22  }
0x93: {  	v54 =	vmul.f32 v49, v28;
	[tilespmem:s29+$0xFFFFFFC0] =	vst v16  }
0x94: {  	[tilespmem:s29+$0x10] =	vst v14;
	v14 =	vmul.f32 v55, v31  }
0x95: {  	[tilespmem:s29+$0xFFFFFFE0] =	vst v54;
	v56 =	vmul.f32 v55, v33  }
0x96: {  	v57 =	vmul.f32 v55, v35;
	[tilespmem:s29+$0x30] =	vst v14;
	v14 =	vmul.f32 v55, v26  }
0x97: {  	v58 =	vmul.f32 v55, v36;
	[tilespmem:s29+$0x0] =	vst v56  }
0x98: {  	[tilespmem:s29+$0x20] =	vst v57  }
0x99: {  	v59 =	vmul.f32 v55, v39;
	[tilespmem:s29+$0x40] =	vst v58  }
0x9a: {  	v13 =	vmul.f32 v55, v13;
	[tilespmem:s29+$0x50] =	vst v14;
	v14 =	vpop (erf)  }
0x9b: {  	[tilespmem:s29+$0x60] =	vst v59;
	v60 =	vmul.f32 v14, v41  }
0x9c: {  	[tilespmem:s29+$0x70] =	vst v13;
	v13 =	vmul.f32 v14, v32  }
0x9d: {  	v61 =	vmul.f32 v14, v37;
	[tilespmem:s29+$0x80] =	vst v60  }
0x9e: {  	s26 =	sadd.s32 $0x4, s26;
	[tilespmem:s29+$0x90] =	vst v13;
	v13 =	vmul.f32 v14, v38  }
0x9f: {  	p1 =	slt.u32 s26, $0x3C;
	v62 =	vmul.f32 v14, v40;
	[tilespmem:s29+$0xA0] =	vst v61  }
.Ltmp0:
0xa0: {  	[tilespmem:s29+$0xB0] =	vst v13;
	v13 =	vmul.f32 v14, v34;
	(pc) =	sbr.rel @p1 .LBB2_3-.Ltmp0, $4  }
0xa1: {  	v63 =	vmul.f32 v14, v48;
	[tilespmem:s29+$0xC0] =	vst v62  }
0xa2: {  	[tilespmem:s29+$0xD0] =	vst v13;
	v13 =	vmul.f32 v14, v15  }
0xa3: {  	s24 =	simm.s32 $0x0;
	[tilespmem:s29+$0xE0] =	vst v63  }
0xa4: {  	s25 =	simm.s32 $0xE080;
	s28 =	sadd.s32 $0x200, s28;
	[tilespmem:s29+$0xF0] =	vst v13;
	s29 =	sadd.s32 $0x200, s29  }
.LBB2_4:
0xa5: {  	v14 =	vmov s24  }
0xa6: {  	v13 =	vshll.u32 v14, $0x7  }
0xa7: {  	v15 =	vor.u32 v1, v13;
	_ =	sdelay $0x4  }
0xa8: {  	v15 =	vld.idx.msk [tilespmem:v15+s15+$0x0], $0xffff;
	_ =	sdelay $0x4  }
0xa9: {  	v16 =	vperm.xlane v15, v2;
	_ =	sdelay $0x1  }
0xaa: {  	vm0 =	vle.f32 v16, v3  }
0xab: {  	vm1 =	vle.f32 v16, v5;
	vm5 =	vle.f32 v16, v6;
	vm6 =	vle.f32 v16, v7  }
0xac: {  	vm7 =	vle.f32 v16, v8;
	vm8 =	vle.f32 v16, v9;
	vm9 =	vle.f32 v16, v10  }
0xad: {  	vm10 =	vle.f32 v16, v11;
	v17 =	vsel vm0, $0x8, v4;
	v18 =	vsel vm1, $0x8, v4  }
0xae: {  	v19 =	vsel vm5, $0x8, v4;
	v20 =	vsel vm6, $0x8, v4;
	v21 =	vsel vm7, $0x8, v4  }
0xaf: {  	v22 =	vsel vm8, $0x8, v4;
	v34 =	vsel vm9, $0x8, v4;
	v23 =	vsel vm10, $0x8, v4  }
0xb0: {  	v24 =	vor.u32 $0x3, v17;
	v25 =	vor.u32 $0x3, v18;
	v26 =	vor.u32 $0x3, v19  }
0xb1: {  	v27 =	vor.u32 $0x3, v20;
	v28 =	vor.u32 $0x3, v21;
	v24 =	vperm.xlane v15, v24  }
0xb2: {  	v29 =	vor.u32 $0x3, v22;
	v25 =	vperm.xlane v15, v25;
	v26 =	vperm.xlane v15, v26  }
0xb3: {  	v30 =	vor.u32 $0x3, v34;
	v27 =	vperm.xlane v15, v27;
	v28 =	vperm.xlane v15, v28  }
0xb4: {  	v31 =	vor.u32 $0x3, v23;
	v29 =	vperm.xlane v15, v29;
	v30 =	vperm.xlane v15, v30  }
0xb5: {  	v35 =	vperm.xlane v15, v31;
	vm11 =	vle.f32 v24, v3;
	vm12 =	vle.f32 v25, v5  }
0xb6: {  	vm13 =	vle.f32 v26, v6;
	vm14 =	vle.f32 v27, v7;
	vm15 =	vle.f32 v28, v8  }
0xb7: {  	vm4 =	vle.f32 v29, v9;
	vm5 =	vle.f32 v30, v10;
	vm6 =	vle.f32 v35, v11  }
0xb8: {  	v36 =	vsel vm11, $0x4, v4;
	v25 =	vsel vm12, $0x4, v4;
	v37 =	vsel vm13, $0x4, v4  }
0xb9: {  	v38 =	vsel vm14, $0x4, v4;
	v39 =	vsel vm15, $0x4, v4;
	v40 =	vsel vm4, $0x4, v4  }
0xba: {  	v41 =	vsel vm5, $0x4, v4;
	v24 =	vsel vm6, $0x4, v4;
	v17 =	vor.u32 v17, v36  }
0xbb: {  	v18 =	vor.u32 v18, v25;
	v19 =	vor.u32 v19, v37;
	v20 =	vor.u32 v20, v38  }
0xbc: {  	v21 =	vor.u32 v21, v39;
	v22 =	vor.u32 v22, v40;
	v16 =	vor.u32 v34, v41  }
0xbd: {  	v23 =	vor.u32 v23, v24;
	v42 =	vor.u32 $0x1, v17;
	v43 =	vor.u32 $0x1, v18  }
0xbe: {  	v44 =	vor.u32 $0x1, v19;
	v45 =	vor.u32 $0x1, v20;
	v46 =	vor.u32 $0x1, v21  }
0xbf: {  	v47 =	vor.u32 $0x1, v22;
	v25 =	vperm.xlane v15, v42;
	v26 =	vperm.xlane v15, v43  }
0xc0: {  	v50 =	vor.u32 $0x1, v16;
	v27 =	vperm.xlane v15, v44;
	v28 =	vperm.xlane v15, v45  }
0xc1: {  	v51 =	vor.u32 $0x1, v23;
	v48 =	vperm.xlane v15, v46;
	v49 =	vperm.xlane v15, v47  }
0xc2: {  	v35 =	vor.u32 $0x3, v13;
	v52 =	vperm.xlane v15, v50;
	v53 =	vperm.xlane v15, v51  }
0xc3: {  	vm7 =	vle.f32 v25, v3;
	vm8 =	vle.f32 v26, v5;
	vm9 =	vle.f32 v27, v6  }
0xc4: {  	vm10 =	vle.f32 v28, v7;
	vm11 =	vle.f32 v48, v8;
	vm12 =	vle.f32 v49, v9  }
0xc5: {  	vm13 =	vle.f32 v52, v10;
	vm14 =	vle.f32 v53, v11;
	v54 =	vsel vm7, $0x2, v4  }
0xc6: {  	v26 =	vsel vm8, $0x2, v4;
	v27 =	vsel vm9, $0x2, v4;
	v55 =	vsel vm10, $0x2, v4  }
0xc7: {  	v24 =	vsel vm11, $0x2, v4;
	v56 =	vsel vm12, $0x2, v4;
	v17 =	vor.u32 v17, v54  }
0xc8: {  	v18 =	vor.u32 v18, v26;
	v19 =	vor.u32 v19, v27;
	v20 =	vor.u32 v20, v55  }
0xc9: {  	v21 =	vor.u32 v21, v24;
	v58 =	vperm.xlane v15, v17;
	v59 =	vperm.xlane v15, v18  }
0xca: {  	v22 =	vor.u32 v22, v56;
	v60 =	vperm.xlane v15, v19;
	v61 =	vperm.xlane v15, v20  }
0xcb: {  	v57 =	vsel vm13, $0x2, v4;
	v62 =	vperm.xlane v15, v21;
	v63 =	vperm.xlane v15, v22  }
0xcc: {  	vm15 =	vle.f32 v58, v3;
	vm4 =	vle.f32 v59, v5;
	vm2 =	vle.f32 v60, v6  }
0xcd: {  	vm5 =	vle.f32 v61, v7;
	vm6 =	vle.f32 v62, v8;
	vm7 =	vle.f32 v63, v9  }
0xce: {  	v24 =	vsel vm15, $0x1, v4;
	v32 =	vsel vm4, $0x1, v4;
	v33 =	vsel vm2, $0x1, v4  }
0xcf: {  	v34 =	vsel vm5, $0x1, v4;
	v38 =	vsel vm6, $0x1, v4;
	v17 =	vor.u32 v24, v17  }
0xd0: {  	v42 =	vsel vm7, $0x1, v4;
	v18 =	vor.u32 v32, v18;
	v17 =	vshll.u32 v17, $0x3  }
0xd1: {  	v19 =	vor.u32 v33, v19;
	v18 =	vshll.u32 v18, $0x3;
	v36 =	vor.u32 v17, v35  }
0xd2: {  	v20 =	vor.u32 v34, v20;
	v19 =	vshll.u32 v19, $0x3;
	v37 =	vor.u32 v18, v35  }
0xd3: {  	v21 =	vor.u32 v38, v21;
	v20 =	vshll.u32 v20, $0x3;
	v39 =	vor.u32 v19, v35  }
0xd4: {  	v22 =	vor.u32 v42, v22;
	v21 =	vshll.u32 v21, $0x3;
	v40 =	vor.u32 v20, v35  }
0xd5: {  	v30 =	vsel vm14, $0x2, v4;
	v22 =	vshll.u32 v22, $0x3;
	v43 =	vor.u32 v21, v35  }
0xd6: {  	v16 =	vor.u32 v16, v57;
	v23 =	vor.u32 v23, v30;
	v44 =	vor.u32 v22, v35;
	v24 =	vld.idx.msk [tilespmem:v36+s15+$0x0], $0xffff  }
0xd7: {  	v41 =	vperm.xlane v15, v16;
	v15 =	vperm.xlane v15, v23;
	v26 =	vld.idx.msk [tilespmem:v37+s15+$0x0], $0xffff  }
0xd8: {  	v28 =	vld.idx.msk [tilespmem:v39+s15+$0x0], $0xffff  }
0xd9: {  	vm9 =	vle.f32 v15, v11;
	v15 =	vld.idx.msk [tilespmem:v40+s15+$0x0], $0xffff  }
0xda: {  	vm8 =	vle.f32 v41, v10;
	v46 =	vld.idx.msk [tilespmem:v43+s15+$0x0], $0xffff  }
0xdb: {  	v29 =	vsel vm8, $0x1, v4;
	v45 =	vsel vm9, $0x1, v4;
	v49 =	vld.idx.msk [tilespmem:v44+s15+$0x0], $0xffff  }
0xdc: {  	v16 =	vor.u32 v29, v16;
	v23 =	vor.u32 v45, v23  }
0xdd: {  	v16 =	vshll.u32 v16, $0x3;
	v23 =	vshll.u32 v23, $0x3  }
0xde: {  	v57 =	vor.u32 $0x1, v13;
	v47 =	vor.u32 v16, v35;
	v25 =	vor.u32 v23, v35  }
0xdf: {  	vm10 =	vle.f32 v24, v3;
	vm11 =	vle.f32 v26, v5;
	vm12 =	vle.f32 v28, v6  }
0xe0: {  	vm13 =	vle.f32 v15, v7;
	vm14 =	vle.f32 v46, v8;
	vm15 =	vle.f32 v49, v9  }
0xe1: {  	v48 =	vsel vm10, $0x4, v4;
	v50 =	vsel vm11, $0x4, v4;
	v51 =	vsel vm12, $0x4, v4  }
0xe2: {  	v52 =	vsel vm13, $0x4, v4;
	v55 =	vsel vm14, $0x4, v4;
	v17 =	vor.u32 v17, v48  }
0xe3: {  	v62 =	vsel vm15, $0x4, v4;
	v15 =	vor.u32 v18, v50;
	v56 =	vand.u32 $0x7C, v17  }
0xe4: {  	v18 =	vor.u32 v19, v51;
	v59 =	vand.u32 $0x7C, v15;
	v58 =	vor.u32 v56, v57  }
0xe5: {  	v53 =	vor.u32 v20, v52;
	v61 =	vand.u32 $0x7C, v18;
	v60 =	vor.u32 v59, v57  }
0xe6: {  	v21 =	vor.u32 v21, v55;
	v63 =	vand.u32 $0x7C, v53;
	v27 =	vor.u32 v61, v57  }
0xe7: {  	v25 =	vld.idx.msk [tilespmem:v25+s15+$0x0], $0xffff;
	v22 =	vor.u32 v22, v62;
	v34 =	vand.u32 $0x7C, v21;
	v33 =	vor.u32 v63, v57  }
0xe8: {  	v54 =	vld.idx.msk [tilespmem:v47+s15+$0x0], $0xffff;
	v36 =	vand.u32 $0x7C, v22;
	v35 =	vor.u32 v34, v57  }
0xe9: {  	v30 =	vor.u32 v36, v57;
	v24 =	vld.idx.msk [tilespmem:v58+s15+$0x0], $0xffff  }
0xea: {  	v26 =	vld.idx.msk [tilespmem:v60+s15+$0x0], $0xffff  }
0xeb: {  	v38 =	vld.idx.msk [tilespmem:v27+s15+$0x0], $0xffff  }
0xec: {  	vm5 =	vle.f32 v25, v11;
	v29 =	vld.idx.msk [tilespmem:v33+s15+$0x0], $0xffff  }
0xed: {  	vm4 =	vle.f32 v54, v10;
	v40 =	vsel vm5, $0x4, v4;
	v20 =	vld.idx.msk [tilespmem:v35+s15+$0x0], $0xffff  }
0xee: {  	v37 =	vsel vm4, $0x4, v4;
	v23 =	vor.u32 v23, v40;
	v30 =	vld.idx.msk [tilespmem:v30+s15+$0x0], $0xffff  }
0xef: {  	v16 =	vor.u32 v16, v37;
	v31 =	vand.u32 $0x7C, v23  }
0xf0: {  	v39 =	vand.u32 $0x7C, v16;
	v28 =	vor.u32 v31, v57  }
0xf1: {  	v27 =	vor.u32 v39, v57;
	vm6 =	vle.f32 v24, v3;
	vm7 =	vle.f32 v26, v5  }
0xf2: {  	vm8 =	vle.f32 v38, v6;
	vm9 =	vle.f32 v29, v7;
	vm10 =	vle.f32 v20, v8  }
0xf3: {  	vm11 =	vle.f32 v30, v9;
	v24 =	vsel vm6, $0x2, v4;
	v43 =	vsel vm7, $0x2, v4  }
0xf4: {  	v44 =	vsel vm8, $0x2, v4;
	v47 =	vsel vm11, $0x2, v4;
	v42 =	vor.u32 v17, v24  }
0xf5: {  	v45 =	vor.u32 v15, v43;
	v18 =	vor.u32 v18, v44;
	v15 =	vsel vm9, $0x2, v4  }
0xf6: {  	v20 =	vor.u32 v22, v47;
	v19 =	vor.u32 v53, v15;
	v48 =	vand.u32 $0x7E, v45  }
0xf7: {  	v15 =	vsel vm10, $0x2, v4;
	v50 =	vand.u32 $0x7E, v18;
	v22 =	vor.u32 v13, v48  }
0xf8: {  	v41 =	vld.idx.msk [tilespmem:v27+s15+$0x0], $0xffff;
	v21 =	vor.u32 v21, v15;
	v15 =	vand.u32 $0x7E, v42;
	v52 =	vor.u32 v13, v50  }
0xf9: {  	v46 =	vld.idx.msk [tilespmem:v28+s15+$0x0], $0xffff;
	v53 =	vand.u32 $0x7E, v19;
	v15 =	vor.u32 v13, v15  }
0xfa: {  	v54 =	vor.u32 v13, v53;
	v55 =	vand.u32 $0x7E, v21  }
0xfb: {  	v57 =	vor.u32 v13, v55  }
0xfc: {  	v24 =	vld.idx.msk [tilespmem:v22+s15+$0x0], $0xffff  }
0xfd: {  	vm12 =	vle.f32 v41, v10;
	v17 =	vld.idx.msk [tilespmem:v52+s15+$0x0], $0xffff  }
0xfe: {  	vm13 =	vle.f32 v46, v11;
	v49 =	vsel vm12, $0x2, v4;
	v35 =	vld.idx.msk [tilespmem:v15+s15+$0x0], $0xffff  }
0xff: {  	v56 =	vsel vm13, $0x2, v4;
	v51 =	vor.u32 v16, v49;
	v16 =	vld.idx.msk [tilespmem:v54+s15+$0x0], $0xffff  }
0x100: {  	v14 =	vshll.u32 v14, $0x8;
	v59 =	vor.u32 v23, v56;
	v31 =	vld.idx.msk [tilespmem:v57+s15+$0x0], $0xffff  }
0x101: {  	v58 =	vand.u32 $0x7E, v20;
	v23 =	vand.u32 $0x7E, v59;
	v60 =	vand.u32 $0x7E, v51  }
0x102: {  	v33 =	vor.u32 v13, v23;
	v61 =	vor.u32 v13, v60;
	v15 =	vor.u32 v13, v58  }
0x103: {  	vm6 =	vle.f32 v24, v5;
	vm5 =	vle.f32 v17, v6;
	vm7 =	vle.f32 v35, v3  }
0x104: {  	vm4 =	vle.f32 v16, v7;
	v39 =	vsel vm6, $0x1, v4;
	v40 =	vsel vm5, $0x1, v4  }
0x105: {  	vm3 =	vle.f32 v31, v8;
	v62 =	vsel vm7, $0x1, v4;
	v26 =	vor.u32 v39, v45  }
0x106: {  	v41 =	vsel vm4, $0x1, v4;
	v36 =	vor.u32 v40, v18;
	v63 =	vor.u32 v62, v42  }
0x107: {  	v23 =	vld.idx.msk [tilespmem:v61+s15+$0x0], $0xffff;
	v27 =	vor.u32 v41, v19;
	v42 =	vsel vm3, $0x1, v4;
	v47 =	vmax.u32 v26, $0x1  }
0x108: {  	v49 =	vmax.u32 v36, $0x1;
	v56 =	vadd.s32 $0x1, v36;
	vm15 =	veq.s32 v26, $0x0  }
0x109: {  	vm10 =	veq.s32 v36, $0x0;
	v29 =	vor.u32 v42, v21;
	v45 =	vmax.u32 v63, $0x1  }
0x10a: {  	v32 =	vld.idx.msk [tilespmem:v15+s15+$0x0], $0xffff;
	v48 =	vsub.s32 v47, v12;
	v50 =	vmax.u32 v27, $0x1;
	v21 =	vsub.s32 v49, v12  }
0x10b: {  	v15 =	vld.idx.msk [tilespmem:v33+s15+$0x0], $0xffff;
	v47 =	vadd.s32 $0x1, v63;
	v49 =	vadd.s32 $0x1, v26;
	v57 =	vshll.u32 v56, $0x3  }
0x10c: {  	vm8 =	veq.s32 v63, $0x0;
	vm11 =	veq.s32 v27, $0x0;
	vm1 =	vle.f32 v23, v10  }
0x10d: {  	v18 =	vsub.s32 v45, v12;
	v19 =	vsel vm6, v26, v48;
	v22 =	vsub.s32 v50, v12  }
0x10e: {  	v21 =	vsel vm5, v36, v21;
	v48 =	vshll.u32 v47, $0x3;
	v47 =	vand.u32 $0x7F, v47  }
0x10f: {  	v50 =	vshll.u32 v49, $0x3;
	v49 =	vand.u32 $0x7F, v49;
	vm2 =	vle.f32 v32, v9  }
0x110: {  	vm0 =	vle.f32 v15, v11;
	v44 =	vsel vm1, $0x1, v4;
	v18 =	vsel vm7, v63, v18  }
0x111: {  	v22 =	vsel vm4, v27, v22;
	v40 =	vor.u32 v13, v19;
	v41 =	vor.u32 v13, v21  }
0x112: {  	v48 =	vand.u32 $0x7FFFFC00, v48;
	v55 =	vand.u32 $0x7FFFFC00, v50;
	v50 =	vand.u32 $0x7F, v56  }
0x113: {  	v43 =	vsel vm2, $0x1, v4;
	v37 =	vor.u32 v44, v51;
	v46 =	vsel vm0, $0x1, v4  }
0x114: {  	v51 =	vmax.u32 v29, $0x1;
	v39 =	vor.u32 v13, v18;
	v42 =	vor.u32 v13, v22  }
0x115: {  	v44 =	vand.u32 $0x300, v13;
	v34 =	vor.u32 v43, v20;
	v20 =	vor.u32 v46, v59  }
0x116: {  	v28 =	vsub.s32 v51, v12;
	v53 =	vmax.u32 v37, $0x1;
	v43 =	vand.u32 $0x3800, v14  }
0x117: {  	v51 =	vadd.s32 $0x1, v27;
	v59 =	vadd.s32 $0x1, v29;
	v28 =	vsel vm3, v29, v28  }
0x118: {  	v52 =	vmax.u32 v34, $0x1;
	v33 =	vsub.s32 v53, v12;
	v38 =	vmax.u32 v20, $0x1  }
0x119: {  	v54 =	vor.u32 v44, v43;
	v48 =	vadd.s32 v43, v48;
	v53 =	vshll.u32 v59, $0x3  }
0x11a: {  	v61 =	vadd.s32 $0x1, v34;
	v30 =	vsub.s32 v52, v12;
	v33 =	vsel vm1, v37, v33  }
0x11b: {  	v38 =	vsub.s32 v38, v12;
	v28 =	vor.u32 v13, v28;
	v45 =	vor.u32 v36, v54  }
0x11c: {  	v46 =	vor.u32 v27, v54;
	v22 =	vor.u32 v29, v54;
	v21 =	vor.u32 v34, v54  }
0x11d: {  	v18 =	vor.u32 v37, v54;
	v19 =	vor.u32 v20, v54;
	v47 =	vor.u32 v47, v48  }
0x11e: {  	v48 =	vadd.s32 v43, v55;
	v52 =	vshll.u32 v51, $0x3;
	v51 =	vand.u32 $0x7F, v51  }
0x11f: {  	v60 =	vand.u32 $0x7FFFFC00, v53;
	v30 =	vsel vm2, v34, v30;
	v38 =	vsel vm0, v20, v38  }
0x120: {  	v14 =	vor.u32 v13, v33;
	v47 =	vor.u32 v44, v47;
	v48 =	vor.u32 v49, v48  }
0x121: {  	v49 =	vand.u32 $0x7FFFFC00, v57;
	v58 =	vand.u32 $0x7FFFFC00, v52;
	v52 =	vand.u32 $0x7F, v59  }
0x122: {  	v40 =	vld.idx.msk [tilespmem:v40+s15+$0x0], $0xffff;
	v57 =	vadd.s32 $0x1, v37;
	v30 =	vor.u32 v13, v30;
	v33 =	vor.u32 v13, v38  }
0x123: {  	v41 =	vld.idx.msk [tilespmem:v41+s15+$0x0], $0xffff;
	v13 =	vor.u32 v63, v54;
	v38 =	vor.u32 v26, v54;
	v48 =	vor.u32 v44, v48  }
0x124: {  	v39 =	vld.idx.msk [tilespmem:v39+s15+$0x0], $0xffff;
	v49 =	vadd.s32 v43, v49;
	v54 =	vshll.u32 v61, $0x3;
	v63 =	vand.u32 $0x7F, v61  }
0x125: {  	v56 =	vld.idx.msk [tilespmem:v42+s15+$0x0], $0xffff;
	v59 =	vshll.u32 v57, $0x3;
	v42 =	vand.u32 $0x7F, v57;
	v49 =	vor.u32 v50, v49  }
0x126: {  	v50 =	vadd.s32 v43, v58;
	v62 =	vand.u32 $0x7FFFFC00, v54;
	v49 =	vor.u32 v44, v49  }
0x127: {  	v50 =	vor.u32 v51, v50;
	v51 =	vadd.s32 v43, v60;
	v25 =	vadd.s32 v43, v62  }
0x128: {  	v50 =	vor.u32 v44, v50;
	v51 =	vor.u32 v52, v51;
	v52 =	vadd.s32 $0x1, v20  }
0x129: {  	v57 =	vld.idx.msk [tilespmem:v28+s15+$0x0], $0xffff;
	v53 =	vsel vm6, v24, v40;
	v24 =	vsel vm6, v40, v24;
	v60 =	vsel vm5, v17, v41  }
0x12a: {  	v17 =	vsel vm5, v41, v17;
	vm6 =	veq.s32 v37, $0x0;
	v55 =	vsel vm7, v35, v39  }
0x12b: {  	v35 =	vsel vm7, v39, v35;
	v39 =	vor.u32 v63, v25;
	v13 =	vld.idx.msk [tilespmem:v13+s11+$0x0], $0xffff;
	v62 =	vsel vm4, v16, v56  }
0x12c: {  	v63 =	vld.idx.msk [tilespmem:v47+s11+$0x0], $0xffff;
	v16 =	vsel vm4, v56, v16;
	v54 =	vsel vm8, $0x0, v55;
	v41 =	vsel vm11, $0x0, v62  }
0x12d: {  	v25 =	vor.u32 v44, v51;
	v35 =	vsub.f32 v35, v54;
	v16 =	vsub.f32 v16, v41  }
0x12e: {  	v54 =	vsub.f32 v3, v54;
	v41 =	vsub.f32 v7, v41;
	v51 =	vsel vm3, v31, v57  }
0x12f: {  	v31 =	vsel vm3, v57, v31;
	vm14 =	vlt.f32 v35, $9.999999740e-06;
	vm13 =	vlt.f32 v16, $9.999999740e-06  }
0x130: {  	v22 =	vld.idx.msk [tilespmem:v22+s11+$0x0], $0xffff;
	v55 =	vsel vm14, $0x3F800000, v35;
	v35 =	vsel vm15, $0x0, v53;
	v53 =	vand.u32 $0x7F, v52  }
0x131: {  	v40 =	vld.idx.msk [tilespmem:v38+s11+$0x0], $0xffff;
	v16 =	vsel vm13, $0x3F800000, v16;
	v27 =	vsub.f32 v63, v13;
	vm14 =	veq.s32 v29, $0x0  }
0x132: {  	vm15 =	veq.s32 v34, $0x0;
	v25 =	vld.idx.msk [tilespmem:v25+s11+$0x0], $0xffff;
	(erf) = vrcp.f32 v55;
	v58 =	vsub.f32 v24, v35  }
0x133: {  	v24 =	vor.u32 v44, v39;
	v39 =	vand.u32 $0x7FFFFC00, v59;
	v55 =	vld.idx.msk [tilespmem:v48+s11+$0x0], $0xffff;
	v29 =	vsel vm14, $0x0, v51  }
0x134: {  	v61 =	vadd.s32 v43, v39;
	v39 =	vsel vm10, $0x0, v60;
	vm9 =	vlt.f32 v58, $9.999999740e-06  }
0x135: {  	v17 =	vsub.f32 v17, v39;
	v36 =	vor.u32 v42, v61;
	v26 =	vsel vm9, $0x3F800000, v58  }
0x136: {  	v59 =	vld.idx.msk [tilespmem:v30+s15+$0x0], $0xffff;
	v58 =	vsub.f32 v5, v35;
	v30 =	vor.u32 v44, v36;
	(erf) = vrcp.f32 v26  }
0x137: {  	vm12 =	vlt.f32 v17, $9.999999740e-06;
	v26 =	vshll.u32 v52, $0x3;
	v25 =	vsub.f32 v25, v22  }
0x138: {  	s26 =	sadd.s32 $0x1, s24;
	v17 =	vsel vm12, $0x3F800000, v17;
	v26 =	vand.u32 $0x7FFFFC00, v26;
	v47 =	vsub.f32 v55, v40  }
0x139: {  	v52 =	vld.idx.msk [tilespmem:v50+s11+$0x0], $0xffff;
	(erf) = vrcp.f32 v17;
	v17 =	vmov s26;
	v26 =	vadd.s32 v43, v26  }
0x13a: {  	(erf) = vrcp.f32 v16;
	v16 =	vshll.u32 v17, $0x7;
	v38 =	vor.u32 v53, v26;
	v26 =	vld.idx.msk [tilespmem:v46+s11+$0x0], $0xffff  }
0x13b: {  	v53 =	vsub.f32 v6, v39;
	v39 =	vld.idx.msk [tilespmem:v14+s15+$0x0], $0xffff;
	v17 =	vshll.u32 v17, $0x8;
	v61 =	vor.u32 v1, v16;
	v56 =	vpop (erf)  }
0x13c: {  	v28 =	vor.u32 v44, v38;
	v42 =	vmul.f32 v56, v54;
	v56 =	vsub.f32 v31, v29  }
0x13d: {  	v63 =	vld.idx.msk [tilespmem:v49+s11+$0x0], $0xffff;
	v17 =	vand.u32 $0x3800, v17;
	v54 =	vsel vm2, v32, v59;
	v32 =	vsel vm2, v59, v32  }
0x13e: {  	v29 =	vsub.f32 v8, v29;
	v42 =	vmul.f32 v27, v42;
	v27 =	vld.idx.msk [tilespmem:v45+s11+$0x0], $0xffff;
	vm4 =	vlt.f32 v56, $9.999999740e-06  }
0x13f: {  	v31 =	vsel vm15, $0x0, v54;
	v35 =	vsub.f32 v52, v26;
	v60 =	vpop (erf);
	v59 =	vsel vm4, $0x3F800000, v56  }
0x140: {  	v38 =	vld.idx.msk [tilespmem:v61+s15+$0x0], $0xffff;
	v61 =	vsel vm1, v23, v39;
	v23 =	vsel vm1, v39, v23;
	v62 =	vmul.f32 v60, v58  }
0x141: {  	v13 =	vadd.f32 v42, v13;
	v58 =	vsub.f32 v32, v31;
	(erf) = vrcp.f32 v59  }
0x142: {  	v37 =	vsel vm6, $0x0, v61;
	v31 =	vsub.f32 v9, v31;
	v55 =	vpop (erf);
	v49 =	vmul.f32 v47, v62  }
0x143: {  	v34 =	vmul.f32 v55, v53;
	v57 =	vpop (erf);
	vm5 =	vlt.f32 v58, $9.999999740e-06;
	v36 =	vsub.f32 v63, v27  }
0x144: {  	v32 =	vmul.f32 v57, v41;
	v14 =	vadd.f32 v49, v40;
	v40 =	vsel vm5, $0x3F800000, v58  }
0x145: {  	v23 =	vsub.f32 v23, v37;
	v60 =	vperm.xlane v38, v2;
	(erf) = vrcp.f32 v40  }
0x146: {  	v37 =	vsub.f32 v10, v37;
	v34 =	vmul.f32 v36, v34;
	v32 =	vmul.f32 v35, v32  }
0x147: {  	vm7 =	vle.f32 v60, v3;
	vm8 =	vle.f32 v60, v5;
	vm9 =	vle.f32 v60, v6  }
0x148: {  	vm10 =	vle.f32 v60, v7;
	vm11 =	vle.f32 v60, v8;
	vm12 =	vle.f32 v60, v9  }
0x149: {  	vm13 =	vle.f32 v60, v10;
	vm14 =	vle.f32 v60, v11;
	v40 =	vsel vm7, $0x8, v4  }
0x14a: {  	v62 =	vsel vm8, $0x8, v4;
	v63 =	vsel vm9, $0x8, v4;
	v44 =	vsel vm10, $0x8, v4  }
0x14b: {  	v45 =	vsel vm11, $0x8, v4;
	v46 =	vsel vm12, $0x8, v4;
	v41 =	vsel vm13, $0x8, v4  }
0x14c: {  	v47 =	vsel vm14, $0x8, v4;
	v52 =	vor.u32 $0x3, v40;
	v53 =	vor.u32 $0x3, v62  }
0x14d: {  	v54 =	vor.u32 $0x3, v63;
	v55 =	vor.u32 $0x3, v44;
	v56 =	vor.u32 $0x3, v45  }
0x14e: {  	v57 =	vor.u32 $0x3, v46;
	v48 =	vperm.xlane v38, v52;
	v49 =	vperm.xlane v38, v53  }
0x14f: {  	v58 =	vor.u32 $0x3, v41;
	v50 =	vperm.xlane v38, v54;
	v51 =	vperm.xlane v38, v55  }
0x150: {  	v59 =	vor.u32 $0x3, v47;
	v52 =	vperm.xlane v38, v56;
	v53 =	vperm.xlane v38, v57  }
0x151: {  	v54 =	vperm.xlane v38, v58;
	v60 =	vperm.xlane v38, v59;
	vm15 =	vle.f32 v48, v3  }
0x152: {  	vm4 =	vle.f32 v49, v5;
	vm5 =	vle.f32 v50, v6;
	vm6 =	vle.f32 v51, v7  }
0x153: {  	vm7 =	vle.f32 v52, v8;
	vm8 =	vle.f32 v53, v9;
	vm9 =	vle.f32 v54, v10  }
0x154: {  	vm10 =	vle.f32 v60, v11;
	v61 =	vsel vm15, $0x4, v4;
	v49 =	vsel vm4, $0x4, v4  }
0x155: {  	v52 =	vsel vm7, $0x4, v4;
	v53 =	vsel vm8, $0x4, v4;
	v54 =	vsel vm9, $0x4, v4  }
0x156: {  	v48 =	vsel vm10, $0x4, v4;
	v40 =	vor.u32 v40, v61;
	v42 =	vor.u32 v62, v49  }
0x157: {  	v62 =	vsel vm5, $0x4, v4;
	v45 =	vor.u32 v45, v52;
	v46 =	vor.u32 v46, v53  }
0x158: {  	v41 =	vor.u32 v41, v54;
	v47 =	vor.u32 v47, v48;
	v43 =	vor.u32 v63, v62  }
0x159: {  	v63 =	vsel vm6, $0x4, v4;
	v55 =	vor.u32 $0x1, v40;
	v56 =	vor.u32 $0x1, v42  }
0x15a: {  	v59 =	vor.u32 $0x1, v45;
	v60 =	vor.u32 $0x1, v46;
	v62 =	vor.u32 $0x1, v41  }
0x15b: {  	v44 =	vor.u32 v44, v63;
	v49 =	vperm.xlane v38, v55;
	v50 =	vperm.xlane v38, v56  }
0x15c: {  	v57 =	vor.u32 $0x1, v43;
	v48 =	vperm.xlane v38, v59;
	v61 =	vperm.xlane v38, v60  }
0x15d: {  	v63 =	vor.u32 $0x1, v47;
	v51 =	vperm.xlane v38, v57;
	v58 =	vor.u32 $0x1, v44  }
0x15e: {  	v57 =	vperm.xlane v38, v62;
	v52 =	vperm.xlane v38, v58;
	vm11 =	vle.f32 v49, v3  }
0x15f: {  	v58 =	vperm.xlane v38, v63;
	vm12 =	vle.f32 v50, v5;
	vm15 =	vle.f32 v48, v8  }
0x160: {  	vm6 =	vle.f32 v61, v9;
	v49 =	vor.u32 $0x3, v16;
	v59 =	vsel vm11, $0x2, v4  }
0x161: {  	vm13 =	vle.f32 v51, v6;
	v50 =	vsel vm12, $0x2, v4;
	v48 =	vsel vm15, $0x2, v4  }
0x162: {  	v61 =	vsel vm6, $0x2, v4;
	vm7 =	vle.f32 v57, v10;
	v40 =	vor.u32 v40, v59  }
0x163: {  	v51 =	vsel vm13, $0x2, v4;
	vm14 =	vle.f32 v52, v7;
	v42 =	vor.u32 v42, v50  }
0x164: {  	v45 =	vor.u32 v45, v48;
	v46 =	vor.u32 v46, v61;
	v62 =	vsel vm7, $0x2, v4  }
0x165: {  	vm8 =	vle.f32 v58, v11;
	v43 =	vor.u32 v43, v51;
	v60 =	vsel vm14, $0x2, v4  }
0x166: {  	v41 =	vor.u32 v41, v62;
	v63 =	vperm.xlane v38, v40;
	v56 =	vperm.xlane v38, v42  }
0x167: {  	v59 =	vperm.xlane v38, v45;
	v53 =	vperm.xlane v38, v46;
	v54 =	vsel vm8, $0x2, v4  }
0x168: {  	v51 =	vor.u32 $0x1, v16;
	v44 =	vor.u32 v44, v60;
	v57 =	vperm.xlane v38, v43  }
0x169: {  	v47 =	vor.u32 v47, v54;
	v58 =	vperm.xlane v38, v44;
	vm9 =	vle.f32 v63, v3  }
0x16a: {  	vm10 =	vle.f32 v56, v5;
	vm13 =	vle.f32 v59, v8;
	vm14 =	vle.f32 v53, v9  }
0x16b: {  	v33 =	vld.idx.msk [tilespmem:v33+s15+$0x0], $0xffff;
	v48 =	vsel vm9, $0x1, v4;
	vm11 =	vle.f32 v57, v6;
	v60 =	vsel vm10, $0x1, v4  }
0x16c: {  	v40 =	vor.u32 v48, v40;
	v61 =	vsel vm11, $0x1, v4;
	v42 =	vor.u32 v60, v42  }
0x16d: {  	vm12 =	vle.f32 v58, v7;
	v43 =	vor.u32 v61, v43;
	v40 =	vshll.u32 v40, $0x3  }
0x16e: {  	v62 =	vsel vm12, $0x1, v4;
	v42 =	vshll.u32 v42, $0x3;
	v63 =	vor.u32 v40, v49  }
0x16f: {  	v44 =	vor.u32 v62, v44;
	v43 =	vshll.u32 v43, $0x3;
	v57 =	vor.u32 v42, v49  }
0x170: {  	v53 =	vsel vm0, v15, v33;
	v44 =	vshll.u32 v44, $0x3;
	v59 =	vor.u32 v43, v49  }
0x171: {  	v15 =	vsel vm0, v33, v15;
	v58 =	vsel vm13, $0x1, v4;
	v60 =	vor.u32 v44, v49  }
0x172: {  	v45 =	vor.u32 v58, v45;
	v61 =	vperm.xlane v38, v41;
	v38 =	vperm.xlane v38, v47  }
0x173: {  	vm12 =	veq.s32 v20, $0x0;
	v45 =	vshll.u32 v45, $0x3;
	v62 =	vsel vm14, $0x1, v4;
	v48 =	vld.idx.msk [tilespmem:v63+s15+$0x0], $0xffff  }
0x174: {  	v56 =	vor.u32 v62, v46;
	vm15 =	vle.f32 v61, v10;
	v63 =	vor.u32 v45, v49;
	v46 =	vld.idx.msk [tilespmem:v57+s15+$0x0], $0xffff  }
0x175: {  	v53 =	vsel vm12, $0x0, v53;
	v39 =	vshll.u32 v56, $0x3;
	v57 =	vsel vm15, $0x1, v4;
	v50 =	vld.idx.msk [tilespmem:v59+s15+$0x0], $0xffff  }
0x176: {  	vm4 =	vle.f32 v38, v11;
	v59 =	vor.u32 v39, v49;
	v41 =	vor.u32 v57, v41;
	v58 =	vld.idx.msk [tilespmem:v60+s15+$0x0], $0xffff  }
0x177: {  	vm14 =	vlt.f32 v23, $9.999999740e-06;
	v60 =	vsel vm4, $0x1, v4;
	v41 =	vshll.u32 v41, $0x3  }
0x178: {  	v15 =	vsub.f32 v15, v53;
	v47 =	vor.u32 v60, v47;
	v62 =	vor.u32 v41, v49  }
0x179: {  	v47 =	vshll.u32 v47, $0x3;
	v61 =	vld.idx.msk [tilespmem:v63+s15+$0x0], $0xffff;
	vm5 =	vle.f32 v48, v3;
	vm6 =	vle.f32 v46, v5  }
0x17a: {  	v49 =	vor.u32 v47, v49;
	v63 =	vsel vm5, $0x4, v4;
	v56 =	vsel vm6, $0x4, v4  }
0x17b: {  	v55 =	vld.idx.msk [tilespmem:v59+s15+$0x0], $0xffff;
	vm7 =	vle.f32 v50, v6;
	v40 =	vor.u32 v40, v63;
	vm8 =	vle.f32 v58, v7  }
0x17c: {  	v38 =	vor.u32 v42, v56;
	v57 =	vsel vm7, $0x4, v4;
	v58 =	vsel vm8, $0x4, v4  }
0x17d: {  	v42 =	vor.u32 v43, v57;
	v60 =	vand.u32 $0x7C, v40;
	v43 =	vor.u32 v44, v58  }
0x17e: {  	v44 =	vld.idx.msk [tilespmem:v62+s15+$0x0], $0xffff;
	v48 =	vor.u32 v60, v51;
	v62 =	vand.u32 $0x7C, v42;
	vm9 =	vle.f32 v61, v8  }
0x17f: {  	v61 =	vand.u32 $0x7C, v38;
	v50 =	vor.u32 v62, v51;
	v57 =	vand.u32 $0x7C, v43  }
0x180: {  	v49 =	vld.idx.msk [tilespmem:v49+s15+$0x0], $0xffff;
	v59 =	vsel vm9, $0x4, v4;
	vm10 =	vle.f32 v55, v9;
	v46 =	vor.u32 v61, v51  }
0x181: {  	v58 =	vor.u32 v57, v51;
	v45 =	vor.u32 v45, v59;
	v63 =	vsel vm10, $0x4, v4  }
0x182: {  	v23 =	vsel vm14, $0x3F800000, v23;
	v39 =	vor.u32 v39, v63;
	v59 =	vand.u32 $0x7C, v45  }
0x183: {  	vm11 =	vle.f32 v44, v10;
	v60 =	vor.u32 v59, v51;
	v61 =	vand.u32 $0x7C, v39;
	v48 =	vld.idx.msk [tilespmem:v48+s15+$0x0], $0xffff  }
0x184: {  	(erf) = vrcp.f32 v23;
	v62 =	vsel vm11, $0x4, v4;
	v54 =	vor.u32 v61, v51;
	v55 =	vld.idx.msk [tilespmem:v50+s15+$0x0], $0xffff  }
0x185: {  	vm15 =	vlt.f32 v15, $9.999999740e-06;
	vm13 =	vle.f32 v49, v11;
	v20 =	vor.u32 v41, v62;
	v63 =	vld.idx.msk [tilespmem:v46+s15+$0x0], $0xffff  }
0x186: {  	v15 =	vsel vm15, $0x3F800000, v15;
	v49 =	vsel vm13, $0x4, v4;
	v57 =	vld.idx.msk [tilespmem:v58+s15+$0x0], $0xffff;
	v56 =	vand.u32 $0x7C, v20  }
0x187: {  	(erf) = vrcp.f32 v15;
	v47 =	vor.u32 v47, v49;
	v46 =	vor.u32 v56, v51  }
0x188: {  	v50 =	vsub.f32 v11, v53;
	v49 =	vand.u32 $0x7C, v47;
	v44 =	vld.idx.msk [tilespmem:v60+s15+$0x0], $0xffff;
	vm4 =	vle.f32 v48, v3  }
0x189: {  	v15 =	vor.u32 v49, v51;
	v58 =	vld.idx.msk [tilespmem:v54+s15+$0x0], $0xffff;
	v48 =	vsel vm4, $0x2, v4;
	vm6 =	vle.f32 v55, v6  }
0x18a: {  	vm5 =	vle.f32 v63, v5;
	v40 =	vor.u32 v40, v48;
	v61 =	vsel vm6, $0x2, v4  }
0x18b: {  	v21 =	vld.idx.msk [tilespmem:v21+s11+$0x0], $0xffff;
	vm7 =	vle.f32 v57, v7;
	v60 =	vsel vm5, $0x2, v4;
	v42 =	vor.u32 v42, v61  }
0x18c: {  	v62 =	vsel vm7, $0x2, v4;
	v54 =	vand.u32 $0x7E, v40;
	v59 =	vld.idx.msk [tilespmem:v46+s15+$0x0], $0xffff;
	v41 =	vor.u32 v38, v60  }
0x18d: {  	v24 =	vld.idx.msk [tilespmem:v24+s11+$0x0], $0xffff;
	v43 =	vor.u32 v43, v62;
	v55 =	vor.u32 v16, v54;
	vm8 =	vle.f32 v44, v8  }
0x18e: {  	v63 =	vld.idx.msk [tilespmem:v15+s15+$0x0], $0xffff;
	v56 =	vand.u32 $0x7E, v41;
	v60 =	vand.u32 $0x7E, v43;
	vm9 =	vle.f32 v58, v9  }
0x18f: {  	v49 =	vld.idx.msk [tilespmem:v28+s11+$0x0], $0xffff;
	v51 =	vsel vm8, $0x2, v4;
	v33 =	vor.u32 v16, v56;
	v58 =	vand.u32 $0x7E, v42  }
0x190: {  	v48 =	vld.idx.msk [tilespmem:v30+s11+$0x0], $0xffff;
	v23 =	vor.u32 v16, v60;
	v52 =	vsel vm9, $0x2, v4;
	v45 =	vor.u32 v45, v51  }
0x191: {  	v15 =	vld.idx.msk [tilespmem:v18+s11+$0x0], $0xffff;
	v44 =	vor.u32 v39, v52;
	vm10 =	vle.f32 v59, v10;
	v59 =	vor.u32 v16, v58  }
0x192: {  	v18 =	vld.idx.msk [tilespmem:v19+s11+$0x0], $0xffff;
	v61 =	vand.u32 $0x7E, v45;
	v51 =	vand.u32 $0x7E, v44;
	v57 =	vsel vm10, $0x2, v4  }
0x193: {  	v38 =	vld.idx.msk [tilespmem:v55+s15+$0x0], $0xffff;
	vm11 =	vle.f32 v63, v11;
	v63 =	vor.u32 v16, v61;
	v52 =	vor.u32 v16, v51  }
0x194: {  	v61 =	vsub.f32 v24, v21;
	v46 =	vor.u32 v20, v57;
	v62 =	vsel vm11, $0x2, v4  }
0x195: {  	v24 =	vadd.f32 v32, v26;
	v39 =	vld.idx.msk [tilespmem:v33+s15+$0x0], $0xffff;
	v47 =	vor.u32 v47, v62;
	v54 =	vand.u32 $0x7E, v46  }
0x196: {  	v55 =	vor.u32 v16, v54;
	v56 =	vand.u32 $0x7E, v47;
	v57 =	vpop (erf);
	v54 =	vsub.f32 v48, v15;
	v30 =	vld.idx.msk [tilespmem:v59+s15+$0x0], $0xffff  }
0x197: {  	v58 =	vor.u32 v16, v56;
	v59 =	vmul.f32 v57, v29;
	v60 =	vpop (erf);
	v29 =	vld.idx.msk [tilespmem:v23+s15+$0x0], $0xffff;
	v23 =	vadd.f32 v34, v27  }
0x198: {  	v56 =	vsub.f32 v49, v18;
	vm12 =	vle.f32 v38, v3;
	v31 =	vmul.f32 v60, v31;
	v28 =	vld.idx.msk [tilespmem:v63+s15+$0x0], $0xffff;
	v63 =	vpop (erf)  }
0x199: {  	v27 =	vld.idx.msk [tilespmem:v52+s15+$0x0], $0xffff;
	v57 =	vsel vm12, $0x1, v4;
	v62 =	vmul.f32 v25, v59;
	v52 =	vmul.f32 v63, v37  }
0x19a: {  	v53 =	vpop (erf);
	vm13 =	vle.f32 v39, v5;
	v36 =	vor.u32 v57, v40;
	v51 =	vmul.f32 v61, v31  }
0x19b: {  	v49 =	vmax.u32 v36, $0x1;
	vm15 =	veq.s32 v36, $0x0;
	v26 =	vld.idx.msk [tilespmem:v55+s15+$0x0], $0xffff;
	v55 =	vmul.f32 v53, v50  }
0x19c: {  	v20 =	vadd.f32 v62, v22;
	v19 =	vadd.f32 v51, v21;
	v21 =	vmul.f32 v54, v52  }
0x19d: {  	v25 =	vld.idx.msk [tilespmem:v58+s15+$0x0], $0xffff;
	vm14 =	vle.f32 v30, v6;
	vm4 =	vle.f32 v29, v7;
	v58 =	vsel vm13, $0x1, v4  }
0x19e: {  	v22 =	vmul.f32 v56, v55;
	vm3 =	vle.f32 v28, v8;
	vm2 =	vle.f32 v27, v9  }
0x19f: {  	v59 =	vsel vm14, $0x1, v4;
	v60 =	vsel vm4, $0x1, v4;
	v37 =	vor.u32 v58, v41  }
0x1a0: {  	v41 =	vsub.s32 v49, v12;
	v56 =	vadd.s32 $0x1, v36;
	v40 =	vor.u32 v59, v42  }
0x1a1: {  	v35 =	vor.u32 v60, v43;
	v61 =	vsel vm3, $0x1, v4;
	v62 =	vsel vm2, $0x1, v4  }
0x1a2: {  	v50 =	vmax.u32 v37, $0x1;
	v41 =	vsel vm12, v36, v41;
	v57 =	vshll.u32 v56, $0x3  }
0x1a3: {  	v58 =	vadd.s32 $0x1, v37;
	v49 =	vand.u32 $0x7F, v56;
	vm9 =	veq.s32 v37, $0x0  }
0x1a4: {  	v15 =	vadd.f32 v21, v15;
	v34 =	vor.u32 v61, v45;
	v33 =	vor.u32 v62, v44  }
0x1a5: {  	v42 =	vsub.s32 v50, v12;
	v51 =	vmax.u32 v40, $0x1;
	v52 =	vmax.u32 v35, $0x1  }
0x1a6: {  	v41 =	vor.u32 v16, v41;
	v50 =	vand.u32 $0x7FFFFC00, v57;
	v59 =	vshll.u32 v58, $0x3  }
0x1a7: {  	v60 =	vadd.s32 $0x1, v40;
	vm1 =	vle.f32 v26, v10;
	v42 =	vsel vm13, v37, v42  }
0x1a8: {  	v43 =	vsub.s32 v51, v12;
	v45 =	vmax.u32 v34, $0x1;
	v44 =	vsub.s32 v52, v12  }
0x1a9: {  	v53 =	vmax.u32 v33, $0x1;
	v50 =	vadd.s32 v17, v50;
	v52 =	vand.u32 $0x7FFFFC00, v59  }
0x1aa: {  	v51 =	vand.u32 $0x7F, v58;
	v61 =	vshll.u32 v60, $0x3;
	v62 =	vand.u32 $0x7F, v60  }
0x1ab: {  	v58 =	vadd.s32 $0x1, v34;
	vm8 =	veq.s32 v34, $0x0;
	vm0 =	vle.f32 v25, v11  }
0x1ac: {  	v63 =	vsel vm1, $0x1, v4;
	v43 =	vsel vm14, v40, v43;
	v45 =	vsub.s32 v45, v12  }
0x1ad: {  	v44 =	vsel vm4, v35, v44;
	v42 =	vor.u32 v16, v42;
	v52 =	vadd.s32 v17, v52  }
0x1ae: {  	v49 =	vor.u32 v49, v50;
	v60 =	vshll.u32 v58, $0x3;
	v32 =	vor.u32 v63, v46  }
0x1af: {  	v48 =	vsel vm0, $0x1, v4;
	v45 =	vsel vm3, v34, v45;
	v46 =	vsub.s32 v53, v12  }
0x1b0: {  	v43 =	vor.u32 v16, v43;
	v44 =	vor.u32 v16, v44;
	v50 =	vor.u32 v51, v52  }
0x1b1: {  	v51 =	vand.u32 $0x7FFFFC00, v61;
	v63 =	vadd.s32 $0x1, v35;
	v61 =	vand.u32 $0x7F, v58  }
0x1b2: {  	v31 =	vor.u32 v48, v47;
	v54 =	vmax.u32 v32, $0x1;
	v46 =	vsel vm2, v33, v46  }
0x1b3: {  	v45 =	vor.u32 v16, v45;
	v51 =	vadd.s32 v17, v51;
	v57 =	vshll.u32 v63, $0x3  }
0x1b4: {  	v53 =	vand.u32 $0x7F, v63;
	v63 =	vadd.s32 $0x1, v33;
	v58 =	vadd.s32 $0x1, v32  }
0x1b5: {  	v55 =	vmax.u32 v31, $0x1;
	v47 =	vsub.s32 v54, v12;
	v46 =	vor.u32 v16, v46  }
0x1b6: {  	v51 =	vor.u32 v62, v51;
	v59 =	vand.u32 $0x7FFFFC00, v57;
	v54 =	vand.u32 $0x7FFFFC00, v60  }
0x1b7: {  	v57 =	vshll.u32 v63, $0x3;
	v48 =	vsub.s32 v55, v12;
	v47 =	vsel vm1, v32, v47  }
0x1b8: {  	v41 =	vld.idx.msk [tilespmem:v41+s15+$0x0], $0xffff;
	v52 =	vadd.s32 v17, v59;
	v54 =	vadd.s32 v17, v54;
	v59 =	vshll.u32 v58, $0x3  }
0x1b9: {  	v48 =	vsel vm0, v31, v48;
	v47 =	vor.u32 v16, v47;
	v52 =	vor.u32 v53, v52  }
0x1ba: {  	v42 =	vld.idx.msk [tilespmem:v42+s15+$0x0], $0xffff;
	v53 =	vor.u32 v61, v54;
	v48 =	vor.u32 v16, v48;
	v16 =	vand.u32 $0x380, v16  }
0x1bb: {  	v61 =	vand.u32 $0x7FFFFC00, v59;
	v49 =	vor.u32 v16, v49;
	v50 =	vor.u32 v16, v50  }
0x1bc: {  	v51 =	vor.u32 v16, v51;
	v52 =	vor.u32 v16, v52;
	v53 =	vor.u32 v16, v53  }
0x1bd: {  	v62 =	vsel vm12, v38, v41;
	v38 =	vsel vm12, v41, v38;
	v41 =	vand.u32 $0x7F, v63  }
0x1be: {  	v63 =	vand.u32 $0x7F, v58;
	vm12 =	veq.s32 v40, $0x0;
	v55 =	vsel vm15, $0x0, v62  }
0x1bf: {  	v62 =	vadd.s32 $0x1, v31;
	v56 =	vsel vm13, v39, v42;
	v39 =	vsel vm13, v42, v39  }
0x1c0: {  	v42 =	vand.u32 $0x7FFFFC00, v57;
	v38 =	vsub.f32 v38, v55;
	v57 =	vshll.u32 v62, $0x3  }
0x1c1: {  	v59 =	vand.u32 $0x7F, v62;
	vm13 =	veq.s32 v35, $0x0;
	v56 =	vsel vm9, $0x0, v56  }
0x1c2: {  	v42 =	vadd.s32 v17, v42;
	vm9 =	veq.s32 v33, $0x0;
	v39 =	vsub.f32 v39, v56  }
0x1c3: {  	v58 =	vld.idx.msk [tilespmem:v43+s15+$0x0], $0xffff;
	v41 =	vor.u32 v41, v42;
	vm10 =	vlt.f32 v38, $9.999999740e-06;
	v42 =	vand.u32 $0x7FFFFC00, v57  }
0x1c4: {  	v48 =	vld.idx.msk [tilespmem:v48+s15+$0x0], $0xffff;
	v62 =	vsub.f32 v5, v56;
	v38 =	vsel vm10, $0x3F800000, v38;
	vm11 =	vlt.f32 v39, $9.999999740e-06  }
0x1c5: {  	v41 =	vor.u32 v16, v41;
	(erf) = vrcp.f32 v38;
	v60 =	vsel vm11, $0x3F800000, v39  }
0x1c6: {  	v44 =	vld.idx.msk [tilespmem:v44+s15+$0x0], $0xffff;
	vm10 =	veq.s32 v32, $0x0;
	v39 =	vadd.s32 v17, v61;
	(erf) = vrcp.f32 v60  }
0x1c7: {  	v38 =	vor.u32 v63, v39;
	v39 =	vor.u32 v16, v17;
	v17 =	vadd.s32 v17, v42  }
0x1c8: {  	v60 =	vsub.f32 v3, v55;
	v63 =	vsel vm14, v30, v58;
	v30 =	vsel vm14, v58, v30  }
0x1c9: {  	v46 =	vld.idx.msk [tilespmem:v46+s15+$0x0], $0xffff;
	v56 =	vsel vm0, v25, v48;
	v25 =	vsel vm0, v48, v25;
	v36 =	vor.u32 v36, v39  }
0x1ca: {  	v47 =	vld.idx.msk [tilespmem:v47+s15+$0x0], $0xffff;
	v37 =	vor.u32 v37, v39;
	v17 =	vor.u32 v59, v17;
	v43 =	vor.u32 v40, v39  }
0x1cb: {  	v40 =	vsel vm12, $0x0, v63;
	v58 =	vor.u32 v35, v39;
	v59 =	vsel vm4, v29, v44  }
0x1cc: {  	v29 =	vsel vm4, v44, v29;
	v30 =	vsub.f32 v30, v40;
	v35 =	vsel vm13, $0x0, v59  }
0x1cd: {  	v45 =	vld.idx.msk [tilespmem:v45+s15+$0x0], $0xffff;
	v38 =	vor.u32 v16, v38;
	v55 =	vor.u32 v34, v39;
	v29 =	vsub.f32 v29, v35  }
0x1ce: {  	v49 =	vld.idx.msk [tilespmem:v49+s11+$0x0], $0xffff;
	v63 =	vsel vm2, v27, v46;
	v27 =	vsel vm2, v46, v27;
	vm14 =	vlt.f32 v30, $9.999999740e-06  }
0x1cf: {  	[tilespmem:s25+$0xFFFFFF80] =	vst v13;
	v13 =	vld.idx.msk [tilespmem:v52+s11+$0x0], $0xffff;
	v46 =	vsel vm1, v26, v47;
	v30 =	vsel vm14, $0x3F800000, v30;
	vm15 =	vlt.f32 v29, $9.999999740e-06  }
0x1d0: {  	v26 =	vsel vm1, v47, v26;
	v36 =	vld.idx.msk [tilespmem:v36+s11+$0x0], $0xffff;
	(erf) = vrcp.f32 v30;
	v29 =	vsel vm15, $0x3F800000, v29;
	v61 =	vpop (erf)  }
0x1d1: {  	vm12 =	veq.s32 v31, $0x0;
	v16 =	vor.u32 v16, v17;
	v42 =	vld.idx.msk [tilespmem:v58+s11+$0x0], $0xffff;
	(erf) = vrcp.f32 v29;
	v57 =	vpop (erf)  }
0x1d2: {  	v58 =	vld.idx.msk [tilespmem:v51+s11+$0x0], $0xffff;
	v29 =	vsel vm9, $0x0, v63;
	v54 =	vmul.f32 v57, v62;
	v62 =	vsel vm3, v28, v45  }
0x1d3: {  	[tilespmem:s25+$0xFFFFFF90] =	vst v14;
	v14 =	vld.idx.msk [tilespmem:v55+s11+$0x0], $0xffff;
	v17 =	vmul.f32 v61, v60;
	v28 =	vsel vm3, v45, v28;
	v34 =	vsel vm8, $0x0, v62  }
0x1d4: {  	v48 =	vld.idx.msk [tilespmem:v38+s11+$0x0], $0xffff;
	v60 =	vor.u32 v33, v39;
	v61 =	vor.u32 v32, v39;
	v28 =	vsub.f32 v28, v34  }
0x1d5: {  	v39 =	vor.u32 v31, v39;
	v33 =	vld.idx.msk [tilespmem:v37+s11+$0x0], $0xffff;
	v27 =	vsub.f32 v27, v29;
	v37 =	vsel vm10, $0x0, v46  }
0x1d6: {  	v32 =	vld.idx.msk [tilespmem:v43+s11+$0x0], $0xffff;
	v43 =	vsel vm12, $0x0, v56;
	v26 =	vsub.f32 v26, v37;
	vm11 =	vlt.f32 v28, $9.999999740e-06  }
0x1d7: {  	v16 =	vld.idx.msk [tilespmem:v16+s11+$0x0], $0xffff;
	v25 =	vsub.f32 v25, v43;
	vm13 =	vlt.f32 v27, $9.999999740e-06;
	v28 =	vsel vm11, $0x3F800000, v28  }
0x1d8: {  	v46 =	vld.idx.msk [tilespmem:v41+s11+$0x0], $0xffff;
	v27 =	vsel vm13, $0x3F800000, v27;
	vm14 =	vlt.f32 v26, $9.999999740e-06;
	(erf) = vrcp.f32 v28  }
0x1d9: {  	v57 =	vld.idx.msk [tilespmem:v50+s11+$0x0], $0xffff;
	vm15 =	vlt.f32 v25, $9.999999740e-06;
	v26 =	vsel vm14, $0x3F800000, v26;
	(erf) = vrcp.f32 v27  }
0x1da: {  	v18 =	vadd.f32 v22, v18;
	v45 =	vld.idx.msk [tilespmem:v53+s11+$0x0], $0xffff;
	v25 =	vsel vm15, $0x3F800000, v25;
	(erf) = vrcp.f32 v26  }
0x1db: {  	[tilespmem:s25+$0xFFFFFFB0] =	vst v24;
	v59 =	vsub.f32 v6, v40;
	v49 =	vsub.f32 v49, v36;
	v24 =	vld.idx.msk [tilespmem:v61+s11+$0x0], $0xffff;
	v61 =	vpop (erf);
	(erf) = vrcp.f32 v25  }
0x1dc: {  	[tilespmem:s25+$0xFFFFFFA0] =	vst v23;
	v52 =	vsub.f32 v9, v29;
	v55 =	vsub.f32 v10, v37;
	v23 =	vld.idx.msk [tilespmem:v60+s11+$0x0], $0xffff  }
0x1dd: {  	v62 =	vsub.f32 v7, v35;
	v13 =	vsub.f32 v13, v42;
	v40 =	vld.idx.msk [tilespmem:v39+s11+$0x0], $0xffff;
	v17 =	vmul.f32 v49, v17  }
0x1de: {  	v50 =	vsub.f32 v8, v34;
	v60 =	vsub.f32 v57, v33  }
0x1df: {  	v44 =	vsub.f32 v58, v32;
	v17 =	vadd.f32 v17, v36;
	v27 =	vmul.f32 v61, v59  }
0x1e0: {  	[tilespmem:s25+$0xFFFFFFC0] =	vst v20;
	v63 =	vpop (erf);
	v59 =	vsub.f32 v11, v43;
	v26 =	vmul.f32 v60, v54;
	v54 =	vsub.f32 v45, v14  }
0x1e1: {  	[tilespmem:s25+$0xFFFFFFD0] =	vst v19;
	v58 =	vsub.f32 v46, v23;
	v61 =	vsub.f32 v48, v24;
	v25 =	vmul.f32 v63, v62;
	v51 =	vpop (erf)  }
0x1e2: {  	[tilespmem:s25+$0xFFFFFFE0] =	vst v15;
	v16 =	vsub.f32 v16, v40;
	v47 =	vmul.f32 v44, v27;
	v53 =	vpop (erf);
	v15 =	vmul.f32 v51, v50  }
0x1e3: {  	[tilespmem:s25+$0xFFFFFFF0] =	vst v18;
	v26 =	vadd.f32 v26, v33;
	v13 =	vmul.f32 v13, v25;
	v56 =	vpop (erf);
	v57 =	vmul.f32 v53, v52  }
0x1e4: {  	[tilespmem:s25+$0x0] =	vst v17;
	v49 =	vadd.f32 v47, v32;
	v15 =	vmul.f32 v54, v15;
	v60 =	vmul.f32 v56, v55;
	v62 =	vpop (erf)  }
0x1e5: {  	[tilespmem:s25+$0x10] =	vst v26;
	v13 =	vadd.f32 v13, v42;
	v18 =	vmul.f32 v58, v57;
	v63 =	vmul.f32 v62, v59  }
0x1e6: {  	p1 =	slt.u32 s24, $0x3E;
	[tilespmem:s25+$0x20] =	vst v49;
	v14 =	vadd.f32 v15, v14;
	v15 =	vmul.f32 v61, v60  }
.Ltmp1:
0x1e7: {  	[tilespmem:s25+$0x30] =	vst v13;
	v13 =	vadd.f32 v18, v23;
	v16 =	vmul.f32 v16, v63;
	(pc) =	sbr.rel @p1 .LBB2_4-.Ltmp1, $4  }
0x1e8: {  	[tilespmem:s25+$0x40] =	vst v14;
	v14 =	vadd.f32 v15, v24  }
0x1e9: {  	[tilespmem:s25+$0x50] =	vst v13;
	v13 =	vadd.f32 v16, v40  }
0x1ea: {  	[tilespmem:s25+$0x60] =	vst v14  }
0x1eb: {  	s24 =	sadd.s32 $0x2, s24;
	[tilespmem:s25+$0x70] =	vst v13;
	s25 =	sadd.s32 $0x100, s25  }
0x1ec: {  	s24 =	sshll.u32 s22, $0xB  }
0x1ed: {  	p1 =	seq.s32 s22, $0xF;
	s24 =	sadd.s32 s24, s8  }
0x1ee: {  	[hbm4b:s24+s3] =	stream.linear.scatter [tilespmem:s16], [sflag:$0x3], $0x2000, $0x38;
	[tilespmem:$0x12000] =	vst v63  }
0x1ef: {  	s24 =	sshll.u32 @!p1 s22, $0x7  }
0x1f0: {  	s24 =	sadd.s32 @!p1 s24, s9  }
0x1f1: {  	s25 =	sshll.u32 @!p1 s24, $0x4  }
0x1f2: {  	s26 =	simm.s32 @!p1 $0x0;
	s24 =	sshll.u32 @!p1 s24, $0x5;
	s25 =	sadd.s32 @!p1 s0, s25  }
0x1f3: {  	[tilespmem:s26], [sflag:$0x1] =	stream.linear.gather @!p1 [hbm4b:s25+s26], $0x2000, $0x38;
	[tilespmem:$0x12000] =	vst v63  }
0x1f4: {  	s24 =	sadd.s32 @!p1 s5, s24;
	s25 =	simm.s32 @!p1 $0x4000  }
0x1f5: {  	[tilespmem:s25], [sflag:$0x1] =	stream.linear.gather @!p1 [hbm4b:s24+s26], $0x4000, $0x38;
	[tilespmem:$0x12000] =	vst v63  }
0x1f6: {  	_ =	swait.ge [sflag:s17], $0x2000  }
0x1f7: {  	[sflag:s17] =	ssyncset.done $0x0  }
0x1f8: {  	[sflag:s17] =	ssyncadd.s32 $0xFFFFE000  }
0x1f9: {  	_ =	swait.ge [sflag:s17], $0x4000  }
0x1fa: {  	[sflag:s17] =	ssyncset.done $0x0  }
0x1fb: {  	s24 =	simm.s32 @!p0 $0x4;
	[sflag:s17] =	ssyncadd.s32 $0xFFFFC000  }
0x1fc: {  	_ =	swait.ge @!p0 [sflag:s24], $0x2000  }
0x1fd: {  	s28 =	simm.s32 $0x21F0;
	[sflag:s24] =	ssyncset.done @!p0 $0x0  }
0x1fe: {  	s29 =	simm.s32 $0xC100;
	s26 =	simm.s32 $0xFFFFFFFC;
	[sflag:s24] =	ssyncadd.s32 @!p0 $0xFFFFE000  }
.LBB2_6:
0x1ff: {  	v13 =	vld [tilespmem:s28+$0xFFFFFE10]  }
0x200: {  	v14 =	vld [tilespmem:s28+$0xFFFFFE20]  }
0x201: {  	v15 =	vld [tilespmem:s28+$0xFFFFFE30]  }
0x202: {  	v16 =	vld [tilespmem:s28+$0xFFFFFE40]  }
0x203: {  	v17 =	vld [tilespmem:s28+$0xFFFFFE50]  }
0x204: {  	v18 =	vld [tilespmem:s28+$0xFFFFFE60];
	v13 =	vadd.f32 $9.999999740e-06, v13  }
0x205: {  	v19 =	vld [tilespmem:s28+$0xFFFFFE70];
	v14 =	vadd.f32 $9.999999740e-06, v14  }
0x206: {  	(xrf2) =	vadd.scan.msk.f32 $0xffff, v13;
	v13 =	vadd.f32 $9.999999740e-06, v15;
	v15 =	vld [tilespmem:s28+$0xFFFFFE80]  }
0x207: {  	v16 =	vadd.f32 $9.999999740e-06, v16;
	(xrf2) =	vadd.scan.msk.f32 $0xffff, v14;
	v14 =	vld [tilespmem:s28+$0xFFFFFE90]  }
0x208: {  	v49 =	vld [tilespmem:s28+$0xFFFFFEA0];
	v17 =	vadd.f32 $9.999999740e-06, v17;
	(xrf2) =	vadd.scan.msk.f32 $0xffff, v13  }
0x209: {  	v51 =	vld [tilespmem:s28+$0xFFFFFEB0];
	v13 =	vadd.f32 $9.999999740e-06, v18;
	(xrf2) =	vadd.scan.msk.f32 $0xffff, v16  }
0x20a: {  	v52 =	vld [tilespmem:s28+$0xFFFFFEC0];
	v50 =	vadd.f32 $9.999999740e-06, v19;
	(xrf2) =	vadd.scan.msk.f32 $0xffff, v17  }
0x20b: {  	v53 =	vld [tilespmem:s28+$0xFFFFFEF0];
	v15 =	vadd.f32 $9.999999740e-06, v15;
	(xrf2) =	vadd.scan.msk.f32 $0xffff, v13  }
0x20c: {  	(xrf2) =	vadd.scan.msk.f32 $0xffff, v50;
	v13 =	vadd.f32 $9.999999740e-06, v14;
	v14 =	vld [tilespmem:s28+$0xFFFFFED0]  }
0x20d: {  	(xrf2) =	vadd.scan.msk.f32 $0xffff, v15;
	v15 =	vld [tilespmem:s28+$0xFFFFFEE0]  }
0x20e: {  	v20 =	vld [tilespmem:s28+$0xFFFFFF00];
	v16 =	vadd.f32 $9.999999740e-06, v49;
	(xrf2) =	vadd.scan.msk.f32 $0xffff, v13  }
0x20f: {  	v54 =	vld [tilespmem:s28+$0xFFFFFF10];
	v17 =	vadd.f32 $9.999999740e-06, v51  }
0x210: {  	v19 =	vadd.f32 $9.999999740e-06, v52;
	v13, _, _ =	vpop (xrf2);
	(xrf2) =	vadd.scan.msk.f32 $0xffff, v16  }
0x211: {  	v55 =	vld [tilespmem:s28+$0xFFFFFF20];
	v21 =	vperm.xlane v13, v0;
	v22, _, _ =	vpop (xrf2);
	v23 =	vadd.f32 $9.999999740e-06, v14;
	(xrf2) =	vadd.scan.msk.f32 $0xffff, v17  }
0x212: {  	v56 =	vld [tilespmem:s28+$0xFFFFFF30];
	v24, _, _ =	vpop (xrf2);
	v15 =	vadd.f32 $9.999999740e-06, v15;
	(xrf2) =	vadd.scan.msk.f32 $0xffff, v19  }
0x213: {  	v58 =	vld [tilespmem:s28+$0xFFFFFF40];
	v18 =	vadd.f32 $9.999999740e-06, v53;
	v14 =	vadd.f32 v21, v22;
	v57, _, _ =	vpop (xrf2);
	(xrf2) =	vadd.scan.msk.f32 $0xffff, v23  }
0x214: {  	v26 =	vld [tilespmem:s28+$0xFFFFFF50];
	v20 =	vadd.f32 $9.999999740e-06, v20;
	v59, _, _ =	vpop (xrf2);
	(xrf2) =	vadd.scan.msk.f32 $0xffff, v15;
	v15 =	vadd.f32 $9.999999740e-06, v54  }
0x215: {  	v60 =	vld [tilespmem:s28+$0xFFFFFF60];
	v25 =	vperm.xlane v14, v0;
	v27, _, _ =	vpop (xrf2);
	(xrf2) =	vadd.scan.msk.f32 $0xffff, v18  }
0x216: {  	v62 =	vld [tilespmem:s28+$0xFFFFFF70];
	v61, _, _ =	vpop (xrf2);
	(xrf2) =	vadd.scan.msk.f32 $0xffff, v20  }
0x217: {  	v43 =	vld [tilespmem:s28+$0xFFFFFF90];
	v17 =	vadd.f32 $9.999999740e-06, v55;
	v24 =	vadd.f32 v25, v24;
	v63, _, _ =	vpop (xrf2);
	(xrf2) =	vadd.scan.msk.f32 $0xffff, v15  }
0x218: {  	v28 =	vld [tilespmem:s28+$0xFFFFFF80];
	v19 =	vadd.f32 $9.999999740e-06, v56;
	v15, _, _ =	vpop (xrf2)  }
0x219: {  	v22 =	vadd.f32 $9.999999740e-06, v58;
	(xrf2) =	vadd.scan.msk.f32 $0xffff, v17;
	v29 =	vperm.xlane v24, v0;
	v30 =	vperm.xlane v15, v0  }
0x21a: {  	v26 =	vadd.f32 $9.999999740e-06, v26;
	v16 =	vadd.f32 $9.999999740e-06, v60;
	(xrf2) =	vadd.scan.msk.f32 $0xffff, v19;
	v44, _, _ =	vpop (xrf2)  }
0x21b: {  	v45 =	vld [tilespmem:s28+$0xFFFFFFA0];
	(xrf2) =	vadd.scan.msk.f32 $0xffff, v22;
	v19 =	vadd.f32 v29, v57;
	v46, _, _ =	vpop (xrf2);
	v21 =	vadd.f32 v30, v44  }
0x21c: {  	v20 =	vadd.f32 $9.999999740e-06, v62;
	v17 =	vadd.f32 $9.999999740e-06, v43;
	(xrf2) =	vadd.scan.msk.f32 $0xffff, v26;
	v48, _, _ =	vpop (xrf2)  }
0x21d: {  	v28 =	vadd.f32 $9.999999740e-06, v28;
	(xrf2) =	vadd.scan.msk.f32 $0xffff, v16;
	v47 =	vperm.xlane v19, v0;
	v49, _, _ =	vpop (xrf2);
	v31 =	vperm.xlane v21, v0  }
0x21e: {  	(xrf2) =	vadd.scan.msk.f32 $0xffff, v20;
	v50, _, _ =	vpop (xrf2)  }
0x21f: {  	v51 =	vld [tilespmem:s28+$0xFFFFFFB0];
	(xrf2) =	vadd.scan.msk.f32 $0xffff, v28;
	v20 =	vadd.f32 v47, v59;
	v52, _, _ =	vpop (xrf2);
	v29 =	vadd.f32 v31, v46  }
0x220: {  	v22 =	vadd.f32 $9.999999740e-06, v45;
	(xrf2) =	vadd.scan.msk.f32 $0xffff, v17;
	v17, _, _ =	vpop (xrf2)  }
0x221: {  	v53 =	vperm.xlane v20, v0;
	v32 =	vperm.xlane v29, v0;
	v33, _, _ =	vpop (xrf2)  }
0x222: {  	(xrf2) =	vadd.scan.msk.f32 $0xffff, v22;
	v55 =	vperm.xlane v33, v0  }
0x223: {  	v34 =	vld [tilespmem:s28+$0xFFFFFFC0];
	v54, _, _ =	vpop (xrf2);
	v27 =	vadd.f32 v53, v27;
	v30 =	vadd.f32 v32, v48  }
0x224: {  	v26 =	vadd.f32 $9.999999740e-06, v51;
	v35, _, _ =	vpop (xrf2);
	v22 =	vadd.f32 v55, v54  }
0x225: {  	v38 =	vld [tilespmem:s28+$0xFFFFFFD0];
	v56, _, _ =	vpop (xrf2);
	v36 =	vperm.xlane v27, v0;
	v57 =	vperm.xlane v30, v0  }
0x226: {  	(xrf2) =	vadd.scan.msk.f32 $0xffff, v26;
	v37, _, _ =	vpop (xrf2);
	v59 =	vperm.xlane v22, v0  }
0x227: {  	v58, _, _ =	vpop (xrf2);
	v18 =	vadd.f32 v36, v61;
	v16 =	vadd.f32 v57, v49  }
0x228: {  	v60 =	vadd.f32 $9.999999740e-06, v34;
	v39, _, _ =	vpop (xrf2);
	v35 =	vadd.f32 v59, v35  }
0x229: {  	v34, _, _ =	vpop (xrf2);
	v40 =	vperm.xlane v18, v0;
	v61 =	vperm.xlane v16, v0  }
0x22a: {  	v46 =	vadd.f32 $9.999999740e-06, v38;
	(xrf2) =	vadd.scan.msk.f32 $0xffff, v60;
	v41, _, _ =	vpop (xrf2);
	v62 =	vperm.xlane v35, v0  }
0x22b: {  	v42 =	vperm.xlane v41, v0;
	v25 =	vadd.f32 v40, v63;
	v63 =	vld [tilespmem:s28+$0xFFFFFFE0];
	v23 =	vadd.f32 v61, v50  }
0x22c: {  	v47, _, _ =	vpop (xrf2);
	v31 =	vadd.f32 v62, v56  }
0x22d: {  	(xrf2) =	vadd.scan.msk.f32 $0xffff, v46;
	v32 =	vadd.f32 v42, v47;
	v48 =	vperm.xlane v25, v0;
	v49 =	vperm.xlane v23, v0  }
0x22e: {  	v43 =	vld [tilespmem:s28+$0xFFFFFFF0];
	v50 =	vperm.xlane v31, v0  }
0x22f: {  	v44 =	vperm.xlane v32, v0;
	(erf) = vrcp.f32 v48;
	v28 =	vadd.f32 v49, v52  }
0x230: {  	v52, _, _ =	vpop (xrf2);
	v51 =	vadd.f32 $9.999999740e-06, v63;
	v36 =	vadd.f32 v50, v37  }
0x231: {  	v37 =	vadd.f32 v44, v52  }
0x232: {  	v53 =	vperm.xlane v28, v0;
	(xrf2) =	vadd.scan.msk.f32 $0xffff, v51;
	v54 =	vperm.xlane v36, v0  }
0x233: {  	v55 =	vld [tilespmem:s28+$0x0];
	v56 =	vadd.f32 $9.999999740e-06, v43;
	v44 =	vperm.xlane v37, v0  }
0x234: {  	v57, _, _ =	vpop (xrf2);
	v17 =	vadd.f32 v53, v17;
	v26 =	vadd.f32 v54, v58  }
0x235: {  	v38 =	vadd.f32 v44, v57  }
0x236: {  	(xrf2) =	vadd.scan.msk.f32 $0xffff, v56;
	v58 =	vperm.xlane v17, v0;
	v59 =	vperm.xlane v26, v0  }
0x237: {  	v45, _, _ =	vpop (xrf2);
	v44 =	vperm.xlane v38, v0  }
0x238: {  	v42 =	vadd.f32 $9.999999740e-06, v55;
	(erf) = vrcp.f32 v58;
	v60 =	vpop (erf);
	v39 =	vadd.f32 v59, v39  }
0x239: {  	v40 =	vadd.f32 v44, v45;
	v13 =	vmul.f32 v60, v13  }
0x23a: {  	(xrf2) =	vadd.scan.msk.f32 $0xffff, v42;
	v14 =	vmul.f32 v60, v14;
	v61 =	vperm.xlane v39, v0  }
0x23b: {  	v44 =	vperm.xlane v40, v0;
	[tilespmem:s29+$0xFFFFFF00] =	vst v13  }
0x23c: {  	[tilespmem:s29+$0xFFFFFF10] =	vst v14;
	v14 =	vmul.f32 v60, v19;
	v62, _, _ =	vpop (xrf2);
	v13 =	vadd.f32 v61, v34  }
0x23d: {  	v34 =	vadd.f32 v44, v62  }
0x23e: {  	[tilespmem:s29+$0xFFFFFF30] =	vst v14;
	v14 =	vmul.f32 v60, v27;
	v45 =	vperm.xlane v13, v0  }
0x23f: {  	v24 =	vmul.f32 v60, v24;
	v46 =	vperm.xlane v34, v0  }
0x240: {  	v47, _, _ =	vpop (xrf2);
	[tilespmem:s29+$0xFFFFFF50] =	vst v14;
	v14 =	vmul.f32 v60, v25;
	(erf) = vrcp.f32 v45  }
0x241: {  	v63 =	vmul.f32 v60, v20;
	[tilespmem:s29+$0xFFFFFF20] =	vst v24;
	v49 =	vpop (erf);
	v48 =	vadd.f32 v46, v47  }
0x242: {  	[tilespmem:s29+$0xFFFFFF70] =	vst v14;
	v14 =	vmul.f32 v49, v21  }
0x243: {  	[tilespmem:s29+$0xFFFFFF40] =	vst v63;
	v15 =	vmul.f32 v49, v15;
	v50 =	vperm.xlane v48, v0  }
0x244: {  	v51, _, _ =	vpop (xrf2);
	[tilespmem:s29+$0xFFFFFF90] =	vst v14;
	v14 =	vmul.f32 v49, v30  }
0x245: {  	v18 =	vmul.f32 v60, v18;
	[tilespmem:s29+$0xFFFFFF80] =	vst v15;
	v15 =	vadd.f32 v50, v51  }
0x246: {  	[tilespmem:s29+$0xFFFFFFB0] =	vst v14;
	v14 =	vmul.f32 v49, v23  }
0x247: {  	[tilespmem:s29+$0xFFFFFF60] =	vst v18;
	v52 =	vmul.f32 v49, v29;
	v53 =	vperm.xlane v15, v0  }
0x248: {  	[tilespmem:s29+$0xFFFFFFD0] =	vst v14;
	v14 =	vmul.f32 v49, v17  }
0x249: {  	v16 =	vmul.f32 v49, v16;
	[tilespmem:s29+$0xFFFFFFA0] =	vst v52;
	(erf) = vrcp.f32 v53;
	v55 =	vpop (erf)  }
0x24a: {  	[tilespmem:s29+$0xFFFFFFF0] =	vst v14;
	v14 =	vmul.f32 v55, v22  }
0x24b: {  	v54 =	vmul.f32 v49, v28;
	[tilespmem:s29+$0xFFFFFFC0] =	vst v16  }
0x24c: {  	[tilespmem:s29+$0x10] =	vst v14;
	v14 =	vmul.f32 v55, v31  }
0x24d: {  	[tilespmem:s29+$0xFFFFFFE0] =	vst v54;
	v56 =	vmul.f32 v55, v33  }
0x24e: {  	v57 =	vmul.f32 v55, v35;
	[tilespmem:s29+$0x30] =	vst v14;
	v14 =	vmul.f32 v55, v26  }
0x24f: {  	v58 =	vmul.f32 v55, v36;
	[tilespmem:s29+$0x0] =	vst v56  }
0x250: {  	[tilespmem:s29+$0x20] =	vst v57  }
0x251: {  	v59 =	vmul.f32 v55, v39;
	[tilespmem:s29+$0x40] =	vst v58  }
0x252: {  	v13 =	vmul.f32 v55, v13;
	[tilespmem:s29+$0x50] =	vst v14;
	v14 =	vpop (erf)  }
0x253: {  	[tilespmem:s29+$0x60] =	vst v59;
	v60 =	vmul.f32 v14, v41  }
0x254: {  	[tilespmem:s29+$0x70] =	vst v13;
	v13 =	vmul.f32 v14, v32  }
0x255: {  	v61 =	vmul.f32 v14, v37;
	[tilespmem:s29+$0x80] =	vst v60  }
0x256: {  	s26 =	sadd.s32 $0x4, s26;
	[tilespmem:s29+$0x90] =	vst v13;
	v13 =	vmul.f32 v14, v38  }
0x257: {  	p0 =	slt.u32 s26, $0x3C;
	v62 =	vmul.f32 v14, v40;
	[tilespmem:s29+$0xA0] =	vst v61  }
.Ltmp2:
0x258: {  	[tilespmem:s29+$0xB0] =	vst v13;
	v13 =	vmul.f32 v14, v34;
	(pc) =	sbr.rel @p0 .LBB2_6-.Ltmp2, $4  }
0x259: {  	v63 =	vmul.f32 v14, v48;
	[tilespmem:s29+$0xC0] =	vst v62  }
0x25a: {  	[tilespmem:s29+$0xD0] =	vst v13;
	v13 =	vmul.f32 v14, v15  }
0x25b: {  	s24 =	simm.s32 $0x0;
	[tilespmem:s29+$0xE0] =	vst v63  }
0x25c: {  	s25 =	simm.s32 $0x100F0;
	s28 =	sadd.s32 $0x200, s28;
	[tilespmem:s29+$0xF0] =	vst v13;
	s29 =	sadd.s32 $0x200, s29  }
.LBB2_7:
0x25d: {  	v14 =	vmov s24  }
0x25e: {  	v13 =	vshll.u32 v14, $0x7  }
0x25f: {  	v15 =	vor.u32 v1, v13;
	_ =	sdelay $0x4  }
0x260: {  	v15 =	vld.idx.msk [tilespmem:v15+s15+$0x0], $0xffff;
	_ =	sdelay $0x4  }
0x261: {  	v16 =	vperm.xlane v15, v2;
	_ =	sdelay $0x1  }
0x262: {  	vm0 =	vle.f32 v16, v3  }
0x263: {  	vm1 =	vle.f32 v16, v5;
	vm5 =	vle.f32 v16, v6;
	vm6 =	vle.f32 v16, v7  }
0x264: {  	vm7 =	vle.f32 v16, v8;
	vm8 =	vle.f32 v16, v9;
	vm9 =	vle.f32 v16, v10  }
0x265: {  	vm10 =	vle.f32 v16, v11;
	v17 =	vsel vm0, $0x8, v4;
	v18 =	vsel vm1, $0x8, v4  }
0x266: {  	v19 =	vsel vm5, $0x8, v4;
	v20 =	vsel vm6, $0x8, v4;
	v21 =	vsel vm7, $0x8, v4  }
0x267: {  	v22 =	vsel vm8, $0x8, v4;
	v34 =	vsel vm9, $0x8, v4;
	v23 =	vsel vm10, $0x8, v4  }
0x268: {  	v24 =	vor.u32 $0x3, v17;
	v25 =	vor.u32 $0x3, v18;
	v26 =	vor.u32 $0x3, v19  }
0x269: {  	v27 =	vor.u32 $0x3, v20;
	v28 =	vor.u32 $0x3, v21;
	v24 =	vperm.xlane v15, v24  }
0x26a: {  	v29 =	vor.u32 $0x3, v22;
	v25 =	vperm.xlane v15, v25;
	v26 =	vperm.xlane v15, v26  }
0x26b: {  	v30 =	vor.u32 $0x3, v34;
	v27 =	vperm.xlane v15, v27;
	v28 =	vperm.xlane v15, v28  }
0x26c: {  	v31 =	vor.u32 $0x3, v23;
	v29 =	vperm.xlane v15, v29;
	v30 =	vperm.xlane v15, v30  }
0x26d: {  	v35 =	vperm.xlane v15, v31;
	vm11 =	vle.f32 v24, v3;
	vm12 =	vle.f32 v25, v5  }
0x26e: {  	vm13 =	vle.f32 v26, v6;
	vm14 =	vle.f32 v27, v7;
	vm15 =	vle.f32 v28, v8  }
0x26f: {  	vm4 =	vle.f32 v29, v9;
	vm5 =	vle.f32 v30, v10;
	vm6 =	vle.f32 v35, v11  }
0x270: {  	v36 =	vsel vm11, $0x4, v4;
	v25 =	vsel vm12, $0x4, v4;
	v37 =	vsel vm13, $0x4, v4  }
0x271: {  	v38 =	vsel vm14, $0x4, v4;
	v39 =	vsel vm15, $0x4, v4;
	v40 =	vsel vm4, $0x4, v4  }
0x272: {  	v41 =	vsel vm5, $0x4, v4;
	v24 =	vsel vm6, $0x4, v4;
	v17 =	vor.u32 v17, v36  }
0x273: {  	v18 =	vor.u32 v18, v25;
	v19 =	vor.u32 v19, v37;
	v20 =	vor.u32 v20, v38  }
0x274: {  	v21 =	vor.u32 v21, v39;
	v22 =	vor.u32 v22, v40;
	v16 =	vor.u32 v34, v41  }
0x275: {  	v23 =	vor.u32 v23, v24;
	v42 =	vor.u32 $0x1, v17;
	v43 =	vor.u32 $0x1, v18  }
0x276: {  	v44 =	vor.u32 $0x1, v19;
	v45 =	vor.u32 $0x1, v20;
	v46 =	vor.u32 $0x1, v21  }
0x277: {  	v47 =	vor.u32 $0x1, v22;
	v25 =	vperm.xlane v15, v42;
	v26 =	vperm.xlane v15, v43  }
0x278: {  	v50 =	vor.u32 $0x1, v16;
	v27 =	vperm.xlane v15, v44;
	v28 =	vperm.xlane v15, v45  }
0x279: {  	v51 =	vor.u32 $0x1, v23;
	v48 =	vperm.xlane v15, v46;
	v49 =	vperm.xlane v15, v47  }
0x27a: {  	v35 =	vor.u32 $0x3, v13;
	v52 =	vperm.xlane v15, v50;
	v53 =	vperm.xlane v15, v51  }
0x27b: {  	vm7 =	vle.f32 v25, v3;
	vm8 =	vle.f32 v26, v5;
	vm9 =	vle.f32 v27, v6  }
0x27c: {  	vm10 =	vle.f32 v28, v7;
	vm11 =	vle.f32 v48, v8;
	vm12 =	vle.f32 v49, v9  }
0x27d: {  	vm13 =	vle.f32 v52, v10;
	vm14 =	vle.f32 v53, v11;
	v54 =	vsel vm7, $0x2, v4  }
0x27e: {  	v26 =	vsel vm8, $0x2, v4;
	v27 =	vsel vm9, $0x2, v4;
	v55 =	vsel vm10, $0x2, v4  }
0x27f: {  	v24 =	vsel vm11, $0x2, v4;
	v56 =	vsel vm12, $0x2, v4;
	v17 =	vor.u32 v17, v54  }
0x280: {  	v18 =	vor.u32 v18, v26;
	v19 =	vor.u32 v19, v27;
	v20 =	vor.u32 v20, v55  }
0x281: {  	v21 =	vor.u32 v21, v24;
	v58 =	vperm.xlane v15, v17;
	v59 =	vperm.xlane v15, v18  }
0x282: {  	v22 =	vor.u32 v22, v56;
	v60 =	vperm.xlane v15, v19;
	v61 =	vperm.xlane v15, v20  }
0x283: {  	v57 =	vsel vm13, $0x2, v4;
	v62 =	vperm.xlane v15, v21;
	v63 =	vperm.xlane v15, v22  }
0x284: {  	vm15 =	vle.f32 v58, v3;
	vm4 =	vle.f32 v59, v5;
	vm2 =	vle.f32 v60, v6  }
0x285: {  	vm5 =	vle.f32 v61, v7;
	vm6 =	vle.f32 v62, v8;
	vm7 =	vle.f32 v63, v9  }
0x286: {  	v24 =	vsel vm15, $0x1, v4;
	v32 =	vsel vm4, $0x1, v4;
	v33 =	vsel vm2, $0x1, v4  }
0x287: {  	v34 =	vsel vm5, $0x1, v4;
	v38 =	vsel vm6, $0x1, v4;
	v17 =	vor.u32 v24, v17  }
0x288: {  	v42 =	vsel vm7, $0x1, v4;
	v18 =	vor.u32 v32, v18;
	v17 =	vshll.u32 v17, $0x3  }
0x289: {  	v19 =	vor.u32 v33, v19;
	v18 =	vshll.u32 v18, $0x3;
	v36 =	vor.u32 v17, v35  }
0x28a: {  	v20 =	vor.u32 v34, v20;
	v19 =	vshll.u32 v19, $0x3;
	v37 =	vor.u32 v18, v35  }
0x28b: {  	v21 =	vor.u32 v38, v21;
	v20 =	vshll.u32 v20, $0x3;
	v39 =	vor.u32 v19, v35  }
0x28c: {  	v22 =	vor.u32 v42, v22;
	v21 =	vshll.u32 v21, $0x3;
	v40 =	vor.u32 v20, v35  }
0x28d: {  	v30 =	vsel vm14, $0x2, v4;
	v22 =	vshll.u32 v22, $0x3;
	v43 =	vor.u32 v21, v35  }
0x28e: {  	v16 =	vor.u32 v16, v57;
	v23 =	vor.u32 v23, v30;
	v44 =	vor.u32 v22, v35;
	v24 =	vld.idx.msk [tilespmem:v36+s15+$0x0], $0xffff  }
0x28f: {  	v41 =	vperm.xlane v15, v16;
	v15 =	vperm.xlane v15, v23;
	v26 =	vld.idx.msk [tilespmem:v37+s15+$0x0], $0xffff  }
0x290: {  	v28 =	vld.idx.msk [tilespmem:v39+s15+$0x0], $0xffff  }
0x291: {  	vm9 =	vle.f32 v15, v11;
	v15 =	vld.idx.msk [tilespmem:v40+s15+$0x0], $0xffff  }
0x292: {  	vm8 =	vle.f32 v41, v10;
	v46 =	vld.idx.msk [tilespmem:v43+s15+$0x0], $0xffff  }
0x293: {  	v29 =	vsel vm8, $0x1, v4;
	v45 =	vsel vm9, $0x1, v4;
	v49 =	vld.idx.msk [tilespmem:v44+s15+$0x0], $0xffff  }
0x294: {  	v16 =	vor.u32 v29, v16;
	v23 =	vor.u32 v45, v23  }
0x295: {  	v16 =	vshll.u32 v16, $0x3;
	v23 =	vshll.u32 v23, $0x3  }
0x296: {  	v57 =	vor.u32 $0x1, v13;
	v47 =	vor.u32 v16, v35;
	v25 =	vor.u32 v23, v35  }
0x297: {  	vm10 =	vle.f32 v24, v3;
	vm11 =	vle.f32 v26, v5;
	vm12 =	vle.f32 v28, v6  }
0x298: {  	vm13 =	vle.f32 v15, v7;
	vm14 =	vle.f32 v46, v8;
	vm15 =	vle.f32 v49, v9  }
0x299: {  	v48 =	vsel vm10, $0x4, v4;
	v50 =	vsel vm11, $0x4, v4;
	v51 =	vsel vm12, $0x4, v4  }
0x29a: {  	v52 =	vsel vm13, $0x4, v4;
	v55 =	vsel vm14, $0x4, v4;
	v17 =	vor.u32 v17, v48  }
0x29b: {  	v62 =	vsel vm15, $0x4, v4;
	v15 =	vor.u32 v18, v50;
	v56 =	vand.u32 $0x7C, v17  }
0x29c: {  	v18 =	vor.u32 v19, v51;
	v59 =	vand.u32 $0x7C, v15;
	v58 =	vor.u32 v56, v57  }
0x29d: {  	v53 =	vor.u32 v20, v52;
	v61 =	vand.u32 $0x7C, v18;
	v60 =	vor.u32 v59, v57  }
0x29e: {  	v21 =	vor.u32 v21, v55;
	v63 =	vand.u32 $0x7C, v53;
	v27 =	vor.u32 v61, v57  }
0x29f: {  	v25 =	vld.idx.msk [tilespmem:v25+s15+$0x0], $0xffff;
	v22 =	vor.u32 v22, v62;
	v34 =	vand.u32 $0x7C, v21;
	v33 =	vor.u32 v63, v57  }
0x2a0: {  	v54 =	vld.idx.msk [tilespmem:v47+s15+$0x0], $0xffff;
	v36 =	vand.u32 $0x7C, v22;
	v35 =	vor.u32 v34, v57  }
0x2a1: {  	v30 =	vor.u32 v36, v57;
	v24 =	vld.idx.msk [tilespmem:v58+s15+$0x0], $0xffff  }
0x2a2: {  	v26 =	vld.idx.msk [tilespmem:v60+s15+$0x0], $0xffff  }
0x2a3: {  	v38 =	vld.idx.msk [tilespmem:v27+s15+$0x0], $0xffff  }
0x2a4: {  	vm5 =	vle.f32 v25, v11;
	v29 =	vld.idx.msk [tilespmem:v33+s15+$0x0], $0xffff  }
0x2a5: {  	vm4 =	vle.f32 v54, v10;
	v40 =	vsel vm5, $0x4, v4;
	v20 =	vld.idx.msk [tilespmem:v35+s15+$0x0], $0xffff  }
0x2a6: {  	v37 =	vsel vm4, $0x4, v4;
	v23 =	vor.u32 v23, v40;
	v30 =	vld.idx.msk [tilespmem:v30+s15+$0x0], $0xffff  }
0x2a7: {  	v16 =	vor.u32 v16, v37;
	v31 =	vand.u32 $0x7C, v23  }
0x2a8: {  	v39 =	vand.u32 $0x7C, v16;
	v28 =	vor.u32 v31, v57  }
0x2a9: {  	v27 =	vor.u32 v39, v57;
	vm6 =	vle.f32 v24, v3;
	vm7 =	vle.f32 v26, v5  }
0x2aa: {  	vm8 =	vle.f32 v38, v6;
	vm9 =	vle.f32 v29, v7;
	vm10 =	vle.f32 v20, v8  }
0x2ab: {  	vm11 =	vle.f32 v30, v9;
	v24 =	vsel vm6, $0x2, v4;
	v43 =	vsel vm7, $0x2, v4  }
0x2ac: {  	v44 =	vsel vm8, $0x2, v4;
	v47 =	vsel vm11, $0x2, v4;
	v42 =	vor.u32 v17, v24  }
0x2ad: {  	v45 =	vor.u32 v15, v43;
	v18 =	vor.u32 v18, v44;
	v15 =	vsel vm9, $0x2, v4  }
0x2ae: {  	v20 =	vor.u32 v22, v47;
	v19 =	vor.u32 v53, v15;
	v48 =	vand.u32 $0x7E, v45  }
0x2af: {  	v15 =	vsel vm10, $0x2, v4;
	v50 =	vand.u32 $0x7E, v18;
	v22 =	vor.u32 v13, v48  }
0x2b0: {  	v41 =	vld.idx.msk [tilespmem:v27+s15+$0x0], $0xffff;
	v21 =	vor.u32 v21, v15;
	v15 =	vand.u32 $0x7E, v42;
	v52 =	vor.u32 v13, v50  }
0x2b1: {  	v46 =	vld.idx.msk [tilespmem:v28+s15+$0x0], $0xffff;
	v53 =	vand.u32 $0x7E, v19;
	v15 =	vor.u32 v13, v15  }
0x2b2: {  	v54 =	vor.u32 v13, v53;
	v55 =	vand.u32 $0x7E, v21  }
0x2b3: {  	v57 =	vor.u32 v13, v55  }
0x2b4: {  	v24 =	vld.idx.msk [tilespmem:v22+s15+$0x0], $0xffff  }
0x2b5: {  	vm12 =	vle.f32 v41, v10;
	v17 =	vld.idx.msk [tilespmem:v52+s15+$0x0], $0xffff  }
0x2b6: {  	vm13 =	vle.f32 v46, v11;
	v49 =	vsel vm12, $0x2, v4;
	v35 =	vld.idx.msk [tilespmem:v15+s15+$0x0], $0xffff  }
0x2b7: {  	v56 =	vsel vm13, $0x2, v4;
	v51 =	vor.u32 v16, v49;
	v16 =	vld.idx.msk [tilespmem:v54+s15+$0x0], $0xffff  }
0x2b8: {  	v14 =	vshll.u32 v14, $0x8;
	v59 =	vor.u32 v23, v56;
	v31 =	vld.idx.msk [tilespmem:v57+s15+$0x0], $0xffff  }
0x2b9: {  	v58 =	vand.u32 $0x7E, v20;
	v23 =	vand.u32 $0x7E, v59;
	v60 =	vand.u32 $0x7E, v51  }
0x2ba: {  	v33 =	vor.u32 v13, v23;
	v61 =	vor.u32 v13, v60;
	v15 =	vor.u32 v13, v58  }
0x2bb: {  	vm6 =	vle.f32 v24, v5;
	vm5 =	vle.f32 v17, v6;
	vm7 =	vle.f32 v35, v3  }
0x2bc: {  	vm4 =	vle.f32 v16, v7;
	v39 =	vsel vm6, $0x1, v4;
	v40 =	vsel vm5, $0x1, v4  }
0x2bd: {  	vm3 =	vle.f32 v31, v8;
	v62 =	vsel vm7, $0x1, v4;
	v26 =	vor.u32 v39, v45  }
0x2be: {  	v41 =	vsel vm4, $0x1, v4;
	v36 =	vor.u32 v40, v18;
	v63 =	vor.u32 v62, v42  }
0x2bf: {  	v23 =	vld.idx.msk [tilespmem:v61+s15+$0x0], $0xffff;
	v27 =	vor.u32 v41, v19;
	v42 =	vsel vm3, $0x1, v4;
	v47 =	vmax.u32 v26, $0x1  }
0x2c0: {  	v49 =	vmax.u32 v36, $0x1;
	v56 =	vadd.s32 $0x1, v36;
	vm15 =	veq.s32 v26, $0x0  }
0x2c1: {  	vm10 =	veq.s32 v36, $0x0;
	v29 =	vor.u32 v42, v21;
	v45 =	vmax.u32 v63, $0x1  }
0x2c2: {  	v32 =	vld.idx.msk [tilespmem:v15+s15+$0x0], $0xffff;
	v48 =	vsub.s32 v47, v12;
	v50 =	vmax.u32 v27, $0x1;
	v21 =	vsub.s32 v49, v12  }
0x2c3: {  	v15 =	vld.idx.msk [tilespmem:v33+s15+$0x0], $0xffff;
	v47 =	vadd.s32 $0x1, v63;
	v49 =	vadd.s32 $0x1, v26;
	v57 =	vshll.u32 v56, $0x3  }
0x2c4: {  	vm8 =	veq.s32 v63, $0x0;
	vm11 =	veq.s32 v27, $0x0;
	vm1 =	vle.f32 v23, v10  }
0x2c5: {  	v18 =	vsub.s32 v45, v12;
	v19 =	vsel vm6, v26, v48;
	v22 =	vsub.s32 v50, v12  }
0x2c6: {  	v21 =	vsel vm5, v36, v21;
	v48 =	vshll.u32 v47, $0x3;
	v47 =	vand.u32 $0x7F, v47  }
0x2c7: {  	v50 =	vshll.u32 v49, $0x3;
	v49 =	vand.u32 $0x7F, v49;
	vm2 =	vle.f32 v32, v9  }
0x2c8: {  	vm0 =	vle.f32 v15, v11;
	v44 =	vsel vm1, $0x1, v4;
	v18 =	vsel vm7, v63, v18  }
0x2c9: {  	v22 =	vsel vm4, v27, v22;
	v40 =	vor.u32 v13, v19;
	v41 =	vor.u32 v13, v21  }
0x2ca: {  	v48 =	vand.u32 $0x7FFFFC00, v48;
	v55 =	vand.u32 $0x7FFFFC00, v50;
	v50 =	vand.u32 $0x7F, v56  }
0x2cb: {  	v43 =	vsel vm2, $0x1, v4;
	v37 =	vor.u32 v44, v51;
	v46 =	vsel vm0, $0x1, v4  }
0x2cc: {  	v51 =	vmax.u32 v29, $0x1;
	v39 =	vor.u32 v13, v18;
	v42 =	vor.u32 v13, v22  }
0x2cd: {  	v44 =	vand.u32 $0x300, v13;
	v34 =	vor.u32 v43, v20;
	v20 =	vor.u32 v46, v59  }
0x2ce: {  	v28 =	vsub.s32 v51, v12;
	v53 =	vmax.u32 v37, $0x1;
	v43 =	vand.u32 $0x3800, v14  }
0x2cf: {  	v51 =	vadd.s32 $0x1, v27;
	v59 =	vadd.s32 $0x1, v29;
	v28 =	vsel vm3, v29, v28  }
0x2d0: {  	v52 =	vmax.u32 v34, $0x1;
	v33 =	vsub.s32 v53, v12;
	v38 =	vmax.u32 v20, $0x1  }
0x2d1: {  	v54 =	vor.u32 v44, v43;
	v48 =	vadd.s32 v43, v48;
	v53 =	vshll.u32 v59, $0x3  }
0x2d2: {  	v61 =	vadd.s32 $0x1, v34;
	v30 =	vsub.s32 v52, v12;
	v33 =	vsel vm1, v37, v33  }
0x2d3: {  	v38 =	vsub.s32 v38, v12;
	v28 =	vor.u32 v13, v28;
	v45 =	vor.u32 v36, v54  }
0x2d4: {  	v46 =	vor.u32 v27, v54;
	v22 =	vor.u32 v29, v54;
	v21 =	vor.u32 v34, v54  }
0x2d5: {  	v18 =	vor.u32 v37, v54;
	v19 =	vor.u32 v20, v54;
	v47 =	vor.u32 v47, v48  }
0x2d6: {  	v48 =	vadd.s32 v43, v55;
	v52 =	vshll.u32 v51, $0x3;
	v51 =	vand.u32 $0x7F, v51  }
0x2d7: {  	v60 =	vand.u32 $0x7FFFFC00, v53;
	v30 =	vsel vm2, v34, v30;
	v38 =	vsel vm0, v20, v38  }
0x2d8: {  	v14 =	vor.u32 v13, v33;
	v47 =	vor.u32 v44, v47;
	v48 =	vor.u32 v49, v48  }
0x2d9: {  	v49 =	vand.u32 $0x7FFFFC00, v57;
	v58 =	vand.u32 $0x7FFFFC00, v52;
	v52 =	vand.u32 $0x7F, v59  }
0x2da: {  	v40 =	vld.idx.msk [tilespmem:v40+s15+$0x0], $0xffff;
	v57 =	vadd.s32 $0x1, v37;
	v30 =	vor.u32 v13, v30;
	v33 =	vor.u32 v13, v38  }
0x2db: {  	v41 =	vld.idx.msk [tilespmem:v41+s15+$0x0], $0xffff;
	v13 =	vor.u32 v63, v54;
	v38 =	vor.u32 v26, v54;
	v48 =	vor.u32 v44, v48  }
0x2dc: {  	v39 =	vld.idx.msk [tilespmem:v39+s15+$0x0], $0xffff;
	v49 =	vadd.s32 v43, v49;
	v54 =	vshll.u32 v61, $0x3;
	v63 =	vand.u32 $0x7F, v61  }
0x2dd: {  	v56 =	vld.idx.msk [tilespmem:v42+s15+$0x0], $0xffff;
	v59 =	vshll.u32 v57, $0x3;
	v42 =	vand.u32 $0x7F, v57;
	v49 =	vor.u32 v50, v49  }
0x2de: {  	v50 =	vadd.s32 v43, v58;
	v62 =	vand.u32 $0x7FFFFC00, v54;
	v49 =	vor.u32 v44, v49  }
0x2df: {  	v50 =	vor.u32 v51, v50;
	v51 =	vadd.s32 v43, v60;
	v25 =	vadd.s32 v43, v62  }
0x2e0: {  	v50 =	vor.u32 v44, v50;
	v51 =	vor.u32 v52, v51;
	v52 =	vadd.s32 $0x1, v20  }
0x2e1: {  	v57 =	vld.idx.msk [tilespmem:v28+s15+$0x0], $0xffff;
	v53 =	vsel vm6, v24, v40;
	v24 =	vsel vm6, v40, v24;
	v60 =	vsel vm5, v17, v41  }
0x2e2: {  	v17 =	vsel vm5, v41, v17;
	vm6 =	veq.s32 v37, $0x0;
	v55 =	vsel vm7, v35, v39  }
0x2e3: {  	v35 =	vsel vm7, v39, v35;
	v39 =	vor.u32 v63, v25;
	v13 =	vld.idx.msk [tilespmem:v13+s13+$0x0], $0xffff;
	v62 =	vsel vm4, v16, v56  }
0x2e4: {  	v63 =	vld.idx.msk [tilespmem:v47+s13+$0x0], $0xffff;
	v16 =	vsel vm4, v56, v16;
	v54 =	vsel vm8, $0x0, v55;
	v41 =	vsel vm11, $0x0, v62  }
0x2e5: {  	v25 =	vor.u32 v44, v51;
	v35 =	vsub.f32 v35, v54;
	v16 =	vsub.f32 v16, v41  }
0x2e6: {  	v54 =	vsub.f32 v3, v54;
	v41 =	vsub.f32 v7, v41;
	v51 =	vsel vm3, v31, v57  }
0x2e7: {  	v31 =	vsel vm3, v57, v31;
	vm14 =	vlt.f32 v35, $9.999999740e-06;
	vm13 =	vlt.f32 v16, $9.999999740e-06  }
0x2e8: {  	v22 =	vld.idx.msk [tilespmem:v22+s13+$0x0], $0xffff;
	v55 =	vsel vm14, $0x3F800000, v35;
	v35 =	vsel vm15, $0x0, v53;
	v53 =	vand.u32 $0x7F, v52  }
0x2e9: {  	v40 =	vld.idx.msk [tilespmem:v38+s13+$0x0], $0xffff;
	v16 =	vsel vm13, $0x3F800000, v16;
	v27 =	vsub.f32 v63, v13;
	vm14 =	veq.s32 v29, $0x0  }
0x2ea: {  	vm15 =	veq.s32 v34, $0x0;
	v25 =	vld.idx.msk [tilespmem:v25+s13+$0x0], $0xffff;
	(erf) = vrcp.f32 v55;
	v58 =	vsub.f32 v24, v35  }
0x2eb: {  	v24 =	vor.u32 v44, v39;
	v39 =	vand.u32 $0x7FFFFC00, v59;
	v55 =	vld.idx.msk [tilespmem:v48+s13+$0x0], $0xffff;
	v29 =	vsel vm14, $0x0, v51  }
0x2ec: {  	v61 =	vadd.s32 v43, v39;
	v39 =	vsel vm10, $0x0, v60;
	vm9 =	vlt.f32 v58, $9.999999740e-06  }
0x2ed: {  	v17 =	vsub.f32 v17, v39;
	v36 =	vor.u32 v42, v61;
	v26 =	vsel vm9, $0x3F800000, v58  }
0x2ee: {  	v59 =	vld.idx.msk [tilespmem:v30+s15+$0x0], $0xffff;
	v58 =	vsub.f32 v5, v35;
	v30 =	vor.u32 v44, v36;
	(erf) = vrcp.f32 v26  }
0x2ef: {  	vm12 =	vlt.f32 v17, $9.999999740e-06;
	v26 =	vshll.u32 v52, $0x3;
	v25 =	vsub.f32 v25, v22  }
0x2f0: {  	s26 =	sadd.s32 $0x1, s24;
	v17 =	vsel vm12, $0x3F800000, v17;
	v26 =	vand.u32 $0x7FFFFC00, v26;
	v47 =	vsub.f32 v55, v40  }
0x2f1: {  	v52 =	vld.idx.msk [tilespmem:v50+s13+$0x0], $0xffff;
	(erf) = vrcp.f32 v17;
	v17 =	vmov s26;
	v26 =	vadd.s32 v43, v26  }
0x2f2: {  	(erf) = vrcp.f32 v16;
	v16 =	vshll.u32 v17, $0x7;
	v38 =	vor.u32 v53, v26;
	v26 =	vld.idx.msk [tilespmem:v46+s13+$0x0], $0xffff  }
0x2f3: {  	v53 =	vsub.f32 v6, v39;
	v39 =	vld.idx.msk [tilespmem:v14+s15+$0x0], $0xffff;
	v17 =	vshll.u32 v17, $0x8;
	v61 =	vor.u32 v1, v16;
	v56 =	vpop (erf)  }
0x2f4: {  	v28 =	vor.u32 v44, v38;
	v42 =	vmul.f32 v56, v54;
	v56 =	vsub.f32 v31, v29  }
0x2f5: {  	v63 =	vld.idx.msk [tilespmem:v49+s13+$0x0], $0xffff;
	v17 =	vand.u32 $0x3800, v17;
	v54 =	vsel vm2, v32, v59;
	v32 =	vsel vm2, v59, v32  }
0x2f6: {  	v29 =	vsub.f32 v8, v29;
	v42 =	vmul.f32 v27, v42;
	v27 =	vld.idx.msk [tilespmem:v45+s13+$0x0], $0xffff;
	vm4 =	vlt.f32 v56, $9.999999740e-06  }
0x2f7: {  	v31 =	vsel vm15, $0x0, v54;
	v35 =	vsub.f32 v52, v26;
	v60 =	vpop (erf);
	v59 =	vsel vm4, $0x3F800000, v56  }
0x2f8: {  	v38 =	vld.idx.msk [tilespmem:v61+s15+$0x0], $0xffff;
	v61 =	vsel vm1, v23, v39;
	v23 =	vsel vm1, v39, v23;
	v62 =	vmul.f32 v60, v58  }
0x2f9: {  	v13 =	vadd.f32 v42, v13;
	v58 =	vsub.f32 v32, v31;
	(erf) = vrcp.f32 v59  }
0x2fa: {  	v37 =	vsel vm6, $0x0, v61;
	v31 =	vsub.f32 v9, v31;
	v55 =	vpop (erf);
	v49 =	vmul.f32 v47, v62  }
0x2fb: {  	v34 =	vmul.f32 v55, v53;
	v57 =	vpop (erf);
	vm5 =	vlt.f32 v58, $9.999999740e-06;
	v36 =	vsub.f32 v63, v27  }
0x2fc: {  	v32 =	vmul.f32 v57, v41;
	v14 =	vadd.f32 v49, v40;
	v40 =	vsel vm5, $0x3F800000, v58  }
0x2fd: {  	v23 =	vsub.f32 v23, v37;
	v60 =	vperm.xlane v38, v2;
	(erf) = vrcp.f32 v40  }
0x2fe: {  	v37 =	vsub.f32 v10, v37;
	v34 =	vmul.f32 v36, v34;
	v32 =	vmul.f32 v35, v32  }
0x2ff: {  	vm7 =	vle.f32 v60, v3;
	vm8 =	vle.f32 v60, v5;
	vm9 =	vle.f32 v60, v6  }
0x300: {  	vm10 =	vle.f32 v60, v7;
	vm11 =	vle.f32 v60, v8;
	vm12 =	vle.f32 v60, v9  }
0x301: {  	vm13 =	vle.f32 v60, v10;
	vm14 =	vle.f32 v60, v11;
	v40 =	vsel vm7, $0x8, v4  }
0x302: {  	v62 =	vsel vm8, $0x8, v4;
	v63 =	vsel vm9, $0x8, v4;
	v44 =	vsel vm10, $0x8, v4  }
0x303: {  	v45 =	vsel vm11, $0x8, v4;
	v46 =	vsel vm12, $0x8, v4;
	v41 =	vsel vm13, $0x8, v4  }
0x304: {  	v47 =	vsel vm14, $0x8, v4;
	v52 =	vor.u32 $0x3, v40;
	v53 =	vor.u32 $0x3, v62  }
0x305: {  	v54 =	vor.u32 $0x3, v63;
	v55 =	vor.u32 $0x3, v44;
	v56 =	vor.u32 $0x3, v45  }
0x306: {  	v57 =	vor.u32 $0x3, v46;
	v48 =	vperm.xlane v38, v52;
	v49 =	vperm.xlane v38, v53  }
0x307: {  	v58 =	vor.u32 $0x3, v41;
	v50 =	vperm.xlane v38, v54;
	v51 =	vperm.xlane v38, v55  }
0x308: {  	v59 =	vor.u32 $0x3, v47;
	v52 =	vperm.xlane v38, v56;
	v53 =	vperm.xlane v38, v57  }
0x309: {  	v54 =	vperm.xlane v38, v58;
	v60 =	vperm.xlane v38, v59;
	vm15 =	vle.f32 v48, v3  }
0x30a: {  	vm4 =	vle.f32 v49, v5;
	vm5 =	vle.f32 v50, v6;
	vm6 =	vle.f32 v51, v7  }
0x30b: {  	vm7 =	vle.f32 v52, v8;
	vm8 =	vle.f32 v53, v9;
	vm9 =	vle.f32 v54, v10  }
0x30c: {  	vm10 =	vle.f32 v60, v11;
	v61 =	vsel vm15, $0x4, v4;
	v49 =	vsel vm4, $0x4, v4  }
0x30d: {  	v52 =	vsel vm7, $0x4, v4;
	v53 =	vsel vm8, $0x4, v4;
	v54 =	vsel vm9, $0x4, v4  }
0x30e: {  	v48 =	vsel vm10, $0x4, v4;
	v40 =	vor.u32 v40, v61;
	v42 =	vor.u32 v62, v49  }
0x30f: {  	v62 =	vsel vm5, $0x4, v4;
	v45 =	vor.u32 v45, v52;
	v46 =	vor.u32 v46, v53  }
0x310: {  	v41 =	vor.u32 v41, v54;
	v47 =	vor.u32 v47, v48;
	v43 =	vor.u32 v63, v62  }
0x311: {  	v63 =	vsel vm6, $0x4, v4;
	v55 =	vor.u32 $0x1, v40;
	v56 =	vor.u32 $0x1, v42  }
0x312: {  	v59 =	vor.u32 $0x1, v45;
	v60 =	vor.u32 $0x1, v46;
	v62 =	vor.u32 $0x1, v41  }
0x313: {  	v44 =	vor.u32 v44, v63;
	v49 =	vperm.xlane v38, v55;
	v50 =	vperm.xlane v38, v56  }
0x314: {  	v57 =	vor.u32 $0x1, v43;
	v48 =	vperm.xlane v38, v59;
	v61 =	vperm.xlane v38, v60  }
0x315: {  	v63 =	vor.u32 $0x1, v47;
	v51 =	vperm.xlane v38, v57;
	v58 =	vor.u32 $0x1, v44  }
0x316: {  	v57 =	vperm.xlane v38, v62;
	v52 =	vperm.xlane v38, v58;
	vm11 =	vle.f32 v49, v3  }
0x317: {  	v58 =	vperm.xlane v38, v63;
	vm12 =	vle.f32 v50, v5;
	vm15 =	vle.f32 v48, v8  }
0x318: {  	vm6 =	vle.f32 v61, v9;
	v49 =	vor.u32 $0x3, v16;
	v59 =	vsel vm11, $0x2, v4  }
0x319: {  	vm13 =	vle.f32 v51, v6;
	v50 =	vsel vm12, $0x2, v4;
	v48 =	vsel vm15, $0x2, v4  }
0x31a: {  	v61 =	vsel vm6, $0x2, v4;
	vm7 =	vle.f32 v57, v10;
	v40 =	vor.u32 v40, v59  }
0x31b: {  	v51 =	vsel vm13, $0x2, v4;
	vm14 =	vle.f32 v52, v7;
	v42 =	vor.u32 v42, v50  }
0x31c: {  	v45 =	vor.u32 v45, v48;
	v46 =	vor.u32 v46, v61;
	v62 =	vsel vm7, $0x2, v4  }
0x31d: {  	vm8 =	vle.f32 v58, v11;
	v43 =	vor.u32 v43, v51;
	v60 =	vsel vm14, $0x2, v4  }
0x31e: {  	v41 =	vor.u32 v41, v62;
	v63 =	vperm.xlane v38, v40;
	v56 =	vperm.xlane v38, v42  }
0x31f: {  	v59 =	vperm.xlane v38, v45;
	v53 =	vperm.xlane v38, v46;
	v54 =	vsel vm8, $0x2, v4  }
0x320: {  	v51 =	vor.u32 $0x1, v16;
	v44 =	vor.u32 v44, v60;
	v57 =	vperm.xlane v38, v43  }
0x321: {  	v47 =	vor.u32 v47, v54;
	v58 =	vperm.xlane v38, v44;
	vm9 =	vle.f32 v63, v3  }
0x322: {  	vm10 =	vle.f32 v56, v5;
	vm13 =	vle.f32 v59, v8;
	vm14 =	vle.f32 v53, v9  }
0x323: {  	v33 =	vld.idx.msk [tilespmem:v33+s15+$0x0], $0xffff;
	v48 =	vsel vm9, $0x1, v4;
	vm11 =	vle.f32 v57, v6;
	v60 =	vsel vm10, $0x1, v4  }
0x324: {  	v40 =	vor.u32 v48, v40;
	v61 =	vsel vm11, $0x1, v4;
	v42 =	vor.u32 v60, v42  }
0x325: {  	vm12 =	vle.f32 v58, v7;
	v43 =	vor.u32 v61, v43;
	v40 =	vshll.u32 v40, $0x3  }
0x326: {  	v62 =	vsel vm12, $0x1, v4;
	v42 =	vshll.u32 v42, $0x3;
	v63 =	vor.u32 v40, v49  }
0x327: {  	v44 =	vor.u32 v62, v44;
	v43 =	vshll.u32 v43, $0x3;
	v57 =	vor.u32 v42, v49  }
0x328: {  	v53 =	vsel vm0, v15, v33;
	v44 =	vshll.u32 v44, $0x3;
	v59 =	vor.u32 v43, v49  }
0x329: {  	v15 =	vsel vm0, v33, v15;
	v58 =	vsel vm13, $0x1, v4;
	v60 =	vor.u32 v44, v49  }
0x32a: {  	v45 =	vor.u32 v58, v45;
	v61 =	vperm.xlane v38, v41;
	v38 =	vperm.xlane v38, v47  }
0x32b: {  	vm12 =	veq.s32 v20, $0x0;
	v45 =	vshll.u32 v45, $0x3;
	v62 =	vsel vm14, $0x1, v4;
	v48 =	vld.idx.msk [tilespmem:v63+s15+$0x0], $0xffff  }
0x32c: {  	v56 =	vor.u32 v62, v46;
	vm15 =	vle.f32 v61, v10;
	v63 =	vor.u32 v45, v49;
	v46 =	vld.idx.msk [tilespmem:v57+s15+$0x0], $0xffff  }
0x32d: {  	v53 =	vsel vm12, $0x0, v53;
	v39 =	vshll.u32 v56, $0x3;
	v57 =	vsel vm15, $0x1, v4;
	v50 =	vld.idx.msk [tilespmem:v59+s15+$0x0], $0xffff  }
0x32e: {  	vm4 =	vle.f32 v38, v11;
	v59 =	vor.u32 v39, v49;
	v41 =	vor.u32 v57, v41;
	v58 =	vld.idx.msk [tilespmem:v60+s15+$0x0], $0xffff  }
0x32f: {  	vm14 =	vlt.f32 v23, $9.999999740e-06;
	v60 =	vsel vm4, $0x1, v4;
	v41 =	vshll.u32 v41, $0x3  }
0x330: {  	v15 =	vsub.f32 v15, v53;
	v47 =	vor.u32 v60, v47;
	v62 =	vor.u32 v41, v49  }
0x331: {  	v47 =	vshll.u32 v47, $0x3;
	v61 =	vld.idx.msk [tilespmem:v63+s15+$0x0], $0xffff;
	vm5 =	vle.f32 v48, v3;
	vm6 =	vle.f32 v46, v5  }
0x332: {  	v49 =	vor.u32 v47, v49;
	v63 =	vsel vm5, $0x4, v4;
	v56 =	vsel vm6, $0x4, v4  }
0x333: {  	v55 =	vld.idx.msk [tilespmem:v59+s15+$0x0], $0xffff;
	vm7 =	vle.f32 v50, v6;
	v40 =	vor.u32 v40, v63;
	vm8 =	vle.f32 v58, v7  }
0x334: {  	v38 =	vor.u32 v42, v56;
	v57 =	vsel vm7, $0x4, v4;
	v58 =	vsel vm8, $0x4, v4  }
0x335: {  	v42 =	vor.u32 v43, v57;
	v60 =	vand.u32 $0x7C, v40;
	v43 =	vor.u32 v44, v58  }
0x336: {  	v44 =	vld.idx.msk [tilespmem:v62+s15+$0x0], $0xffff;
	v48 =	vor.u32 v60, v51;
	v62 =	vand.u32 $0x7C, v42;
	vm9 =	vle.f32 v61, v8  }
0x337: {  	v61 =	vand.u32 $0x7C, v38;
	v50 =	vor.u32 v62, v51;
	v57 =	vand.u32 $0x7C, v43  }
0x338: {  	v49 =	vld.idx.msk [tilespmem:v49+s15+$0x0], $0xffff;
	v59 =	vsel vm9, $0x4, v4;
	vm10 =	vle.f32 v55, v9;
	v46 =	vor.u32 v61, v51  }
0x339: {  	v58 =	vor.u32 v57, v51;
	v45 =	vor.u32 v45, v59;
	v63 =	vsel vm10, $0x4, v4  }
0x33a: {  	v23 =	vsel vm14, $0x3F800000, v23;
	v39 =	vor.u32 v39, v63;
	v59 =	vand.u32 $0x7C, v45  }
0x33b: {  	vm11 =	vle.f32 v44, v10;
	v60 =	vor.u32 v59, v51;
	v61 =	vand.u32 $0x7C, v39;
	v48 =	vld.idx.msk [tilespmem:v48+s15+$0x0], $0xffff  }
0x33c: {  	(erf) = vrcp.f32 v23;
	v62 =	vsel vm11, $0x4, v4;
	v54 =	vor.u32 v61, v51;
	v55 =	vld.idx.msk [tilespmem:v50+s15+$0x0], $0xffff  }
0x33d: {  	vm15 =	vlt.f32 v15, $9.999999740e-06;
	vm13 =	vle.f32 v49, v11;
	v20 =	vor.u32 v41, v62;
	v63 =	vld.idx.msk [tilespmem:v46+s15+$0x0], $0xffff  }
0x33e: {  	v15 =	vsel vm15, $0x3F800000, v15;
	v49 =	vsel vm13, $0x4, v4;
	v57 =	vld.idx.msk [tilespmem:v58+s15+$0x0], $0xffff;
	v56 =	vand.u32 $0x7C, v20  }
0x33f: {  	(erf) = vrcp.f32 v15;
	v47 =	vor.u32 v47, v49;
	v46 =	vor.u32 v56, v51  }
0x340: {  	v50 =	vsub.f32 v11, v53;
	v49 =	vand.u32 $0x7C, v47;
	v44 =	vld.idx.msk [tilespmem:v60+s15+$0x0], $0xffff;
	vm4 =	vle.f32 v48, v3  }
0x341: {  	v15 =	vor.u32 v49, v51;
	v58 =	vld.idx.msk [tilespmem:v54+s15+$0x0], $0xffff;
	v48 =	vsel vm4, $0x2, v4;
	vm6 =	vle.f32 v55, v6  }
0x342: {  	vm5 =	vle.f32 v63, v5;
	v40 =	vor.u32 v40, v48;
	v61 =	vsel vm6, $0x2, v4  }
0x343: {  	v21 =	vld.idx.msk [tilespmem:v21+s13+$0x0], $0xffff;
	vm7 =	vle.f32 v57, v7;
	v60 =	vsel vm5, $0x2, v4;
	v42 =	vor.u32 v42, v61  }
0x344: {  	v62 =	vsel vm7, $0x2, v4;
	v54 =	vand.u32 $0x7E, v40;
	v59 =	vld.idx.msk [tilespmem:v46+s15+$0x0], $0xffff;
	v41 =	vor.u32 v38, v60  }
0x345: {  	v24 =	vld.idx.msk [tilespmem:v24+s13+$0x0], $0xffff;
	v43 =	vor.u32 v43, v62;
	v55 =	vor.u32 v16, v54;
	vm8 =	vle.f32 v44, v8  }
0x346: {  	v63 =	vld.idx.msk [tilespmem:v15+s15+$0x0], $0xffff;
	v56 =	vand.u32 $0x7E, v41;
	v60 =	vand.u32 $0x7E, v43;
	vm9 =	vle.f32 v58, v9  }
0x347: {  	v49 =	vld.idx.msk [tilespmem:v28+s13+$0x0], $0xffff;
	v51 =	vsel vm8, $0x2, v4;
	v33 =	vor.u32 v16, v56;
	v58 =	vand.u32 $0x7E, v42  }
0x348: {  	v48 =	vld.idx.msk [tilespmem:v30+s13+$0x0], $0xffff;
	v23 =	vor.u32 v16, v60;
	v52 =	vsel vm9, $0x2, v4;
	v45 =	vor.u32 v45, v51  }
0x349: {  	v15 =	vld.idx.msk [tilespmem:v18+s13+$0x0], $0xffff;
	v44 =	vor.u32 v39, v52;
	vm10 =	vle.f32 v59, v10;
	v59 =	vor.u32 v16, v58  }
0x34a: {  	v18 =	vld.idx.msk [tilespmem:v19+s13+$0x0], $0xffff;
	v61 =	vand.u32 $0x7E, v45;
	v51 =	vand.u32 $0x7E, v44;
	v57 =	vsel vm10, $0x2, v4  }
0x34b: {  	v38 =	vld.idx.msk [tilespmem:v55+s15+$0x0], $0xffff;
	vm11 =	vle.f32 v63, v11;
	v63 =	vor.u32 v16, v61;
	v52 =	vor.u32 v16, v51  }
0x34c: {  	v61 =	vsub.f32 v24, v21;
	v46 =	vor.u32 v20, v57;
	v62 =	vsel vm11, $0x2, v4  }
0x34d: {  	v24 =	vadd.f32 v32, v26;
	v39 =	vld.idx.msk [tilespmem:v33+s15+$0x0], $0xffff;
	v47 =	vor.u32 v47, v62;
	v54 =	vand.u32 $0x7E, v46  }
0x34e: {  	v55 =	vor.u32 v16, v54;
	v56 =	vand.u32 $0x7E, v47;
	v57 =	vpop (erf);
	v54 =	vsub.f32 v48, v15;
	v30 =	vld.idx.msk [tilespmem:v59+s15+$0x0], $0xffff  }
0x34f: {  	v58 =	vor.u32 v16, v56;
	v59 =	vmul.f32 v57, v29;
	v60 =	vpop (erf);
	v29 =	vld.idx.msk [tilespmem:v23+s15+$0x0], $0xffff;
	v23 =	vadd.f32 v34, v27  }
0x350: {  	v56 =	vsub.f32 v49, v18;
	vm12 =	vle.f32 v38, v3;
	v31 =	vmul.f32 v60, v31;
	v28 =	vld.idx.msk [tilespmem:v63+s15+$0x0], $0xffff;
	v63 =	vpop (erf)  }
0x351: {  	v27 =	vld.idx.msk [tilespmem:v52+s15+$0x0], $0xffff;
	v57 =	vsel vm12, $0x1, v4;
	v62 =	vmul.f32 v25, v59;
	v52 =	vmul.f32 v63, v37  }
0x352: {  	v53 =	vpop (erf);
	vm13 =	vle.f32 v39, v5;
	v36 =	vor.u32 v57, v40;
	v51 =	vmul.f32 v61, v31  }
0x353: {  	v49 =	vmax.u32 v36, $0x1;
	vm15 =	veq.s32 v36, $0x0;
	v26 =	vld.idx.msk [tilespmem:v55+s15+$0x0], $0xffff;
	v55 =	vmul.f32 v53, v50  }
0x354: {  	v20 =	vadd.f32 v62, v22;
	v19 =	vadd.f32 v51, v21;
	v21 =	vmul.f32 v54, v52  }
0x355: {  	v25 =	vld.idx.msk [tilespmem:v58+s15+$0x0], $0xffff;
	vm14 =	vle.f32 v30, v6;
	vm4 =	vle.f32 v29, v7;
	v58 =	vsel vm13, $0x1, v4  }
0x356: {  	v22 =	vmul.f32 v56, v55;
	vm3 =	vle.f32 v28, v8;
	vm2 =	vle.f32 v27, v9  }
0x357: {  	v59 =	vsel vm14, $0x1, v4;
	v60 =	vsel vm4, $0x1, v4;
	v37 =	vor.u32 v58, v41  }
0x358: {  	v41 =	vsub.s32 v49, v12;
	v56 =	vadd.s32 $0x1, v36;
	v40 =	vor.u32 v59, v42  }
0x359: {  	v35 =	vor.u32 v60, v43;
	v61 =	vsel vm3, $0x1, v4;
	v62 =	vsel vm2, $0x1, v4  }
0x35a: {  	v50 =	vmax.u32 v37, $0x1;
	v41 =	vsel vm12, v36, v41;
	v57 =	vshll.u32 v56, $0x3  }
0x35b: {  	v58 =	vadd.s32 $0x1, v37;
	v49 =	vand.u32 $0x7F, v56;
	vm9 =	veq.s32 v37, $0x0  }
0x35c: {  	v15 =	vadd.f32 v21, v15;
	v34 =	vor.u32 v61, v45;
	v33 =	vor.u32 v62, v44  }
0x35d: {  	v42 =	vsub.s32 v50, v12;
	v51 =	vmax.u32 v40, $0x1;
	v52 =	vmax.u32 v35, $0x1  }
0x35e: {  	v41 =	vor.u32 v16, v41;
	v50 =	vand.u32 $0x7FFFFC00, v57;
	v59 =	vshll.u32 v58, $0x3  }
0x35f: {  	v60 =	vadd.s32 $0x1, v40;
	vm1 =	vle.f32 v26, v10;
	v42 =	vsel vm13, v37, v42  }
0x360: {  	v43 =	vsub.s32 v51, v12;
	v45 =	vmax.u32 v34, $0x1;
	v44 =	vsub.s32 v52, v12  }
0x361: {  	v53 =	vmax.u32 v33, $0x1;
	v50 =	vadd.s32 v17, v50;
	v52 =	vand.u32 $0x7FFFFC00, v59  }
0x362: {  	v51 =	vand.u32 $0x7F, v58;
	v61 =	vshll.u32 v60, $0x3;
	v62 =	vand.u32 $0x7F, v60  }
0x363: {  	v58 =	vadd.s32 $0x1, v34;
	vm8 =	veq.s32 v34, $0x0;
	vm0 =	vle.f32 v25, v11  }
0x364: {  	v63 =	vsel vm1, $0x1, v4;
	v43 =	vsel vm14, v40, v43;
	v45 =	vsub.s32 v45, v12  }
0x365: {  	v44 =	vsel vm4, v35, v44;
	v42 =	vor.u32 v16, v42;
	v52 =	vadd.s32 v17, v52  }
0x366: {  	v49 =	vor.u32 v49, v50;
	v60 =	vshll.u32 v58, $0x3;
	v32 =	vor.u32 v63, v46  }
0x367: {  	v48 =	vsel vm0, $0x1, v4;
	v45 =	vsel vm3, v34, v45;
	v46 =	vsub.s32 v53, v12  }
0x368: {  	v43 =	vor.u32 v16, v43;
	v44 =	vor.u32 v16, v44;
	v50 =	vor.u32 v51, v52  }
0x369: {  	v51 =	vand.u32 $0x7FFFFC00, v61;
	v63 =	vadd.s32 $0x1, v35;
	v61 =	vand.u32 $0x7F, v58  }
0x36a: {  	v31 =	vor.u32 v48, v47;
	v54 =	vmax.u32 v32, $0x1;
	v46 =	vsel vm2, v33, v46  }
0x36b: {  	v45 =	vor.u32 v16, v45;
	v51 =	vadd.s32 v17, v51;
	v57 =	vshll.u32 v63, $0x3  }
0x36c: {  	v53 =	vand.u32 $0x7F, v63;
	v63 =	vadd.s32 $0x1, v33;
	v58 =	vadd.s32 $0x1, v32  }
0x36d: {  	v55 =	vmax.u32 v31, $0x1;
	v47 =	vsub.s32 v54, v12;
	v46 =	vor.u32 v16, v46  }
0x36e: {  	v51 =	vor.u32 v62, v51;
	v59 =	vand.u32 $0x7FFFFC00, v57;
	v54 =	vand.u32 $0x7FFFFC00, v60  }
0x36f: {  	v57 =	vshll.u32 v63, $0x3;
	v48 =	vsub.s32 v55, v12;
	v47 =	vsel vm1, v32, v47  }
0x370: {  	v41 =	vld.idx.msk [tilespmem:v41+s15+$0x0], $0xffff;
	v52 =	vadd.s32 v17, v59;
	v54 =	vadd.s32 v17, v54;
	v59 =	vshll.u32 v58, $0x3  }
0x371: {  	v48 =	vsel vm0, v31, v48;
	v47 =	vor.u32 v16, v47;
	v52 =	vor.u32 v53, v52  }
0x372: {  	v42 =	vld.idx.msk [tilespmem:v42+s15+$0x0], $0xffff;
	v53 =	vor.u32 v61, v54;
	v48 =	vor.u32 v16, v48;
	v16 =	vand.u32 $0x380, v16  }
0x373: {  	v61 =	vand.u32 $0x7FFFFC00, v59;
	v49 =	vor.u32 v16, v49;
	v50 =	vor.u32 v16, v50  }
0x374: {  	v51 =	vor.u32 v16, v51;
	v52 =	vor.u32 v16, v52;
	v53 =	vor.u32 v16, v53  }
0x375: {  	v62 =	vsel vm12, v38, v41;
	v38 =	vsel vm12, v41, v38;
	v41 =	vand.u32 $0x7F, v63  }
0x376: {  	v63 =	vand.u32 $0x7F, v58;
	vm12 =	veq.s32 v40, $0x0;
	v55 =	vsel vm15, $0x0, v62  }
0x377: {  	v62 =	vadd.s32 $0x1, v31;
	v56 =	vsel vm13, v39, v42;
	v39 =	vsel vm13, v42, v39  }
0x378: {  	v42 =	vand.u32 $0x7FFFFC00, v57;
	v38 =	vsub.f32 v38, v55;
	v57 =	vshll.u32 v62, $0x3  }
0x379: {  	v59 =	vand.u32 $0x7F, v62;
	vm13 =	veq.s32 v35, $0x0;
	v56 =	vsel vm9, $0x0, v56  }
0x37a: {  	v42 =	vadd.s32 v17, v42;
	vm9 =	veq.s32 v33, $0x0;
	v39 =	vsub.f32 v39, v56  }
0x37b: {  	v58 =	vld.idx.msk [tilespmem:v43+s15+$0x0], $0xffff;
	v41 =	vor.u32 v41, v42;
	vm10 =	vlt.f32 v38, $9.999999740e-06;
	v42 =	vand.u32 $0x7FFFFC00, v57  }
0x37c: {  	v48 =	vld.idx.msk [tilespmem:v48+s15+$0x0], $0xffff;
	v62 =	vsub.f32 v5, v56;
	v38 =	vsel vm10, $0x3F800000, v38;
	vm11 =	vlt.f32 v39, $9.999999740e-06  }
0x37d: {  	v41 =	vor.u32 v16, v41;
	(erf) = vrcp.f32 v38;
	v60 =	vsel vm11, $0x3F800000, v39  }
0x37e: {  	v44 =	vld.idx.msk [tilespmem:v44+s15+$0x0], $0xffff;
	vm10 =	veq.s32 v32, $0x0;
	v39 =	vadd.s32 v17, v61;
	(erf) = vrcp.f32 v60  }
0x37f: {  	v38 =	vor.u32 v63, v39;
	v39 =	vor.u32 v16, v17;
	v17 =	vadd.s32 v17, v42  }
0x380: {  	v60 =	vsub.f32 v3, v55;
	v63 =	vsel vm14, v30, v58;
	v30 =	vsel vm14, v58, v30  }
0x381: {  	v46 =	vld.idx.msk [tilespmem:v46+s15+$0x0], $0xffff;
	v56 =	vsel vm0, v25, v48;
	v25 =	vsel vm0, v48, v25;
	v36 =	vor.u32 v36, v39  }
0x382: {  	v47 =	vld.idx.msk [tilespmem:v47+s15+$0x0], $0xffff;
	v37 =	vor.u32 v37, v39;
	v17 =	vor.u32 v59, v17;
	v43 =	vor.u32 v40, v39  }
0x383: {  	v40 =	vsel vm12, $0x0, v63;
	v58 =	vor.u32 v35, v39;
	v59 =	vsel vm4, v29, v44  }
0x384: {  	v29 =	vsel vm4, v44, v29;
	v30 =	vsub.f32 v30, v40;
	v35 =	vsel vm13, $0x0, v59  }
0x385: {  	v45 =	vld.idx.msk [tilespmem:v45+s15+$0x0], $0xffff;
	v38 =	vor.u32 v16, v38;
	v55 =	vor.u32 v34, v39;
	v29 =	vsub.f32 v29, v35  }
0x386: {  	v49 =	vld.idx.msk [tilespmem:v49+s13+$0x0], $0xffff;
	v63 =	vsel vm2, v27, v46;
	v27 =	vsel vm2, v46, v27;
	vm14 =	vlt.f32 v30, $9.999999740e-06  }
0x387: {  	[tilespmem:s25+$0xFFFFFF10] =	vst v13;
	v13 =	vld.idx.msk [tilespmem:v52+s13+$0x0], $0xffff;
	v46 =	vsel vm1, v26, v47;
	v30 =	vsel vm14, $0x3F800000, v30;
	vm15 =	vlt.f32 v29, $9.999999740e-06  }
0x388: {  	v26 =	vsel vm1, v47, v26;
	v36 =	vld.idx.msk [tilespmem:v36+s13+$0x0], $0xffff;
	(erf) = vrcp.f32 v30;
	v29 =	vsel vm15, $0x3F800000, v29;
	v61 =	vpop (erf)  }
0x389: {  	vm12 =	veq.s32 v31, $0x0;
	v16 =	vor.u32 v16, v17;
	v42 =	vld.idx.msk [tilespmem:v58+s13+$0x0], $0xffff;
	(erf) = vrcp.f32 v29;
	v57 =	vpop (erf)  }
0x38a: {  	v58 =	vld.idx.msk [tilespmem:v51+s13+$0x0], $0xffff;
	v29 =	vsel vm9, $0x0, v63;
	v54 =	vmul.f32 v57, v62;
	v62 =	vsel vm3, v28, v45  }
0x38b: {  	[tilespmem:s25+$0xFFFFFF20] =	vst v14;
	v14 =	vld.idx.msk [tilespmem:v55+s13+$0x0], $0xffff;
	v17 =	vmul.f32 v61, v60;
	v28 =	vsel vm3, v45, v28;
	v34 =	vsel vm8, $0x0, v62  }
0x38c: {  	v48 =	vld.idx.msk [tilespmem:v38+s13+$0x0], $0xffff;
	v60 =	vor.u32 v33, v39;
	v61 =	vor.u32 v32, v39;
	v28 =	vsub.f32 v28, v34  }
0x38d: {  	v39 =	vor.u32 v31, v39;
	v33 =	vld.idx.msk [tilespmem:v37+s13+$0x0], $0xffff;
	v27 =	vsub.f32 v27, v29;
	v37 =	vsel vm10, $0x0, v46  }
0x38e: {  	v32 =	vld.idx.msk [tilespmem:v43+s13+$0x0], $0xffff;
	v43 =	vsel vm12, $0x0, v56;
	v26 =	vsub.f32 v26, v37;
	vm11 =	vlt.f32 v28, $9.999999740e-06  }
0x38f: {  	v16 =	vld.idx.msk [tilespmem:v16+s13+$0x0], $0xffff;
	v25 =	vsub.f32 v25, v43;
	vm13 =	vlt.f32 v27, $9.999999740e-06;
	v28 =	vsel vm11, $0x3F800000, v28  }
0x390: {  	v46 =	vld.idx.msk [tilespmem:v41+s13+$0x0], $0xffff;
	v27 =	vsel vm13, $0x3F800000, v27;
	vm14 =	vlt.f32 v26, $9.999999740e-06;
	(erf) = vrcp.f32 v28  }
0x391: {  	v57 =	vld.idx.msk [tilespmem:v50+s13+$0x0], $0xffff;
	vm15 =	vlt.f32 v25, $9.999999740e-06;
	v26 =	vsel vm14, $0x3F800000, v26;
	(erf) = vrcp.f32 v27  }
0x392: {  	v18 =	vadd.f32 v22, v18;
	v45 =	vld.idx.msk [tilespmem:v53+s13+$0x0], $0xffff;
	v25 =	vsel vm15, $0x3F800000, v25;
	(erf) = vrcp.f32 v26  }
0x393: {  	[tilespmem:s25+$0xFFFFFF40] =	vst v24;
	v59 =	vsub.f32 v6, v40;
	v49 =	vsub.f32 v49, v36;
	v24 =	vld.idx.msk [tilespmem:v61+s13+$0x0], $0xffff;
	v61 =	vpop (erf);
	(erf) = vrcp.f32 v25  }
0x394: {  	[tilespmem:s25+$0xFFFFFF30] =	vst v23;
	v52 =	vsub.f32 v9, v29;
	v55 =	vsub.f32 v10, v37;
	v23 =	vld.idx.msk [tilespmem:v60+s13+$0x0], $0xffff  }
0x395: {  	v62 =	vsub.f32 v7, v35;
	v13 =	vsub.f32 v13, v42;
	v40 =	vld.idx.msk [tilespmem:v39+s13+$0x0], $0xffff;
	v17 =	vmul.f32 v49, v17  }
0x396: {  	v50 =	vsub.f32 v8, v34;
	v60 =	vsub.f32 v57, v33  }
0x397: {  	v44 =	vsub.f32 v58, v32;
	v17 =	vadd.f32 v17, v36;
	v27 =	vmul.f32 v61, v59  }
0x398: {  	[tilespmem:s25+$0xFFFFFF50] =	vst v20;
	v63 =	vpop (erf);
	v59 =	vsub.f32 v11, v43;
	v26 =	vmul.f32 v60, v54;
	v54 =	vsub.f32 v45, v14  }
0x399: {  	[tilespmem:s25+$0xFFFFFF60] =	vst v19;
	v58 =	vsub.f32 v46, v23;
	v61 =	vsub.f32 v48, v24;
	v25 =	vmul.f32 v63, v62;
	v51 =	vpop (erf)  }
0x39a: {  	[tilespmem:s25+$0xFFFFFF70] =	vst v15;
	v16 =	vsub.f32 v16, v40;
	v47 =	vmul.f32 v44, v27;
	v53 =	vpop (erf);
	v15 =	vmul.f32 v51, v50  }
0x39b: {  	[tilespmem:s25+$0xFFFFFF80] =	vst v18;
	v26 =	vadd.f32 v26, v33;
	v13 =	vmul.f32 v13, v25;
	v56 =	vpop (erf);
	v57 =	vmul.f32 v53, v52  }
0x39c: {  	[tilespmem:s25+$0xFFFFFF90] =	vst v17;
	v49 =	vadd.f32 v47, v32;
	v15 =	vmul.f32 v54, v15;
	v60 =	vmul.f32 v56, v55;
	v62 =	vpop (erf)  }
0x39d: {  	[tilespmem:s25+$0xFFFFFFA0] =	vst v26;
	v13 =	vadd.f32 v13, v42;
	v18 =	vmul.f32 v58, v57;
	v63 =	vmul.f32 v62, v59  }
0x39e: {  	p0 =	slt.u32 s24, $0x3E;
	[tilespmem:s25+$0xFFFFFFB0] =	vst v49;
	v14 =	vadd.f32 v15, v14;
	v15 =	vmul.f32 v61, v60  }
.Ltmp3:
0x39f: {  	[tilespmem:s25+$0xFFFFFFC0] =	vst v13;
	v13 =	vadd.f32 v18, v23;
	v16 =	vmul.f32 v16, v63;
	(pc) =	sbr.rel @p0 .LBB2_7-.Ltmp3, $4  }
0x3a0: {  	[tilespmem:s25+$0xFFFFFFD0] =	vst v14;
	v14 =	vadd.f32 v15, v24  }
0x3a1: {  	[tilespmem:s25+$0xFFFFFFE0] =	vst v13;
	v13 =	vadd.f32 v16, v40  }
0x3a2: {  	[tilespmem:s25+$0xFFFFFFF0] =	vst v14  }
0x3a3: {  	s24 =	sadd.s32 $0x2, s24;
	[tilespmem:s25+$0x0] =	vst v13;
	s25 =	sadd.s32 $0x100, s25  }
0x3a4: {  	s22 =	sadd.s32 $0x1, s22  }
0x3a5: {  	p0 =	sne.s32 s22, $0x10  }
.Ltmp4:
0x3a6: {  	_ = 	snop;
	(pc) =	sbr.rel @p0 .LBB2_2-.Ltmp4, $4  }
0x3a7: {  	_ = 	snop  }
0x3a8: {  	s23 =	sshll.u32 s23, $0xA  }
0x3a9: {  	s23 =	sadd.s32 s23, s8  }
0x3aa: {  	[hbm4b:s23+s3] =	stream.linear.scatter [tilespmem:s18], [sflag:$0x4], $0x2000, $0x38;
	[tilespmem:$0x12000] =	vst v63  }
0x3ab: {  	s21 =	sadd.s32 $0x1, s21  }
0x3ac: {  	_ =	swait.ge [sflag:s19], $0x2000;
	p0 =	sne.s32 s21, s10  }
.Ltmp5:
0x3ad: {  	[sflag:s19] =	ssyncset.done $0x0;
	(pc) =	sbr.rel @p0 .LBB2_1-.Ltmp5, $4  }
0x3ae: {  	[sflag:s19] =	ssyncadd.s32 $0xFFFFE000  }
0x3af: {  	_ =	swait.ge [sflag:s20], $0x2000  }
0x3b0: {  	[sflag:s20] =	ssyncset.done $0x0  }
0x3b1: {  	[sflag:s20] =	ssyncadd.s32 $0xFFFFE000  }
0x3b2: {  	_ =	sfence.sel $0x180000  }
0x3b3: {  	[bflag:$0x0] =	sbarrier.arrive $0xFFFF  }
0x3b4: {  	p0 =	sne.s32 s2, $0x0;
	_ =	strace $0x90000047  }
0x3b5: {  	s0 =	sadd.s32 @!p0 $0x100000, s1;
	[bflag:$0x2] =	sbarrier.arrive $0xFFFF  }
0x3b6: {  	[sflag:s0] =	ssyncadd.tile.s32 @!p0 $0x1;
	_ =	shalt  }
.Lfunc_end2:
_tile_overlayer_lowered:
.L_overlay_start_2:
0x3b7: {  	(tag) =	ssettag $0x2  }
0x3b8: {  	s0 =	rddreg [dreg:$0x0];
	s2 =	stileid.u32  }
0x3b9: {  	s1 =	rddreg [dreg:$0x1];
	p0 =	sne.s32 s2, $0x0  }
0x3ba: {  	s3 =	rddreg [dreg:$0x2];
	[bflag:$0x3] =	sbarrier.arrive $0xFFFF;
	s2 =	simm.s32 @!p0 $0x1C05  }
0x3bb: {  	[timem:s3], [sflag:s2] =	dma.local @!p0 [hbm:s0], s1  }
0x3bc: {  	s0 =	simm.s32 @!p0 $0x5  }
0x3bd: {  	_ =	swait.ge @!p0 [sflag:s0], s1  }
0x3be: {  	s1 =	ssub.s32 @!p0 $0x0, s1;
	[sflag:s0] =	ssyncset.done @!p0 $0x0  }
0x3bf: {  	[sflag:s0] =	ssyncadd.s32 @!p0 s1  }
0x3c0: {  	[bflag:$0x3] =	sbarrier.arrive $0xFFFF  }
0x3c1: {  	_ =	shalt  }

</sc_bundles>
